<compile_context>
chip_gen: v7x
topology: tpu7x:2x2x1
jax: 0.10.2.dev20260603
libtpu: 0.0.44.dev20260713+nightly
codegen_flags: <defaults>
</compile_context>

<pallas_src>
import functools

import jax
import jax.numpy as jnp
from jax import lax
from jax.experimental import pallas as pl
from jax.experimental.pallas import tpu as pltpu
from jax.experimental.pallas import tpu_sc as plsc

N = 65536
T = 2097152

NC = 2
NS = 16
L = 16
NW = NC * NS

PER_W = T // NW
CHUNK = 2048
N_CHUNKS = PER_W // CHUNK
GROUPS = CHUNK // L
DMA_SLICE = 128
N_DMA = CHUNK // DMA_SLICE

_INV_PI = 0.3183098861837907
_PI_HI = 3.140625
_PI_LO = 9.676535897932795e-4
_S1, _S2, _S3 = -1.6666667e-1, 8.3333333e-3, -1.9841270e-4
_C1, _C2, _C3, _C4 = -0.5, 4.1666667e-2, -1.3888889e-3, 2.4801587e-5
_MAGIC = 12582912.0


def _sincos(x):
    kf = (x * _INV_PI + _MAGIC) - _MAGIC
    ki = kf.astype(jnp.int32)
    r = x - kf * _PI_HI
    r = r - kf * _PI_LO
    r2 = r * r
    ps = ((_S3 * r2 + _S2) * r2 + _S1) * r2 + 1.0
    pc = (((_C4 * r2 + _C3) * r2 + _C2) * r2 + _C1) * r2 + 1.0
    sinr = r * ps
    sgn = jnp.where((ki & 1) != 0, -1.0, 1.0)
    return sinr, pc, sgn


R_TILE = N // NS
R_STAGE = R_TILE + 8
R_SUB = 2048


def _body(gxt_hbm, gyt_hbm, gzt_hbm, amp_hbm, ph_hbm, t_hbm,
          packed_hbm, gx_hbm, gy_hbm, gz_hbm, re_hbm, im_hbm,
          gx_s, gy_s, gz_s, amp_s, ph_s,
          t_A, idx_A, frac_A, rows_A, t_B, idx_B, frac_B, rows_B,
          gx_v, gy_v, gz_v, re_v, im_v, sem_A, sem_B):
    s_ax = lax.axis_index("s")
    cc = lax.axis_index("c")
    wid = s_ax * NC + cc
    w_base = wid * PER_W
    bufs = {0: (t_A, idx_A, frac_A, rows_A, sem_A),
            1: (t_B, idx_B, frac_B, rows_B, sem_B)}

    rs = s_ax * R_TILE
    d = jnp.maximum(rs + R_STAGE - N, 0)
    start = pl.multiple_of(rs - d, 8)
    pltpu.sync_copy(gxt_hbm.at[pl.ds(start, R_STAGE)], gx_s)
    pltpu.sync_copy(gyt_hbm.at[pl.ds(start, R_STAGE)], gy_s)
    pltpu.sync_copy(gzt_hbm.at[pl.ds(start, R_STAGE)], gz_s)
    pltpu.sync_copy(amp_hbm.at[pl.ds(start, R_STAGE)], amp_s)
    pltpu.sync_copy(ph_hbm.at[pl.ds(start, R_STAGE)], ph_s)
    prow0 = cc * N + rs
    for sb in range(R_TILE // R_SUB):
        rows_st = (rows_A, rows_B)[sb % 2]

        @plsc.parallel_loop(0, R_SUB, L, unroll=2)
        def packloop(i):
            lr = lax.iota(jnp.int32, L) + (i + sb * R_SUB + d)
            ri = lax.iota(jnp.int32, L) + i

            def cfull(v):
                return jnp.full((L,), v, jnp.int32)

            for c, src in enumerate((gx_s, gy_s, gz_s, amp_s, ph_s)):
                plsc.store_scatter(rows_st, [ri, cfull(c)],
                                   plsc.load_gather(src, [lr]))
                plsc.store_scatter(rows_st, [ri, cfull(c + 5)],
                                   plsc.load_gather(src, [lr + 1]))

        pltpu.sync_copy(rows_st,
                        packed_hbm.at[pl.ds(prow0 + sb * R_SUB, R_SUB)])
    plsc.subcore_barrier()

    def prep_fire(p, base):
        t_v, idx_v, frac_v, rows_v, sem = bufs[p]
        pltpu.sync_copy(t_hbm.at[pl.ds(base, CHUNK)], t_v)

        @plsc.parallel_loop(0, CHUNK, L, unroll=4)
        def pass1(i):
            tv = t_v[pl.ds(i, L)]
            ti = tv.astype(jnp.int32)
            ti = jnp.minimum(jnp.maximum(ti, 0), N - 2)
            frac_v[pl.ds(i, L)] = tv - ti.astype(jnp.float32)
            idx_v[pl.ds(i, L)] = ti + cc * N

        for d in range(N_DMA):
            pltpu.async_copy(
                packed_hbm.at[idx_v.at[pl.ds(d * DMA_SLICE, DMA_SLICE)]],
                rows_v.at[pl.ds(d * DMA_SLICE, DMA_SLICE)],
                sem)

    def finish(p, base):
        t_v, idx_v, frac_v, rows_v, sem = bufs[p]
        for d in range(N_DMA):
            pltpu.make_async_copy(
                packed_hbm.at[idx_v.at[pl.ds(d * DMA_SLICE, DMA_SLICE)]],
                rows_v.at[pl.ds(d * DMA_SLICE, DMA_SLICE)],
                sem).wait()

        @plsc.parallel_loop(0, CHUNK, L, unroll=4)
        def pass2(i):
            sl = pl.ds(i, L)
            fr = frac_v[sl]
            ri = lax.iota(jnp.int32, L) + i

            def col(cc):
                ci = jnp.full((L,), cc, jnp.int32)
                return plsc.load_gather(rows_v, [ri, ci])

            def lerp(cc):
                a = col(cc)
                b = col(cc + 5)
                return a + fr * (b - a)

            gx_v[sl] = lerp(0)
            gy_v[sl] = lerp(1)
            gz_v[sl] = lerp(2)
            amp = lerp(3)
            ph = lerp(4)
            sinr, cosr, sgn = _sincos(ph)
            amps = amp * sgn
            re_v[sl] = amps * cosr
            im_v[sl] = amps * sinr

        pltpu.sync_copy(gx_v, gx_hbm.at[pl.ds(base, CHUNK)])
        pltpu.sync_copy(gy_v, gy_hbm.at[pl.ds(base, CHUNK)])
        pltpu.sync_copy(gz_v, gz_hbm.at[pl.ds(base, CHUNK)])
        pltpu.sync_copy(re_v, re_hbm.at[pl.ds(base, CHUNK)])
        pltpu.sync_copy(im_v, im_hbm.at[pl.ds(base, CHUNK)])

    prep_fire(0, w_base)

    def pair_body(k, carry):
        base_a = w_base + 2 * k * CHUNK
        prep_fire(1, base_a + CHUNK)
        finish(0, base_a)

        @pl.when(k < N_CHUNKS // 2 - 1)
        def _():
            prep_fire(0, base_a + 2 * CHUNK)

        finish(1, base_a + CHUNK)
        return carry

    lax.fori_loop(0, N_CHUNKS // 2, pair_body, 0)


_mesh = plsc.VectorSubcoreMesh(
    core_axis_name="c", subcore_axis_name="s", num_cores=NC, num_subcores=NS)

_sc_interp = functools.partial(
    pl.kernel,
    out_type=[jax.ShapeDtypeStruct((NC * N, 16), jnp.float32)]
    + [jax.ShapeDtypeStruct((T,), jnp.float32)] * 5,
    mesh=_mesh,
    compiler_params=pltpu.CompilerParams(
        use_tc_tiling_on_sc=False, needs_layout_passes=False),
    scratch_types=[
        pltpu.VMEM((R_STAGE,), jnp.float32),
        pltpu.VMEM((R_STAGE,), jnp.float32),
        pltpu.VMEM((R_STAGE,), jnp.float32),
        pltpu.VMEM((R_STAGE,), jnp.float32),
        pltpu.VMEM((R_STAGE,), jnp.float32),
        pltpu.VMEM((CHUNK,), jnp.float32),
        pltpu.VMEM((CHUNK,), jnp.int32),
        pltpu.VMEM((CHUNK,), jnp.float32),
        pltpu.VMEM((CHUNK, 16), jnp.float32),
        pltpu.VMEM((CHUNK,), jnp.float32),
        pltpu.VMEM((CHUNK,), jnp.int32),
        pltpu.VMEM((CHUNK,), jnp.float32),
        pltpu.VMEM((CHUNK, 16), jnp.float32),
        pltpu.VMEM((CHUNK,), jnp.float32),
        pltpu.VMEM((CHUNK,), jnp.float32),
        pltpu.VMEM((CHUNK,), jnp.float32),
        pltpu.VMEM((CHUNK,), jnp.float32),
        pltpu.VMEM((CHUNK,), jnp.float32),
        pltpu.SemaphoreType.DMA,
        pltpu.SemaphoreType.DMA,
    ],
)(_body)


_BT = 65536


def _stack_body(gx_ref, gy_ref, gz_ref, out_ref):
    out_ref[0, :] = gx_ref[:]
    out_ref[1, :] = gy_ref[:]
    out_ref[2, :] = gz_ref[:]


_stack3 = pl.pallas_call(
    _stack_body,
    grid=(T // _BT,),
    in_specs=[pl.BlockSpec((_BT,), lambda j: (j,))] * 3,
    out_specs=pl.BlockSpec((3, _BT), lambda j: (0, j)),
    out_shape=jax.ShapeDtypeStruct((3, T), jnp.float32),
)


def kernel(time_points, gradients, rf_amplitude, rf_phase, adc_mask, t):
    _, gx, gy, gz, re, im = _sc_interp(
        gradients[:, 0], gradients[:, 1], gradients[:, 2],
        rf_amplitude, rf_phase, t)
    g = _stack3(gx, gy, gz)
    rf = re.astype(jnp.complex64) + im.astype(jnp.complex64) * 1j
    return (g, rf)

# --- scband reference (transcript-rebuilt; emitter-appended) ---
"""Pipeline reference for scband-general-sequence-61710090109742 (READ-ONLY COPY).

The authoritative reference and input builder live on the scoring server;
editing this copy changes nothing except your own understanding.
"""

import jax, jax.numpy as jnp
import numpy as np

N = 65536
T = 2097152

def setup_inputs(seed: int = 0) -> dict:
    key = jax.random.key(seed)
    k1, k2, k3, k4 = jax.random.split(key, 4)
    time_points = jnp.arange(N, dtype=jnp.float32)
    gradients = jax.random.normal(k1, (N, 3), dtype=jnp.float32)
    rf_amplitude = jax.random.uniform(k2, (N,), dtype=jnp.float32)
    rf_phase = jax.random.normal(k3, (N,), dtype=jnp.float32)
    adc_mask = jnp.zeros((N,), dtype=bool)
    t = jax.random.uniform(k4, (T,), dtype=jnp.float32) * float(N - 1)
    return {"time_points": time_points, "gradients": gradients,
            "rf_amplitude": rf_amplitude, "rf_phase": rf_phase,
            "adc_mask": adc_mask, "t": t}

def reference(time_points, gradients, rf_amplitude, rf_phase, adc_mask, t):
    # get_gradients(t)
    g_x = jnp.interp(t, time_points, gradients[:, 0], left=0.0, right=0.0)
    g_y = jnp.interp(t, time_points, gradients[:, 1], left=0.0, right=0.0)
    g_z = jnp.interp(t, time_points, gradients[:, 2], left=0.0, right=0.0)
    g = jnp.stack([g_x, g_y, g_z])
    # get_rf(t)
    amp = jnp.interp(t, time_points, rf_amplitude, left=0.0, right=0.0)
    phase = jnp.interp(t, time_points, rf_phase, left=0.0, right=0.0)
    rf = amp * jnp.exp(1j * phase)
    return (g, rf)

if __name__ == "__main__":
    import jax
    _d = setup_inputs()
    print(jax.jit(kernel)(*tuple(_d.values())))

</pallas_src>

<mosaic_0001>
#map = affine_map<(d0, d1) -> (0)>
#map1 = affine_map<(d0, d1) -> (0, 0)>
module attributes {stable_mosaic.version = 14 : i64} {
  func.func @_body(%arg0: i32, %arg1: i32, %arg2: memref<65536xf32, #tpu.memory_space<hbm>>, %arg3: memref<65536xf32, #tpu.memory_space<hbm>>, %arg4: memref<65536xf32, #tpu.memory_space<hbm>>, %arg5: memref<65536xf32, #tpu.memory_space<hbm>>, %arg6: memref<65536xf32, #tpu.memory_space<hbm>>, %arg7: memref<2097152xf32, #tpu.memory_space<hbm>>, %arg8: memref<131072x16xf32, #tpu.memory_space<hbm>>, %arg9: memref<2097152xf32, #tpu.memory_space<hbm>>, %arg10: memref<2097152xf32, #tpu.memory_space<hbm>>, %arg11: memref<2097152xf32, #tpu.memory_space<hbm>>, %arg12: memref<2097152xf32, #tpu.memory_space<hbm>>, %arg13: memref<2097152xf32, #tpu.memory_space<hbm>>, %arg14: memref<4104xf32, #tpu.memory_space<vmem>>, %arg15: memref<4104xf32, #tpu.memory_space<vmem>>, %arg16: memref<4104xf32, #tpu.memory_space<vmem>>, %arg17: memref<4104xf32, #tpu.memory_space<vmem>>, %arg18: memref<4104xf32, #tpu.memory_space<vmem>>, %arg19: memref<2048xf32, #tpu.memory_space<vmem>>, %arg20: memref<2048xi32, #tpu.memory_space<vmem>>, %arg21: memref<2048xf32, #tpu.memory_space<vmem>>, %arg22: memref<2048x16xf32, #tpu.memory_space<vmem>>, %arg23: memref<2048xf32, #tpu.memory_space<vmem>>, %arg24: memref<2048xi32, #tpu.memory_space<vmem>>, %arg25: memref<2048xf32, #tpu.memory_space<vmem>>, %arg26: memref<2048x16xf32, #tpu.memory_space<vmem>>, %arg27: memref<2048xf32, #tpu.memory_space<vmem>>, %arg28: memref<2048xf32, #tpu.memory_space<vmem>>, %arg29: memref<2048xf32, #tpu.memory_space<vmem>>, %arg30: memref<2048xf32, #tpu.memory_space<vmem>>, %arg31: memref<2048xf32, #tpu.memory_space<vmem>>, %arg32: memref<!tpu.dma_semaphore, #tpu.memory_space<semaphore_mem>>, %arg33: memref<!tpu.dma_semaphore, #tpu.memory_space<semaphore_mem>>) attributes {dimension_semantics = [#tpu.dimension_semantics<core_parallel>, #tpu.dimension_semantics<subcore_parallel>], iteration_bounds = array<i64: 2, 16>, scalar_prefetch = 0 : i64, scratch_operands = 20 : i64, tpu.core_type = #tpu.core_type<sc_vector_subcore>, window_params = [{transform_indices = #map}, {transform_indices = #map}, {transform_indices = #map}, {transform_indices = #map}, {transform_indices = #map}, {transform_indices = #map}, {transform_indices = #map1}, {transform_indices = #map}, {transform_indices = #map}, {transform_indices = #map}, {transform_indices = #map}, {transform_indices = #map}]} {
    %mul3A = arith.constant 2 : i32
    %mul3A_0 = arith.muli %arg1, %mul3A : i32
    %add3A = arith.addi %mul3A_0, %arg0 : i32
    %mul3A_1 = arith.constant 65536 : i32
    %mul3A_2 = arith.muli %add3A, %mul3A_1 : i32
    %mul3A_3 = arith.constant 4096 : i32
    %mul3A_4 = arith.muli %arg1, %mul3A_3 : i32
    %add3A_5 = arith.constant 4104 : i32
    %add3A_6 = arith.addi %mul3A_4, %add3A_5 : i32
    %sub3A = arith.constant 65536 : i32
    %sub3A_7 = arith.subi %add3A_6, %sub3A : i32
    %max3A = arith.constant 0 : i32
    %max3A_8 = arith.maxsi %sub3A_7, %max3A : i32
    %sub3A_9 = arith.subi %mul3A_4, %max3A_8 : i32
    %multiple_of3A = tpu.assume_multiple %sub3A_9, 8 : i32
    "tpu.region"() ({
      %run_scoped3A = tpu.sem_alloc : memref<!tpu.dma_semaphore, #tpu.memory_space<semaphore_mem>>
      %dma_start3A_157 = tpu.memref_slice %arg2[%multiple_of3A] : memref<65536xf32, #tpu.memory_space<hbm>> -> memref<4104xf32, #tpu.memory_space<hbm>>
      %dma_start3A_158 = tpu.memref_slice %arg2[%multiple_of3A] : memref<65536xf32, #tpu.memory_space<hbm>> -> memref<4104xf32, #tpu.memory_space<hbm>>
      tpu.enqueue_dma source(%dma_start3A_158 : memref<4104xf32, #tpu.memory_space<hbm>>) target(%arg14 : memref<4104xf32, #tpu.memory_space<vmem>>) target_semaphore(%run_scoped3A : memref<!tpu.dma_semaphore, #tpu.memory_space<semaphore_mem>>)
      %dma_wait3A = tpu.memref_slice %arg2[%multiple_of3A] : memref<65536xf32, #tpu.memory_space<hbm>> -> memref<4104xf32, #tpu.memory_space<hbm>>
      %dma_wait3A_159 = tpu.memref_slice %arg2[%multiple_of3A] : memref<65536xf32, #tpu.memory_space<hbm>> -> memref<4104xf32, #tpu.memory_space<hbm>>
      tpu.wait_dma2 semaphore(%run_scoped3A : memref<!tpu.dma_semaphore, #tpu.memory_space<semaphore_mem>>) src(%dma_wait3A_159 : memref<4104xf32, #tpu.memory_space<hbm>>) dst(%arg14 : memref<4104xf32, #tpu.memory_space<vmem>>)
      tpu.yield
    }) : () -> ()
    "tpu.region"() ({
      %run_scoped3A = tpu.sem_alloc : memref<!tpu.dma_semaphore, #tpu.memory_space<semaphore_mem>>
      %dma_start3A_157 = tpu.memref_slice %arg3[%multiple_of3A] : memref<65536xf32, #tpu.memory_space<hbm>> -> memref<4104xf32, #tpu.memory_space<hbm>>
      %dma_start3A_158 = tpu.memref_slice %arg3[%multiple_of3A] : memref<65536xf32, #tpu.memory_space<hbm>> -> memref<4104xf32, #tpu.memory_space<hbm>>
      tpu.enqueue_dma source(%dma_start3A_158 : memref<4104xf32, #tpu.memory_space<hbm>>) target(%arg15 : memref<4104xf32, #tpu.memory_space<vmem>>) target_semaphore(%run_scoped3A : memref<!tpu.dma_semaphore, #tpu.memory_space<semaphore_mem>>)
      %dma_wait3A = tpu.memref_slice %arg3[%multiple_of3A] : memref<65536xf32, #tpu.memory_space<hbm>> -> memref<4104xf32, #tpu.memory_space<hbm>>
      %dma_wait3A_159 = tpu.memref_slice %arg3[%multiple_of3A] : memref<65536xf32, #tpu.memory_space<hbm>> -> memref<4104xf32, #tpu.memory_space<hbm>>
      tpu.wait_dma2 semaphore(%run_scoped3A : memref<!tpu.dma_semaphore, #tpu.memory_space<semaphore_mem>>) src(%dma_wait3A_159 : memref<4104xf32, #tpu.memory_space<hbm>>) dst(%arg15 : memref<4104xf32, #tpu.memory_space<vmem>>)
      tpu.yield
    }) : () -> ()
    "tpu.region"() ({
      %run_scoped3A = tpu.sem_alloc : memref<!tpu.dma_semaphore, #tpu.memory_space<semaphore_mem>>
      %dma_start3A_157 = tpu.memref_slice %arg4[%multiple_of3A] : memref<65536xf32, #tpu.memory_space<hbm>> -> memref<4104xf32, #tpu.memory_space<hbm>>
      %dma_start3A_158 = tpu.memref_slice %arg4[%multiple_of3A] : memref<65536xf32, #tpu.memory_space<hbm>> -> memref<4104xf32, #tpu.memory_space<hbm>>
      tpu.enqueue_dma source(%dma_start3A_158 : memref<4104xf32, #tpu.memory_space<hbm>>) target(%arg16 : memref<4104xf32, #tpu.memory_space<vmem>>) target_semaphore(%run_scoped3A : memref<!tpu.dma_semaphore, #tpu.memory_space<semaphore_mem>>)
      %dma_wait3A = tpu.memref_slice %arg4[%multiple_of3A] : memref<65536xf32, #tpu.memory_space<hbm>> -> memref<4104xf32, #tpu.memory_space<hbm>>
      %dma_wait3A_159 = tpu.memref_slice %arg4[%multiple_of3A] : memref<65536xf32, #tpu.memory_space<hbm>> -> memref<4104xf32, #tpu.memory_space<hbm>>
      tpu.wait_dma2 semaphore(%run_scoped3A : memref<!tpu.dma_semaphore, #tpu.memory_space<semaphore_mem>>) src(%dma_wait3A_159 : memref<4104xf32, #tpu.memory_space<hbm>>) dst(%arg16 : memref<4104xf32, #tpu.memory_space<vmem>>)
      tpu.yield
    }) : () -> ()
    "tpu.region"() ({
      %run_scoped3A = tpu.sem_alloc : memref<!tpu.dma_semaphore, #tpu.memory_space<semaphore_mem>>
      %dma_start3A_157 = tpu.memref_slice %arg5[%multiple_of3A] : memref<65536xf32, #tpu.memory_space<hbm>> -> memref<4104xf32, #tpu.memory_space<hbm>>
      %dma_start3A_158 = tpu.memref_slice %arg5[%multiple_of3A] : memref<65536xf32, #tpu.memory_space<hbm>> -> memref<4104xf32, #tpu.memory_space<hbm>>
      tpu.enqueue_dma source(%dma_start3A_158 : memref<4104xf32, #tpu.memory_space<hbm>>) target(%arg17 : memref<4104xf32, #tpu.memory_space<vmem>>) target_semaphore(%run_scoped3A : memref<!tpu.dma_semaphore, #tpu.memory_space<semaphore_mem>>)
      %dma_wait3A = tpu.memref_slice %arg5[%multiple_of3A] : memref<65536xf32, #tpu.memory_space<hbm>> -> memref<4104xf32, #tpu.memory_space<hbm>>
      %dma_wait3A_159 = tpu.memref_slice %arg5[%multiple_of3A] : memref<65536xf32, #tpu.memory_space<hbm>> -> memref<4104xf32, #tpu.memory_space<hbm>>
      tpu.wait_dma2 semaphore(%run_scoped3A : memref<!tpu.dma_semaphore, #tpu.memory_space<semaphore_mem>>) src(%dma_wait3A_159 : memref<4104xf32, #tpu.memory_space<hbm>>) dst(%arg17 : memref<4104xf32, #tpu.memory_space<vmem>>)
      tpu.yield
    }) : () -> ()
    "tpu.region"() ({
      %run_scoped3A = tpu.sem_alloc : memref<!tpu.dma_semaphore, #tpu.memory_space<semaphore_mem>>
      %dma_start3A_157 = tpu.memref_slice %arg6[%multiple_of3A] : memref<65536xf32, #tpu.memory_space<hbm>> -> memref<4104xf32, #tpu.memory_space<hbm>>
      %dma_start3A_158 = tpu.memref_slice %arg6[%multiple_of3A] : memref<65536xf32, #tpu.memory_space<hbm>> -> memref<4104xf32, #tpu.memory_space<hbm>>
      tpu.enqueue_dma source(%dma_start3A_158 : memref<4104xf32, #tpu.memory_space<hbm>>) target(%arg18 : memref<4104xf32, #tpu.memory_space<vmem>>) target_semaphore(%run_scoped3A : memref<!tpu.dma_semaphore, #tpu.memory_space<semaphore_mem>>)
      %dma_wait3A = tpu.memref_slice %arg6[%multiple_of3A] : memref<65536xf32, #tpu.memory_space<hbm>> -> memref<4104xf32, #tpu.memory_space<hbm>>
      %dma_wait3A_159 = tpu.memref_slice %arg6[%multiple_of3A] : memref<65536xf32, #tpu.memory_space<hbm>> -> memref<4104xf32, #tpu.memory_space<hbm>>
      tpu.wait_dma2 semaphore(%run_scoped3A : memref<!tpu.dma_semaphore, #tpu.memory_space<semaphore_mem>>) src(%dma_wait3A_159 : memref<4104xf32, #tpu.memory_space<hbm>>) dst(%arg18 : memref<4104xf32, #tpu.memory_space<vmem>>)
      tpu.yield
    }) : () -> ()
    %mul3A_10 = arith.constant 65536 : i32
    %mul3A_11 = arith.muli %arg0, %mul3A_10 : i32
    %add3A_12 = arith.addi %mul3A_11, %mul3A_4 : i32
    %parallel_loop3A = arith.constant 0 : i32
    %parallel_loop3A_13 = arith.constant 2048 : i32
    %parallel_loop3A_14 = arith.constant 16 : i32
    scf.for %parallel_loop3A_157 = %parallel_loop3A to %parallel_loop3A_13 step %parallel_loop3A_14  : i32 {
      %parallel_loop3A_158 = tpu.iota {dimensions = array<i32: 0>} : vector<16xi32>
      %parallel_loop3A_159 = arith.constant 0 : i32
      %parallel_loop3A_160 = arith.addi %parallel_loop3A_157, %parallel_loop3A_159 : i32
      %parallel_loop3A_161 = arith.addi %parallel_loop3A_160, %max3A_8 : i32
      %parallel_loop3A_162 = vector.broadcast %parallel_loop3A_161 : i32 to vector<16xi32>
      %parallel_loop3A_163 = arith.addi %parallel_loop3A_158, %parallel_loop3A_162 : vector<16xi32>
      %parallel_loop3A_164 = tpu.iota {dimensions = array<i32: 0>} : vector<16xi32>
      %parallel_loop3A_165 = vector.broadcast %parallel_loop3A_157 : i32 to vector<16xi32>
      %parallel_loop3A_166 = arith.addi %parallel_loop3A_164, %parallel_loop3A_165 : vector<16xi32>
      %parallel_loop3A_167 = arith.constant 0 : i32
      %parallel_loop3A_168 = vector.broadcast %parallel_loop3A_167 : i32 to vector<16xi32>
      %parallel_loop3A_169 = tpu.vector_load_idx %arg14[%parallel_loop3A_163] : memref<4104xf32, #tpu.memory_space<vmem>>[vector<16xi32>], vector<16xf32>,
      tpu.vector_store_idx %arg22[%parallel_loop3A_166, %parallel_loop3A_168], %parallel_loop3A_169 : memref<2048x16xf32, #tpu.memory_space<vmem>>[vector<16xi32>, vector<16xi32>], vector<16xf32>,
      %parallel_loop3A_170 = arith.constant 5 : i32
      %parallel_loop3A_171 = vector.broadcast %parallel_loop3A_170 : i32 to vector<16xi32>
      %parallel_loop3A_172 = arith.constant 1 : i32
      %parallel_loop3A_173 = vector.broadcast %parallel_loop3A_172 : i32 to vector<16xi32>
      %parallel_loop3A_174 = arith.addi %parallel_loop3A_163, %parallel_loop3A_173 : vector<16xi32>
      %parallel_loop3A_175 = tpu.vector_load_idx %arg14[%parallel_loop3A_174] : memref<4104xf32, #tpu.memory_space<vmem>>[vector<16xi32>], vector<16xf32>,
      tpu.vector_store_idx %arg22[%parallel_loop3A_166, %parallel_loop3A_171], %parallel_loop3A_175 : memref<2048x16xf32, #tpu.memory_space<vmem>>[vector<16xi32>, vector<16xi32>], vector<16xf32>,
      %parallel_loop3A_176 = arith.constant 1 : i32
      %parallel_loop3A_177 = vector.broadcast %parallel_loop3A_176 : i32 to vector<16xi32>
      %parallel_loop3A_178 = tpu.vector_load_idx %arg15[%parallel_loop3A_163] : memref<4104xf32, #tpu.memory_space<vmem>>[vector<16xi32>], vector<16xf32>,
      tpu.vector_store_idx %arg22[%parallel_loop3A_166, %parallel_loop3A_177], %parallel_loop3A_178 : memref<2048x16xf32, #tpu.memory_space<vmem>>[vector<16xi32>, vector<16xi32>], vector<16xf32>,
      %parallel_loop3A_179 = arith.constant 6 : i32
      %parallel_loop3A_180 = vector.broadcast %parallel_loop3A_179 : i32 to vector<16xi32>
      %parallel_loop3A_181 = arith.constant 1 : i32
      %parallel_loop3A_182 = vector.broadcast %parallel_loop3A_181 : i32 to vector<16xi32>
      %parallel_loop3A_183 = arith.addi %parallel_loop3A_163, %parallel_loop3A_182 : vector<16xi32>
      %parallel_loop3A_184 = tpu.vector_load_idx %arg15[%parallel_loop3A_183] : memref<4104xf32, #tpu.memory_space<vmem>>[vector<16xi32>], vector<16xf32>,
      tpu.vector_store_idx %arg22[%parallel_loop3A_166, %parallel_loop3A_180], %parallel_loop3A_184 : memref<2048x16xf32, #tpu.memory_space<vmem>>[vector<16xi32>, vector<16xi32>], vector<16xf32>,
      %parallel_loop3A_185 = arith.constant 2 : i32
      %parallel_loop3A_186 = vector.broadcast %parallel_loop3A_185 : i32 to vector<16xi32>
      %parallel_loop3A_187 = tpu.vector_load_idx %arg16[%parallel_loop3A_163] : memref<4104xf32, #tpu.memory_space<vmem>>[vector<16xi32>], vector<16xf32>,
      tpu.vector_store_idx %arg22[%parallel_loop3A_166, %parallel_loop3A_186], %parallel_loop3A_187 : memref<2048x16xf32, #tpu.memory_space<vmem>>[vector<16xi32>, vector<16xi32>], vector<16xf32>,
      %parallel_loop3A_188 = arith.constant 7 : i32
      %parallel_loop3A_189 = vector.broadcast %parallel_loop3A_188 : i32 to vector<16xi32>
      %parallel_loop3A_190 = arith.constant 1 : i32
      %parallel_loop3A_191 = vector.broadcast %parallel_loop3A_190 : i32 to vector<16xi32>
      %parallel_loop3A_192 = arith.addi %parallel_loop3A_163, %parallel_loop3A_191 : vector<16xi32>
      %parallel_loop3A_193 = tpu.vector_load_idx %arg16[%parallel_loop3A_192] : memref<4104xf32, #tpu.memory_space<vmem>>[vector<16xi32>], vector<16xf32>,
      tpu.vector_store_idx %arg22[%parallel_loop3A_166, %parallel_loop3A_189], %parallel_loop3A_193 : memref<2048x16xf32, #tpu.memory_space<vmem>>[vector<16xi32>, vector<16xi32>], vector<16xf32>,
      %parallel_loop3A_194 = arith.constant 3 : i32
      %parallel_loop3A_195 = vector.broadcast %parallel_loop3A_194 : i32 to vector<16xi32>
      %parallel_loop3A_196 = tpu.vector_load_idx %arg17[%parallel_loop3A_163] : memref<4104xf32, #tpu.memory_space<vmem>>[vector<16xi32>], vector<16xf32>,
      tpu.vector_store_idx %arg22[%parallel_loop3A_166, %parallel_loop3A_195], %parallel_loop3A_196 : memref<2048x16xf32, #tpu.memory_space<vmem>>[vector<16xi32>, vector<16xi32>], vector<16xf32>,
      %parallel_loop3A_197 = arith.constant 8 : i32
      %parallel_loop3A_198 = vector.broadcast %parallel_loop3A_197 : i32 to vector<16xi32>
      %parallel_loop3A_199 = arith.constant 1 : i32
      %parallel_loop3A_200 = vector.broadcast %parallel_loop3A_199 : i32 to vector<16xi32>
      %parallel_loop3A_201 = arith.addi %parallel_loop3A_163, %parallel_loop3A_200 : vector<16xi32>
      %parallel_loop3A_202 = tpu.vector_load_idx %arg17[%parallel_loop3A_201] : memref<4104xf32, #tpu.memory_space<vmem>>[vector<16xi32>], vector<16xf32>,
      tpu.vector_store_idx %arg22[%parallel_loop3A_166, %parallel_loop3A_198], %parallel_loop3A_202 : memref<2048x16xf32, #tpu.memory_space<vmem>>[vector<16xi32>, vector<16xi32>], vector<16xf32>,
      %parallel_loop3A_203 = arith.constant 4 : i32
      %parallel_loop3A_204 = vector.broadcast %parallel_loop3A_203 : i32 to vector<16xi32>
      %parallel_loop3A_205 = tpu.vector_load_idx %arg18[%parallel_loop3A_163] : memref<4104xf32, #tpu.memory_space<vmem>>[vector<16xi32>], vector<16xf32>,
      tpu.vector_store_idx %arg22[%parallel_loop3A_166, %parallel_loop3A_204], %parallel_loop3A_205 : memref<2048x16xf32, #tpu.memory_space<vmem>>[vector<16xi32>, vector<16xi32>], vector<16xf32>,
      %parallel_loop3A_206 = arith.constant 9 : i32
      %parallel_loop3A_207 = vector.broadcast %parallel_loop3A_206 : i32 to vector<16xi32>
      %parallel_loop3A_208 = arith.constant 1 : i32
      %parallel_loop3A_209 = vector.broadcast %parallel_loop3A_208 : i32 to vector<16xi32>
      %parallel_loop3A_210 = arith.addi %parallel_loop3A_163, %parallel_loop3A_209 : vector<16xi32>
      %parallel_loop3A_211 = tpu.vector_load_idx %arg18[%parallel_loop3A_210] : memref<4104xf32, #tpu.memory_space<vmem>>[vector<16xi32>], vector<16xf32>,
      tpu.vector_store_idx %arg22[%parallel_loop3A_166, %parallel_loop3A_207], %parallel_loop3A_211 : memref<2048x16xf32, #tpu.memory_space<vmem>>[vector<16xi32>, vector<16xi32>], vector<16xf32>,
    } {sc.loop_unroll_factor = 2 : i64, sc.parallel_access}
    %add3A_15 = arith.constant 0 : i32
    %add3A_16 = arith.addi %add3A_12, %add3A_15 : i32
    "tpu.region"() ({
      %run_scoped3A = tpu.sem_alloc : memref<!tpu.dma_semaphore, #tpu.memory_space<semaphore_mem>>
      %dma_start3A_157 = arith.constant 0 : i32
      %dma_start3A_158 = tpu.memref_slice %arg8[%add3A_16, %dma_start3A_157] : memref<131072x16xf32, #tpu.memory_space<hbm>> -> memref<2048x16xf32, #tpu.memory_space<hbm>>
      %dma_start3A_159 = arith.constant 0 : i32
      %dma_start3A_160 = tpu.memref_slice %arg8[%add3A_16, %dma_start3A_159] : memref<131072x16xf32, #tpu.memory_space<hbm>> -> memref<2048x16xf32, #tpu.memory_space<hbm>>
      tpu.enqueue_dma source(%arg22 : memref<2048x16xf32, #tpu.memory_space<vmem>>) target(%dma_start3A_160 : memref<2048x16xf32, #tpu.memory_space<hbm>>) target_semaphore(%run_scoped3A : memref<!tpu.dma_semaphore, #tpu.memory_space<semaphore_mem>>)
      %dma_wait3A = arith.constant 0 : i32
      %dma_wait3A_161 = tpu.memref_slice %arg8[%add3A_16, %dma_wait3A] : memref<131072x16xf32, #tpu.memory_space<hbm>> -> memref<2048x16xf32, #tpu.memory_space<hbm>>
      %dma_wait3A_162 = arith.constant 0 : i32
      %dma_wait3A_163 = tpu.memref_slice %arg8[%add3A_16, %dma_wait3A_162] : memref<131072x16xf32, #tpu.memory_space<hbm>> -> memref<2048x16xf32, #tpu.memory_space<hbm>>
      tpu.wait_dma2 semaphore(%run_scoped3A : memref<!tpu.dma_semaphore, #tpu.memory_space<semaphore_mem>>) src(%arg22 : memref<2048x16xf32, #tpu.memory_space<vmem>>) dst(%dma_wait3A_163 : memref<2048x16xf32, #tpu.memory_space<hbm>>)
      tpu.yield
    }) : () -> ()
    %parallel_loop3A_17 = arith.constant 0 : i32
    %parallel_loop3A_18 = arith.constant 2048 : i32
    %parallel_loop3A_19 = arith.constant 16 : i32
    scf.for %parallel_loop3A_157 = %parallel_loop3A_17 to %parallel_loop3A_18 step %parallel_loop3A_19  : i32 {
      %parallel_loop3A_158 = tpu.iota {dimensions = array<i32: 0>} : vector<16xi32>
      %parallel_loop3A_159 = arith.constant 2048 : i32
      %parallel_loop3A_160 = arith.addi %parallel_loop3A_157, %parallel_loop3A_159 : i32
      %parallel_loop3A_161 = arith.addi %parallel_loop3A_160, %max3A_8 : i32
      %parallel_loop3A_162 = vector.broadcast %parallel_loop3A_161 : i32 to vector<16xi32>
      %parallel_loop3A_163 = arith.addi %parallel_loop3A_158, %parallel_loop3A_162 : vector<16xi32>
      %parallel_loop3A_164 = tpu.iota {dimensions = array<i32: 0>} : vector<16xi32>
      %parallel_loop3A_165 = vector.broadcast %parallel_loop3A_157 : i32 to vector<16xi32>
      %parallel_loop3A_166 = arith.addi %parallel_loop3A_164, %parallel_loop3A_165 : vector<16xi32>
      %parallel_loop3A_167 = arith.constant 0 : i32
      %parallel_loop3A_168 = vector.broadcast %parallel_loop3A_167 : i32 to vector<16xi32>
      %parallel_loop3A_169 = tpu.vector_load_idx %arg14[%parallel_loop3A_163] : memref<4104xf32, #tpu.memory_space<vmem>>[vector<16xi32>], vector<16xf32>,
      tpu.vector_store_idx %arg26[%parallel_loop3A_166, %parallel_loop3A_168], %parallel_loop3A_169 : memref<2048x16xf32, #tpu.memory_space<vmem>>[vector<16xi32>, vector<16xi32>], vector<16xf32>,
      %parallel_loop3A_170 = arith.constant 5 : i32
      %parallel_loop3A_171 = vector.broadcast %parallel_loop3A_170 : i32 to vector<16xi32>
      %parallel_loop3A_172 = arith.constant 1 : i32
      %parallel_loop3A_173 = vector.broadcast %parallel_loop3A_172 : i32 to vector<16xi32>
      %parallel_loop3A_174 = arith.addi %parallel_loop3A_163, %parallel_loop3A_173 : vector<16xi32>
      %parallel_loop3A_175 = tpu.vector_load_idx %arg14[%parallel_loop3A_174] : memref<4104xf32, #tpu.memory_space<vmem>>[vector<16xi32>], vector<16xf32>,
      tpu.vector_store_idx %arg26[%parallel_loop3A_166, %parallel_loop3A_171], %parallel_loop3A_175 : memref<2048x16xf32, #tpu.memory_space<vmem>>[vector<16xi32>, vector<16xi32>], vector<16xf32>,
      %parallel_loop3A_176 = arith.constant 1 : i32
      %parallel_loop3A_177 = vector.broadcast %parallel_loop3A_176 : i32 to vector<16xi32>
      %parallel_loop3A_178 = tpu.vector_load_idx %arg15[%parallel_loop3A_163] : memref<4104xf32, #tpu.memory_space<vmem>>[vector<16xi32>], vector<16xf32>,
      tpu.vector_store_idx %arg26[%parallel_loop3A_166, %parallel_loop3A_177], %parallel_loop3A_178 : memref<2048x16xf32, #tpu.memory_space<vmem>>[vector<16xi32>, vector<16xi32>], vector<16xf32>,
      %parallel_loop3A_179 = arith.constant 6 : i32
      %parallel_loop3A_180 = vector.broadcast %parallel_loop3A_179 : i32 to vector<16xi32>
      %parallel_loop3A_181 = arith.constant 1 : i32
      %parallel_loop3A_182 = vector.broadcast %parallel_loop3A_181 : i32 to vector<16xi32>
      %parallel_loop3A_183 = arith.addi %parallel_loop3A_163, %parallel_loop3A_182 : vector<16xi32>
      %parallel_loop3A_184 = tpu.vector_load_idx %arg15[%parallel_loop3A_183] : memref<4104xf32, #tpu.memory_space<vmem>>[vector<16xi32>], vector<16xf32>,
      tpu.vector_store_idx %arg26[%parallel_loop3A_166, %parallel_loop3A_180], %parallel_loop3A_184 : memref<2048x16xf32, #tpu.memory_space<vmem>>[vector<16xi32>, vector<16xi32>], vector<16xf32>,
      %parallel_loop3A_185 = arith.constant 2 : i32
      %parallel_loop3A_186 = vector.broadcast %parallel_loop3A_185 : i32 to vector<16xi32>
      %parallel_loop3A_187 = tpu.vector_load_idx %arg16[%parallel_loop3A_163] : memref<4104xf32, #tpu.memory_space<vmem>>[vector<16xi32>], vector<16xf32>,
      tpu.vector_store_idx %arg26[%parallel_loop3A_166, %parallel_loop3A_186], %parallel_loop3A_187 : memref<2048x16xf32, #tpu.memory_space<vmem>>[vector<16xi32>, vector<16xi32>], vector<16xf32>,
      %parallel_loop3A_188 = arith.constant 7 : i32
      %parallel_loop3A_189 = vector.broadcast %parallel_loop3A_188 : i32 to vector<16xi32>
      %parallel_loop3A_190 = arith.constant 1 : i32
      %parallel_loop3A_191 = vector.broadcast %parallel_loop3A_190 : i32 to vector<16xi32>
      %parallel_loop3A_192 = arith.addi %parallel_loop3A_163, %parallel_loop3A_191 : vector<16xi32>
      %parallel_loop3A_193 = tpu.vector_load_idx %arg16[%parallel_loop3A_192] : memref<4104xf32, #tpu.memory_space<vmem>>[vector<16xi32>], vector<16xf32>,
      tpu.vector_store_idx %arg26[%parallel_loop3A_166, %parallel_loop3A_189], %parallel_loop3A_193 : memref<2048x16xf32, #tpu.memory_space<vmem>>[vector<16xi32>, vector<16xi32>], vector<16xf32>,
      %parallel_loop3A_194 = arith.constant 3 : i32
      %parallel_loop3A_195 = vector.broadcast %parallel_loop3A_194 : i32 to vector<16xi32>
      %parallel_loop3A_196 = tpu.vector_load_idx %arg17[%parallel_loop3A_163] : memref<4104xf32, #tpu.memory_space<vmem>>[vector<16xi32>], vector<16xf32>,
      tpu.vector_store_idx %arg26[%parallel_loop3A_166, %parallel_loop3A_195], %parallel_loop3A_196 : memref<2048x16xf32, #tpu.memory_space<vmem>>[vector<16xi32>, vector<16xi32>], vector<16xf32>,
      %parallel_loop3A_197 = arith.constant 8 : i32
      %parallel_loop3A_198 = vector.broadcast %parallel_loop3A_197 : i32 to vector<16xi32>
      %parallel_loop3A_199 = arith.constant 1 : i32
      %parallel_loop3A_200 = vector.broadcast %parallel_loop3A_199 : i32 to vector<16xi32>
      %parallel_loop3A_201 = arith.addi %parallel_loop3A_163, %parallel_loop3A_200 : vector<16xi32>
      %parallel_loop3A_202 = tpu.vector_load_idx %arg17[%parallel_loop3A_201] : memref<4104xf32, #tpu.memory_space<vmem>>[vector<16xi32>], vector<16xf32>,
      tpu.vector_store_idx %arg26[%parallel_loop3A_166, %parallel_loop3A_198], %parallel_loop3A_202 : memref<2048x16xf32, #tpu.memory_space<vmem>>[vector<16xi32>, vector<16xi32>], vector<16xf32>,
      %parallel_loop3A_203 = arith.constant 4 : i32
      %parallel_loop3A_204 = vector.broadcast %parallel_loop3A_203 : i32 to vector<16xi32>
      %parallel_loop3A_205 = tpu.vector_load_idx %arg18[%parallel_loop3A_163] : memref<4104xf32, #tpu.memory_space<vmem>>[vector<16xi32>], vector<16xf32>,
      tpu.vector_store_idx %arg26[%parallel_loop3A_166, %parallel_loop3A_204], %parallel_loop3A_205 : memref<2048x16xf32, #tpu.memory_space<vmem>>[vector<16xi32>, vector<16xi32>], vector<16xf32>,
      %parallel_loop3A_206 = arith.constant 9 : i32
      %parallel_loop3A_207 = vector.broadcast %parallel_loop3A_206 : i32 to vector<16xi32>
      %parallel_loop3A_208 = arith.constant 1 : i32
      %parallel_loop3A_209 = vector.broadcast %parallel_loop3A_208 : i32 to vector<16xi32>
      %parallel_loop3A_210 = arith.addi %parallel_loop3A_163, %parallel_loop3A_209 : vector<16xi32>
      %parallel_loop3A_211 = tpu.vector_load_idx %arg18[%parallel_loop3A_210] : memref<4104xf32, #tpu.memory_space<vmem>>[vector<16xi32>], vector<16xf32>,
      tpu.vector_store_idx %arg26[%parallel_loop3A_166, %parallel_loop3A_207], %parallel_loop3A_211 : memref<2048x16xf32, #tpu.memory_space<vmem>>[vector<16xi32>, vector<16xi32>], vector<16xf32>,
    } {sc.loop_unroll_factor = 2 : i64, sc.parallel_access}
    %add3A_20 = arith.constant 2048 : i32
    %add3A_21 = arith.addi %add3A_12, %add3A_20 : i32
    "tpu.region"() ({
      %run_scoped3A = tpu.sem_alloc : memref<!tpu.dma_semaphore, #tpu.memory_space<semaphore_mem>>
      %dma_start3A_157 = arith.constant 0 : i32
      %dma_start3A_158 = tpu.memref_slice %arg8[%add3A_21, %dma_start3A_157] : memref<131072x16xf32, #tpu.memory_space<hbm>> -> memref<2048x16xf32, #tpu.memory_space<hbm>>
      %dma_start3A_159 = arith.constant 0 : i32
      %dma_start3A_160 = tpu.memref_slice %arg8[%add3A_21, %dma_start3A_159] : memref<131072x16xf32, #tpu.memory_space<hbm>> -> memref<2048x16xf32, #tpu.memory_space<hbm>>
      tpu.enqueue_dma source(%arg26 : memref<2048x16xf32, #tpu.memory_space<vmem>>) target(%dma_start3A_160 : memref<2048x16xf32, #tpu.memory_space<hbm>>) target_semaphore(%run_scoped3A : memref<!tpu.dma_semaphore, #tpu.memory_space<semaphore_mem>>)
      %dma_wait3A = arith.constant 0 : i32
      %dma_wait3A_161 = tpu.memref_slice %arg8[%add3A_21, %dma_wait3A] : memref<131072x16xf32, #tpu.memory_space<hbm>> -> memref<2048x16xf32, #tpu.memory_space<hbm>>
      %dma_wait3A_162 = arith.constant 0 : i32
      %dma_wait3A_163 = tpu.memref_slice %arg8[%add3A_21, %dma_wait3A_162] : memref<131072x16xf32, #tpu.memory_space<hbm>> -> memref<2048x16xf32, #tpu.memory_space<hbm>>
      tpu.wait_dma2 semaphore(%run_scoped3A : memref<!tpu.dma_semaphore, #tpu.memory_space<semaphore_mem>>) src(%arg26 : memref<2048x16xf32, #tpu.memory_space<vmem>>) dst(%dma_wait3A_163 : memref<2048x16xf32, #tpu.memory_space<hbm>>)
      tpu.yield
    }) : () -> ()
    %barrier3A = arith.constant 0 : index
    tpu.barrier barrier_id(%barrier3A)
    "tpu.region"() ({
      %run_scoped3A = tpu.sem_alloc : memref<!tpu.dma_semaphore, #tpu.memory_space<semaphore_mem>>
      %dma_start3A_157 = tpu.memref_slice %arg7[%mul3A_2] : memref<2097152xf32, #tpu.memory_space<hbm>> -> memref<2048xf32, #tpu.memory_space<hbm>>
      %dma_start3A_158 = tpu.memref_slice %arg7[%mul3A_2] : memref<2097152xf32, #tpu.memory_space<hbm>> -> memref<2048xf32, #tpu.memory_space<hbm>>
      tpu.enqueue_dma source(%dma_start3A_158 : memref<2048xf32, #tpu.memory_space<hbm>>) target(%arg19 : memref<2048xf32, #tpu.memory_space<vmem>>) target_semaphore(%run_scoped3A : memref<!tpu.dma_semaphore, #tpu.memory_space<semaphore_mem>>)
      %dma_wait3A = tpu.memref_slice %arg7[%mul3A_2] : memref<2097152xf32, #tpu.memory_space<hbm>> -> memref<2048xf32, #tpu.memory_space<hbm>>
      %dma_wait3A_159 = tpu.memref_slice %arg7[%mul3A_2] : memref<2097152xf32, #tpu.memory_space<hbm>> -> memref<2048xf32, #tpu.memory_space<hbm>>
      tpu.wait_dma2 semaphore(%run_scoped3A : memref<!tpu.dma_semaphore, #tpu.memory_space<semaphore_mem>>) src(%dma_wait3A_159 : memref<2048xf32, #tpu.memory_space<hbm>>) dst(%arg19 : memref<2048xf32, #tpu.memory_space<vmem>>)
      tpu.yield
    }) : () -> ()
    %parallel_loop3A_22 = arith.constant 0 : i32
    %parallel_loop3A_23 = arith.constant 2048 : i32
    %parallel_loop3A_24 = arith.constant 16 : i32
    scf.for %parallel_loop3A_157 = %parallel_loop3A_22 to %parallel_loop3A_23 step %parallel_loop3A_24  : i32 {
      %parallel_loop3A_158 = arith.index_cast %parallel_loop3A_157 : i32 to index
      %parallel_loop3A_159 = tpu.vector_load %arg19[%parallel_loop3A_158] {strides = array<i32>} : memref<2048xf32, #tpu.memory_space<vmem>>, vector<16xf32>,
      %parallel_loop3A_160 = arith.fptosi %parallel_loop3A_159 : vector<16xf32> to vector<16xi32>
      %parallel_loop3A_161 = arith.constant 0 : i32
      %parallel_loop3A_162 = vector.broadcast %parallel_loop3A_161 : i32 to vector<16xi32>
      %parallel_loop3A_163 = arith.maxsi %parallel_loop3A_160, %parallel_loop3A_162 : vector<16xi32>
      %parallel_loop3A_164 = arith.constant 65534 : i32
      %parallel_loop3A_165 = vector.broadcast %parallel_loop3A_164 : i32 to vector<16xi32>
      %parallel_loop3A_166 = arith.minsi %parallel_loop3A_163, %parallel_loop3A_165 : vector<16xi32>
      %parallel_loop3A_167 = arith.sitofp %parallel_loop3A_166 : vector<16xi32> to vector<16xf32>
      %parallel_loop3A_168 = arith.subf %parallel_loop3A_159, %parallel_loop3A_167 : vector<16xf32>
      %parallel_loop3A_169 = arith.index_cast %parallel_loop3A_157 : i32 to index
      %parallel_loop3A_170 = tpu.vector_load %arg21[%parallel_loop3A_169] {strides = array<i32>} : memref<2048xf32, #tpu.memory_space<vmem>>, vector<16xf32>,
      tpu.vector_store %arg21[%parallel_loop3A_169], %parallel_loop3A_168 {strides = array<i32>} : memref<2048xf32, #tpu.memory_space<vmem>>, vector<16xf32>,
      %parallel_loop3A_171 = arith.constant 65536 : i32
      %parallel_loop3A_172 = arith.muli %arg0, %parallel_loop3A_171 : i32
      %parallel_loop3A_173 = vector.broadcast %parallel_loop3A_172 : i32 to vector<16xi32>
      %parallel_loop3A_174 = arith.addi %parallel_loop3A_166, %parallel_loop3A_173 : vector<16xi32>
      %parallel_loop3A_175 = arith.index_cast %parallel_loop3A_157 : i32 to index
      %parallel_loop3A_176 = tpu.vector_load %arg20[%parallel_loop3A_175] {strides = array<i32>} : memref<2048xi32, #tpu.memory_space<vmem>>, vector<16xi32>,
      tpu.vector_store %arg20[%parallel_loop3A_175], %parallel_loop3A_174 {strides = array<i32>} : memref<2048xi32, #tpu.memory_space<vmem>>, vector<16xi32>,
    } {sc.loop_unroll_factor = 4 : i64, sc.parallel_access}
    %dma_start3A = arith.constant 0 : i32
    %dma_start3A_25 = arith.constant 0 : i32
    %dma_start3A_26 = tpu.memref_slice %arg22[%dma_start3A, %dma_start3A_25] : memref<2048x16xf32, #tpu.memory_space<vmem>> -> memref<128x16xf32, #tpu.memory_space<vmem>>
    %dma_start3A_27 = arith.constant 0 : i32
    %dma_start3A_28 = tpu.memref_slice %arg20[%dma_start3A_27] : memref<2048xi32, #tpu.memory_space<vmem>> -> memref<128xi32, #tpu.memory_space<vmem>>
    %dma_start3A_29 = arith.constant 0 : i32
    %dma_start3A_30 = arith.constant 0 : i32
    %dma_start3A_31 = tpu.memref_slice %arg8[%dma_start3A_29, %dma_start3A_30] : memref<131072x16xf32, #tpu.memory_space<hbm>> -> memref<131072x16xf32, #tpu.memory_space<hbm>>
    tpu.enqueue_indirect_dma source(%dma_start3A_31 : memref<131072x16xf32, #tpu.memory_space<hbm>>) target(%dma_start3A_26 : memref<128x16xf32, #tpu.memory_space<vmem>>) offsets(%dma_start3A_28 : memref<128xi32, #tpu.memory_space<vmem>>) semaphore(%arg32 : memref<!tpu.dma_semaphore, #tpu.memory_space<semaphore_mem>>)
    %dma_start3A_32 = arith.constant 128 : i32
    %dma_start3A_33 = arith.constant 0 : i32
    %dma_start3A_34 = tpu.memref_slice %arg22[%dma_start3A_32, %dma_start3A_33] : memref<2048x16xf32, #tpu.memory_space<vmem>> -> memref<128x16xf32, #tpu.memory_space<vmem>>
    %dma_start3A_35 = arith.constant 128 : i32
    %dma_start3A_36 = tpu.memref_slice %arg20[%dma_start3A_35] : memref<2048xi32, #tpu.memory_space<vmem>> -> memref<128xi32, #tpu.memory_space<vmem>>
    %dma_start3A_37 = arith.constant 0 : i32
    %dma_start3A_38 = arith.constant 0 : i32
    %dma_start3A_39 = tpu.memref_slice %arg8[%dma_start3A_37, %dma_start3A_38] : memref<131072x16xf32, #tpu.memory_space<hbm>> -> memref<131072x16xf32, #tpu.memory_space<hbm>>
    tpu.enqueue_indirect_dma source(%dma_start3A_39 : memref<131072x16xf32, #tpu.memory_space<hbm>>) target(%dma_start3A_34 : memref<128x16xf32, #tpu.memory_space<vmem>>) offsets(%dma_start3A_36 : memref<128xi32, #tpu.memory_space<vmem>>) semaphore(%arg32 : memref<!tpu.dma_semaphore, #tpu.memory_space<semaphore_mem>>)
    %dma_start3A_40 = arith.constant 256 : i32
    %dma_start3A_41 = arith.constant 0 : i32
    %dma_start3A_42 = tpu.memref_slice %arg22[%dma_start3A_40, %dma_start3A_41] : memref<2048x16xf32, #tpu.memory_space<vmem>> -> memref<128x16xf32, #tpu.memory_space<vmem>>
    %dma_start3A_43 = arith.constant 256 : i32
    %dma_start3A_44 = tpu.memref_slice %arg20[%dma_start3A_43] : memref<2048xi32, #tpu.memory_space<vmem>> -> memref<128xi32, #tpu.memory_space<vmem>>
    %dma_start3A_45 = arith.constant 0 : i32
    %dma_start3A_46 = arith.constant 0 : i32
    %dma_start3A_47 = tpu.memref_slice %arg8[%dma_start3A_45, %dma_start3A_46] : memref<131072x16xf32, #tpu.memory_space<hbm>> -> memref<131072x16xf32, #tpu.memory_space<hbm>>
    tpu.enqueue_indirect_dma source(%dma_start3A_47 : memref<131072x16xf32, #tpu.memory_space<hbm>>) target(%dma_start3A_42 : memref<128x16xf32, #tpu.memory_space<vmem>>) offsets(%dma_start3A_44 : memref<128xi32, #tpu.memory_space<vmem>>) semaphore(%arg32 : memref<!tpu.dma_semaphore, #tpu.memory_space<semaphore_mem>>)
    %dma_start3A_48 = arith.constant 384 : i32
    %dma_start3A_49 = arith.constant 0 : i32
    %dma_start3A_50 = tpu.memref_slice %arg22[%dma_start3A_48, %dma_start3A_49] : memref<2048x16xf32, #tpu.memory_space<vmem>> -> memref<128x16xf32, #tpu.memory_space<vmem>>
    %dma_start3A_51 = arith.constant 384 : i32
    %dma_start3A_52 = tpu.memref_slice %arg20[%dma_start3A_51] : memref<2048xi32, #tpu.memory_space<vmem>> -> memref<128xi32, #tpu.memory_space<vmem>>
    %dma_start3A_53 = arith.constant 0 : i32
    %dma_start3A_54 = arith.constant 0 : i32
    %dma_start3A_55 = tpu.memref_slice %arg8[%dma_start3A_53, %dma_start3A_54] : memref<131072x16xf32, #tpu.memory_space<hbm>> -> memref<131072x16xf32, #tpu.memory_space<hbm>>
    tpu.enqueue_indirect_dma source(%dma_start3A_55 : memref<131072x16xf32, #tpu.memory_space<hbm>>) target(%dma_start3A_50 : memref<128x16xf32, #tpu.memory_space<vmem>>) offsets(%dma_start3A_52 : memref<128xi32, #tpu.memory_space<vmem>>) semaphore(%arg32 : memref<!tpu.dma_semaphore, #tpu.memory_space<semaphore_mem>>)
    %dma_start3A_56 = arith.constant 512 : i32
    %dma_start3A_57 = arith.constant 0 : i32
    %dma_start3A_58 = tpu.memref_slice %arg22[%dma_start3A_56, %dma_start3A_57] : memref<2048x16xf32, #tpu.memory_space<vmem>> -> memref<128x16xf32, #tpu.memory_space<vmem>>
    %dma_start3A_59 = arith.constant 512 : i32
    %dma_start3A_60 = tpu.memref_slice %arg20[%dma_start3A_59] : memref<2048xi32, #tpu.memory_space<vmem>> -> memref<128xi32, #tpu.memory_space<vmem>>
    %dma_start3A_61 = arith.constant 0 : i32
    %dma_start3A_62 = arith.constant 0 : i32
    %dma_start3A_63 = tpu.memref_slice %arg8[%dma_start3A_61, %dma_start3A_62] : memref<131072x16xf32, #tpu.memory_space<hbm>> -> memref<131072x16xf32, #tpu.memory_space<hbm>>
    tpu.enqueue_indirect_dma source(%dma_start3A_63 : memref<131072x16xf32, #tpu.memory_space<hbm>>) target(%dma_start3A_58 : memref<128x16xf32, #tpu.memory_space<vmem>>) offsets(%dma_start3A_60 : memref<128xi32, #tpu.memory_space<vmem>>) semaphore(%arg32 : memref<!tpu.dma_semaphore, #tpu.memory_space<semaphore_mem>>)
    %dma_start3A_64 = arith.constant 640 : i32
    %dma_start3A_65 = arith.constant 0 : i32
    %dma_start3A_66 = tpu.memref_slice %arg22[%dma_start3A_64, %dma_start3A_65] : memref<2048x16xf32, #tpu.memory_space<vmem>> -> memref<128x16xf32, #tpu.memory_space<vmem>>
    %dma_start3A_67 = arith.constant 640 : i32
    %dma_start3A_68 = tpu.memref_slice %arg20[%dma_start3A_67] : memref<2048xi32, #tpu.memory_space<vmem>> -> memref<128xi32, #tpu.memory_space<vmem>>
    %dma_start3A_69 = arith.constant 0 : i32
    %dma_start3A_70 = arith.constant 0 : i32
    %dma_start3A_71 = tpu.memref_slice %arg8[%dma_start3A_69, %dma_start3A_70] : memref<131072x16xf32, #tpu.memory_space<hbm>> -> memref<131072x16xf32, #tpu.memory_space<hbm>>
    tpu.enqueue_indirect_dma source(%dma_start3A_71 : memref<131072x16xf32, #tpu.memory_space<hbm>>) target(%dma_start3A_66 : memref<128x16xf32, #tpu.memory_space<vmem>>) offsets(%dma_start3A_68 : memref<128xi32, #tpu.memory_space<vmem>>) semaphore(%arg32 : memref<!tpu.dma_semaphore, #tpu.memory_space<semaphore_mem>>)
    %dma_start3A_72 = arith.constant 768 : i32
    %dma_start3A_73 = arith.constant 0 : i32
    %dma_start3A_74 = tpu.memref_slice %arg22[%dma_start3A_72, %dma_start3A_73] : memref<2048x16xf32, #tpu.memory_space<vmem>> -> memref<128x16xf32, #tpu.memory_space<vmem>>
    %dma_start3A_75 = arith.constant 768 : i32
    %dma_start3A_76 = tpu.memref_slice %arg20[%dma_start3A_75] : memref<2048xi32, #tpu.memory_space<vmem>> -> memref<128xi32, #tpu.memory_space<vmem>>
    %dma_start3A_77 = arith.constant 0 : i32
    %dma_start3A_78 = arith.constant 0 : i32
    %dma_start3A_79 = tpu.memref_slice %arg8[%dma_start3A_77, %dma_start3A_78] : memref<131072x16xf32, #tpu.memory_space<hbm>> -> memref<131072x16xf32, #tpu.memory_space<hbm>>
    tpu.enqueue_indirect_dma source(%dma_start3A_79 : memref<131072x16xf32, #tpu.memory_space<hbm>>) target(%dma_start3A_74 : memref<128x16xf32, #tpu.memory_space<vmem>>) offsets(%dma_start3A_76 : memref<128xi32, #tpu.memory_space<vmem>>) semaphore(%arg32 : memref<!tpu.dma_semaphore, #tpu.memory_space<semaphore_mem>>)
    %dma_start3A_80 = arith.constant 896 : i32
    %dma_start3A_81 = arith.constant 0 : i32
    %dma_start3A_82 = tpu.memref_slice %arg22[%dma_start3A_80, %dma_start3A_81] : memref<2048x16xf32, #tpu.memory_space<vmem>> -> memref<128x16xf32, #tpu.memory_space<vmem>>
    %dma_start3A_83 = arith.constant 896 : i32
    %dma_start3A_84 = tpu.memref_slice %arg20[%dma_start3A_83] : memref<2048xi32, #tpu.memory_space<vmem>> -> memref<128xi32, #tpu.memory_space<vmem>>
    %dma_start3A_85 = arith.constant 0 : i32
    %dma_start3A_86 = arith.constant 0 : i32
    %dma_start3A_87 = tpu.memref_slice %arg8[%dma_start3A_85, %dma_start3A_86] : memref<131072x16xf32, #tpu.memory_space<hbm>> -> memref<131072x16xf32, #tpu.memory_space<hbm>>
    tpu.enqueue_indirect_dma source(%dma_start3A_87 : memref<131072x16xf32, #tpu.memory_space<hbm>>) target(%dma_start3A_82 : memref<128x16xf32, #tpu.memory_space<vmem>>) offsets(%dma_start3A_84 : memref<128xi32, #tpu.memory_space<vmem>>) semaphore(%arg32 : memref<!tpu.dma_semaphore, #tpu.memory_space<semaphore_mem>>)
    %dma_start3A_88 = arith.constant 1024 : i32
    %dma_start3A_89 = arith.constant 0 : i32
    %dma_start3A_90 = tpu.memref_slice %arg22[%dma_start3A_88, %dma_start3A_89] : memref<2048x16xf32, #tpu.memory_space<vmem>> -> memref<128x16xf32, #tpu.memory_space<vmem>>
    %dma_start3A_91 = arith.constant 1024 : i32
    %dma_start3A_92 = tpu.memref_slice %arg20[%dma_start3A_91] : memref<2048xi32, #tpu.memory_space<vmem>> -> memref<128xi32, #tpu.memory_space<vmem>>
    %dma_start3A_93 = arith.constant 0 : i32
    %dma_start3A_94 = arith.constant 0 : i32
    %dma_start3A_95 = tpu.memref_slice %arg8[%dma_start3A_93, %dma_start3A_94] : memref<131072x16xf32, #tpu.memory_space<hbm>> -> memref<131072x16xf32, #tpu.memory_space<hbm>>
    tpu.enqueue_indirect_dma source(%dma_start3A_95 : memref<131072x16xf32, #tpu.memory_space<hbm>>) target(%dma_start3A_90 : memref<128x16xf32, #tpu.memory_space<vmem>>) offsets(%dma_start3A_92 : memref<128xi32, #tpu.memory_space<vmem>>) semaphore(%arg32 : memref<!tpu.dma_semaphore, #tpu.memory_space<semaphore_mem>>)
    %dma_start3A_96 = arith.constant 1152 : i32
    %dma_start3A_97 = arith.constant 0 : i32
    %dma_start3A_98 = tpu.memref_slice %arg22[%dma_start3A_96, %dma_start3A_97] : memref<2048x16xf32, #tpu.memory_space<vmem>> -> memref<128x16xf32, #tpu.memory_space<vmem>>
    %dma_start3A_99 = arith.constant 1152 : i32
    %dma_start3A_100 = tpu.memref_slice %arg20[%dma_start3A_99] : memref<2048xi32, #tpu.memory_space<vmem>> -> memref<128xi32, #tpu.memory_space<vmem>>
    %dma_start3A_101 = arith.constant 0 : i32
    %dma_start3A_102 = arith.constant 0 : i32
    %dma_start3A_103 = tpu.memref_slice %arg8[%dma_start3A_101, %dma_start3A_102] : memref<131072x16xf32, #tpu.memory_space<hbm>> -> memref<131072x16xf32, #tpu.memory_space<hbm>>
    tpu.enqueue_indirect_dma source(%dma_start3A_103 : memref<131072x16xf32, #tpu.memory_space<hbm>>) target(%dma_start3A_98 : memref<128x16xf32, #tpu.memory_space<vmem>>) offsets(%dma_start3A_100 : memref<128xi32, #tpu.memory_space<vmem>>) semaphore(%arg32 : memref<!tpu.dma_semaphore, #tpu.memory_space<semaphore_mem>>)
    %dma_start3A_104 = arith.constant 1280 : i32
    %dma_start3A_105 = arith.constant 0 : i32
    %dma_start3A_106 = tpu.memref_slice %arg22[%dma_start3A_104, %dma_start3A_105] : memref<2048x16xf32, #tpu.memory_space<vmem>> -> memref<128x16xf32, #tpu.memory_space<vmem>>
    %dma_start3A_107 = arith.constant 1280 : i32
    %dma_start3A_108 = tpu.memref_slice %arg20[%dma_start3A_107] : memref<2048xi32, #tpu.memory_space<vmem>> -> memref<128xi32, #tpu.memory_space<vmem>>
    %dma_start3A_109 = arith.constant 0 : i32
    %dma_start3A_110 = arith.constant 0 : i32
    %dma_start3A_111 = tpu.memref_slice %arg8[%dma_start3A_109, %dma_start3A_110] : memref<131072x16xf32, #tpu.memory_space<hbm>> -> memref<131072x16xf32, #tpu.memory_space<hbm>>
    tpu.enqueue_indirect_dma source(%dma_start3A_111 : memref<131072x16xf32, #tpu.memory_space<hbm>>) target(%dma_start3A_106 : memref<128x16xf32, #tpu.memory_space<vmem>>) offsets(%dma_start3A_108 : memref<128xi32, #tpu.memory_space<vmem>>) semaphore(%arg32 : memref<!tpu.dma_semaphore, #tpu.memory_space<semaphore_mem>>)
    %dma_start3A_112 = arith.constant 1408 : i32
    %dma_start3A_113 = arith.constant 0 : i32
    %dma_start3A_114 = tpu.memref_slice %arg22[%dma_start3A_112, %dma_start3A_113] : memref<2048x16xf32, #tpu.memory_space<vmem>> -> memref<128x16xf32, #tpu.memory_space<vmem>>
    %dma_start3A_115 = arith.constant 1408 : i32
    %dma_start3A_116 = tpu.memref_slice %arg20[%dma_start3A_115] : memref<2048xi32, #tpu.memory_space<vmem>> -> memref<128xi32, #tpu.memory_space<vmem>>
    %dma_start3A_117 = arith.constant 0 : i32
    %dma_start3A_118 = arith.constant 0 : i32
    %dma_start3A_119 = tpu.memref_slice %arg8[%dma_start3A_117, %dma_start3A_118] : memref<131072x16xf32, #tpu.memory_space<hbm>> -> memref<131072x16xf32, #tpu.memory_space<hbm>>
    tpu.enqueue_indirect_dma source(%dma_start3A_119 : memref<131072x16xf32, #tpu.memory_space<hbm>>) target(%dma_start3A_114 : memref<128x16xf32, #tpu.memory_space<vmem>>) offsets(%dma_start3A_116 : memref<128xi32, #tpu.memory_space<vmem>>) semaphore(%arg32 : memref<!tpu.dma_semaphore, #tpu.memory_space<semaphore_mem>>)
    %dma_start3A_120 = arith.constant 1536 : i32
    %dma_start3A_121 = arith.constant 0 : i32
    %dma_start3A_122 = tpu.memref_slice %arg22[%dma_start3A_120, %dma_start3A_121] : memref<2048x16xf32, #tpu.memory_space<vmem>> -> memref<128x16xf32, #tpu.memory_space<vmem>>
    %dma_start3A_123 = arith.constant 1536 : i32
    %dma_start3A_124 = tpu.memref_slice %arg20[%dma_start3A_123] : memref<2048xi32, #tpu.memory_space<vmem>> -> memref<128xi32, #tpu.memory_space<vmem>>
    %dma_start3A_125 = arith.constant 0 : i32
    %dma_start3A_126 = arith.constant 0 : i32
    %dma_start3A_127 = tpu.memref_slice %arg8[%dma_start3A_125, %dma_start3A_126] : memref<131072x16xf32, #tpu.memory_space<hbm>> -> memref<131072x16xf32, #tpu.memory_space<hbm>>
    tpu.enqueue_indirect_dma source(%dma_start3A_127 : memref<131072x16xf32, #tpu.memory_space<hbm>>) target(%dma_start3A_122 : memref<128x16xf32, #tpu.memory_space<vmem>>) offsets(%dma_start3A_124 : memref<128xi32, #tpu.memory_space<vmem>>) semaphore(%arg32 : memref<!tpu.dma_semaphore, #tpu.memory_space<semaphore_mem>>)
    %dma_start3A_128 = arith.constant 1664 : i32
    %dma_start3A_129 = arith.constant 0 : i32
    %dma_start3A_130 = tpu.memref_slice %arg22[%dma_start3A_128, %dma_start3A_129] : memref<2048x16xf32, #tpu.memory_space<vmem>> -> memref<128x16xf32, #tpu.memory_space<vmem>>
    %dma_start3A_131 = arith.constant 1664 : i32
    %dma_start3A_132 = tpu.memref_slice %arg20[%dma_start3A_131] : memref<2048xi32, #tpu.memory_space<vmem>> -> memref<128xi32, #tpu.memory_space<vmem>>
    %dma_start3A_133 = arith.constant 0 : i32
    %dma_start3A_134 = arith.constant 0 : i32
    %dma_start3A_135 = tpu.memref_slice %arg8[%dma_start3A_133, %dma_start3A_134] : memref<131072x16xf32, #tpu.memory_space<hbm>> -> memref<131072x16xf32, #tpu.memory_space<hbm>>
    tpu.enqueue_indirect_dma source(%dma_start3A_135 : memref<131072x16xf32, #tpu.memory_space<hbm>>) target(%dma_start3A_130 : memref<128x16xf32, #tpu.memory_space<vmem>>) offsets(%dma_start3A_132 : memref<128xi32, #tpu.memory_space<vmem>>) semaphore(%arg32 : memref<!tpu.dma_semaphore, #tpu.memory_space<semaphore_mem>>)
    %dma_start3A_136 = arith.constant 1792 : i32
    %dma_start3A_137 = arith.constant 0 : i32
    %dma_start3A_138 = tpu.memref_slice %arg22[%dma_start3A_136, %dma_start3A_137] : memref<2048x16xf32, #tpu.memory_space<vmem>> -> memref<128x16xf32, #tpu.memory_space<vmem>>
    %dma_start3A_139 = arith.constant 1792 : i32
    %dma_start3A_140 = tpu.memref_slice %arg20[%dma_start3A_139] : memref<2048xi32, #tpu.memory_space<vmem>> -> memref<128xi32, #tpu.memory_space<vmem>>
    %dma_start3A_141 = arith.constant 0 : i32
    %dma_start3A_142 = arith.constant 0 : i32
    %dma_start3A_143 = tpu.memref_slice %arg8[%dma_start3A_141, %dma_start3A_142] : memref<131072x16xf32, #tpu.memory_space<hbm>> -> memref<131072x16xf32, #tpu.memory_space<hbm>>
    tpu.enqueue_indirect_dma source(%dma_start3A_143 : memref<131072x16xf32, #tpu.memory_space<hbm>>) target(%dma_start3A_138 : memref<128x16xf32, #tpu.memory_space<vmem>>) offsets(%dma_start3A_140 : memref<128xi32, #tpu.memory_space<vmem>>) semaphore(%arg32 : memref<!tpu.dma_semaphore, #tpu.memory_space<semaphore_mem>>)
    %dma_start3A_144 = arith.constant 1920 : i32
    %dma_start3A_145 = arith.constant 0 : i32
    %dma_start3A_146 = tpu.memref_slice %arg22[%dma_start3A_144, %dma_start3A_145] : memref<2048x16xf32, #tpu.memory_space<vmem>> -> memref<128x16xf32, #tpu.memory_space<vmem>>
    %dma_start3A_147 = arith.constant 1920 : i32
    %dma_start3A_148 = tpu.memref_slice %arg20[%dma_start3A_147] : memref<2048xi32, #tpu.memory_space<vmem>> -> memref<128xi32, #tpu.memory_space<vmem>>
    %dma_start3A_149 = arith.constant 0 : i32
    %dma_start3A_150 = arith.constant 0 : i32
    %dma_start3A_151 = tpu.memref_slice %arg8[%dma_start3A_149, %dma_start3A_150] : memref<131072x16xf32, #tpu.memory_space<hbm>> -> memref<131072x16xf32, #tpu.memory_space<hbm>>
    tpu.enqueue_indirect_dma source(%dma_start3A_151 : memref<131072x16xf32, #tpu.memory_space<hbm>>) target(%dma_start3A_146 : memref<128x16xf32, #tpu.memory_space<vmem>>) offsets(%dma_start3A_148 : memref<128xi32, #tpu.memory_space<vmem>>) semaphore(%arg32 : memref<!tpu.dma_semaphore, #tpu.memory_space<semaphore_mem>>)
    %scan3A = arith.constant 0 : i32
    %scan3A_152 = arith.constant 0 : i32
    %scan3A_153 = arith.constant 16 : i32
    %scan3A_154 = arith.addi %scan3A_152, %scan3A_153 : i32
    %scan3A_155 = arith.constant 1 : i32
    scf.for %scan3A_157 = %scan3A_152 to %scan3A_154 step %scan3A_155  : i32 {
      %mul3A_158 = arith.constant 2 : i32
      %mul3A_159 = arith.muli %mul3A_158, %scan3A_157 : i32
      %mul3A_160 = arith.constant 2048 : i32
      %mul3A_161 = arith.muli %mul3A_159, %mul3A_160 : i32
      %add3A_162 = arith.addi %mul3A_2, %mul3A_161 : i32
      %add3A_163 = arith.constant 2048 : i32
      %add3A_164 = arith.addi %add3A_162, %add3A_163 : i32
      "tpu.region"() ({
        %run_scoped3A = tpu.sem_alloc : memref<!tpu.dma_semaphore, #tpu.memory_space<semaphore_mem>>
        %dma_start3A_561 = tpu.memref_slice %arg7[%add3A_164] : memref<2097152xf32, #tpu.memory_space<hbm>> -> memref<2048xf32, #tpu.memory_space<hbm>>
        %dma_start3A_562 = tpu.memref_slice %arg7[%add3A_164] : memref<2097152xf32, #tpu.memory_space<hbm>> -> memref<2048xf32, #tpu.memory_space<hbm>>
        tpu.enqueue_dma source(%dma_start3A_562 : memref<2048xf32, #tpu.memory_space<hbm>>) target(%arg23 : memref<2048xf32, #tpu.memory_space<vmem>>) target_semaphore(%run_scoped3A : memref<!tpu.dma_semaphore, #tpu.memory_space<semaphore_mem>>)
        %dma_wait3A_563 = tpu.memref_slice %arg7[%add3A_164] : memref<2097152xf32, #tpu.memory_space<hbm>> -> memref<2048xf32, #tpu.memory_space<hbm>>
        %dma_wait3A_564 = tpu.memref_slice %arg7[%add3A_164] : memref<2097152xf32, #tpu.memory_space<hbm>> -> memref<2048xf32, #tpu.memory_space<hbm>>
        tpu.wait_dma2 semaphore(%run_scoped3A : memref<!tpu.dma_semaphore, #tpu.memory_space<semaphore_mem>>) src(%dma_wait3A_564 : memref<2048xf32, #tpu.memory_space<hbm>>) dst(%arg23 : memref<2048xf32, #tpu.memory_space<vmem>>)
        tpu.yield
      }) : () -> ()
      %parallel_loop3A_165 = arith.constant 0 : i32
      %parallel_loop3A_166 = arith.constant 2048 : i32
      %parallel_loop3A_167 = arith.constant 16 : i32
      scf.for %parallel_loop3A_561 = %parallel_loop3A_165 to %parallel_loop3A_166 step %parallel_loop3A_167  : i32 {
        %parallel_loop3A_562 = arith.index_cast %parallel_loop3A_561 : i32 to index
        %parallel_loop3A_563 = tpu.vector_load %arg23[%parallel_loop3A_562] {strides = array<i32>} : memref<2048xf32, #tpu.memory_space<vmem>>, vector<16xf32>,
        %parallel_loop3A_564 = arith.fptosi %parallel_loop3A_563 : vector<16xf32> to vector<16xi32>
        %parallel_loop3A_565 = arith.constant 0 : i32
        %parallel_loop3A_566 = vector.broadcast %parallel_loop3A_565 : i32 to vector<16xi32>
        %parallel_loop3A_567 = arith.maxsi %parallel_loop3A_564, %parallel_loop3A_566 : vector<16xi32>
        %parallel_loop3A_568 = arith.constant 65534 : i32
        %parallel_loop3A_569 = vector.broadcast %parallel_loop3A_568 : i32 to vector<16xi32>
        %parallel_loop3A_570 = arith.minsi %parallel_loop3A_567, %parallel_loop3A_569 : vector<16xi32>
        %parallel_loop3A_571 = arith.sitofp %parallel_loop3A_570 : vector<16xi32> to vector<16xf32>
        %parallel_loop3A_572 = arith.subf %parallel_loop3A_563, %parallel_loop3A_571 : vector<16xf32>
        %parallel_loop3A_573 = arith.index_cast %parallel_loop3A_561 : i32 to index
        %parallel_loop3A_574 = tpu.vector_load %arg25[%parallel_loop3A_573] {strides = array<i32>} : memref<2048xf32, #tpu.memory_space<vmem>>, vector<16xf32>,
        tpu.vector_store %arg25[%parallel_loop3A_573], %parallel_loop3A_572 {strides = array<i32>} : memref<2048xf32, #tpu.memory_space<vmem>>, vector<16xf32>,
        %parallel_loop3A_575 = arith.constant 65536 : i32
        %parallel_loop3A_576 = arith.muli %arg0, %parallel_loop3A_575 : i32
        %parallel_loop3A_577 = vector.broadcast %parallel_loop3A_576 : i32 to vector<16xi32>
        %parallel_loop3A_578 = arith.addi %parallel_loop3A_570, %parallel_loop3A_577 : vector<16xi32>
        %parallel_loop3A_579 = arith.index_cast %parallel_loop3A_561 : i32 to index
        %parallel_loop3A_580 = tpu.vector_load %arg24[%parallel_loop3A_579] {strides = array<i32>} : memref<2048xi32, #tpu.memory_space<vmem>>, vector<16xi32>,
        tpu.vector_store %arg24[%parallel_loop3A_579], %parallel_loop3A_578 {strides = array<i32>} : memref<2048xi32, #tpu.memory_space<vmem>>, vector<16xi32>,
      } {sc.loop_unroll_factor = 4 : i64, sc.parallel_access}
      %dma_start3A_168 = arith.constant 0 : i32
      %dma_start3A_169 = arith.constant 0 : i32
      %dma_start3A_170 = tpu.memref_slice %arg26[%dma_start3A_168, %dma_start3A_169] : memref<2048x16xf32, #tpu.memory_space<vmem>> -> memref<128x16xf32, #tpu.memory_space<vmem>>
      %dma_start3A_171 = arith.constant 0 : i32
      %dma_start3A_172 = tpu.memref_slice %arg24[%dma_start3A_171] : memref<2048xi32, #tpu.memory_space<vmem>> -> memref<128xi32, #tpu.memory_space<vmem>>
      %dma_start3A_173 = arith.constant 0 : i32
      %dma_start3A_174 = arith.constant 0 : i32
      %dma_start3A_175 = tpu.memref_slice %arg8[%dma_start3A_173, %dma_start3A_174] : memref<131072x16xf32, #tpu.memory_space<hbm>> -> memref<131072x16xf32, #tpu.memory_space<hbm>>
      tpu.enqueue_indirect_dma source(%dma_start3A_175 : memref<131072x16xf32, #tpu.memory_space<hbm>>) target(%dma_start3A_170 : memref<128x16xf32, #tpu.memory_space<vmem>>) offsets(%dma_start3A_172 : memref<128xi32, #tpu.memory_space<vmem>>) semaphore(%arg33 : memref<!tpu.dma_semaphore, #tpu.memory_space<semaphore_mem>>)
      %dma_start3A_176 = arith.constant 128 : i32
      %dma_start3A_177 = arith.constant 0 : i32
      %dma_start3A_178 = tpu.memref_slice %arg26[%dma_start3A_176, %dma_start3A_177] : memref<2048x16xf32, #tpu.memory_space<vmem>> -> memref<128x16xf32, #tpu.memory_space<vmem>>
      %dma_start3A_179 = arith.constant 128 : i32
      %dma_start3A_180 = tpu.memref_slice %arg24[%dma_start3A_179] : memref<2048xi32, #tpu.memory_space<vmem>> -> memref<128xi32, #tpu.memory_space<vmem>>
      %dma_start3A_181 = arith.constant 0 : i32
      %dma_start3A_182 = arith.constant 0 : i32
      %dma_start3A_183 = tpu.memref_slice %arg8[%dma_start3A_181, %dma_start3A_182] : memref<131072x16xf32, #tpu.memory_space<hbm>> -> memref<131072x16xf32, #tpu.memory_space<hbm>>
      tpu.enqueue_indirect_dma source(%dma_start3A_183 : memref<131072x16xf32, #tpu.memory_space<hbm>>) target(%dma_start3A_178 : memref<128x16xf32, #tpu.memory_space<vmem>>) offsets(%dma_start3A_180 : memref<128xi32, #tpu.memory_space<vmem>>) semaphore(%arg33 : memref<!tpu.dma_semaphore, #tpu.memory_space<semaphore_mem>>)
      %dma_start3A_184 = arith.constant 256 : i32
      %dma_start3A_185 = arith.constant 0 : i32
      %dma_start3A_186 = tpu.memref_slice %arg26[%dma_start3A_184, %dma_start3A_185] : memref<2048x16xf32, #tpu.memory_space<vmem>> -> memref<128x16xf32, #tpu.memory_space<vmem>>
      %dma_start3A_187 = arith.constant 256 : i32
      %dma_start3A_188 = tpu.memref_slice %arg24[%dma_start3A_187] : memref<2048xi32, #tpu.memory_space<vmem>> -> memref<128xi32, #tpu.memory_space<vmem>>
      %dma_start3A_189 = arith.constant 0 : i32
      %dma_start3A_190 = arith.constant 0 : i32
      %dma_start3A_191 = tpu.memref_slice %arg8[%dma_start3A_189, %dma_start3A_190] : memref<131072x16xf32, #tpu.memory_space<hbm>> -> memref<131072x16xf32, #tpu.memory_space<hbm>>
      tpu.enqueue_indirect_dma source(%dma_start3A_191 : memref<131072x16xf32, #tpu.memory_space<hbm>>) target(%dma_start3A_186 : memref<128x16xf32, #tpu.memory_space<vmem>>) offsets(%dma_start3A_188 : memref<128xi32, #tpu.memory_space<vmem>>) semaphore(%arg33 : memref<!tpu.dma_semaphore, #tpu.memory_space<semaphore_mem>>)
      %dma_start3A_192 = arith.constant 384 : i32
      %dma_start3A_193 = arith.constant 0 : i32
      %dma_start3A_194 = tpu.memref_slice %arg26[%dma_start3A_192, %dma_start3A_193] : memref<2048x16xf32, #tpu.memory_space<vmem>> -> memref<128x16xf32, #tpu.memory_space<vmem>>
      %dma_start3A_195 = arith.constant 384 : i32
      %dma_start3A_196 = tpu.memref_slice %arg24[%dma_start3A_195] : memref<2048xi32, #tpu.memory_space<vmem>> -> memref<128xi32, #tpu.memory_space<vmem>>
      %dma_start3A_197 = arith.constant 0 : i32
      %dma_start3A_198 = arith.constant 0 : i32
      %dma_start3A_199 = tpu.memref_slice %arg8[%dma_start3A_197, %dma_start3A_198] : memref<131072x16xf32, #tpu.memory_space<hbm>> -> memref<131072x16xf32, #tpu.memory_space<hbm>>
      tpu.enqueue_indirect_dma source(%dma_start3A_199 : memref<131072x16xf32, #tpu.memory_space<hbm>>) target(%dma_start3A_194 : memref<128x16xf32, #tpu.memory_space<vmem>>) offsets(%dma_start3A_196 : memref<128xi32, #tpu.memory_space<vmem>>) semaphore(%arg33 : memref<!tpu.dma_semaphore, #tpu.memory_space<semaphore_mem>>)
      %dma_start3A_200 = arith.constant 512 : i32
      %dma_start3A_201 = arith.constant 0 : i32
      %dma_start3A_202 = tpu.memref_slice %arg26[%dma_start3A_200, %dma_start3A_201] : memref<2048x16xf32, #tpu.memory_space<vmem>> -> memref<128x16xf32, #tpu.memory_space<vmem>>
      %dma_start3A_203 = arith.constant 512 : i32
      %dma_start3A_204 = tpu.memref_slice %arg24[%dma_start3A_203] : memref<2048xi32, #tpu.memory_space<vmem>> -> memref<128xi32, #tpu.memory_space<vmem>>
      %dma_start3A_205 = arith.constant 0 : i32
      %dma_start3A_206 = arith.constant 0 : i32
      %dma_start3A_207 = tpu.memref_slice %arg8[%dma_start3A_205, %dma_start3A_206] : memref<131072x16xf32, #tpu.memory_space<hbm>> -> memref<131072x16xf32, #tpu.memory_space<hbm>>
      tpu.enqueue_indirect_dma source(%dma_start3A_207 : memref<131072x16xf32, #tpu.memory_space<hbm>>) target(%dma_start3A_202 : memref<128x16xf32, #tpu.memory_space<vmem>>) offsets(%dma_start3A_204 : memref<128xi32, #tpu.memory_space<vmem>>) semaphore(%arg33 : memref<!tpu.dma_semaphore, #tpu.memory_space<semaphore_mem>>)
      %dma_start3A_208 = arith.constant 640 : i32
      %dma_start3A_209 = arith.constant 0 : i32
      %dma_start3A_210 = tpu.memref_slice %arg26[%dma_start3A_208, %dma_start3A_209] : memref<2048x16xf32, #tpu.memory_space<vmem>> -> memref<128x16xf32, #tpu.memory_space<vmem>>
      %dma_start3A_211 = arith.constant 640 : i32
      %dma_start3A_212 = tpu.memref_slice %arg24[%dma_start3A_211] : memref<2048xi32, #tpu.memory_space<vmem>> -> memref<128xi32, #tpu.memory_space<vmem>>
      %dma_start3A_213 = arith.constant 0 : i32
      %dma_start3A_214 = arith.constant 0 : i32
      %dma_start3A_215 = tpu.memref_slice %arg8[%dma_start3A_213, %dma_start3A_214] : memref<131072x16xf32, #tpu.memory_space<hbm>> -> memref<131072x16xf32, #tpu.memory_space<hbm>>
      tpu.enqueue_indirect_dma source(%dma_start3A_215 : memref<131072x16xf32, #tpu.memory_space<hbm>>) target(%dma_start3A_210 : memref<128x16xf32, #tpu.memory_space<vmem>>) offsets(%dma_start3A_212 : memref<128xi32, #tpu.memory_space<vmem>>) semaphore(%arg33 : memref<!tpu.dma_semaphore, #tpu.memory_space<semaphore_mem>>)
      %dma_start3A_216 = arith.constant 768 : i32
      %dma_start3A_217 = arith.constant 0 : i32
      %dma_start3A_218 = tpu.memref_slice %arg26[%dma_start3A_216, %dma_start3A_217] : memref<2048x16xf32, #tpu.memory_space<vmem>> -> memref<128x16xf32, #tpu.memory_space<vmem>>
      %dma_start3A_219 = arith.constant 768 : i32
      %dma_start3A_220 = tpu.memref_slice %arg24[%dma_start3A_219] : memref<2048xi32, #tpu.memory_space<vmem>> -> memref<128xi32, #tpu.memory_space<vmem>>
      %dma_start3A_221 = arith.constant 0 : i32
      %dma_start3A_222 = arith.constant 0 : i32
      %dma_start3A_223 = tpu.memref_slice %arg8[%dma_start3A_221, %dma_start3A_222] : memref<131072x16xf32, #tpu.memory_space<hbm>> -> memref<131072x16xf32, #tpu.memory_space<hbm>>
      tpu.enqueue_indirect_dma source(%dma_start3A_223 : memref<131072x16xf32, #tpu.memory_space<hbm>>) target(%dma_start3A_218 : memref<128x16xf32, #tpu.memory_space<vmem>>) offsets(%dma_start3A_220 : memref<128xi32, #tpu.memory_space<vmem>>) semaphore(%arg33 : memref<!tpu.dma_semaphore, #tpu.memory_space<semaphore_mem>>)
      %dma_start3A_224 = arith.constant 896 : i32
      %dma_start3A_225 = arith.constant 0 : i32
      %dma_start3A_226 = tpu.memref_slice %arg26[%dma_start3A_224, %dma_start3A_225] : memref<2048x16xf32, #tpu.memory_space<vmem>> -> memref<128x16xf32, #tpu.memory_space<vmem>>
      %dma_start3A_227 = arith.constant 896 : i32
      %dma_start3A_228 = tpu.memref_slice %arg24[%dma_start3A_227] : memref<2048xi32, #tpu.memory_space<vmem>> -> memref<128xi32, #tpu.memory_space<vmem>>
      %dma_start3A_229 = arith.constant 0 : i32
      %dma_start3A_230 = arith.constant 0 : i32
      %dma_start3A_231 = tpu.memref_slice %arg8[%dma_start3A_229, %dma_start3A_230] : memref<131072x16xf32, #tpu.memory_space<hbm>> -> memref<131072x16xf32, #tpu.memory_space<hbm>>
      tpu.enqueue_indirect_dma source(%dma_start3A_231 : memref<131072x16xf32, #tpu.memory_space<hbm>>) target(%dma_start3A_226 : memref<128x16xf32, #tpu.memory_space<vmem>>) offsets(%dma_start3A_228 : memref<128xi32, #tpu.memory_space<vmem>>) semaphore(%arg33 : memref<!tpu.dma_semaphore, #tpu.memory_space<semaphore_mem>>)
      %dma_start3A_232 = arith.constant 1024 : i32
      %dma_start3A_233 = arith.constant 0 : i32
      %dma_start3A_234 = tpu.memref_slice %arg26[%dma_start3A_232, %dma_start3A_233] : memref<2048x16xf32, #tpu.memory_space<vmem>> -> memref<128x16xf32, #tpu.memory_space<vmem>>
      %dma_start3A_235 = arith.constant 1024 : i32
      %dma_start3A_236 = tpu.memref_slice %arg24[%dma_start3A_235] : memref<2048xi32, #tpu.memory_space<vmem>> -> memref<128xi32, #tpu.memory_space<vmem>>
      %dma_start3A_237 = arith.constant 0 : i32
      %dma_start3A_238 = arith.constant 0 : i32
      %dma_start3A_239 = tpu.memref_slice %arg8[%dma_start3A_237, %dma_start3A_238] : memref<131072x16xf32, #tpu.memory_space<hbm>> -> memref<131072x16xf32, #tpu.memory_space<hbm>>
      tpu.enqueue_indirect_dma source(%dma_start3A_239 : memref<131072x16xf32, #tpu.memory_space<hbm>>) target(%dma_start3A_234 : memref<128x16xf32, #tpu.memory_space<vmem>>) offsets(%dma_start3A_236 : memref<128xi32, #tpu.memory_space<vmem>>) semaphore(%arg33 : memref<!tpu.dma_semaphore, #tpu.memory_space<semaphore_mem>>)
      %dma_start3A_240 = arith.constant 1152 : i32
      %dma_start3A_241 = arith.constant 0 : i32
      %dma_start3A_242 = tpu.memref_slice %arg26[%dma_start3A_240, %dma_start3A_241] : memref<2048x16xf32, #tpu.memory_space<vmem>> -> memref<128x16xf32, #tpu.memory_space<vmem>>
      %dma_start3A_243 = arith.constant 1152 : i32
      %dma_start3A_244 = tpu.memref_slice %arg24[%dma_start3A_243] : memref<2048xi32, #tpu.memory_space<vmem>> -> memref<128xi32, #tpu.memory_space<vmem>>
      %dma_start3A_245 = arith.constant 0 : i32
      %dma_start3A_246 = arith.constant 0 : i32
      %dma_start3A_247 = tpu.memref_slice %arg8[%dma_start3A_245, %dma_start3A_246] : memref<131072x16xf32, #tpu.memory_space<hbm>> -> memref<131072x16xf32, #tpu.memory_space<hbm>>
      tpu.enqueue_indirect_dma source(%dma_start3A_247 : memref<131072x16xf32, #tpu.memory_space<hbm>>) target(%dma_start3A_242 : memref<128x16xf32, #tpu.memory_space<vmem>>) offsets(%dma_start3A_244 : memref<128xi32, #tpu.memory_space<vmem>>) semaphore(%arg33 : memref<!tpu.dma_semaphore, #tpu.memory_space<semaphore_mem>>)
      %dma_start3A_248 = arith.constant 1280 : i32
      %dma_start3A_249 = arith.constant 0 : i32
      %dma_start3A_250 = tpu.memref_slice %arg26[%dma_start3A_248, %dma_start3A_249] : memref<2048x16xf32, #tpu.memory_space<vmem>> -> memref<128x16xf32, #tpu.memory_space<vmem>>
      %dma_start3A_251 = arith.constant 1280 : i32
      %dma_start3A_252 = tpu.memref_slice %arg24[%dma_start3A_251] : memref<2048xi32, #tpu.memory_space<vmem>> -> memref<128xi32, #tpu.memory_space<vmem>>
      %dma_start3A_253 = arith.constant 0 : i32
      %dma_start3A_254 = arith.constant 0 : i32
      %dma_start3A_255 = tpu.memref_slice %arg8[%dma_start3A_253, %dma_start3A_254] : memref<131072x16xf32, #tpu.memory_space<hbm>> -> memref<131072x16xf32, #tpu.memory_space<hbm>>
      tpu.enqueue_indirect_dma source(%dma_start3A_255 : memref<131072x16xf32, #tpu.memory_space<hbm>>) target(%dma_start3A_250 : memref<128x16xf32, #tpu.memory_space<vmem>>) offsets(%dma_start3A_252 : memref<128xi32, #tpu.memory_space<vmem>>) semaphore(%arg33 : memref<!tpu.dma_semaphore, #tpu.memory_space<semaphore_mem>>)
      %dma_start3A_256 = arith.constant 1408 : i32
      %dma_start3A_257 = arith.constant 0 : i32
      %dma_start3A_258 = tpu.memref_slice %arg26[%dma_start3A_256, %dma_start3A_257] : memref<2048x16xf32, #tpu.memory_space<vmem>> -> memref<128x16xf32, #tpu.memory_space<vmem>>
      %dma_start3A_259 = arith.constant 1408 : i32
      %dma_start3A_260 = tpu.memref_slice %arg24[%dma_start3A_259] : memref<2048xi32, #tpu.memory_space<vmem>> -> memref<128xi32, #tpu.memory_space<vmem>>
      %dma_start3A_261 = arith.constant 0 : i32
      %dma_start3A_262 = arith.constant 0 : i32
      %dma_start3A_263 = tpu.memref_slice %arg8[%dma_start3A_261, %dma_start3A_262] : memref<131072x16xf32, #tpu.memory_space<hbm>> -> memref<131072x16xf32, #tpu.memory_space<hbm>>
      tpu.enqueue_indirect_dma source(%dma_start3A_263 : memref<131072x16xf32, #tpu.memory_space<hbm>>) target(%dma_start3A_258 : memref<128x16xf32, #tpu.memory_space<vmem>>) offsets(%dma_start3A_260 : memref<128xi32, #tpu.memory_space<vmem>>) semaphore(%arg33 : memref<!tpu.dma_semaphore, #tpu.memory_space<semaphore_mem>>)
      %dma_start3A_264 = arith.constant 1536 : i32
      %dma_start3A_265 = arith.constant 0 : i32
      %dma_start3A_266 = tpu.memref_slice %arg26[%dma_start3A_264, %dma_start3A_265] : memref<2048x16xf32, #tpu.memory_space<vmem>> -> memref<128x16xf32, #tpu.memory_space<vmem>>
      %dma_start3A_267 = arith.constant 1536 : i32
      %dma_start3A_268 = tpu.memref_slice %arg24[%dma_start3A_267] : memref<2048xi32, #tpu.memory_space<vmem>> -> memref<128xi32, #tpu.memory_space<vmem>>
      %dma_start3A_269 = arith.constant 0 : i32
      %dma_start3A_270 = arith.constant 0 : i32
      %dma_start3A_271 = tpu.memref_slice %arg8[%dma_start3A_269, %dma_start3A_270] : memref<131072x16xf32, #tpu.memory_space<hbm>> -> memref<131072x16xf32, #tpu.memory_space<hbm>>
      tpu.enqueue_indirect_dma source(%dma_start3A_271 : memref<131072x16xf32, #tpu.memory_space<hbm>>) target(%dma_start3A_266 : memref<128x16xf32, #tpu.memory_space<vmem>>) offsets(%dma_start3A_268 : memref<128xi32, #tpu.memory_space<vmem>>) semaphore(%arg33 : memref<!tpu.dma_semaphore, #tpu.memory_space<semaphore_mem>>)
      %dma_start3A_272 = arith.constant 1664 : i32
      %dma_start3A_273 = arith.constant 0 : i32
      %dma_start3A_274 = tpu.memref_slice %arg26[%dma_start3A_272, %dma_start3A_273] : memref<2048x16xf32, #tpu.memory_space<vmem>> -> memref<128x16xf32, #tpu.memory_space<vmem>>
      %dma_start3A_275 = arith.constant 1664 : i32
      %dma_start3A_276 = tpu.memref_slice %arg24[%dma_start3A_275] : memref<2048xi32, #tpu.memory_space<vmem>> -> memref<128xi32, #tpu.memory_space<vmem>>
      %dma_start3A_277 = arith.constant 0 : i32
      %dma_start3A_278 = arith.constant 0 : i32
      %dma_start3A_279 = tpu.memref_slice %arg8[%dma_start3A_277, %dma_start3A_278] : memref<131072x16xf32, #tpu.memory_space<hbm>> -> memref<131072x16xf32, #tpu.memory_space<hbm>>
      tpu.enqueue_indirect_dma source(%dma_start3A_279 : memref<131072x16xf32, #tpu.memory_space<hbm>>) target(%dma_start3A_274 : memref<128x16xf32, #tpu.memory_space<vmem>>) offsets(%dma_start3A_276 : memref<128xi32, #tpu.memory_space<vmem>>) semaphore(%arg33 : memref<!tpu.dma_semaphore, #tpu.memory_space<semaphore_mem>>)
      %dma_start3A_280 = arith.constant 1792 : i32
      %dma_start3A_281 = arith.constant 0 : i32
      %dma_start3A_282 = tpu.memref_slice %arg26[%dma_start3A_280, %dma_start3A_281] : memref<2048x16xf32, #tpu.memory_space<vmem>> -> memref<128x16xf32, #tpu.memory_space<vmem>>
      %dma_start3A_283 = arith.constant 1792 : i32
      %dma_start3A_284 = tpu.memref_slice %arg24[%dma_start3A_283] : memref<2048xi32, #tpu.memory_space<vmem>> -> memref<128xi32, #tpu.memory_space<vmem>>
      %dma_start3A_285 = arith.constant 0 : i32
      %dma_start3A_286 = arith.constant 0 : i32
      %dma_start3A_287 = tpu.memref_slice %arg8[%dma_start3A_285, %dma_start3A_286] : memref<131072x16xf32, #tpu.memory_space<hbm>> -> memref<131072x16xf32, #tpu.memory_space<hbm>>
      tpu.enqueue_indirect_dma source(%dma_start3A_287 : memref<131072x16xf32, #tpu.memory_space<hbm>>) target(%dma_start3A_282 : memref<128x16xf32, #tpu.memory_space<vmem>>) offsets(%dma_start3A_284 : memref<128xi32, #tpu.memory_space<vmem>>) semaphore(%arg33 : memref<!tpu.dma_semaphore, #tpu.memory_space<semaphore_mem>>)
      %dma_start3A_288 = arith.constant 1920 : i32
      %dma_start3A_289 = arith.constant 0 : i32
      %dma_start3A_290 = tpu.memref_slice %arg26[%dma_start3A_288, %dma_start3A_289] : memref<2048x16xf32, #tpu.memory_space<vmem>> -> memref<128x16xf32, #tpu.memory_space<vmem>>
      %dma_start3A_291 = arith.constant 1920 : i32
      %dma_start3A_292 = tpu.memref_slice %arg24[%dma_start3A_291] : memref<2048xi32, #tpu.memory_space<vmem>> -> memref<128xi32, #tpu.memory_space<vmem>>
      %dma_start3A_293 = arith.constant 0 : i32
      %dma_start3A_294 = arith.constant 0 : i32
      %dma_start3A_295 = tpu.memref_slice %arg8[%dma_start3A_293, %dma_start3A_294] : memref<131072x16xf32, #tpu.memory_space<hbm>> -> memref<131072x16xf32, #tpu.memory_space<hbm>>
      tpu.enqueue_indirect_dma source(%dma_start3A_295 : memref<131072x16xf32, #tpu.memory_space<hbm>>) target(%dma_start3A_290 : memref<128x16xf32, #tpu.memory_space<vmem>>) offsets(%dma_start3A_292 : memref<128xi32, #tpu.memory_space<vmem>>) semaphore(%arg33 : memref<!tpu.dma_semaphore, #tpu.memory_space<semaphore_mem>>)
      %dma_wait3A = arith.constant 0 : i32
      %dma_wait3A_296 = arith.constant 0 : i32
      %dma_wait3A_297 = tpu.memref_slice %arg22[%dma_wait3A, %dma_wait3A_296] : memref<2048x16xf32, #tpu.memory_space<vmem>> -> memref<128x16xf32, #tpu.memory_space<vmem>>
      %dma_wait3A_298 = arith.constant 0 : i32
      %dma_wait3A_299 = tpu.memref_slice %arg20[%dma_wait3A_298] : memref<2048xi32, #tpu.memory_space<vmem>> -> memref<128xi32, #tpu.memory_space<vmem>>
      %dma_wait3A_300 = arith.constant 0 : i32
      %dma_wait3A_301 = arith.constant 0 : i32
      %dma_wait3A_302 = tpu.memref_slice %arg8[%dma_wait3A_300, %dma_wait3A_301] : memref<131072x16xf32, #tpu.memory_space<hbm>> -> memref<131072x16xf32, #tpu.memory_space<hbm>>
      tpu.wait_indirect_dma semaphore(%arg32 : memref<!tpu.dma_semaphore, #tpu.memory_space<semaphore_mem>>) src(%dma_wait3A_302 : memref<131072x16xf32, #tpu.memory_space<hbm>>) dst(%dma_wait3A_297 : memref<128x16xf32, #tpu.memory_space<vmem>>)
      %dma_wait3A_303 = arith.constant 128 : i32
      %dma_wait3A_304 = arith.constant 0 : i32
      %dma_wait3A_305 = tpu.memref_slice %arg22[%dma_wait3A_303, %dma_wait3A_304] : memref<2048x16xf32, #tpu.memory_space<vmem>> -> memref<128x16xf32, #tpu.memory_space<vmem>>
      %dma_wait3A_306 = arith.constant 128 : i32
      %dma_wait3A_307 = tpu.memref_slice %arg20[%dma_wait3A_306] : memref<2048xi32, #tpu.memory_space<vmem>> -> memref<128xi32, #tpu.memory_space<vmem>>
      %dma_wait3A_308 = arith.constant 0 : i32
      %dma_wait3A_309 = arith.constant 0 : i32
      %dma_wait3A_310 = tpu.memref_slice %arg8[%dma_wait3A_308, %dma_wait3A_309] : memref<131072x16xf32, #tpu.memory_space<hbm>> -> memref<131072x16xf32, #tpu.memory_space<hbm>>
      tpu.wait_indirect_dma semaphore(%arg32 : memref<!tpu.dma_semaphore, #tpu.memory_space<semaphore_mem>>) src(%dma_wait3A_310 : memref<131072x16xf32, #tpu.memory_space<hbm>>) dst(%dma_wait3A_305 : memref<128x16xf32, #tpu.memory_space<vmem>>)
      %dma_wait3A_311 = arith.constant 256 : i32
      %dma_wait3A_312 = arith.constant 0 : i32
      %dma_wait3A_313 = tpu.memref_slice %arg22[%dma_wait3A_311, %dma_wait3A_312] : memref<2048x16xf32, #tpu.memory_space<vmem>> -> memref<128x16xf32, #tpu.memory_space<vmem>>
      %dma_wait3A_314 = arith.constant 256 : i32
      %dma_wait3A_315 = tpu.memref_slice %arg20[%dma_wait3A_314] : memref<2048xi32, #tpu.memory_space<vmem>> -> memref<128xi32, #tpu.memory_space<vmem>>
      %dma_wait3A_316 = arith.constant 0 : i32
      %dma_wait3A_317 = arith.constant 0 : i32
      %dma_wait3A_318 = tpu.memref_slice %arg8[%dma_wait3A_316, %dma_wait3A_317] : memref<131072x16xf32, #tpu.memory_space<hbm>> -> memref<131072x16xf32, #tpu.memory_space<hbm>>
      tpu.wait_indirect_dma semaphore(%arg32 : memref<!tpu.dma_semaphore, #tpu.memory_space<semaphore_mem>>) src(%dma_wait3A_318 : memref<131072x16xf32, #tpu.memory_space<hbm>>) dst(%dma_wait3A_313 : memref<128x16xf32, #tpu.memory_space<vmem>>)
      %dma_wait3A_319 = arith.constant 384 : i32
      %dma_wait3A_320 = arith.constant 0 : i32
      %dma_wait3A_321 = tpu.memref_slice %arg22[%dma_wait3A_319, %dma_wait3A_320] : memref<2048x16xf32, #tpu.memory_space<vmem>> -> memref<128x16xf32, #tpu.memory_space<vmem>>
      %dma_wait3A_322 = arith.constant 384 : i32
      %dma_wait3A_323 = tpu.memref_slice %arg20[%dma_wait3A_322] : memref<2048xi32, #tpu.memory_space<vmem>> -> memref<128xi32, #tpu.memory_space<vmem>>
      %dma_wait3A_324 = arith.constant 0 : i32
      %dma_wait3A_325 = arith.constant 0 : i32
      %dma_wait3A_326 = tpu.memref_slice %arg8[%dma_wait3A_324, %dma_wait3A_325] : memref<131072x16xf32, #tpu.memory_space<hbm>> -> memref<131072x16xf32, #tpu.memory_space<hbm>>
      tpu.wait_indirect_dma semaphore(%arg32 : memref<!tpu.dma_semaphore, #tpu.memory_space<semaphore_mem>>) src(%dma_wait3A_326 : memref<131072x16xf32, #tpu.memory_space<hbm>>) dst(%dma_wait3A_321 : memref<128x16xf32, #tpu.memory_space<vmem>>)
      %dma_wait3A_327 = arith.constant 512 : i32
      %dma_wait3A_328 = arith.constant 0 : i32
      %dma_wait3A_329 = tpu.memref_slice %arg22[%dma_wait3A_327, %dma_wait3A_328] : memref<2048x16xf32, #tpu.memory_space<vmem>> -> memref<128x16xf32, #tpu.memory_space<vmem>>
      %dma_wait3A_330 = arith.constant 512 : i32
      %dma_wait3A_331 = tpu.memref_slice %arg20[%dma_wait3A_330] : memref<2048xi32, #tpu.memory_space<vmem>> -> memref<128xi32, #tpu.memory_space<vmem>>
      %dma_wait3A_332 = arith.constant 0 : i32
      %dma_wait3A_333 = arith.constant 0 : i32
      %dma_wait3A_334 = tpu.memref_slice %arg8[%dma_wait3A_332, %dma_wait3A_333] : memref<131072x16xf32, #tpu.memory_space<hbm>> -> memref<131072x16xf32, #tpu.memory_space<hbm>>
      tpu.wait_indirect_dma semaphore(%arg32 : memref<!tpu.dma_semaphore, #tpu.memory_space<semaphore_mem>>) src(%dma_wait3A_334 : memref<131072x16xf32, #tpu.memory_space<hbm>>) dst(%dma_wait3A_329 : memref<128x16xf32, #tpu.memory_space<vmem>>)
      %dma_wait3A_335 = arith.constant 640 : i32
      %dma_wait3A_336 = arith.constant 0 : i32
      %dma_wait3A_337 = tpu.memref_slice %arg22[%dma_wait3A_335, %dma_wait3A_336] : memref<2048x16xf32, #tpu.memory_space<vmem>> -> memref<128x16xf32, #tpu.memory_space<vmem>>
      %dma_wait3A_338 = arith.constant 640 : i32
      %dma_wait3A_339 = tpu.memref_slice %arg20[%dma_wait3A_338] : memref<2048xi32, #tpu.memory_space<vmem>> -> memref<128xi32, #tpu.memory_space<vmem>>
      %dma_wait3A_340 = arith.constant 0 : i32
      %dma_wait3A_341 = arith.constant 0 : i32
      %dma_wait3A_342 = tpu.memref_slice %arg8[%dma_wait3A_340, %dma_wait3A_341] : memref<131072x16xf32, #tpu.memory_space<hbm>> -> memref<131072x16xf32, #tpu.memory_space<hbm>>
      tpu.wait_indirect_dma semaphore(%arg32 : memref<!tpu.dma_semaphore, #tpu.memory_space<semaphore_mem>>) src(%dma_wait3A_342 : memref<131072x16xf32, #tpu.memory_space<hbm>>) dst(%dma_wait3A_337 : memref<128x16xf32, #tpu.memory_space<vmem>>)
      %dma_wait3A_343 = arith.constant 768 : i32
      %dma_wait3A_344 = arith.constant 0 : i32
      %dma_wait3A_345 = tpu.memref_slice %arg22[%dma_wait3A_343, %dma_wait3A_344] : memref<2048x16xf32, #tpu.memory_space<vmem>> -> memref<128x16xf32, #tpu.memory_space<vmem>>
      %dma_wait3A_346 = arith.constant 768 : i32
      %dma_wait3A_347 = tpu.memref_slice %arg20[%dma_wait3A_346] : memref<2048xi32, #tpu.memory_space<vmem>> -> memref<128xi32, #tpu.memory_space<vmem>>
      %dma_wait3A_348 = arith.constant 0 : i32
      %dma_wait3A_349 = arith.constant 0 : i32
      %dma_wait3A_350 = tpu.memref_slice %arg8[%dma_wait3A_348, %dma_wait3A_349] : memref<131072x16xf32, #tpu.memory_space<hbm>> -> memref<131072x16xf32, #tpu.memory_space<hbm>>
      tpu.wait_indirect_dma semaphore(%arg32 : memref<!tpu.dma_semaphore, #tpu.memory_space<semaphore_mem>>) src(%dma_wait3A_350 : memref<131072x16xf32, #tpu.memory_space<hbm>>) dst(%dma_wait3A_345 : memref<128x16xf32, #tpu.memory_space<vmem>>)
      %dma_wait3A_351 = arith.constant 896 : i32
      %dma_wait3A_352 = arith.constant 0 : i32
      %dma_wait3A_353 = tpu.memref_slice %arg22[%dma_wait3A_351, %dma_wait3A_352] : memref<2048x16xf32, #tpu.memory_space<vmem>> -> memref<128x16xf32, #tpu.memory_space<vmem>>
      %dma_wait3A_354 = arith.constant 896 : i32
      %dma_wait3A_355 = tpu.memref_slice %arg20[%dma_wait3A_354] : memref<2048xi32, #tpu.memory_space<vmem>> -> memref<128xi32, #tpu.memory_space<vmem>>
      %dma_wait3A_356 = arith.constant 0 : i32
      %dma_wait3A_357 = arith.constant 0 : i32
      %dma_wait3A_358 = tpu.memref_slice %arg8[%dma_wait3A_356, %dma_wait3A_357] : memref<131072x16xf32, #tpu.memory_space<hbm>> -> memref<131072x16xf32, #tpu.memory_space<hbm>>
      tpu.wait_indirect_dma semaphore(%arg32 : memref<!tpu.dma_semaphore, #tpu.memory_space<semaphore_mem>>) src(%dma_wait3A_358 : memref<131072x16xf32, #tpu.memory_space<hbm>>) dst(%dma_wait3A_353 : memref<128x16xf32, #tpu.memory_space<vmem>>)
      %dma_wait3A_359 = arith.constant 1024 : i32
      %dma_wait3A_360 = arith.constant 0 : i32
      %dma_wait3A_361 = tpu.memref_slice %arg22[%dma_wait3A_359, %dma_wait3A_360] : memref<2048x16xf32, #tpu.memory_space<vmem>> -> memref<128x16xf32, #tpu.memory_space<vmem>>
      %dma_wait3A_362 = arith.constant 1024 : i32
      %dma_wait3A_363 = tpu.memref_slice %arg20[%dma_wait3A_362] : memref<2048xi32, #tpu.memory_space<vmem>> -> memref<128xi32, #tpu.memory_space<vmem>>
      %dma_wait3A_364 = arith.constant 0 : i32
      %dma_wait3A_365 = arith.constant 0 : i32
      %dma_wait3A_366 = tpu.memref_slice %arg8[%dma_wait3A_364, %dma_wait3A_365] : memref<131072x16xf32, #tpu.memory_space<hbm>> -> memref<131072x16xf32, #tpu.memory_space<hbm>>
      tpu.wait_indirect_dma semaphore(%arg32 : memref<!tpu.dma_semaphore, #tpu.memory_space<semaphore_mem>>) src(%dma_wait3A_366 : memref<131072x16xf32, #tpu.memory_space<hbm>>) dst(%dma_wait3A_361 : memref<128x16xf32, #tpu.memory_space<vmem>>)
      %dma_wait3A_367 = arith.constant 1152 : i32
      %dma_wait3A_368 = arith.constant 0 : i32
      %dma_wait3A_369 = tpu.memref_slice %arg22[%dma_wait3A_367, %dma_wait3A_368] : memref<2048x16xf32, #tpu.memory_space<vmem>> -> memref<128x16xf32, #tpu.memory_space<vmem>>
      %dma_wait3A_370 = arith.constant 1152 : i32
      %dma_wait3A_371 = tpu.memref_slice %arg20[%dma_wait3A_370] : memref<2048xi32, #tpu.memory_space<vmem>> -> memref<128xi32, #tpu.memory_space<vmem>>
      %dma_wait3A_372 = arith.constant 0 : i32
      %dma_wait3A_373 = arith.constant 0 : i32
      %dma_wait3A_374 = tpu.memref_slice %arg8[%dma_wait3A_372, %dma_wait3A_373] : memref<131072x16xf32, #tpu.memory_space<hbm>> -> memref<131072x16xf32, #tpu.memory_space<hbm>>
      tpu.wait_indirect_dma semaphore(%arg32 : memref<!tpu.dma_semaphore, #tpu.memory_space<semaphore_mem>>) src(%dma_wait3A_374 : memref<131072x16xf32, #tpu.memory_space<hbm>>) dst(%dma_wait3A_369 : memref<128x16xf32, #tpu.memory_space<vmem>>)
      %dma_wait3A_375 = arith.constant 1280 : i32
      %dma_wait3A_376 = arith.constant 0 : i32
      %dma_wait3A_377 = tpu.memref_slice %arg22[%dma_wait3A_375, %dma_wait3A_376] : memref<2048x16xf32, #tpu.memory_space<vmem>> -> memref<128x16xf32, #tpu.memory_space<vmem>>
      %dma_wait3A_378 = arith.constant 1280 : i32
      %dma_wait3A_379 = tpu.memref_slice %arg20[%dma_wait3A_378] : memref<2048xi32, #tpu.memory_space<vmem>> -> memref<128xi32, #tpu.memory_space<vmem>>
      %dma_wait3A_380 = arith.constant 0 : i32
      %dma_wait3A_381 = arith.constant 0 : i32
      %dma_wait3A_382 = tpu.memref_slice %arg8[%dma_wait3A_380, %dma_wait3A_381] : memref<131072x16xf32, #tpu.memory_space<hbm>> -> memref<131072x16xf32, #tpu.memory_space<hbm>>
      tpu.wait_indirect_dma semaphore(%arg32 : memref<!tpu.dma_semaphore, #tpu.memory_space<semaphore_mem>>) src(%dma_wait3A_382 : memref<131072x16xf32, #tpu.memory_space<hbm>>) dst(%dma_wait3A_377 : memref<128x16xf32, #tpu.memory_space<vmem>>)
      %dma_wait3A_383 = arith.constant 1408 : i32
      %dma_wait3A_384 = arith.constant 0 : i32
      %dma_wait3A_385 = tpu.memref_slice %arg22[%dma_wait3A_383, %dma_wait3A_384] : memref<2048x16xf32, #tpu.memory_space<vmem>> -> memref<128x16xf32, #tpu.memory_space<vmem>>
      %dma_wait3A_386 = arith.constant 1408 : i32
      %dma_wait3A_387 = tpu.memref_slice %arg20[%dma_wait3A_386] : memref<2048xi32, #tpu.memory_space<vmem>> -> memref<128xi32, #tpu.memory_space<vmem>>
      %dma_wait3A_388 = arith.constant 0 : i32
      %dma_wait3A_389 = arith.constant 0 : i32
      %dma_wait3A_390 = tpu.memref_slice %arg8[%dma_wait3A_388, %dma_wait3A_389] : memref<131072x16xf32, #tpu.memory_space<hbm>> -> memref<131072x16xf32, #tpu.memory_space<hbm>>
      tpu.wait_indirect_dma semaphore(%arg32 : memref<!tpu.dma_semaphore, #tpu.memory_space<semaphore_mem>>) src(%dma_wait3A_390 : memref<131072x16xf32, #tpu.memory_space<hbm>>) dst(%dma_wait3A_385 : memref<128x16xf32, #tpu.memory_space<vmem>>)
      %dma_wait3A_391 = arith.constant 1536 : i32
      %dma_wait3A_392 = arith.constant 0 : i32
      %dma_wait3A_393 = tpu.memref_slice %arg22[%dma_wait3A_391, %dma_wait3A_392] : memref<2048x16xf32, #tpu.memory_space<vmem>> -> memref<128x16xf32, #tpu.memory_space<vmem>>
      %dma_wait3A_394 = arith.constant 1536 : i32
      %dma_wait3A_395 = tpu.memref_slice %arg20[%dma_wait3A_394] : memref<2048xi32, #tpu.memory_space<vmem>> -> memref<128xi32, #tpu.memory_space<vmem>>
      %dma_wait3A_396 = arith.constant 0 : i32
      %dma_wait3A_397 = arith.constant 0 : i32
      %dma_wait3A_398 = tpu.memref_slice %arg8[%dma_wait3A_396, %dma_wait3A_397] : memref<131072x16xf32, #tpu.memory_space<hbm>> -> memref<131072x16xf32, #tpu.memory_space<hbm>>
      tpu.wait_indirect_dma semaphore(%arg32 : memref<!tpu.dma_semaphore, #tpu.memory_space<semaphore_mem>>) src(%dma_wait3A_398 : memref<131072x16xf32, #tpu.memory_space<hbm>>) dst(%dma_wait3A_393 : memref<128x16xf32, #tpu.memory_space<vmem>>)
      %dma_wait3A_399 = arith.constant 1664 : i32
      %dma_wait3A_400 = arith.constant 0 : i32
      %dma_wait3A_401 = tpu.memref_slice %arg22[%dma_wait3A_399, %dma_wait3A_400] : memref<2048x16xf32, #tpu.memory_space<vmem>> -> memref<128x16xf32, #tpu.memory_space<vmem>>
      %dma_wait3A_402 = arith.constant 1664 : i32
      %dma_wait3A_403 = tpu.memref_slice %arg20[%dma_wait3A_402] : memref<2048xi32, #tpu.memory_space<vmem>> -> memref<128xi32, #tpu.memory_space<vmem>>
      %dma_wait3A_404 = arith.constant 0 : i32
      %dma_wait3A_405 = arith.constant 0 : i32
      %dma_wait3A_406 = tpu.memref_slice %arg8[%dma_wait3A_404, %dma_wait3A_405] : memref<131072x16xf32, #tpu.memory_space<hbm>> -> memref<131072x16xf32, #tpu.memory_space<hbm>>
      tpu.wait_indirect_dma semaphore(%arg32 : memref<!tpu.dma_semaphore, #tpu.memory_space<semaphore_mem>>) src(%dma_wait3A_406 : memref<131072x16xf32, #tpu.memory_space<hbm>>) dst(%dma_wait3A_401 : memref<128x16xf32, #tpu.memory_space<vmem>>)
      %dma_wait3A_407 = arith.constant 1792 : i32
      %dma_wait3A_408 = arith.constant 0 : i32
      %dma_wait3A_409 = tpu.memref_slice %arg22[%dma_wait3A_407, %dma_wait3A_408] : memref<2048x16xf32, #tpu.memory_space<vmem>> -> memref<128x16xf32, #tpu.memory_space<vmem>>
      %dma_wait3A_410 = arith.constant 1792 : i32
      %dma_wait3A_411 = tpu.memref_slice %arg20[%dma_wait3A_410] : memref<2048xi32, #tpu.memory_space<vmem>> -> memref<128xi32, #tpu.memory_space<vmem>>
      %dma_wait3A_412 = arith.constant 0 : i32
      %dma_wait3A_413 = arith.constant 0 : i32
      %dma_wait3A_414 = tpu.memref_slice %arg8[%dma_wait3A_412, %dma_wait3A_413] : memref<131072x16xf32, #tpu.memory_space<hbm>> -> memref<131072x16xf32, #tpu.memory_space<hbm>>
      tpu.wait_indirect_dma semaphore(%arg32 : memref<!tpu.dma_semaphore, #tpu.memory_space<semaphore_mem>>) src(%dma_wait3A_414 : memref<131072x16xf32, #tpu.memory_space<hbm>>) dst(%dma_wait3A_409 : memref<128x16xf32, #tpu.memory_space<vmem>>)
      %dma_wait3A_415 = arith.constant 1920 : i32
      %dma_wait3A_416 = arith.constant 0 : i32
      %dma_wait3A_417 = tpu.memref_slice %arg22[%dma_wait3A_415, %dma_wait3A_416] : memref<2048x16xf32, #tpu.memory_space<vmem>> -> memref<128x16xf32, #tpu.memory_space<vmem>>
      %dma_wait3A_418 = arith.constant 1920 : i32
      %dma_wait3A_419 = tpu.memref_slice %arg20[%dma_wait3A_418] : memref<2048xi32, #tpu.memory_space<vmem>> -> memref<128xi32, #tpu.memory_space<vmem>>
      %dma_wait3A_420 = arith.constant 0 : i32
      %dma_wait3A_421 = arith.constant 0 : i32
      %dma_wait3A_422 = tpu.memref_slice %arg8[%dma_wait3A_420, %dma_wait3A_421] : memref<131072x16xf32, #tpu.memory_space<hbm>> -> memref<131072x16xf32, #tpu.memory_space<hbm>>
      tpu.wait_indirect_dma semaphore(%arg32 : memref<!tpu.dma_semaphore, #tpu.memory_space<semaphore_mem>>) src(%dma_wait3A_422 : memref<131072x16xf32, #tpu.memory_space<hbm>>) dst(%dma_wait3A_417 : memref<128x16xf32, #tpu.memory_space<vmem>>)
      %parallel_loop3A_423 = arith.constant 0 : i32
      %parallel_loop3A_424 = arith.constant 2048 : i32
      %parallel_loop3A_425 = arith.constant 16 : i32
      scf.for %parallel_loop3A_561 = %parallel_loop3A_423 to %parallel_loop3A_424 step %parallel_loop3A_425  : i32 {
        %parallel_loop3A_562 = arith.index_cast %parallel_loop3A_561 : i32 to index
        %parallel_loop3A_563 = tpu.vector_load %arg21[%parallel_loop3A_562] {strides = array<i32>} : memref<2048xf32, #tpu.memory_space<vmem>>, vector<16xf32>,
        %parallel_loop3A_564 = tpu.iota {dimensions = array<i32: 0>} : vector<16xi32>
        %parallel_loop3A_565 = vector.broadcast %parallel_loop3A_561 : i32 to vector<16xi32>
        %parallel_loop3A_566 = arith.addi %parallel_loop3A_564, %parallel_loop3A_565 : vector<16xi32>
        %parallel_loop3A_567 = arith.constant 0 : i32
        %parallel_loop3A_568 = vector.broadcast %parallel_loop3A_567 : i32 to vector<16xi32>
        %parallel_loop3A_569 = tpu.vector_load_idx %arg22[%parallel_loop3A_566, %parallel_loop3A_568] : memref<2048x16xf32, #tpu.memory_space<vmem>>[vector<16xi32>, vector<16xi32>], vector<16xf32>,
        %parallel_loop3A_570 = arith.constant 5 : i32
        %parallel_loop3A_571 = vector.broadcast %parallel_loop3A_570 : i32 to vector<16xi32>
        %parallel_loop3A_572 = tpu.vector_load_idx %arg22[%parallel_loop3A_566, %parallel_loop3A_571] : memref<2048x16xf32, #tpu.memory_space<vmem>>[vector<16xi32>, vector<16xi32>], vector<16xf32>,
        %parallel_loop3A_573 = arith.subf %parallel_loop3A_572, %parallel_loop3A_569 : vector<16xf32>
        %parallel_loop3A_574 = arith.mulf %parallel_loop3A_563, %parallel_loop3A_573 : vector<16xf32>
        %parallel_loop3A_575 = arith.addf %parallel_loop3A_569, %parallel_loop3A_574 : vector<16xf32>
        %parallel_loop3A_576 = arith.index_cast %parallel_loop3A_561 : i32 to index
        %parallel_loop3A_577 = tpu.vector_load %arg27[%parallel_loop3A_576] {strides = array<i32>} : memref<2048xf32, #tpu.memory_space<vmem>>, vector<16xf32>,
        tpu.vector_store %arg27[%parallel_loop3A_576], %parallel_loop3A_575 {strides = array<i32>} : memref<2048xf32, #tpu.memory_space<vmem>>, vector<16xf32>,
        %parallel_loop3A_578 = arith.constant 1 : i32
        %parallel_loop3A_579 = vector.broadcast %parallel_loop3A_578 : i32 to vector<16xi32>
        %parallel_loop3A_580 = tpu.vector_load_idx %arg22[%parallel_loop3A_566, %parallel_loop3A_579] : memref<2048x16xf32, #tpu.memory_space<vmem>>[vector<16xi32>, vector<16xi32>], vector<16xf32>,
        %parallel_loop3A_581 = arith.constant 6 : i32
        %parallel_loop3A_582 = vector.broadcast %parallel_loop3A_581 : i32 to vector<16xi32>
        %parallel_loop3A_583 = tpu.vector_load_idx %arg22[%parallel_loop3A_566, %parallel_loop3A_582] : memref<2048x16xf32, #tpu.memory_space<vmem>>[vector<16xi32>, vector<16xi32>], vector<16xf32>,
        %parallel_loop3A_584 = arith.subf %parallel_loop3A_583, %parallel_loop3A_580 : vector<16xf32>
        %parallel_loop3A_585 = arith.mulf %parallel_loop3A_563, %parallel_loop3A_584 : vector<16xf32>
        %parallel_loop3A_586 = arith.addf %parallel_loop3A_580, %parallel_loop3A_585 : vector<16xf32>
        %parallel_loop3A_587 = arith.index_cast %parallel_loop3A_561 : i32 to index
        %parallel_loop3A_588 = tpu.vector_load %arg28[%parallel_loop3A_587] {strides = array<i32>} : memref<2048xf32, #tpu.memory_space<vmem>>, vector<16xf32>,
        tpu.vector_store %arg28[%parallel_loop3A_587], %parallel_loop3A_586 {strides = array<i32>} : memref<2048xf32, #tpu.memory_space<vmem>>, vector<16xf32>,
        %parallel_loop3A_589 = arith.constant 2 : i32
        %parallel_loop3A_590 = vector.broadcast %parallel_loop3A_589 : i32 to vector<16xi32>
        %parallel_loop3A_591 = tpu.vector_load_idx %arg22[%parallel_loop3A_566, %parallel_loop3A_590] : memref<2048x16xf32, #tpu.memory_space<vmem>>[vector<16xi32>, vector<16xi32>], vector<16xf32>,
        %parallel_loop3A_592 = arith.constant 7 : i32
        %parallel_loop3A_593 = vector.broadcast %parallel_loop3A_592 : i32 to vector<16xi32>
        %parallel_loop3A_594 = tpu.vector_load_idx %arg22[%parallel_loop3A_566, %parallel_loop3A_593] : memref<2048x16xf32, #tpu.memory_space<vmem>>[vector<16xi32>, vector<16xi32>], vector<16xf32>,
        %parallel_loop3A_595 = arith.subf %parallel_loop3A_594, %parallel_loop3A_591 : vector<16xf32>
        %parallel_loop3A_596 = arith.mulf %parallel_loop3A_563, %parallel_loop3A_595 : vector<16xf32>
        %parallel_loop3A_597 = arith.addf %parallel_loop3A_591, %parallel_loop3A_596 : vector<16xf32>
        %parallel_loop3A_598 = arith.index_cast %parallel_loop3A_561 : i32 to index
        %parallel_loop3A_599 = tpu.vector_load %arg29[%parallel_loop3A_598] {strides = array<i32>} : memref<2048xf32, #tpu.memory_space<vmem>>, vector<16xf32>,
        tpu.vector_store %arg29[%parallel_loop3A_598], %parallel_loop3A_597 {strides = array<i32>} : memref<2048xf32, #tpu.memory_space<vmem>>, vector<16xf32>,
        %parallel_loop3A_600 = arith.constant 3 : i32
        %parallel_loop3A_601 = vector.broadcast %parallel_loop3A_600 : i32 to vector<16xi32>
        %parallel_loop3A_602 = tpu.vector_load_idx %arg22[%parallel_loop3A_566, %parallel_loop3A_601] : memref<2048x16xf32, #tpu.memory_space<vmem>>[vector<16xi32>, vector<16xi32>], vector<16xf32>,
        %parallel_loop3A_603 = arith.constant 8 : i32
        %parallel_loop3A_604 = vector.broadcast %parallel_loop3A_603 : i32 to vector<16xi32>
        %parallel_loop3A_605 = tpu.vector_load_idx %arg22[%parallel_loop3A_566, %parallel_loop3A_604] : memref<2048x16xf32, #tpu.memory_space<vmem>>[vector<16xi32>, vector<16xi32>], vector<16xf32>,
        %parallel_loop3A_606 = arith.subf %parallel_loop3A_605, %parallel_loop3A_602 : vector<16xf32>
        %parallel_loop3A_607 = arith.mulf %parallel_loop3A_563, %parallel_loop3A_606 : vector<16xf32>
        %parallel_loop3A_608 = arith.addf %parallel_loop3A_602, %parallel_loop3A_607 : vector<16xf32>
        %parallel_loop3A_609 = arith.constant 4 : i32
        %parallel_loop3A_610 = vector.broadcast %parallel_loop3A_609 : i32 to vector<16xi32>
        %parallel_loop3A_611 = tpu.vector_load_idx %arg22[%parallel_loop3A_566, %parallel_loop3A_610] : memref<2048x16xf32, #tpu.memory_space<vmem>>[vector<16xi32>, vector<16xi32>], vector<16xf32>,
        %parallel_loop3A_612 = arith.constant 9 : i32
        %parallel_loop3A_613 = vector.broadcast %parallel_loop3A_612 : i32 to vector<16xi32>
        %parallel_loop3A_614 = tpu.vector_load_idx %arg22[%parallel_loop3A_566, %parallel_loop3A_613] : memref<2048x16xf32, #tpu.memory_space<vmem>>[vector<16xi32>, vector<16xi32>], vector<16xf32>,
        %parallel_loop3A_615 = arith.subf %parallel_loop3A_614, %parallel_loop3A_611 : vector<16xf32>
        %parallel_loop3A_616 = arith.mulf %parallel_loop3A_563, %parallel_loop3A_615 : vector<16xf32>
        %parallel_loop3A_617 = arith.addf %parallel_loop3A_611, %parallel_loop3A_616 : vector<16xf32>
        %parallel_loop3A_618 = arith.constant 0.318309873 : f32
        %parallel_loop3A_619 = vector.broadcast %parallel_loop3A_618 : f32 to vector<16xf32>
        %parallel_loop3A_620 = arith.mulf %parallel_loop3A_617, %parallel_loop3A_619 : vector<16xf32>
        %parallel_loop3A_621 = arith.constant 0x4B400000 : f32
        %parallel_loop3A_622 = vector.broadcast %parallel_loop3A_621 : f32 to vector<16xf32>
        %parallel_loop3A_623 = arith.addf %parallel_loop3A_620, %parallel_loop3A_622 : vector<16xf32>
        %parallel_loop3A_624 = arith.constant 0x4B400000 : f32
        %parallel_loop3A_625 = vector.broadcast %parallel_loop3A_624 : f32 to vector<16xf32>
        %parallel_loop3A_626 = arith.subf %parallel_loop3A_623, %parallel_loop3A_625 : vector<16xf32>
        %parallel_loop3A_627 = arith.fptosi %parallel_loop3A_626 : vector<16xf32> to vector<16xi32>
        %parallel_loop3A_628 = arith.constant 3.140625 : f32
        %parallel_loop3A_629 = vector.broadcast %parallel_loop3A_628 : f32 to vector<16xf32>
        %parallel_loop3A_630 = arith.mulf %parallel_loop3A_626, %parallel_loop3A_629 : vector<16xf32>
        %parallel_loop3A_631 = arith.subf %parallel_loop3A_617, %parallel_loop3A_630 : vector<16xf32>
        %parallel_loop3A_632 = arith.constant 9.67653584E-4 : f32
        %parallel_loop3A_633 = vector.broadcast %parallel_loop3A_632 : f32 to vector<16xf32>
        %parallel_loop3A_634 = arith.mulf %parallel_loop3A_626, %parallel_loop3A_633 : vector<16xf32>
        %parallel_loop3A_635 = arith.subf %parallel_loop3A_631, %parallel_loop3A_634 : vector<16xf32>
        %parallel_loop3A_636 = arith.mulf %parallel_loop3A_635, %parallel_loop3A_635 : vector<16xf32>
        %parallel_loop3A_637 = arith.constant -1.98412701E-4 : f32
        %parallel_loop3A_638 = vector.broadcast %parallel_loop3A_637 : f32 to vector<16xf32>
        %parallel_loop3A_639 = arith.mulf %parallel_loop3A_638, %parallel_loop3A_636 : vector<16xf32>
        %parallel_loop3A_640 = arith.constant 0.00833333284 : f32
        %parallel_loop3A_641 = vector.broadcast %parallel_loop3A_640 : f32 to vector<16xf32>
        %parallel_loop3A_642 = arith.addf %parallel_loop3A_639, %parallel_loop3A_641 : vector<16xf32>
        %parallel_loop3A_643 = arith.mulf %parallel_loop3A_642, %parallel_loop3A_636 : vector<16xf32>
        %parallel_loop3A_644 = arith.constant -0.166666672 : f32
        %parallel_loop3A_645 = vector.broadcast %parallel_loop3A_644 : f32 to vector<16xf32>
        %parallel_loop3A_646 = arith.addf %parallel_loop3A_643, %parallel_loop3A_645 : vector<16xf32>
        %parallel_loop3A_647 = arith.mulf %parallel_loop3A_646, %parallel_loop3A_636 : vector<16xf32>
        %parallel_loop3A_648 = arith.constant 1.000000e+00 : f32
        %parallel_loop3A_649 = vector.broadcast %parallel_loop3A_648 : f32 to vector<16xf32>
        %parallel_loop3A_650 = arith.addf %parallel_loop3A_647, %parallel_loop3A_649 : vector<16xf32>
        %parallel_loop3A_651 = arith.constant 2.48015876E-5 : f32
        %parallel_loop3A_652 = vector.broadcast %parallel_loop3A_651 : f32 to vector<16xf32>
        %parallel_loop3A_653 = arith.mulf %parallel_loop3A_652, %parallel_loop3A_636 : vector<16xf32>
        %parallel_loop3A_654 = arith.constant -0.00138888892 : f32
        %parallel_loop3A_655 = vector.broadcast %parallel_loop3A_654 : f32 to vector<16xf32>
        %parallel_loop3A_656 = arith.addf %parallel_loop3A_653, %parallel_loop3A_655 : vector<16xf32>
        %parallel_loop3A_657 = arith.mulf %parallel_loop3A_656, %parallel_loop3A_636 : vector<16xf32>
        %parallel_loop3A_658 = arith.constant 0.0416666679 : f32
        %parallel_loop3A_659 = vector.broadcast %parallel_loop3A_658 : f32 to vector<16xf32>
        %parallel_loop3A_660 = arith.addf %parallel_loop3A_657, %parallel_loop3A_659 : vector<16xf32>
        %parallel_loop3A_661 = arith.mulf %parallel_loop3A_660, %parallel_loop3A_636 : vector<16xf32>
        %parallel_loop3A_662 = arith.constant -5.000000e-01 : f32
        %parallel_loop3A_663 = vector.broadcast %parallel_loop3A_662 : f32 to vector<16xf32>
        %parallel_loop3A_664 = arith.addf %parallel_loop3A_661, %parallel_loop3A_663 : vector<16xf32>
        %parallel_loop3A_665 = arith.mulf %parallel_loop3A_664, %parallel_loop3A_636 : vector<16xf32>
        %parallel_loop3A_666 = arith.constant 1.000000e+00 : f32
        %parallel_loop3A_667 = vector.broadcast %parallel_loop3A_666 : f32 to vector<16xf32>
        %parallel_loop3A_668 = arith.addf %parallel_loop3A_665, %parallel_loop3A_667 : vector<16xf32>
        %parallel_loop3A_669 = arith.mulf %parallel_loop3A_635, %parallel_loop3A_650 : vector<16xf32>
        %parallel_loop3A_670 = arith.constant 1 : i32
        %parallel_loop3A_671 = vector.broadcast %parallel_loop3A_670 : i32 to vector<16xi32>
        %parallel_loop3A_672 = arith.andi %parallel_loop3A_627, %parallel_loop3A_671 : vector<16xi32>
        %parallel_loop3A_673 = arith.constant 0 : i32
        %parallel_loop3A_674 = vector.broadcast %parallel_loop3A_673 : i32 to vector<16xi32>
        %parallel_loop3A_675 = arith.cmpi ne, %parallel_loop3A_672, %parallel_loop3A_674 : vector<16xi32>
        %parallel_loop3A_676 = arith.constant -1.000000e+00 : f32
        %parallel_loop3A_677 = arith.constant 1.000000e+00 : f32
        %parallel_loop3A_678 = vector.broadcast %parallel_loop3A_676 : f32 to vector<16xf32>
        %parallel_loop3A_679 = vector.broadcast %parallel_loop3A_677 : f32 to vector<16xf32>
        %parallel_loop3A_680 = arith.select %parallel_loop3A_675, %parallel_loop3A_678, %parallel_loop3A_679 : vector<16xi1>, vector<16xf32>
        %parallel_loop3A_681 = arith.mulf %parallel_loop3A_608, %parallel_loop3A_680 : vector<16xf32>
        %parallel_loop3A_682 = arith.mulf %parallel_loop3A_681, %parallel_loop3A_668 : vector<16xf32>
        %parallel_loop3A_683 = arith.index_cast %parallel_loop3A_561 : i32 to index
        %parallel_loop3A_684 = tpu.vector_load %arg30[%parallel_loop3A_683] {strides = array<i32>} : memref<2048xf32, #tpu.memory_space<vmem>>, vector<16xf32>,
        tpu.vector_store %arg30[%parallel_loop3A_683], %parallel_loop3A_682 {strides = array<i32>} : memref<2048xf32, #tpu.memory_space<vmem>>, vector<16xf32>,
        %parallel_loop3A_685 = arith.mulf %parallel_loop3A_681, %parallel_loop3A_669 : vector<16xf32>
        %parallel_loop3A_686 = arith.index_cast %parallel_loop3A_561 : i32 to index
        %parallel_loop3A_687 = tpu.vector_load %arg31[%parallel_loop3A_686] {strides = array<i32>} : memref<2048xf32, #tpu.memory_space<vmem>>, vector<16xf32>,
        tpu.vector_store %arg31[%parallel_loop3A_686], %parallel_loop3A_685 {strides = array<i32>} : memref<2048xf32, #tpu.memory_space<vmem>>, vector<16xf32>,
      } {sc.loop_unroll_factor = 4 : i64, sc.parallel_access}
      "tpu.region"() ({
        %run_scoped3A = tpu.sem_alloc : memref<!tpu.dma_semaphore, #tpu.memory_space<semaphore_mem>>
        %dma_start3A_561 = tpu.memref_slice %arg9[%add3A_162] : memref<2097152xf32, #tpu.memory_space<hbm>> -> memref<2048xf32, #tpu.memory_space<hbm>>
        %dma_start3A_562 = tpu.memref_slice %arg9[%add3A_162] : memref<2097152xf32, #tpu.memory_space<hbm>> -> memref<2048xf32, #tpu.memory_space<hbm>>
        tpu.enqueue_dma source(%arg27 : memref<2048xf32, #tpu.memory_space<vmem>>) target(%dma_start3A_562 : memref<2048xf32, #tpu.memory_space<hbm>>) target_semaphore(%run_scoped3A : memref<!tpu.dma_semaphore, #tpu.memory_space<semaphore_mem>>)
        %dma_wait3A_563 = tpu.memref_slice %arg9[%add3A_162] : memref<2097152xf32, #tpu.memory_space<hbm>> -> memref<2048xf32, #tpu.memory_space<hbm>>
        %dma_wait3A_564 = tpu.memref_slice %arg9[%add3A_162] : memref<2097152xf32, #tpu.memory_space<hbm>> -> memref<2048xf32, #tpu.memory_space<hbm>>
        tpu.wait_dma2 semaphore(%run_scoped3A : memref<!tpu.dma_semaphore, #tpu.memory_space<semaphore_mem>>) src(%arg27 : memref<2048xf32, #tpu.memory_space<vmem>>) dst(%dma_wait3A_564 : memref<2048xf32, #tpu.memory_space<hbm>>)
        tpu.yield
      }) : () -> ()
      "tpu.region"() ({
        %run_scoped3A = tpu.sem_alloc : memref<!tpu.dma_semaphore, #tpu.memory_space<semaphore_mem>>
        %dma_start3A_561 = tpu.memref_slice %arg10[%add3A_162] : memref<2097152xf32, #tpu.memory_space<hbm>> -> memref<2048xf32, #tpu.memory_space<hbm>>
        %dma_start3A_562 = tpu.memref_slice %arg10[%add3A_162] : memref<2097152xf32, #tpu.memory_space<hbm>> -> memref<2048xf32, #tpu.memory_space<hbm>>
        tpu.enqueue_dma source(%arg28 : memref<2048xf32, #tpu.memory_space<vmem>>) target(%dma_start3A_562 : memref<2048xf32, #tpu.memory_space<hbm>>) target_semaphore(%run_scoped3A : memref<!tpu.dma_semaphore, #tpu.memory_space<semaphore_mem>>)
        %dma_wait3A_563 = tpu.memref_slice %arg10[%add3A_162] : memref<2097152xf32, #tpu.memory_space<hbm>> -> memref<2048xf32, #tpu.memory_space<hbm>>
        %dma_wait3A_564 = tpu.memref_slice %arg10[%add3A_162] : memref<2097152xf32, #tpu.memory_space<hbm>> -> memref<2048xf32, #tpu.memory_space<hbm>>
        tpu.wait_dma2 semaphore(%run_scoped3A : memref<!tpu.dma_semaphore, #tpu.memory_space<semaphore_mem>>) src(%arg28 : memref<2048xf32, #tpu.memory_space<vmem>>) dst(%dma_wait3A_564 : memref<2048xf32, #tpu.memory_space<hbm>>)
        tpu.yield
      }) : () -> ()
      "tpu.region"() ({
        %run_scoped3A = tpu.sem_alloc : memref<!tpu.dma_semaphore, #tpu.memory_space<semaphore_mem>>
        %dma_start3A_561 = tpu.memref_slice %arg11[%add3A_162] : memref<2097152xf32, #tpu.memory_space<hbm>> -> memref<2048xf32, #tpu.memory_space<hbm>>
        %dma_start3A_562 = tpu.memref_slice %arg11[%add3A_162] : memref<2097152xf32, #tpu.memory_space<hbm>> -> memref<2048xf32, #tpu.memory_space<hbm>>
        tpu.enqueue_dma source(%arg29 : memref<2048xf32, #tpu.memory_space<vmem>>) target(%dma_start3A_562 : memref<2048xf32, #tpu.memory_space<hbm>>) target_semaphore(%run_scoped3A : memref<!tpu.dma_semaphore, #tpu.memory_space<semaphore_mem>>)
        %dma_wait3A_563 = tpu.memref_slice %arg11[%add3A_162] : memref<2097152xf32, #tpu.memory_space<hbm>> -> memref<2048xf32, #tpu.memory_space<hbm>>
        %dma_wait3A_564 = tpu.memref_slice %arg11[%add3A_162] : memref<2097152xf32, #tpu.memory_space<hbm>> -> memref<2048xf32, #tpu.memory_space<hbm>>
        tpu.wait_dma2 semaphore(%run_scoped3A : memref<!tpu.dma_semaphore, #tpu.memory_space<semaphore_mem>>) src(%arg29 : memref<2048xf32, #tpu.memory_space<vmem>>) dst(%dma_wait3A_564 : memref<2048xf32, #tpu.memory_space<hbm>>)
        tpu.yield
      }) : () -> ()
      "tpu.region"() ({
        %run_scoped3A = tpu.sem_alloc : memref<!tpu.dma_semaphore, #tpu.memory_space<semaphore_mem>>
        %dma_start3A_561 = tpu.memref_slice %arg12[%add3A_162] : memref<2097152xf32, #tpu.memory_space<hbm>> -> memref<2048xf32, #tpu.memory_space<hbm>>
        %dma_start3A_562 = tpu.memref_slice %arg12[%add3A_162] : memref<2097152xf32, #tpu.memory_space<hbm>> -> memref<2048xf32, #tpu.memory_space<hbm>>
        tpu.enqueue_dma source(%arg30 : memref<2048xf32, #tpu.memory_space<vmem>>) target(%dma_start3A_562 : memref<2048xf32, #tpu.memory_space<hbm>>) target_semaphore(%run_scoped3A : memref<!tpu.dma_semaphore, #tpu.memory_space<semaphore_mem>>)
        %dma_wait3A_563 = tpu.memref_slice %arg12[%add3A_162] : memref<2097152xf32, #tpu.memory_space<hbm>> -> memref<2048xf32, #tpu.memory_space<hbm>>
        %dma_wait3A_564 = tpu.memref_slice %arg12[%add3A_162] : memref<2097152xf32, #tpu.memory_space<hbm>> -> memref<2048xf32, #tpu.memory_space<hbm>>
        tpu.wait_dma2 semaphore(%run_scoped3A : memref<!tpu.dma_semaphore, #tpu.memory_space<semaphore_mem>>) src(%arg30 : memref<2048xf32, #tpu.memory_space<vmem>>) dst(%dma_wait3A_564 : memref<2048xf32, #tpu.memory_space<hbm>>)
        tpu.yield
      }) : () -> ()
      "tpu.region"() ({
        %run_scoped3A = tpu.sem_alloc : memref<!tpu.dma_semaphore, #tpu.memory_space<semaphore_mem>>
        %dma_start3A_561 = tpu.memref_slice %arg13[%add3A_162] : memref<2097152xf32, #tpu.memory_space<hbm>> -> memref<2048xf32, #tpu.memory_space<hbm>>
        %dma_start3A_562 = tpu.memref_slice %arg13[%add3A_162] : memref<2097152xf32, #tpu.memory_space<hbm>> -> memref<2048xf32, #tpu.memory_space<hbm>>
        tpu.enqueue_dma source(%arg31 : memref<2048xf32, #tpu.memory_space<vmem>>) target(%dma_start3A_562 : memref<2048xf32, #tpu.memory_space<hbm>>) target_semaphore(%run_scoped3A : memref<!tpu.dma_semaphore, #tpu.memory_space<semaphore_mem>>)
        %dma_wait3A_563 = tpu.memref_slice %arg13[%add3A_162] : memref<2097152xf32, #tpu.memory_space<hbm>> -> memref<2048xf32, #tpu.memory_space<hbm>>
        %dma_wait3A_564 = tpu.memref_slice %arg13[%add3A_162] : memref<2097152xf32, #tpu.memory_space<hbm>> -> memref<2048xf32, #tpu.memory_space<hbm>>
        tpu.wait_dma2 semaphore(%run_scoped3A : memref<!tpu.dma_semaphore, #tpu.memory_space<semaphore_mem>>) src(%arg31 : memref<2048xf32, #tpu.memory_space<vmem>>) dst(%dma_wait3A_564 : memref<2048xf32, #tpu.memory_space<hbm>>)
        tpu.yield
      }) : () -> ()
      %lt3A = arith.constant 15 : i32
      %lt3A_426 = arith.cmpi slt, %scan3A_157, %lt3A : i32
      %convert_element_type3A = arith.extui %lt3A_426 : i1 to i32
      %cond3A = arith.constant 0 : i32
      %cond3A_427 = arith.cmpi ne, %convert_element_type3A, %cond3A : i32
      scf.if %cond3A_427 {
        %add3A_561 = arith.constant 4096 : i32
        %add3A_562 = arith.addi %add3A_162, %add3A_561 : i32
        "tpu.region"() ({
          %run_scoped3A = tpu.sem_alloc : memref<!tpu.dma_semaphore, #tpu.memory_space<semaphore_mem>>
          %dma_start3A_694 = tpu.memref_slice %arg7[%add3A_562] : memref<2097152xf32, #tpu.memory_space<hbm>> -> memref<2048xf32, #tpu.memory_space<hbm>>
          %dma_start3A_695 = tpu.memref_slice %arg7[%add3A_562] : memref<2097152xf32, #tpu.memory_space<hbm>> -> memref<2048xf32, #tpu.memory_space<hbm>>
          tpu.enqueue_dma source(%dma_start3A_695 : memref<2048xf32, #tpu.memory_space<hbm>>) target(%arg19 : memref<2048xf32, #tpu.memory_space<vmem>>) target_semaphore(%run_scoped3A : memref<!tpu.dma_semaphore, #tpu.memory_space<semaphore_mem>>)
          %dma_wait3A_696 = tpu.memref_slice %arg7[%add3A_562] : memref<2097152xf32, #tpu.memory_space<hbm>> -> memref<2048xf32, #tpu.memory_space<hbm>>
          %dma_wait3A_697 = tpu.memref_slice %arg7[%add3A_562] : memref<2097152xf32, #tpu.memory_space<hbm>> -> memref<2048xf32, #tpu.memory_space<hbm>>
          tpu.wait_dma2 semaphore(%run_scoped3A : memref<!tpu.dma_semaphore, #tpu.memory_space<semaphore_mem>>) src(%dma_wait3A_697 : memref<2048xf32, #tpu.memory_space<hbm>>) dst(%arg19 : memref<2048xf32, #tpu.memory_space<vmem>>)
          tpu.yield
        }) : () -> ()
        %parallel_loop3A_563 = arith.constant 0 : i32
        %parallel_loop3A_564 = arith.constant 2048 : i32
        %parallel_loop3A_565 = arith.constant 16 : i32
        scf.for %parallel_loop3A_694 = %parallel_loop3A_563 to %parallel_loop3A_564 step %parallel_loop3A_565  : i32 {
          %parallel_loop3A_695 = arith.index_cast %parallel_loop3A_694 : i32 to index
          %parallel_loop3A_696 = tpu.vector_load %arg19[%parallel_loop3A_695] {strides = array<i32>} : memref<2048xf32, #tpu.memory_space<vmem>>, vector<16xf32>,
          %parallel_loop3A_697 = arith.fptosi %parallel_loop3A_696 : vector<16xf32> to vector<16xi32>
          %parallel_loop3A_698 = arith.constant 0 : i32
          %parallel_loop3A_699 = vector.broadcast %parallel_loop3A_698 : i32 to vector<16xi32>
          %parallel_loop3A_700 = arith.maxsi %parallel_loop3A_697, %parallel_loop3A_699 : vector<16xi32>
          %parallel_loop3A_701 = arith.constant 65534 : i32
          %parallel_loop3A_702 = vector.broadcast %parallel_loop3A_701 : i32 to vector<16xi32>
          %parallel_loop3A_703 = arith.minsi %parallel_loop3A_700, %parallel_loop3A_702 : vector<16xi32>
          %parallel_loop3A_704 = arith.sitofp %parallel_loop3A_703 : vector<16xi32> to vector<16xf32>
          %parallel_loop3A_705 = arith.subf %parallel_loop3A_696, %parallel_loop3A_704 : vector<16xf32>
          %parallel_loop3A_706 = arith.index_cast %parallel_loop3A_694 : i32 to index
          %parallel_loop3A_707 = tpu.vector_load %arg21[%parallel_loop3A_706] {strides = array<i32>} : memref<2048xf32, #tpu.memory_space<vmem>>, vector<16xf32>,
          tpu.vector_store %arg21[%parallel_loop3A_706], %parallel_loop3A_705 {strides = array<i32>} : memref<2048xf32, #tpu.memory_space<vmem>>, vector<16xf32>,
          %parallel_loop3A_708 = arith.constant 65536 : i32
          %parallel_loop3A_709 = arith.muli %arg0, %parallel_loop3A_708 : i32
          %parallel_loop3A_710 = vector.broadcast %parallel_loop3A_709 : i32 to vector<16xi32>
          %parallel_loop3A_711 = arith.addi %parallel_loop3A_703, %parallel_loop3A_710 : vector<16xi32>
          %parallel_loop3A_712 = arith.index_cast %parallel_loop3A_694 : i32 to index
          %parallel_loop3A_713 = tpu.vector_load %arg20[%parallel_loop3A_712] {strides = array<i32>} : memref<2048xi32, #tpu.memory_space<vmem>>, vector<16xi32>,
          tpu.vector_store %arg20[%parallel_loop3A_712], %parallel_loop3A_711 {strides = array<i32>} : memref<2048xi32, #tpu.memory_space<vmem>>, vector<16xi32>,
        } {sc.loop_unroll_factor = 4 : i64, sc.parallel_access}
        %dma_start3A_566 = arith.constant 0 : i32
        %dma_start3A_567 = arith.constant 0 : i32
        %dma_start3A_568 = tpu.memref_slice %arg22[%dma_start3A_566, %dma_start3A_567] : memref<2048x16xf32, #tpu.memory_space<vmem>> -> memref<128x16xf32, #tpu.memory_space<vmem>>
        %dma_start3A_569 = arith.constant 0 : i32
        %dma_start3A_570 = tpu.memref_slice %arg20[%dma_start3A_569] : memref<2048xi32, #tpu.memory_space<vmem>> -> memref<128xi32, #tpu.memory_space<vmem>>
        %dma_start3A_571 = arith.constant 0 : i32
        %dma_start3A_572 = arith.constant 0 : i32
        %dma_start3A_573 = tpu.memref_slice %arg8[%dma_start3A_571, %dma_start3A_572] : memref<131072x16xf32, #tpu.memory_space<hbm>> -> memref<131072x16xf32, #tpu.memory_space<hbm>>
        tpu.enqueue_indirect_dma source(%dma_start3A_573 : memref<131072x16xf32, #tpu.memory_space<hbm>>) target(%dma_start3A_568 : memref<128x16xf32, #tpu.memory_space<vmem>>) offsets(%dma_start3A_570 : memref<128xi32, #tpu.memory_space<vmem>>) semaphore(%arg32 : memref<!tpu.dma_semaphore, #tpu.memory_space<semaphore_mem>>)
        %dma_start3A_574 = arith.constant 128 : i32
        %dma_start3A_575 = arith.constant 0 : i32
        %dma_start3A_576 = tpu.memref_slice %arg22[%dma_start3A_574, %dma_start3A_575] : memref<2048x16xf32, #tpu.memory_space<vmem>> -> memref<128x16xf32, #tpu.memory_space<vmem>>
        %dma_start3A_577 = arith.constant 128 : i32
        %dma_start3A_578 = tpu.memref_slice %arg20[%dma_start3A_577] : memref<2048xi32, #tpu.memory_space<vmem>> -> memref<128xi32, #tpu.memory_space<vmem>>
        %dma_start3A_579 = arith.constant 0 : i32
        %dma_start3A_580 = arith.constant 0 : i32
        %dma_start3A_581 = tpu.memref_slice %arg8[%dma_start3A_579, %dma_start3A_580] : memref<131072x16xf32, #tpu.memory_space<hbm>> -> memref<131072x16xf32, #tpu.memory_space<hbm>>
        tpu.enqueue_indirect_dma source(%dma_start3A_581 : memref<131072x16xf32, #tpu.memory_space<hbm>>) target(%dma_start3A_576 : memref<128x16xf32, #tpu.memory_space<vmem>>) offsets(%dma_start3A_578 : memref<128xi32, #tpu.memory_space<vmem>>) semaphore(%arg32 : memref<!tpu.dma_semaphore, #tpu.memory_space<semaphore_mem>>)
        %dma_start3A_582 = arith.constant 256 : i32
        %dma_start3A_583 = arith.constant 0 : i32
        %dma_start3A_584 = tpu.memref_slice %arg22[%dma_start3A_582, %dma_start3A_583] : memref<2048x16xf32, #tpu.memory_space<vmem>> -> memref<128x16xf32, #tpu.memory_space<vmem>>
        %dma_start3A_585 = arith.constant 256 : i32
        %dma_start3A_586 = tpu.memref_slice %arg20[%dma_start3A_585] : memref<2048xi32, #tpu.memory_space<vmem>> -> memref<128xi32, #tpu.memory_space<vmem>>
        %dma_start3A_587 = arith.constant 0 : i32
        %dma_start3A_588 = arith.constant 0 : i32
        %dma_start3A_589 = tpu.memref_slice %arg8[%dma_start3A_587, %dma_start3A_588] : memref<131072x16xf32, #tpu.memory_space<hbm>> -> memref<131072x16xf32, #tpu.memory_space<hbm>>
        tpu.enqueue_indirect_dma source(%dma_start3A_589 : memref<131072x16xf32, #tpu.memory_space<hbm>>) target(%dma_start3A_584 : memref<128x16xf32, #tpu.memory_space<vmem>>) offsets(%dma_start3A_586 : memref<128xi32, #tpu.memory_space<vmem>>) semaphore(%arg32 : memref<!tpu.dma_semaphore, #tpu.memory_space<semaphore_mem>>)
        %dma_start3A_590 = arith.constant 384 : i32
        %dma_start3A_591 = arith.constant 0 : i32
        %dma_start3A_592 = tpu.memref_slice %arg22[%dma_start3A_590, %dma_start3A_591] : memref<2048x16xf32, #tpu.memory_space<vmem>> -> memref<128x16xf32, #tpu.memory_space<vmem>>
        %dma_start3A_593 = arith.constant 384 : i32
        %dma_start3A_594 = tpu.memref_slice %arg20[%dma_start3A_593] : memref<2048xi32, #tpu.memory_space<vmem>> -> memref<128xi32, #tpu.memory_space<vmem>>
        %dma_start3A_595 = arith.constant 0 : i32
        %dma_start3A_596 = arith.constant 0 : i32
        %dma_start3A_597 = tpu.memref_slice %arg8[%dma_start3A_595, %dma_start3A_596] : memref<131072x16xf32, #tpu.memory_space<hbm>> -> memref<131072x16xf32, #tpu.memory_space<hbm>>
        tpu.enqueue_indirect_dma source(%dma_start3A_597 : memref<131072x16xf32, #tpu.memory_space<hbm>>) target(%dma_start3A_592 : memref<128x16xf32, #tpu.memory_space<vmem>>) offsets(%dma_start3A_594 : memref<128xi32, #tpu.memory_space<vmem>>) semaphore(%arg32 : memref<!tpu.dma_semaphore, #tpu.memory_space<semaphore_mem>>)
        %dma_start3A_598 = arith.constant 512 : i32
        %dma_start3A_599 = arith.constant 0 : i32
        %dma_start3A_600 = tpu.memref_slice %arg22[%dma_start3A_598, %dma_start3A_599] : memref<2048x16xf32, #tpu.memory_space<vmem>> -> memref<128x16xf32, #tpu.memory_space<vmem>>
        %dma_start3A_601 = arith.constant 512 : i32
        %dma_start3A_602 = tpu.memref_slice %arg20[%dma_start3A_601] : memref<2048xi32, #tpu.memory_space<vmem>> -> memref<128xi32, #tpu.memory_space<vmem>>
        %dma_start3A_603 = arith.constant 0 : i32
        %dma_start3A_604 = arith.constant 0 : i32
        %dma_start3A_605 = tpu.memref_slice %arg8[%dma_start3A_603, %dma_start3A_604] : memref<131072x16xf32, #tpu.memory_space<hbm>> -> memref<131072x16xf32, #tpu.memory_space<hbm>>
        tpu.enqueue_indirect_dma source(%dma_start3A_605 : memref<131072x16xf32, #tpu.memory_space<hbm>>) target(%dma_start3A_600 : memref<128x16xf32, #tpu.memory_space<vmem>>) offsets(%dma_start3A_602 : memref<128xi32, #tpu.memory_space<vmem>>) semaphore(%arg32 : memref<!tpu.dma_semaphore, #tpu.memory_space<semaphore_mem>>)
        %dma_start3A_606 = arith.constant 640 : i32
        %dma_start3A_607 = arith.constant 0 : i32
        %dma_start3A_608 = tpu.memref_slice %arg22[%dma_start3A_606, %dma_start3A_607] : memref<2048x16xf32, #tpu.memory_space<vmem>> -> memref<128x16xf32, #tpu.memory_space<vmem>>
        %dma_start3A_609 = arith.constant 640 : i32
        %dma_start3A_610 = tpu.memref_slice %arg20[%dma_start3A_609] : memref<2048xi32, #tpu.memory_space<vmem>> -> memref<128xi32, #tpu.memory_space<vmem>>
        %dma_start3A_611 = arith.constant 0 : i32
        %dma_start3A_612 = arith.constant 0 : i32
        %dma_start3A_613 = tpu.memref_slice %arg8[%dma_start3A_611, %dma_start3A_612] : memref<131072x16xf32, #tpu.memory_space<hbm>> -> memref<131072x16xf32, #tpu.memory_space<hbm>>
        tpu.enqueue_indirect_dma source(%dma_start3A_613 : memref<131072x16xf32, #tpu.memory_space<hbm>>) target(%dma_start3A_608 : memref<128x16xf32, #tpu.memory_space<vmem>>) offsets(%dma_start3A_610 : memref<128xi32, #tpu.memory_space<vmem>>) semaphore(%arg32 : memref<!tpu.dma_semaphore, #tpu.memory_space<semaphore_mem>>)
        %dma_start3A_614 = arith.constant 768 : i32
        %dma_start3A_615 = arith.constant 0 : i32
        %dma_start3A_616 = tpu.memref_slice %arg22[%dma_start3A_614, %dma_start3A_615] : memref<2048x16xf32, #tpu.memory_space<vmem>> -> memref<128x16xf32, #tpu.memory_space<vmem>>
        %dma_start3A_617 = arith.constant 768 : i32
        %dma_start3A_618 = tpu.memref_slice %arg20[%dma_start3A_617] : memref<2048xi32, #tpu.memory_space<vmem>> -> memref<128xi32, #tpu.memory_space<vmem>>
        %dma_start3A_619 = arith.constant 0 : i32
        %dma_start3A_620 = arith.constant 0 : i32
        %dma_start3A_621 = tpu.memref_slice %arg8[%dma_start3A_619, %dma_start3A_620] : memref<131072x16xf32, #tpu.memory_space<hbm>> -> memref<131072x16xf32, #tpu.memory_space<hbm>>
        tpu.enqueue_indirect_dma source(%dma_start3A_621 : memref<131072x16xf32, #tpu.memory_space<hbm>>) target(%dma_start3A_616 : memref<128x16xf32, #tpu.memory_space<vmem>>) offsets(%dma_start3A_618 : memref<128xi32, #tpu.memory_space<vmem>>) semaphore(%arg32 : memref<!tpu.dma_semaphore, #tpu.memory_space<semaphore_mem>>)
        %dma_start3A_622 = arith.constant 896 : i32
        %dma_start3A_623 = arith.constant 0 : i32
        %dma_start3A_624 = tpu.memref_slice %arg22[%dma_start3A_622, %dma_start3A_623] : memref<2048x16xf32, #tpu.memory_space<vmem>> -> memref<128x16xf32, #tpu.memory_space<vmem>>
        %dma_start3A_625 = arith.constant 896 : i32
        %dma_start3A_626 = tpu.memref_slice %arg20[%dma_start3A_625] : memref<2048xi32, #tpu.memory_space<vmem>> -> memref<128xi32, #tpu.memory_space<vmem>>
        %dma_start3A_627 = arith.constant 0 : i32
        %dma_start3A_628 = arith.constant 0 : i32
        %dma_start3A_629 = tpu.memref_slice %arg8[%dma_start3A_627, %dma_start3A_628] : memref<131072x16xf32, #tpu.memory_space<hbm>> -> memref<131072x16xf32, #tpu.memory_space<hbm>>
        tpu.enqueue_indirect_dma source(%dma_start3A_629 : memref<131072x16xf32, #tpu.memory_space<hbm>>) target(%dma_start3A_624 : memref<128x16xf32, #tpu.memory_space<vmem>>) offsets(%dma_start3A_626 : memref<128xi32, #tpu.memory_space<vmem>>) semaphore(%arg32 : memref<!tpu.dma_semaphore, #tpu.memory_space<semaphore_mem>>)
        %dma_start3A_630 = arith.constant 1024 : i32
        %dma_start3A_631 = arith.constant 0 : i32
        %dma_start3A_632 = tpu.memref_slice %arg22[%dma_start3A_630, %dma_start3A_631] : memref<2048x16xf32, #tpu.memory_space<vmem>> -> memref<128x16xf32, #tpu.memory_space<vmem>>
        %dma_start3A_633 = arith.constant 1024 : i32
        %dma_start3A_634 = tpu.memref_slice %arg20[%dma_start3A_633] : memref<2048xi32, #tpu.memory_space<vmem>> -> memref<128xi32, #tpu.memory_space<vmem>>
        %dma_start3A_635 = arith.constant 0 : i32
        %dma_start3A_636 = arith.constant 0 : i32
        %dma_start3A_637 = tpu.memref_slice %arg8[%dma_start3A_635, %dma_start3A_636] : memref<131072x16xf32, #tpu.memory_space<hbm>> -> memref<131072x16xf32, #tpu.memory_space<hbm>>
        tpu.enqueue_indirect_dma source(%dma_start3A_637 : memref<131072x16xf32, #tpu.memory_space<hbm>>) target(%dma_start3A_632 : memref<128x16xf32, #tpu.memory_space<vmem>>) offsets(%dma_start3A_634 : memref<128xi32, #tpu.memory_space<vmem>>) semaphore(%arg32 : memref<!tpu.dma_semaphore, #tpu.memory_space<semaphore_mem>>)
        %dma_start3A_638 = arith.constant 1152 : i32
        %dma_start3A_639 = arith.constant 0 : i32
        %dma_start3A_640 = tpu.memref_slice %arg22[%dma_start3A_638, %dma_start3A_639] : memref<2048x16xf32, #tpu.memory_space<vmem>> -> memref<128x16xf32, #tpu.memory_space<vmem>>
        %dma_start3A_641 = arith.constant 1152 : i32
        %dma_start3A_642 = tpu.memref_slice %arg20[%dma_start3A_641] : memref<2048xi32, #tpu.memory_space<vmem>> -> memref<128xi32, #tpu.memory_space<vmem>>
        %dma_start3A_643 = arith.constant 0 : i32
        %dma_start3A_644 = arith.constant 0 : i32
        %dma_start3A_645 = tpu.memref_slice %arg8[%dma_start3A_643, %dma_start3A_644] : memref<131072x16xf32, #tpu.memory_space<hbm>> -> memref<131072x16xf32, #tpu.memory_space<hbm>>
        tpu.enqueue_indirect_dma source(%dma_start3A_645 : memref<131072x16xf32, #tpu.memory_space<hbm>>) target(%dma_start3A_640 : memref<128x16xf32, #tpu.memory_space<vmem>>) offsets(%dma_start3A_642 : memref<128xi32, #tpu.memory_space<vmem>>) semaphore(%arg32 : memref<!tpu.dma_semaphore, #tpu.memory_space<semaphore_mem>>)
        %dma_start3A_646 = arith.constant 1280 : i32
        %dma_start3A_647 = arith.constant 0 : i32
        %dma_start3A_648 = tpu.memref_slice %arg22[%dma_start3A_646, %dma_start3A_647] : memref<2048x16xf32, #tpu.memory_space<vmem>> -> memref<128x16xf32, #tpu.memory_space<vmem>>
        %dma_start3A_649 = arith.constant 1280 : i32
        %dma_start3A_650 = tpu.memref_slice %arg20[%dma_start3A_649] : memref<2048xi32, #tpu.memory_space<vmem>> -> memref<128xi32, #tpu.memory_space<vmem>>
        %dma_start3A_651 = arith.constant 0 : i32
        %dma_start3A_652 = arith.constant 0 : i32
        %dma_start3A_653 = tpu.memref_slice %arg8[%dma_start3A_651, %dma_start3A_652] : memref<131072x16xf32, #tpu.memory_space<hbm>> -> memref<131072x16xf32, #tpu.memory_space<hbm>>
        tpu.enqueue_indirect_dma source(%dma_start3A_653 : memref<131072x16xf32, #tpu.memory_space<hbm>>) target(%dma_start3A_648 : memref<128x16xf32, #tpu.memory_space<vmem>>) offsets(%dma_start3A_650 : memref<128xi32, #tpu.memory_space<vmem>>) semaphore(%arg32 : memref<!tpu.dma_semaphore, #tpu.memory_space<semaphore_mem>>)
        %dma_start3A_654 = arith.constant 1408 : i32
        %dma_start3A_655 = arith.constant 0 : i32
        %dma_start3A_656 = tpu.memref_slice %arg22[%dma_start3A_654, %dma_start3A_655] : memref<2048x16xf32, #tpu.memory_space<vmem>> -> memref<128x16xf32, #tpu.memory_space<vmem>>
        %dma_start3A_657 = arith.constant 1408 : i32
        %dma_start3A_658 = tpu.memref_slice %arg20[%dma_start3A_657] : memref<2048xi32, #tpu.memory_space<vmem>> -> memref<128xi32, #tpu.memory_space<vmem>>
        %dma_start3A_659 = arith.constant 0 : i32
        %dma_start3A_660 = arith.constant 0 : i32
        %dma_start3A_661 = tpu.memref_slice %arg8[%dma_start3A_659, %dma_start3A_660] : memref<131072x16xf32, #tpu.memory_space<hbm>> -> memref<131072x16xf32, #tpu.memory_space<hbm>>
        tpu.enqueue_indirect_dma source(%dma_start3A_661 : memref<131072x16xf32, #tpu.memory_space<hbm>>) target(%dma_start3A_656 : memref<128x16xf32, #tpu.memory_space<vmem>>) offsets(%dma_start3A_658 : memref<128xi32, #tpu.memory_space<vmem>>) semaphore(%arg32 : memref<!tpu.dma_semaphore, #tpu.memory_space<semaphore_mem>>)
        %dma_start3A_662 = arith.constant 1536 : i32
        %dma_start3A_663 = arith.constant 0 : i32
        %dma_start3A_664 = tpu.memref_slice %arg22[%dma_start3A_662, %dma_start3A_663] : memref<2048x16xf32, #tpu.memory_space<vmem>> -> memref<128x16xf32, #tpu.memory_space<vmem>>
        %dma_start3A_665 = arith.constant 1536 : i32
        %dma_start3A_666 = tpu.memref_slice %arg20[%dma_start3A_665] : memref<2048xi32, #tpu.memory_space<vmem>> -> memref<128xi32, #tpu.memory_space<vmem>>
        %dma_start3A_667 = arith.constant 0 : i32
        %dma_start3A_668 = arith.constant 0 : i32
        %dma_start3A_669 = tpu.memref_slice %arg8[%dma_start3A_667, %dma_start3A_668] : memref<131072x16xf32, #tpu.memory_space<hbm>> -> memref<131072x16xf32, #tpu.memory_space<hbm>>
        tpu.enqueue_indirect_dma source(%dma_start3A_669 : memref<131072x16xf32, #tpu.memory_space<hbm>>) target(%dma_start3A_664 : memref<128x16xf32, #tpu.memory_space<vmem>>) offsets(%dma_start3A_666 : memref<128xi32, #tpu.memory_space<vmem>>) semaphore(%arg32 : memref<!tpu.dma_semaphore, #tpu.memory_space<semaphore_mem>>)
        %dma_start3A_670 = arith.constant 1664 : i32
        %dma_start3A_671 = arith.constant 0 : i32
        %dma_start3A_672 = tpu.memref_slice %arg22[%dma_start3A_670, %dma_start3A_671] : memref<2048x16xf32, #tpu.memory_space<vmem>> -> memref<128x16xf32, #tpu.memory_space<vmem>>
        %dma_start3A_673 = arith.constant 1664 : i32
        %dma_start3A_674 = tpu.memref_slice %arg20[%dma_start3A_673] : memref<2048xi32, #tpu.memory_space<vmem>> -> memref<128xi32, #tpu.memory_space<vmem>>
        %dma_start3A_675 = arith.constant 0 : i32
        %dma_start3A_676 = arith.constant 0 : i32
        %dma_start3A_677 = tpu.memref_slice %arg8[%dma_start3A_675, %dma_start3A_676] : memref<131072x16xf32, #tpu.memory_space<hbm>> -> memref<131072x16xf32, #tpu.memory_space<hbm>>
        tpu.enqueue_indirect_dma source(%dma_start3A_677 : memref<131072x16xf32, #tpu.memory_space<hbm>>) target(%dma_start3A_672 : memref<128x16xf32, #tpu.memory_space<vmem>>) offsets(%dma_start3A_674 : memref<128xi32, #tpu.memory_space<vmem>>) semaphore(%arg32 : memref<!tpu.dma_semaphore, #tpu.memory_space<semaphore_mem>>)
        %dma_start3A_678 = arith.constant 1792 : i32
        %dma_start3A_679 = arith.constant 0 : i32
        %dma_start3A_680 = tpu.memref_slice %arg22[%dma_start3A_678, %dma_start3A_679] : memref<2048x16xf32, #tpu.memory_space<vmem>> -> memref<128x16xf32, #tpu.memory_space<vmem>>
        %dma_start3A_681 = arith.constant 1792 : i32
        %dma_start3A_682 = tpu.memref_slice %arg20[%dma_start3A_681] : memref<2048xi32, #tpu.memory_space<vmem>> -> memref<128xi32, #tpu.memory_space<vmem>>
        %dma_start3A_683 = arith.constant 0 : i32
        %dma_start3A_684 = arith.constant 0 : i32
        %dma_start3A_685 = tpu.memref_slice %arg8[%dma_start3A_683, %dma_start3A_684] : memref<131072x16xf32, #tpu.memory_space<hbm>> -> memref<131072x16xf32, #tpu.memory_space<hbm>>
        tpu.enqueue_indirect_dma source(%dma_start3A_685 : memref<131072x16xf32, #tpu.memory_space<hbm>>) target(%dma_start3A_680 : memref<128x16xf32, #tpu.memory_space<vmem>>) offsets(%dma_start3A_682 : memref<128xi32, #tpu.memory_space<vmem>>) semaphore(%arg32 : memref<!tpu.dma_semaphore, #tpu.memory_space<semaphore_mem>>)
        %dma_start3A_686 = arith.constant 1920 : i32
        %dma_start3A_687 = arith.constant 0 : i32
        %dma_start3A_688 = tpu.memref_slice %arg22[%dma_start3A_686, %dma_start3A_687] : memref<2048x16xf32, #tpu.memory_space<vmem>> -> memref<128x16xf32, #tpu.memory_space<vmem>>
        %dma_start3A_689 = arith.constant 1920 : i32
        %dma_start3A_690 = tpu.memref_slice %arg20[%dma_start3A_689] : memref<2048xi32, #tpu.memory_space<vmem>> -> memref<128xi32, #tpu.memory_space<vmem>>
        %dma_start3A_691 = arith.constant 0 : i32
        %dma_start3A_692 = arith.constant 0 : i32
        %dma_start3A_693 = tpu.memref_slice %arg8[%dma_start3A_691, %dma_start3A_692] : memref<131072x16xf32, #tpu.memory_space<hbm>> -> memref<131072x16xf32, #tpu.memory_space<hbm>>
        tpu.enqueue_indirect_dma source(%dma_start3A_693 : memref<131072x16xf32, #tpu.memory_space<hbm>>) target(%dma_start3A_688 : memref<128x16xf32, #tpu.memory_space<vmem>>) offsets(%dma_start3A_690 : memref<128xi32, #tpu.memory_space<vmem>>) semaphore(%arg32 : memref<!tpu.dma_semaphore, #tpu.memory_space<semaphore_mem>>)
      } else {
      }
      %add3A_428 = arith.constant 2048 : i32
      %add3A_429 = arith.addi %add3A_162, %add3A_428 : i32
      %dma_wait3A_430 = arith.constant 0 : i32
      %dma_wait3A_431 = arith.constant 0 : i32
      %dma_wait3A_432 = tpu.memref_slice %arg26[%dma_wait3A_430, %dma_wait3A_431] : memref<2048x16xf32, #tpu.memory_space<vmem>> -> memref<128x16xf32, #tpu.memory_space<vmem>>
      %dma_wait3A_433 = arith.constant 0 : i32
      %dma_wait3A_434 = tpu.memref_slice %arg24[%dma_wait3A_433] : memref<2048xi32, #tpu.memory_space<vmem>> -> memref<128xi32, #tpu.memory_space<vmem>>
      %dma_wait3A_435 = arith.constant 0 : i32
      %dma_wait3A_436 = arith.constant 0 : i32
      %dma_wait3A_437 = tpu.memref_slice %arg8[%dma_wait3A_435, %dma_wait3A_436] : memref<131072x16xf32, #tpu.memory_space<hbm>> -> memref<131072x16xf32, #tpu.memory_space<hbm>>
      tpu.wait_indirect_dma semaphore(%arg33 : memref<!tpu.dma_semaphore, #tpu.memory_space<semaphore_mem>>) src(%dma_wait3A_437 : memref<131072x16xf32, #tpu.memory_space<hbm>>) dst(%dma_wait3A_432 : memref<128x16xf32, #tpu.memory_space<vmem>>)
      %dma_wait3A_438 = arith.constant 128 : i32
      %dma_wait3A_439 = arith.constant 0 : i32
      %dma_wait3A_440 = tpu.memref_slice %arg26[%dma_wait3A_438, %dma_wait3A_439] : memref<2048x16xf32, #tpu.memory_space<vmem>> -> memref<128x16xf32, #tpu.memory_space<vmem>>
      %dma_wait3A_441 = arith.constant 128 : i32
      %dma_wait3A_442 = tpu.memref_slice %arg24[%dma_wait3A_441] : memref<2048xi32, #tpu.memory_space<vmem>> -> memref<128xi32, #tpu.memory_space<vmem>>
      %dma_wait3A_443 = arith.constant 0 : i32
      %dma_wait3A_444 = arith.constant 0 : i32
      %dma_wait3A_445 = tpu.memref_slice %arg8[%dma_wait3A_443, %dma_wait3A_444] : memref<131072x16xf32, #tpu.memory_space<hbm>> -> memref<131072x16xf32, #tpu.memory_space<hbm>>
      tpu.wait_indirect_dma semaphore(%arg33 : memref<!tpu.dma_semaphore, #tpu.memory_space<semaphore_mem>>) src(%dma_wait3A_445 : memref<131072x16xf32, #tpu.memory_space<hbm>>) dst(%dma_wait3A_440 : memref<128x16xf32, #tpu.memory_space<vmem>>)
      %dma_wait3A_446 = arith.constant 256 : i32
      %dma_wait3A_447 = arith.constant 0 : i32
      %dma_wait3A_448 = tpu.memref_slice %arg26[%dma_wait3A_446, %dma_wait3A_447] : memref<2048x16xf32, #tpu.memory_space<vmem>> -> memref<128x16xf32, #tpu.memory_space<vmem>>
      %dma_wait3A_449 = arith.constant 256 : i32
      %dma_wait3A_450 = tpu.memref_slice %arg24[%dma_wait3A_449] : memref<2048xi32, #tpu.memory_space<vmem>> -> memref<128xi32, #tpu.memory_space<vmem>>
      %dma_wait3A_451 = arith.constant 0 : i32
      %dma_wait3A_452 = arith.constant 0 : i32
      %dma_wait3A_453 = tpu.memref_slice %arg8[%dma_wait3A_451, %dma_wait3A_452] : memref<131072x16xf32, #tpu.memory_space<hbm>> -> memref<131072x16xf32, #tpu.memory_space<hbm>>
      tpu.wait_indirect_dma semaphore(%arg33 : memref<!tpu.dma_semaphore, #tpu.memory_space<semaphore_mem>>) src(%dma_wait3A_453 : memref<131072x16xf32, #tpu.memory_space<hbm>>) dst(%dma_wait3A_448 : memref<128x16xf32, #tpu.memory_space<vmem>>)
      %dma_wait3A_454 = arith.constant 384 : i32
      %dma_wait3A_455 = arith.constant 0 : i32
      %dma_wait3A_456 = tpu.memref_slice %arg26[%dma_wait3A_454, %dma_wait3A_455] : memref<2048x16xf32, #tpu.memory_space<vmem>> -> memref<128x16xf32, #tpu.memory_space<vmem>>
      %dma_wait3A_457 = arith.constant 384 : i32
      %dma_wait3A_458 = tpu.memref_slice %arg24[%dma_wait3A_457] : memref<2048xi32, #tpu.memory_space<vmem>> -> memref<128xi32, #tpu.memory_space<vmem>>
      %dma_wait3A_459 = arith.constant 0 : i32
      %dma_wait3A_460 = arith.constant 0 : i32
      %dma_wait3A_461 = tpu.memref_slice %arg8[%dma_wait3A_459, %dma_wait3A_460] : memref<131072x16xf32, #tpu.memory_space<hbm>> -> memref<131072x16xf32, #tpu.memory_space<hbm>>
      tpu.wait_indirect_dma semaphore(%arg33 : memref<!tpu.dma_semaphore, #tpu.memory_space<semaphore_mem>>) src(%dma_wait3A_461 : memref<131072x16xf32, #tpu.memory_space<hbm>>) dst(%dma_wait3A_456 : memref<128x16xf32, #tpu.memory_space<vmem>>)
      %dma_wait3A_462 = arith.constant 512 : i32
      %dma_wait3A_463 = arith.constant 0 : i32
      %dma_wait3A_464 = tpu.memref_slice %arg26[%dma_wait3A_462, %dma_wait3A_463] : memref<2048x16xf32, #tpu.memory_space<vmem>> -> memref<128x16xf32, #tpu.memory_space<vmem>>
      %dma_wait3A_465 = arith.constant 512 : i32
      %dma_wait3A_466 = tpu.memref_slice %arg24[%dma_wait3A_465] : memref<2048xi32, #tpu.memory_space<vmem>> -> memref<128xi32, #tpu.memory_space<vmem>>
      %dma_wait3A_467 = arith.constant 0 : i32
      %dma_wait3A_468 = arith.constant 0 : i32
      %dma_wait3A_469 = tpu.memref_slice %arg8[%dma_wait3A_467, %dma_wait3A_468] : memref<131072x16xf32, #tpu.memory_space<hbm>> -> memref<131072x16xf32, #tpu.memory_space<hbm>>
      tpu.wait_indirect_dma semaphore(%arg33 : memref<!tpu.dma_semaphore, #tpu.memory_space<semaphore_mem>>) src(%dma_wait3A_469 : memref<131072x16xf32, #tpu.memory_space<hbm>>) dst(%dma_wait3A_464 : memref<128x16xf32, #tpu.memory_space<vmem>>)
      %dma_wait3A_470 = arith.constant 640 : i32
      %dma_wait3A_471 = arith.constant 0 : i32
      %dma_wait3A_472 = tpu.memref_slice %arg26[%dma_wait3A_470, %dma_wait3A_471] : memref<2048x16xf32, #tpu.memory_space<vmem>> -> memref<128x16xf32, #tpu.memory_space<vmem>>
      %dma_wait3A_473 = arith.constant 640 : i32
      %dma_wait3A_474 = tpu.memref_slice %arg24[%dma_wait3A_473] : memref<2048xi32, #tpu.memory_space<vmem>> -> memref<128xi32, #tpu.memory_space<vmem>>
      %dma_wait3A_475 = arith.constant 0 : i32
      %dma_wait3A_476 = arith.constant 0 : i32
      %dma_wait3A_477 = tpu.memref_slice %arg8[%dma_wait3A_475, %dma_wait3A_476] : memref<131072x16xf32, #tpu.memory_space<hbm>> -> memref<131072x16xf32, #tpu.memory_space<hbm>>
      tpu.wait_indirect_dma semaphore(%arg33 : memref<!tpu.dma_semaphore, #tpu.memory_space<semaphore_mem>>) src(%dma_wait3A_477 : memref<131072x16xf32, #tpu.memory_space<hbm>>) dst(%dma_wait3A_472 : memref<128x16xf32, #tpu.memory_space<vmem>>)
      %dma_wait3A_478 = arith.constant 768 : i32
      %dma_wait3A_479 = arith.constant 0 : i32
      %dma_wait3A_480 = tpu.memref_slice %arg26[%dma_wait3A_478, %dma_wait3A_479] : memref<2048x16xf32, #tpu.memory_space<vmem>> -> memref<128x16xf32, #tpu.memory_space<vmem>>
      %dma_wait3A_481 = arith.constant 768 : i32
      %dma_wait3A_482 = tpu.memref_slice %arg24[%dma_wait3A_481] : memref<2048xi32, #tpu.memory_space<vmem>> -> memref<128xi32, #tpu.memory_space<vmem>>
      %dma_wait3A_483 = arith.constant 0 : i32
      %dma_wait3A_484 = arith.constant 0 : i32
      %dma_wait3A_485 = tpu.memref_slice %arg8[%dma_wait3A_483, %dma_wait3A_484] : memref<131072x16xf32, #tpu.memory_space<hbm>> -> memref<131072x16xf32, #tpu.memory_space<hbm>>
      tpu.wait_indirect_dma semaphore(%arg33 : memref<!tpu.dma_semaphore, #tpu.memory_space<semaphore_mem>>) src(%dma_wait3A_485 : memref<131072x16xf32, #tpu.memory_space<hbm>>) dst(%dma_wait3A_480 : memref<128x16xf32, #tpu.memory_space<vmem>>)
      %dma_wait3A_486 = arith.constant 896 : i32
      %dma_wait3A_487 = arith.constant 0 : i32
      %dma_wait3A_488 = tpu.memref_slice %arg26[%dma_wait3A_486, %dma_wait3A_487] : memref<2048x16xf32, #tpu.memory_space<vmem>> -> memref<128x16xf32, #tpu.memory_space<vmem>>
      %dma_wait3A_489 = arith.constant 896 : i32
      %dma_wait3A_490 = tpu.memref_slice %arg24[%dma_wait3A_489] : memref<2048xi32, #tpu.memory_space<vmem>> -> memref<128xi32, #tpu.memory_space<vmem>>
      %dma_wait3A_491 = arith.constant 0 : i32
      %dma_wait3A_492 = arith.constant 0 : i32
      %dma_wait3A_493 = tpu.memref_slice %arg8[%dma_wait3A_491, %dma_wait3A_492] : memref<131072x16xf32, #tpu.memory_space<hbm>> -> memref<131072x16xf32, #tpu.memory_space<hbm>>
      tpu.wait_indirect_dma semaphore(%arg33 : memref<!tpu.dma_semaphore, #tpu.memory_space<semaphore_mem>>) src(%dma_wait3A_493 : memref<131072x16xf32, #tpu.memory_space<hbm>>) dst(%dma_wait3A_488 : memref<128x16xf32, #tpu.memory_space<vmem>>)
      %dma_wait3A_494 = arith.constant 1024 : i32
      %dma_wait3A_495 = arith.constant 0 : i32
      %dma_wait3A_496 = tpu.memref_slice %arg26[%dma_wait3A_494, %dma_wait3A_495] : memref<2048x16xf32, #tpu.memory_space<vmem>> -> memref<128x16xf32, #tpu.memory_space<vmem>>
      %dma_wait3A_497 = arith.constant 1024 : i32
      %dma_wait3A_498 = tpu.memref_slice %arg24[%dma_wait3A_497] : memref<2048xi32, #tpu.memory_space<vmem>> -> memref<128xi32, #tpu.memory_space<vmem>>
      %dma_wait3A_499 = arith.constant 0 : i32
      %dma_wait3A_500 = arith.constant 0 : i32
      %dma_wait3A_501 = tpu.memref_slice %arg8[%dma_wait3A_499, %dma_wait3A_500] : memref<131072x16xf32, #tpu.memory_space<hbm>> -> memref<131072x16xf32, #tpu.memory_space<hbm>>
      tpu.wait_indirect_dma semaphore(%arg33 : memref<!tpu.dma_semaphore, #tpu.memory_space<semaphore_mem>>) src(%dma_wait3A_501 : memref<131072x16xf32, #tpu.memory_space<hbm>>) dst(%dma_wait3A_496 : memref<128x16xf32, #tpu.memory_space<vmem>>)
      %dma_wait3A_502 = arith.constant 1152 : i32
      %dma_wait3A_503 = arith.constant 0 : i32
      %dma_wait3A_504 = tpu.memref_slice %arg26[%dma_wait3A_502, %dma_wait3A_503] : memref<2048x16xf32, #tpu.memory_space<vmem>> -> memref<128x16xf32, #tpu.memory_space<vmem>>
      %dma_wait3A_505 = arith.constant 1152 : i32
      %dma_wait3A_506 = tpu.memref_slice %arg24[%dma_wait3A_505] : memref<2048xi32, #tpu.memory_space<vmem>> -> memref<128xi32, #tpu.memory_space<vmem>>
      %dma_wait3A_507 = arith.constant 0 : i32
      %dma_wait3A_508 = arith.constant 0 : i32
      %dma_wait3A_509 = tpu.memref_slice %arg8[%dma_wait3A_507, %dma_wait3A_508] : memref<131072x16xf32, #tpu.memory_space<hbm>> -> memref<131072x16xf32, #tpu.memory_space<hbm>>
      tpu.wait_indirect_dma semaphore(%arg33 : memref<!tpu.dma_semaphore, #tpu.memory_space<semaphore_mem>>) src(%dma_wait3A_509 : memref<131072x16xf32, #tpu.memory_space<hbm>>) dst(%dma_wait3A_504 : memref<128x16xf32, #tpu.memory_space<vmem>>)
      %dma_wait3A_510 = arith.constant 1280 : i32
      %dma_wait3A_511 = arith.constant 0 : i32
      %dma_wait3A_512 = tpu.memref_slice %arg26[%dma_wait3A_510, %dma_wait3A_511] : memref<2048x16xf32, #tpu.memory_space<vmem>> -> memref<128x16xf32, #tpu.memory_space<vmem>>
      %dma_wait3A_513 = arith.constant 1280 : i32
      %dma_wait3A_514 = tpu.memref_slice %arg24[%dma_wait3A_513] : memref<2048xi32, #tpu.memory_space<vmem>> -> memref<128xi32, #tpu.memory_space<vmem>>
      %dma_wait3A_515 = arith.constant 0 : i32
      %dma_wait3A_516 = arith.constant 0 : i32
      %dma_wait3A_517 = tpu.memref_slice %arg8[%dma_wait3A_515, %dma_wait3A_516] : memref<131072x16xf32, #tpu.memory_space<hbm>> -> memref<131072x16xf32, #tpu.memory_space<hbm>>
      tpu.wait_indirect_dma semaphore(%arg33 : memref<!tpu.dma_semaphore, #tpu.memory_space<semaphore_mem>>) src(%dma_wait3A_517 : memref<131072x16xf32, #tpu.memory_space<hbm>>) dst(%dma_wait3A_512 : memref<128x16xf32, #tpu.memory_space<vmem>>)
      %dma_wait3A_518 = arith.constant 1408 : i32
      %dma_wait3A_519 = arith.constant 0 : i32
      %dma_wait3A_520 = tpu.memref_slice %arg26[%dma_wait3A_518, %dma_wait3A_519] : memref<2048x16xf32, #tpu.memory_space<vmem>> -> memref<128x16xf32, #tpu.memory_space<vmem>>
      %dma_wait3A_521 = arith.constant 1408 : i32
      %dma_wait3A_522 = tpu.memref_slice %arg24[%dma_wait3A_521] : memref<2048xi32, #tpu.memory_space<vmem>> -> memref<128xi32, #tpu.memory_space<vmem>>
      %dma_wait3A_523 = arith.constant 0 : i32
      %dma_wait3A_524 = arith.constant 0 : i32
      %dma_wait3A_525 = tpu.memref_slice %arg8[%dma_wait3A_523, %dma_wait3A_524] : memref<131072x16xf32, #tpu.memory_space<hbm>> -> memref<131072x16xf32, #tpu.memory_space<hbm>>
      tpu.wait_indirect_dma semaphore(%arg33 : memref<!tpu.dma_semaphore, #tpu.memory_space<semaphore_mem>>) src(%dma_wait3A_525 : memref<131072x16xf32, #tpu.memory_space<hbm>>) dst(%dma_wait3A_520 : memref<128x16xf32, #tpu.memory_space<vmem>>)
      %dma_wait3A_526 = arith.constant 1536 : i32
      %dma_wait3A_527 = arith.constant 0 : i32
      %dma_wait3A_528 = tpu.memref_slice %arg26[%dma_wait3A_526, %dma_wait3A_527] : memref<2048x16xf32, #tpu.memory_space<vmem>> -> memref<128x16xf32, #tpu.memory_space<vmem>>
      %dma_wait3A_529 = arith.constant 1536 : i32
      %dma_wait3A_530 = tpu.memref_slice %arg24[%dma_wait3A_529] : memref<2048xi32, #tpu.memory_space<vmem>> -> memref<128xi32, #tpu.memory_space<vmem>>
      %dma_wait3A_531 = arith.constant 0 : i32
      %dma_wait3A_532 = arith.constant 0 : i32
      %dma_wait3A_533 = tpu.memref_slice %arg8[%dma_wait3A_531, %dma_wait3A_532] : memref<131072x16xf32, #tpu.memory_space<hbm>> -> memref<131072x16xf32, #tpu.memory_space<hbm>>
      tpu.wait_indirect_dma semaphore(%arg33 : memref<!tpu.dma_semaphore, #tpu.memory_space<semaphore_mem>>) src(%dma_wait3A_533 : memref<131072x16xf32, #tpu.memory_space<hbm>>) dst(%dma_wait3A_528 : memref<128x16xf32, #tpu.memory_space<vmem>>)
      %dma_wait3A_534 = arith.constant 1664 : i32
      %dma_wait3A_535 = arith.constant 0 : i32
      %dma_wait3A_536 = tpu.memref_slice %arg26[%dma_wait3A_534, %dma_wait3A_535] : memref<2048x16xf32, #tpu.memory_space<vmem>> -> memref<128x16xf32, #tpu.memory_space<vmem>>
      %dma_wait3A_537 = arith.constant 1664 : i32
      %dma_wait3A_538 = tpu.memref_slice %arg24[%dma_wait3A_537] : memref<2048xi32, #tpu.memory_space<vmem>> -> memref<128xi32, #tpu.memory_space<vmem>>
      %dma_wait3A_539 = arith.constant 0 : i32
      %dma_wait3A_540 = arith.constant 0 : i32
      %dma_wait3A_541 = tpu.memref_slice %arg8[%dma_wait3A_539, %dma_wait3A_540] : memref<131072x16xf32, #tpu.memory_space<hbm>> -> memref<131072x16xf32, #tpu.memory_space<hbm>>
      tpu.wait_indirect_dma semaphore(%arg33 : memref<!tpu.dma_semaphore, #tpu.memory_space<semaphore_mem>>) src(%dma_wait3A_541 : memref<131072x16xf32, #tpu.memory_space<hbm>>) dst(%dma_wait3A_536 : memref<128x16xf32, #tpu.memory_space<vmem>>)
      %dma_wait3A_542 = arith.constant 1792 : i32
      %dma_wait3A_543 = arith.constant 0 : i32
      %dma_wait3A_544 = tpu.memref_slice %arg26[%dma_wait3A_542, %dma_wait3A_543] : memref<2048x16xf32, #tpu.memory_space<vmem>> -> memref<128x16xf32, #tpu.memory_space<vmem>>
      %dma_wait3A_545 = arith.constant 1792 : i32
      %dma_wait3A_546 = tpu.memref_slice %arg24[%dma_wait3A_545] : memref<2048xi32, #tpu.memory_space<vmem>> -> memref<128xi32, #tpu.memory_space<vmem>>
      %dma_wait3A_547 = arith.constant 0 : i32
      %dma_wait3A_548 = arith.constant 0 : i32
      %dma_wait3A_549 = tpu.memref_slice %arg8[%dma_wait3A_547, %dma_wait3A_548] : memref<131072x16xf32, #tpu.memory_space<hbm>> -> memref<131072x16xf32, #tpu.memory_space<hbm>>
      tpu.wait_indirect_dma semaphore(%arg33 : memref<!tpu.dma_semaphore, #tpu.memory_space<semaphore_mem>>) src(%dma_wait3A_549 : memref<131072x16xf32, #tpu.memory_space<hbm>>) dst(%dma_wait3A_544 : memref<128x16xf32, #tpu.memory_space<vmem>>)
      %dma_wait3A_550 = arith.constant 1920 : i32
      %dma_wait3A_551 = arith.constant 0 : i32
      %dma_wait3A_552 = tpu.memref_slice %arg26[%dma_wait3A_550, %dma_wait3A_551] : memref<2048x16xf32, #tpu.memory_space<vmem>> -> memref<128x16xf32, #tpu.memory_space<vmem>>
      %dma_wait3A_553 = arith.constant 1920 : i32
      %dma_wait3A_554 = tpu.memref_slice %arg24[%dma_wait3A_553] : memref<2048xi32, #tpu.memory_space<vmem>> -> memref<128xi32, #tpu.memory_space<vmem>>
      %dma_wait3A_555 = arith.constant 0 : i32
      %dma_wait3A_556 = arith.constant 0 : i32
      %dma_wait3A_557 = tpu.memref_slice %arg8[%dma_wait3A_555, %dma_wait3A_556] : memref<131072x16xf32, #tpu.memory_space<hbm>> -> memref<131072x16xf32, #tpu.memory_space<hbm>>
      tpu.wait_indirect_dma semaphore(%arg33 : memref<!tpu.dma_semaphore, #tpu.memory_space<semaphore_mem>>) src(%dma_wait3A_557 : memref<131072x16xf32, #tpu.memory_space<hbm>>) dst(%dma_wait3A_552 : memref<128x16xf32, #tpu.memory_space<vmem>>)
      %parallel_loop3A_558 = arith.constant 0 : i32
      %parallel_loop3A_559 = arith.constant 2048 : i32
      %parallel_loop3A_560 = arith.constant 16 : i32
      scf.for %parallel_loop3A_561 = %parallel_loop3A_558 to %parallel_loop3A_559 step %parallel_loop3A_560  : i32 {
        %parallel_loop3A_562 = arith.index_cast %parallel_loop3A_561 : i32 to index
        %parallel_loop3A_563 = tpu.vector_load %arg25[%parallel_loop3A_562] {strides = array<i32>} : memref<2048xf32, #tpu.memory_space<vmem>>, vector<16xf32>,
        %parallel_loop3A_564 = tpu.iota {dimensions = array<i32: 0>} : vector<16xi32>
        %parallel_loop3A_565 = vector.broadcast %parallel_loop3A_561 : i32 to vector<16xi32>
        %parallel_loop3A_566 = arith.addi %parallel_loop3A_564, %parallel_loop3A_565 : vector<16xi32>
        %parallel_loop3A_567 = arith.constant 0 : i32
        %parallel_loop3A_568 = vector.broadcast %parallel_loop3A_567 : i32 to vector<16xi32>
        %parallel_loop3A_569 = tpu.vector_load_idx %arg26[%parallel_loop3A_566, %parallel_loop3A_568] : memref<2048x16xf32, #tpu.memory_space<vmem>>[vector<16xi32>, vector<16xi32>], vector<16xf32>,
        %parallel_loop3A_570 = arith.constant 5 : i32
        %parallel_loop3A_571 = vector.broadcast %parallel_loop3A_570 : i32 to vector<16xi32>
        %parallel_loop3A_572 = tpu.vector_load_idx %arg26[%parallel_loop3A_566, %parallel_loop3A_571] : memref<2048x16xf32, #tpu.memory_space<vmem>>[vector<16xi32>, vector<16xi32>], vector<16xf32>,
        %parallel_loop3A_573 = arith.subf %parallel_loop3A_572, %parallel_loop3A_569 : vector<16xf32>
        %parallel_loop3A_574 = arith.mulf %parallel_loop3A_563, %parallel_loop3A_573 : vector<16xf32>
        %parallel_loop3A_575 = arith.addf %parallel_loop3A_569, %parallel_loop3A_574 : vector<16xf32>
        %parallel_loop3A_576 = arith.index_cast %parallel_loop3A_561 : i32 to index
        %parallel_loop3A_577 = tpu.vector_load %arg27[%parallel_loop3A_576] {strides = array<i32>} : memref<2048xf32, #tpu.memory_space<vmem>>, vector<16xf32>,
        tpu.vector_store %arg27[%parallel_loop3A_576], %parallel_loop3A_575 {strides = array<i32>} : memref<2048xf32, #tpu.memory_space<vmem>>, vector<16xf32>,
        %parallel_loop3A_578 = arith.constant 1 : i32
        %parallel_loop3A_579 = vector.broadcast %parallel_loop3A_578 : i32 to vector<16xi32>
        %parallel_loop3A_580 = tpu.vector_load_idx %arg26[%parallel_loop3A_566, %parallel_loop3A_579] : memref<2048x16xf32, #tpu.memory_space<vmem>>[vector<16xi32>, vector<16xi32>], vector<16xf32>,
        %parallel_loop3A_581 = arith.constant 6 : i32
        %parallel_loop3A_582 = vector.broadcast %parallel_loop3A_581 : i32 to vector<16xi32>
        %parallel_loop3A_583 = tpu.vector_load_idx %arg26[%parallel_loop3A_566, %parallel_loop3A_582] : memref<2048x16xf32, #tpu.memory_space<vmem>>[vector<16xi32>, vector<16xi32>], vector<16xf32>,
        %parallel_loop3A_584 = arith.subf %parallel_loop3A_583, %parallel_loop3A_580 : vector<16xf32>
        %parallel_loop3A_585 = arith.mulf %parallel_loop3A_563, %parallel_loop3A_584 : vector<16xf32>
        %parallel_loop3A_586 = arith.addf %parallel_loop3A_580, %parallel_loop3A_585 : vector<16xf32>
        %parallel_loop3A_587 = arith.index_cast %parallel_loop3A_561 : i32 to index
        %parallel_loop3A_588 = tpu.vector_load %arg28[%parallel_loop3A_587] {strides = array<i32>} : memref<2048xf32, #tpu.memory_space<vmem>>, vector<16xf32>,
        tpu.vector_store %arg28[%parallel_loop3A_587], %parallel_loop3A_586 {strides = array<i32>} : memref<2048xf32, #tpu.memory_space<vmem>>, vector<16xf32>,
        %parallel_loop3A_589 = arith.constant 2 : i32
        %parallel_loop3A_590 = vector.broadcast %parallel_loop3A_589 : i32 to vector<16xi32>
        %parallel_loop3A_591 = tpu.vector_load_idx %arg26[%parallel_loop3A_566, %parallel_loop3A_590] : memref<2048x16xf32, #tpu.memory_space<vmem>>[vector<16xi32>, vector<16xi32>], vector<16xf32>,
        %parallel_loop3A_592 = arith.constant 7 : i32
        %parallel_loop3A_593 = vector.broadcast %parallel_loop3A_592 : i32 to vector<16xi32>
        %parallel_loop3A_594 = tpu.vector_load_idx %arg26[%parallel_loop3A_566, %parallel_loop3A_593] : memref<2048x16xf32, #tpu.memory_space<vmem>>[vector<16xi32>, vector<16xi32>], vector<16xf32>,
        %parallel_loop3A_595 = arith.subf %parallel_loop3A_594, %parallel_loop3A_591 : vector<16xf32>
        %parallel_loop3A_596 = arith.mulf %parallel_loop3A_563, %parallel_loop3A_595 : vector<16xf32>
        %parallel_loop3A_597 = arith.addf %parallel_loop3A_591, %parallel_loop3A_596 : vector<16xf32>
        %parallel_loop3A_598 = arith.index_cast %parallel_loop3A_561 : i32 to index
        %parallel_loop3A_599 = tpu.vector_load %arg29[%parallel_loop3A_598] {strides = array<i32>} : memref<2048xf32, #tpu.memory_space<vmem>>, vector<16xf32>,
        tpu.vector_store %arg29[%parallel_loop3A_598], %parallel_loop3A_597 {strides = array<i32>} : memref<2048xf32, #tpu.memory_space<vmem>>, vector<16xf32>,
        %parallel_loop3A_600 = arith.constant 3 : i32
        %parallel_loop3A_601 = vector.broadcast %parallel_loop3A_600 : i32 to vector<16xi32>
        %parallel_loop3A_602 = tpu.vector_load_idx %arg26[%parallel_loop3A_566, %parallel_loop3A_601] : memref<2048x16xf32, #tpu.memory_space<vmem>>[vector<16xi32>, vector<16xi32>], vector<16xf32>,
        %parallel_loop3A_603 = arith.constant 8 : i32
        %parallel_loop3A_604 = vector.broadcast %parallel_loop3A_603 : i32 to vector<16xi32>
        %parallel_loop3A_605 = tpu.vector_load_idx %arg26[%parallel_loop3A_566, %parallel_loop3A_604] : memref<2048x16xf32, #tpu.memory_space<vmem>>[vector<16xi32>, vector<16xi32>], vector<16xf32>,
        %parallel_loop3A_606 = arith.subf %parallel_loop3A_605, %parallel_loop3A_602 : vector<16xf32>
        %parallel_loop3A_607 = arith.mulf %parallel_loop3A_563, %parallel_loop3A_606 : vector<16xf32>
        %parallel_loop3A_608 = arith.addf %parallel_loop3A_602, %parallel_loop3A_607 : vector<16xf32>
        %parallel_loop3A_609 = arith.constant 4 : i32
        %parallel_loop3A_610 = vector.broadcast %parallel_loop3A_609 : i32 to vector<16xi32>
        %parallel_loop3A_611 = tpu.vector_load_idx %arg26[%parallel_loop3A_566, %parallel_loop3A_610] : memref<2048x16xf32, #tpu.memory_space<vmem>>[vector<16xi32>, vector<16xi32>], vector<16xf32>,
        %parallel_loop3A_612 = arith.constant 9 : i32
        %parallel_loop3A_613 = vector.broadcast %parallel_loop3A_612 : i32 to vector<16xi32>
        %parallel_loop3A_614 = tpu.vector_load_idx %arg26[%parallel_loop3A_566, %parallel_loop3A_613] : memref<2048x16xf32, #tpu.memory_space<vmem>>[vector<16xi32>, vector<16xi32>], vector<16xf32>,
        %parallel_loop3A_615 = arith.subf %parallel_loop3A_614, %parallel_loop3A_611 : vector<16xf32>
        %parallel_loop3A_616 = arith.mulf %parallel_loop3A_563, %parallel_loop3A_615 : vector<16xf32>
        %parallel_loop3A_617 = arith.addf %parallel_loop3A_611, %parallel_loop3A_616 : vector<16xf32>
        %parallel_loop3A_618 = arith.constant 0.318309873 : f32
        %parallel_loop3A_619 = vector.broadcast %parallel_loop3A_618 : f32 to vector<16xf32>
        %parallel_loop3A_620 = arith.mulf %parallel_loop3A_617, %parallel_loop3A_619 : vector<16xf32>
        %parallel_loop3A_621 = arith.constant 0x4B400000 : f32
        %parallel_loop3A_622 = vector.broadcast %parallel_loop3A_621 : f32 to vector<16xf32>
        %parallel_loop3A_623 = arith.addf %parallel_loop3A_620, %parallel_loop3A_622 : vector<16xf32>
        %parallel_loop3A_624 = arith.constant 0x4B400000 : f32
        %parallel_loop3A_625 = vector.broadcast %parallel_loop3A_624 : f32 to vector<16xf32>
        %parallel_loop3A_626 = arith.subf %parallel_loop3A_623, %parallel_loop3A_625 : vector<16xf32>
        %parallel_loop3A_627 = arith.fptosi %parallel_loop3A_626 : vector<16xf32> to vector<16xi32>
        %parallel_loop3A_628 = arith.constant 3.140625 : f32
        %parallel_loop3A_629 = vector.broadcast %parallel_loop3A_628 : f32 to vector<16xf32>
        %parallel_loop3A_630 = arith.mulf %parallel_loop3A_626, %parallel_loop3A_629 : vector<16xf32>
        %parallel_loop3A_631 = arith.subf %parallel_loop3A_617, %parallel_loop3A_630 : vector<16xf32>
        %parallel_loop3A_632 = arith.constant 9.67653584E-4 : f32
        %parallel_loop3A_633 = vector.broadcast %parallel_loop3A_632 : f32 to vector<16xf32>
        %parallel_loop3A_634 = arith.mulf %parallel_loop3A_626, %parallel_loop3A_633 : vector<16xf32>
        %parallel_loop3A_635 = arith.subf %parallel_loop3A_631, %parallel_loop3A_634 : vector<16xf32>
        %parallel_loop3A_636 = arith.mulf %parallel_loop3A_635, %parallel_loop3A_635 : vector<16xf32>
        %parallel_loop3A_637 = arith.constant -1.98412701E-4 : f32
        %parallel_loop3A_638 = vector.broadcast %parallel_loop3A_637 : f32 to vector<16xf32>
        %parallel_loop3A_639 = arith.mulf %parallel_loop3A_638, %parallel_loop3A_636 : vector<16xf32>
        %parallel_loop3A_640 = arith.constant 0.00833333284 : f32
        %parallel_loop3A_641 = vector.broadcast %parallel_loop3A_640 : f32 to vector<16xf32>
        %parallel_loop3A_642 = arith.addf %parallel_loop3A_639, %parallel_loop3A_641 : vector<16xf32>
        %parallel_loop3A_643 = arith.mulf %parallel_loop3A_642, %parallel_loop3A_636 : vector<16xf32>
        %parallel_loop3A_644 = arith.constant -0.166666672 : f32
        %parallel_loop3A_645 = vector.broadcast %parallel_loop3A_644 : f32 to vector<16xf32>
        %parallel_loop3A_646 = arith.addf %parallel_loop3A_643, %parallel_loop3A_645 : vector<16xf32>
        %parallel_loop3A_647 = arith.mulf %parallel_loop3A_646, %parallel_loop3A_636 : vector<16xf32>
        %parallel_loop3A_648 = arith.constant 1.000000e+00 : f32
        %parallel_loop3A_649 = vector.broadcast %parallel_loop3A_648 : f32 to vector<16xf32>
        %parallel_loop3A_650 = arith.addf %parallel_loop3A_647, %parallel_loop3A_649 : vector<16xf32>
        %parallel_loop3A_651 = arith.constant 2.48015876E-5 : f32
        %parallel_loop3A_652 = vector.broadcast %parallel_loop3A_651 : f32 to vector<16xf32>
        %parallel_loop3A_653 = arith.mulf %parallel_loop3A_652, %parallel_loop3A_636 : vector<16xf32>
        %parallel_loop3A_654 = arith.constant -0.00138888892 : f32
        %parallel_loop3A_655 = vector.broadcast %parallel_loop3A_654 : f32 to vector<16xf32>
        %parallel_loop3A_656 = arith.addf %parallel_loop3A_653, %parallel_loop3A_655 : vector<16xf32>
        %parallel_loop3A_657 = arith.mulf %parallel_loop3A_656, %parallel_loop3A_636 : vector<16xf32>
        %parallel_loop3A_658 = arith.constant 0.0416666679 : f32
        %parallel_loop3A_659 = vector.broadcast %parallel_loop3A_658 : f32 to vector<16xf32>
        %parallel_loop3A_660 = arith.addf %parallel_loop3A_657, %parallel_loop3A_659 : vector<16xf32>
        %parallel_loop3A_661 = arith.mulf %parallel_loop3A_660, %parallel_loop3A_636 : vector<16xf32>
        %parallel_loop3A_662 = arith.constant -5.000000e-01 : f32
        %parallel_loop3A_663 = vector.broadcast %parallel_loop3A_662 : f32 to vector<16xf32>
        %parallel_loop3A_664 = arith.addf %parallel_loop3A_661, %parallel_loop3A_663 : vector<16xf32>
        %parallel_loop3A_665 = arith.mulf %parallel_loop3A_664, %parallel_loop3A_636 : vector<16xf32>
        %parallel_loop3A_666 = arith.constant 1.000000e+00 : f32
        %parallel_loop3A_667 = vector.broadcast %parallel_loop3A_666 : f32 to vector<16xf32>
        %parallel_loop3A_668 = arith.addf %parallel_loop3A_665, %parallel_loop3A_667 : vector<16xf32>
        %parallel_loop3A_669 = arith.mulf %parallel_loop3A_635, %parallel_loop3A_650 : vector<16xf32>
        %parallel_loop3A_670 = arith.constant 1 : i32
        %parallel_loop3A_671 = vector.broadcast %parallel_loop3A_670 : i32 to vector<16xi32>
        %parallel_loop3A_672 = arith.andi %parallel_loop3A_627, %parallel_loop3A_671 : vector<16xi32>
        %parallel_loop3A_673 = arith.constant 0 : i32
        %parallel_loop3A_674 = vector.broadcast %parallel_loop3A_673 : i32 to vector<16xi32>
        %parallel_loop3A_675 = arith.cmpi ne, %parallel_loop3A_672, %parallel_loop3A_674 : vector<16xi32>
        %parallel_loop3A_676 = arith.constant -1.000000e+00 : f32
        %parallel_loop3A_677 = arith.constant 1.000000e+00 : f32
        %parallel_loop3A_678 = vector.broadcast %parallel_loop3A_676 : f32 to vector<16xf32>
        %parallel_loop3A_679 = vector.broadcast %parallel_loop3A_677 : f32 to vector<16xf32>
        %parallel_loop3A_680 = arith.select %parallel_loop3A_675, %parallel_loop3A_678, %parallel_loop3A_679 : vector<16xi1>, vector<16xf32>
        %parallel_loop3A_681 = arith.mulf %parallel_loop3A_608, %parallel_loop3A_680 : vector<16xf32>
        %parallel_loop3A_682 = arith.mulf %parallel_loop3A_681, %parallel_loop3A_668 : vector<16xf32>
        %parallel_loop3A_683 = arith.index_cast %parallel_loop3A_561 : i32 to index
        %parallel_loop3A_684 = tpu.vector_load %arg30[%parallel_loop3A_683] {strides = array<i32>} : memref<2048xf32, #tpu.memory_space<vmem>>, vector<16xf32>,
        tpu.vector_store %arg30[%parallel_loop3A_683], %parallel_loop3A_682 {strides = array<i32>} : memref<2048xf32, #tpu.memory_space<vmem>>, vector<16xf32>,
        %parallel_loop3A_685 = arith.mulf %parallel_loop3A_681, %parallel_loop3A_669 : vector<16xf32>
        %parallel_loop3A_686 = arith.index_cast %parallel_loop3A_561 : i32 to index
        %parallel_loop3A_687 = tpu.vector_load %arg31[%parallel_loop3A_686] {strides = array<i32>} : memref<2048xf32, #tpu.memory_space<vmem>>, vector<16xf32>,
        tpu.vector_store %arg31[%parallel_loop3A_686], %parallel_loop3A_685 {strides = array<i32>} : memref<2048xf32, #tpu.memory_space<vmem>>, vector<16xf32>,
      } {sc.loop_unroll_factor = 4 : i64, sc.parallel_access}
      "tpu.region"() ({
        %run_scoped3A = tpu.sem_alloc : memref<!tpu.dma_semaphore, #tpu.memory_space<semaphore_mem>>
        %dma_start3A_561 = tpu.memref_slice %arg9[%add3A_429] : memref<2097152xf32, #tpu.memory_space<hbm>> -> memref<2048xf32, #tpu.memory_space<hbm>>
        %dma_start3A_562 = tpu.memref_slice %arg9[%add3A_429] : memref<2097152xf32, #tpu.memory_space<hbm>> -> memref<2048xf32, #tpu.memory_space<hbm>>
        tpu.enqueue_dma source(%arg27 : memref<2048xf32, #tpu.memory_space<vmem>>) target(%dma_start3A_562 : memref<2048xf32, #tpu.memory_space<hbm>>) target_semaphore(%run_scoped3A : memref<!tpu.dma_semaphore, #tpu.memory_space<semaphore_mem>>)
        %dma_wait3A_563 = tpu.memref_slice %arg9[%add3A_429] : memref<2097152xf32, #tpu.memory_space<hbm>> -> memref<2048xf32, #tpu.memory_space<hbm>>
        %dma_wait3A_564 = tpu.memref_slice %arg9[%add3A_429] : memref<2097152xf32, #tpu.memory_space<hbm>> -> memref<2048xf32, #tpu.memory_space<hbm>>
        tpu.wait_dma2 semaphore(%run_scoped3A : memref<!tpu.dma_semaphore, #tpu.memory_space<semaphore_mem>>) src(%arg27 : memref<2048xf32, #tpu.memory_space<vmem>>) dst(%dma_wait3A_564 : memref<2048xf32, #tpu.memory_space<hbm>>)
        tpu.yield
      }) : () -> ()
      "tpu.region"() ({
        %run_scoped3A = tpu.sem_alloc : memref<!tpu.dma_semaphore, #tpu.memory_space<semaphore_mem>>
        %dma_start3A_561 = tpu.memref_slice %arg10[%add3A_429] : memref<2097152xf32, #tpu.memory_space<hbm>> -> memref<2048xf32, #tpu.memory_space<hbm>>
        %dma_start3A_562 = tpu.memref_slice %arg10[%add3A_429] : memref<2097152xf32, #tpu.memory_space<hbm>> -> memref<2048xf32, #tpu.memory_space<hbm>>
        tpu.enqueue_dma source(%arg28 : memref<2048xf32, #tpu.memory_space<vmem>>) target(%dma_start3A_562 : memref<2048xf32, #tpu.memory_space<hbm>>) target_semaphore(%run_scoped3A : memref<!tpu.dma_semaphore, #tpu.memory_space<semaphore_mem>>)
        %dma_wait3A_563 = tpu.memref_slice %arg10[%add3A_429] : memref<2097152xf32, #tpu.memory_space<hbm>> -> memref<2048xf32, #tpu.memory_space<hbm>>
        %dma_wait3A_564 = tpu.memref_slice %arg10[%add3A_429] : memref<2097152xf32, #tpu.memory_space<hbm>> -> memref<2048xf32, #tpu.memory_space<hbm>>
        tpu.wait_dma2 semaphore(%run_scoped3A : memref<!tpu.dma_semaphore, #tpu.memory_space<semaphore_mem>>) src(%arg28 : memref<2048xf32, #tpu.memory_space<vmem>>) dst(%dma_wait3A_564 : memref<2048xf32, #tpu.memory_space<hbm>>)
        tpu.yield
      }) : () -> ()
      "tpu.region"() ({
        %run_scoped3A = tpu.sem_alloc : memref<!tpu.dma_semaphore, #tpu.memory_space<semaphore_mem>>
        %dma_start3A_561 = tpu.memref_slice %arg11[%add3A_429] : memref<2097152xf32, #tpu.memory_space<hbm>> -> memref<2048xf32, #tpu.memory_space<hbm>>
        %dma_start3A_562 = tpu.memref_slice %arg11[%add3A_429] : memref<2097152xf32, #tpu.memory_space<hbm>> -> memref<2048xf32, #tpu.memory_space<hbm>>
        tpu.enqueue_dma source(%arg29 : memref<2048xf32, #tpu.memory_space<vmem>>) target(%dma_start3A_562 : memref<2048xf32, #tpu.memory_space<hbm>>) target_semaphore(%run_scoped3A : memref<!tpu.dma_semaphore, #tpu.memory_space<semaphore_mem>>)
        %dma_wait3A_563 = tpu.memref_slice %arg11[%add3A_429] : memref<2097152xf32, #tpu.memory_space<hbm>> -> memref<2048xf32, #tpu.memory_space<hbm>>
        %dma_wait3A_564 = tpu.memref_slice %arg11[%add3A_429] : memref<2097152xf32, #tpu.memory_space<hbm>> -> memref<2048xf32, #tpu.memory_space<hbm>>
        tpu.wait_dma2 semaphore(%run_scoped3A : memref<!tpu.dma_semaphore, #tpu.memory_space<semaphore_mem>>) src(%arg29 : memref<2048xf32, #tpu.memory_space<vmem>>) dst(%dma_wait3A_564 : memref<2048xf32, #tpu.memory_space<hbm>>)
        tpu.yield
      }) : () -> ()
      "tpu.region"() ({
        %run_scoped3A = tpu.sem_alloc : memref<!tpu.dma_semaphore, #tpu.memory_space<semaphore_mem>>
        %dma_start3A_561 = tpu.memref_slice %arg12[%add3A_429] : memref<2097152xf32, #tpu.memory_space<hbm>> -> memref<2048xf32, #tpu.memory_space<hbm>>
        %dma_start3A_562 = tpu.memref_slice %arg12[%add3A_429] : memref<2097152xf32, #tpu.memory_space<hbm>> -> memref<2048xf32, #tpu.memory_space<hbm>>
        tpu.enqueue_dma source(%arg30 : memref<2048xf32, #tpu.memory_space<vmem>>) target(%dma_start3A_562 : memref<2048xf32, #tpu.memory_space<hbm>>) target_semaphore(%run_scoped3A : memref<!tpu.dma_semaphore, #tpu.memory_space<semaphore_mem>>)
        %dma_wait3A_563 = tpu.memref_slice %arg12[%add3A_429] : memref<2097152xf32, #tpu.memory_space<hbm>> -> memref<2048xf32, #tpu.memory_space<hbm>>
        %dma_wait3A_564 = tpu.memref_slice %arg12[%add3A_429] : memref<2097152xf32, #tpu.memory_space<hbm>> -> memref<2048xf32, #tpu.memory_space<hbm>>
        tpu.wait_dma2 semaphore(%run_scoped3A : memref<!tpu.dma_semaphore, #tpu.memory_space<semaphore_mem>>) src(%arg30 : memref<2048xf32, #tpu.memory_space<vmem>>) dst(%dma_wait3A_564 : memref<2048xf32, #tpu.memory_space<hbm>>)
        tpu.yield
      }) : () -> ()
      "tpu.region"() ({
        %run_scoped3A = tpu.sem_alloc : memref<!tpu.dma_semaphore, #tpu.memory_space<semaphore_mem>>
        %dma_start3A_561 = tpu.memref_slice %arg13[%add3A_429] : memref<2097152xf32, #tpu.memory_space<hbm>> -> memref<2048xf32, #tpu.memory_space<hbm>>
        %dma_start3A_562 = tpu.memref_slice %arg13[%add3A_429] : memref<2097152xf32, #tpu.memory_space<hbm>> -> memref<2048xf32, #tpu.memory_space<hbm>>
        tpu.enqueue_dma source(%arg31 : memref<2048xf32, #tpu.memory_space<vmem>>) target(%dma_start3A_562 : memref<2048xf32, #tpu.memory_space<hbm>>) target_semaphore(%run_scoped3A : memref<!tpu.dma_semaphore, #tpu.memory_space<semaphore_mem>>)
        %dma_wait3A_563 = tpu.memref_slice %arg13[%add3A_429] : memref<2097152xf32, #tpu.memory_space<hbm>> -> memref<2048xf32, #tpu.memory_space<hbm>>
        %dma_wait3A_564 = tpu.memref_slice %arg13[%add3A_429] : memref<2097152xf32, #tpu.memory_space<hbm>> -> memref<2048xf32, #tpu.memory_space<hbm>>
        tpu.wait_dma2 semaphore(%run_scoped3A : memref<!tpu.dma_semaphore, #tpu.memory_space<semaphore_mem>>) src(%arg31 : memref<2048xf32, #tpu.memory_space<vmem>>) dst(%dma_wait3A_564 : memref<2048xf32, #tpu.memory_space<hbm>>)
        tpu.yield
      }) : () -> ()
    }
    %scan3A_156 = arith.constant 16 : i32
    return
  }
}

module attributes {stable_mosaic.version = 14 : i64} {
  func.func @_stack_body(%arg0: i32, %arg1: memref<65536xf32, #tpu.memory_space<vmem>>, %arg2: memref<65536xf32, #tpu.memory_space<vmem>>, %arg3: memref<65536xf32, #tpu.memory_space<vmem>>, %arg4: memref<3x65536xf32, #tpu.memory_space<vmem>>) attributes {dimension_semantics = [#tpu.dimension_semantics<arbitrary>], iteration_bounds = array<i64: 32>, scalar_prefetch = 0 : i64, scratch_operands = 0 : i64, tpu.core_type = #tpu.core_type<tc>, window_params = [{transform_indices = @transform_0, window_bounds = array<i64: 65536>}, {transform_indices = @transform_1, window_bounds = array<i64: 65536>}, {transform_indices = @transform_2, window_bounds = array<i64: 65536>}, {transform_indices = @transform_3, window_bounds = array<i64: 3, 65536>}]} {
    %get3A = arith.constant 0 : index
    %get3A_0 = vector.load %arg1[%get3A] : memref<65536xf32, #tpu.memory_space<vmem>>, vector<65536xf32>
    %swap3A = arith.constant 0 : index
    %swap3A_1 = arith.constant 0 : index
    %swap3A_2 = vector.load %arg4[%swap3A, %swap3A_1] : memref<3x65536xf32, #tpu.memory_space<vmem>>, vector<1x65536xf32>
    %swap3A_3 = vector.shape_cast %swap3A_2 : vector<1x65536xf32> to vector<65536xf32>
    %swap3A_4 = vector.shape_cast %get3A_0 : vector<65536xf32> to vector<1x65536xf32>
    tpu.vector_store %arg4[%swap3A, %swap3A_1], %swap3A_4 {strides = array<i32>} : memref<3x65536xf32, #tpu.memory_space<vmem>>, vector<1x65536xf32>,
    %get3A_5 = arith.constant 0 : index
    %get3A_6 = vector.load %arg2[%get3A_5] : memref<65536xf32, #tpu.memory_space<vmem>>, vector<65536xf32>
    %swap3A_7 = arith.constant 1 : index
    %swap3A_8 = arith.constant 0 : index
    %swap3A_9 = vector.load %arg4[%swap3A_7, %swap3A_8] : memref<3x65536xf32, #tpu.memory_space<vmem>>, vector<1x65536xf32>
    %swap3A_10 = vector.shape_cast %swap3A_9 : vector<1x65536xf32> to vector<65536xf32>
    %swap3A_11 = vector.shape_cast %get3A_6 : vector<65536xf32> to vector<1x65536xf32>
    tpu.vector_store %arg4[%swap3A_7, %swap3A_8], %swap3A_11 {strides = array<i32>} : memref<3x65536xf32, #tpu.memory_space<vmem>>, vector<1x65536xf32>,
    %get3A_12 = arith.constant 0 : index
    %get3A_13 = vector.load %arg3[%get3A_12] : memref<65536xf32, #tpu.memory_space<vmem>>, vector<65536xf32>
    %swap3A_14 = arith.constant 2 : index
    %swap3A_15 = arith.constant 0 : index
    %swap3A_16 = vector.load %arg4[%swap3A_14, %swap3A_15] : memref<3x65536xf32, #tpu.memory_space<vmem>>, vector<1x65536xf32>
    %swap3A_17 = vector.shape_cast %swap3A_16 : vector<1x65536xf32> to vector<65536xf32>
    %swap3A_18 = vector.shape_cast %get3A_13 : vector<65536xf32> to vector<1x65536xf32>
    tpu.vector_store %arg4[%swap3A_14, %swap3A_15], %swap3A_18 {strides = array<i32>} : memref<3x65536xf32, #tpu.memory_space<vmem>>, vector<1x65536xf32>,
    return
  }
  func.func @transform_0(%arg0: i32) -> i32 {
    %c0_i32 = arith.constant 0 : i32
    return %arg0 : i32
  }
  func.func @transform_1(%arg0: i32) -> i32 {
    %c0_i32 = arith.constant 0 : i32
    return %arg0 : i32
  }
  func.func @transform_2(%arg0: i32) -> i32 {
    %c0_i32 = arith.constant 0 : i32
    return %arg0 : i32
  }
  func.func @transform_3(%arg0: i32) -> (i32, i32) {
    %c0_i32 = arith.constant 0 : i32
    %c0_i32_0 = arith.constant 0 : i32
    return %c0_i32, %arg0 : i32, i32
  }
}

</mosaic_0001>

<sc_bundles>
// kernel: kernel.4.cloned.1.call-start
scs
__scs_entry_jumppad:
0x0: {  	(pc) =	sbr.rel $0x88, $3  }
0x1: {  	(tag) =	ssettag $0x0;
	lr =	simm.s32 $0x1  }
0x2: {  	[smem:$0x3F9D] =	sst lr;
	_ =	strace $0xD0000000  }
0x3: {  	_ = 	snop  }
0x4: {  	_ = 	snop  }
0x5: {  	_ = 	snop  }
0x6: {  	_ = 	snop  }
0x7: {  	_ = 	snop  }
__scs_overlays_trampoline_lowered:
0x8: {  	[smem:$0x3FAC] =	sst s0  }
0x9: {  	[smem:$0x3FAD] =	sst s1  }
0xa: {  	[smem:$0x3FAE] =	sst s2  }
0xb: {  	[smem:$0x3FAF] =	sst s3  }
0xc: {  	[smem:$0x3FB0] =	sst s4  }
0xd: {  	[smem:$0x3FB1] =	sst s5  }
0xe: {  	[smem:$0x3FB2] =	sst s6  }
0xf: {  	[smem:$0x3FB3] =	sst s7  }
0x10: {  	[smem:$0x3FB4] =	sst s8  }
0x11: {  	[smem:$0x3FB5] =	sst s9;
	s0 =	simm.s32 @!p0 $0x0  }
0x12: {  	s1 =	sld [smem:$0x3F9B];
	s0 =	simm.s32 @p0 $0x1  }
0x13: {  	[smem:$0x3FB6] =	sst s0;
	s0 =	simm.s32 @!p1 $0x0  }
0x14: {  	s2 =	sld [smem:$0x3F9A];
	s0 =	simm.s32 @p1 $0x1  }
0x15: {  	[smem:$0x3FB7] =	sst s0;
	s0 =	simm.s32 @!p2 $0x0  }
0x16: {  	s3 =	sld [smem:$0x3FDB];
	s0 =	simm.s32 @p2 $0x1  }
0x17: {  	s4 =	simm.s32 $0x1BF5;
	[smem:$0x3FB9] =	sst s0  }
0x18: {  	s0 =	sld [smem:$0x3F9C];
	_ =	swait.ge [sflag:s4], $0x0  }
0x19: {  	s7 =	sld [smem:$0x3F9D]  }
0x1a: {  	s8 =	sadd.s32 $0xFFFFE003, lr  }
0x1b: {  	s9 =	sadd.s32 $0xFFFFFEF7, lr;
	s5 =	simm.s32 $0xFFFFFFFF;
	p2 =	slt.u32 s8, $0xFFFFF086  }
0x1c: {  	p1 =	slt.u32 s9, $0xF7A;
	s5 =	simm.s32 @!p2 $0x0  }
0x1d: {  	s5 =	simm.s32 @p1 $0x1;
	p0 =	seq.s32 s7, s2  }
0x1e: {  	s7 =	smul.u32 @!p0 $0xF7A, s2;
	p2 =	seq.s32 @!p0 s5, $0x0  }
0x1f: {  	s9 =	smul.u32 $0xF7A, s1;
	s8 =	simm.s32 @!p0 $0x1BF5;
	p2 =	por !p2, p0  }
0x20: {  	[sflag:s8] =	ssyncset.s32 @!p0 $0xFFFFF086;
	s6 =	sadd.s32 @!p0 s3, s7;
	s7 =	simm.s32 @!p0 $0x108  }
0x21: {  	s3 =	sadd.s32 s3, s9;
	s6 =	sadd.s32 @!p0 $0x88, s6;
	s7 =	simm.s32 @p2 $0x1082  }
0x22: {  	[simem:s7], [sflag:s8] =	dma.local @!p0 [hbm:s6], $0xF7A  }
0x23: {  	s9 =	sor.u32 $0xD0000000, s2;
	s6 =	simm.s32 $0x108;
	_ =	swait.ge @!p0 [sflag:s8], $0x0  }
0x24: {  	s3 =	sadd.s32 $0x88, s3;
	s6 =	simm.s32 @!p1 $0x1082;
	[sflag:s4] =	ssyncset.s32 $0xFFFFF086  }
0x25: {  	[simem:s6], [sflag:s4] =	dma.local [hbm:s3], $0xF7A  }
0x26: {  	[smem:$0x3F9D] =	sst s1;
	(tag) =	ssettag s2;
	_ =	strace s9  }
0x27: {  	s1 =	sld [smem:$0x3FAD]  }
0x28: {  	s2 =	sld [smem:$0x3FAE]  }
0x29: {  	s4 =	sld [smem:$0x3FB0]  }
0x2a: {  	p0 =	seq.s32 s5, $0x0;
	s5 =	sld [smem:$0x3FB1]  }
0x2b: {  	s6 =	sld [smem:$0x3FB2]  }
0x2c: {  	s7 =	sld [smem:$0x3FB3]  }
0x2d: {  	s3 =	simm.s32 $0x108;
	s8 =	sld [smem:$0x3FB4]  }
0x2e: {  	s3 =	simm.s32 @!p0 $0x1082;
	s9 =	sld [smem:$0x3FB5]  }
0x2f: {  	lr =	sadd.s32 s0, s3;
	s0 =	sld [smem:$0x3FAC]  }
0x30: {  	s3 =	sld [smem:$0x3FAF]  }
0x31: {  	[smem:$0x3FB8] =	sst s10  }
0x32: {  	s10 =	sld [smem:$0x3FB6];
	_ =	sdelay $0x3  }
0x33: {  	p0 =	seq.s32 s10, $0x1;
	s10 =	sld [smem:$0x3FB8];
	_ =	sdelay $0x3  }
0x34: {  	[smem:$0x3FB8] =	sst s10  }
0x35: {  	s10 =	sld [smem:$0x3FB7];
	_ =	sdelay $0x3  }
0x36: {  	p1 =	seq.s32 s10, $0x1;
	s10 =	sld [smem:$0x3FB8];
	_ =	sdelay $0x3  }
0x37: {  	[smem:$0x3FB8] =	sst s10  }
0x38: {  	s10 =	sld [smem:$0x3FB9]  }
0x39: {  	_ = 	snop;
	(pc) =	sbr.ind lr, $3  }
0x3a: {  	_ = 	snop  }
0x3b: {  	_ = 	snop  }
0x3c: {  	p2 =	seq.s32 s10, $0x1;
	s10 =	sld [smem:$0x3FB8]  }
0x3d: {  	_ =	shalt  }
0x3e: {  	_ =	shalt  }
0x3f: {  	_ =	shalt  }
0x40: {  	_ =	shalt  }
0x41: {  	_ =	shalt  }
0x42: {  	_ =	shalt  }
0x43: {  	_ =	shalt  }
0x44: {  	_ =	shalt  }
0x45: {  	_ =	shalt  }
0x46: {  	_ =	shalt  }
0x47: {  	_ =	shalt  }
0x48: {  	_ =	shalt  }
0x49: {  	_ =	shalt  }
0x4a: {  	_ =	shalt  }
0x4b: {  	_ =	shalt  }
0x4c: {  	_ =	shalt  }
0x4d: {  	_ =	shalt  }
0x4e: {  	_ =	shalt  }
0x4f: {  	_ =	shalt  }
0x50: {  	_ =	shalt  }
0x51: {  	_ =	shalt  }
0x52: {  	_ =	shalt  }
0x53: {  	_ =	shalt  }
0x54: {  	_ =	shalt  }
0x55: {  	_ =	shalt  }
0x56: {  	_ =	shalt  }
0x57: {  	_ =	shalt  }
0x58: {  	_ =	shalt  }
0x59: {  	_ =	shalt  }
0x5a: {  	_ =	shalt  }
0x5b: {  	_ =	shalt  }
0x5c: {  	_ =	shalt  }
0x5d: {  	_ =	shalt  }
0x5e: {  	_ =	shalt  }
0x5f: {  	_ =	shalt  }
0x60: {  	_ =	shalt  }
0x61: {  	_ =	shalt  }
0x62: {  	_ =	shalt  }
0x63: {  	_ =	shalt  }
0x64: {  	_ =	shalt  }
0x65: {  	_ =	shalt  }
0x66: {  	_ =	shalt  }
0x67: {  	_ =	shalt  }
0x68: {  	_ =	shalt  }
0x69: {  	_ =	shalt  }
0x6a: {  	_ =	shalt  }
0x6b: {  	_ =	shalt  }
0x6c: {  	_ =	shalt  }
0x6d: {  	_ =	shalt  }
0x6e: {  	_ =	shalt  }
0x6f: {  	_ =	shalt  }
0x70: {  	_ =	shalt  }
0x71: {  	_ =	shalt  }
0x72: {  	_ =	shalt  }
0x73: {  	_ =	shalt  }
0x74: {  	_ =	shalt  }
0x75: {  	_ =	shalt  }
0x76: {  	_ =	shalt  }
0x77: {  	_ =	shalt  }
0x78: {  	_ =	shalt  }
0x79: {  	_ =	shalt  }
0x7a: {  	_ =	shalt  }
0x7b: {  	_ =	shalt  }
0x7c: {  	_ =	shalt  }
0x7d: {  	_ =	shalt  }
0x7e: {  	_ =	shalt  }
0x7f: {  	_ =	shalt  }
0x80: {  	_ =	shalt  }
0x81: {  	_ =	shalt  }
0x82: {  	_ =	shalt  }
0x83: {  	_ =	shalt  }
0x84: {  	_ =	shalt  }
0x85: {  	_ =	shalt  }
0x86: {  	_ =	shalt  }
0x87: {  	_ =	shalt  }
.Lfunc_end0:
.L_simem_size_0:
called_computation_lowered:
.L_overlay_start_0:
0x88: {  	s2 =	sld [smem:$0x3FD9]  }
0x89: {  	s3 =	sld [smem:$0x3FFE];
	_ =	sdelay $0x1  }
0x8a: {  	s1 =	srdreg.scid  }
0x8b: {  	s0 =	sand.u32 $0x1, s1  }
0x8c: {  	s14 =	sshll.u32 s0, $0xA;
	s2 =	sadd.s32 s3, s2  }
0x8d: {  	s2 =	sadd.s32 s2, s14  }
0x8e: {  	[smem:$0x3FC4] =	sst s2  }
0x8f: {  	_ = 	snop  }
0x90: {  	s2 =	sld [smem:$0x3FD0]  }
0x91: {  	s15 =	sld [smem:$0x3FC8]  }
0x92: {  	s4 =	sld [smem:$0x3FC7]  }
0x93: {  	s6 =	simm.s32 $0xA;
	s7 =	simm.s32 $0x10;
	s5 =	sld [smem:$0x3FC6]  }
0x94: {  	[smem:s7], [sflag:s6] =	dma.local [hbm:s2], $0x1  }
0x95: {  	_ =	swait.eq [sflag:s6], $0x1  }
0x96: {  	[sflag:s6] =	ssyncset.done $0x0  }
0x97: {  	s16 =	sld [smem:$0x10];
	[sflag:s6] =	ssyncadd.s32 $0xFFFFFFFF  }
0x98: {  	s17 =	sld [smem:$0x11];
	(tm) =	ssettm $0x1  }
0x99: {  	s18 =	sld [smem:$0x3FFB];
	_ =	sdelay $0x3  }
0x9a: {  	_ =	strace s18  }
0x9b: {  	s7 =	sld [smem:$0x3FFC];
	_ =	sdelay $0x3  }
0x9c: {  	_ =	strace s7  }
0x9d: {  	s7 =	sld [smem:$0x3FFD];
	_ =	sdelay $0x3  }
0x9e: {  	_ =	strace s7  }
0x9f: {  	_ =	strace $0x8FFFFFFF  }
0xa0: {  	s19 =	sld [smem:$0x3FDB];
	_ =	sdelay $0x1  }
0xa1: {  	s8 =	simm.s32 $_scs_section_size  }
0xa2: {  	s9 =	simm.s32 $_size__tile_overlayer_lowered;
	s10 =	simm.s32 $_tile_overlayer_lowered  }
0xa3: {  	s22 =	simm.s32 $0x1BFF;
	s21 =	sshll.u32 s10, $0x1;
	s7 =	sadd.s32 s8, s19  }
0xa4: {  	s11 =	simm.s32 $0x0;
	s20 =	sshll.u32 s9, $0x1;
	s9 =	sadd.s32 s21, s7  }
0xa5: {  	[timem:s11], [sflag:s22] =	dma.local [hbm:s9], s20  }
0xa6: {  	_ =	swait.ge [sflag:s22], s20  }
0xa7: {  	s8 =	ssub.s32 $0x0, s20;
	[sflag:s22] =	ssyncset.done $0x0  }
0xa8: {  	[sflag:s22] =	ssyncadd.s32 s8;
	_ =	sdelay $0x1  }
0xa9: {  	s23 =	simm.s32 $0x1B8B  }
0xaa: {  	_ =	swait.ge [sflag:s23], $0x1  }
0xab: {  	[sflag:s23] =	ssyncset.done $0x0  }
0xac: {  	s25 =	simm.s32 $0x1B8E;
	s24 =	sld [smem:$0x3FFE];
	[sflag:s23] =	ssyncadd.s32 $0xFFFFFFFF  }
0xad: {  	s26 =	simm.s32 $execute0_lowered;
	[smem:$0x3FD2] =	sst s25  }
0xae: {  	s9 =	sshll.u32 s26, $0x1;
	_ =	strace $0x80000046;
	[dreg:$0x1] =	wrdreg $0xFFFFFFFF  }
0xaf: {  	s28 =	simm.s32 $_size_execute0_lowered;
	s7 =	sadd.s32 s7, s9;
	[dreg:$0x0] =	wrdreg $0x0  }
0xb0: {  	s9 =	sshll.u32 s28, $0x1;
	[dreg:$0x2] =	wrdreg s7  }
0xb1: {  	[dreg:$0x3] =	wrdreg s9  }
0xb2: {  	[dreg:$0x4] =	wrdreg $0xC0  }
0xb3: {  	_ =	task [dreg:s11], $0x5FFFF  }
0xb4: {  	[dreg:$0x1] =	wrdreg $0xFFFFFFFF  }
0xb5: {  	[dreg:$0x0] =	wrdreg $0x60  }
0xb6: {  	[dreg:$0x2] =	wrdreg s24  }
0xb7: {  	[dreg:$0x3] =	wrdreg s15  }
0xb8: {  	[dreg:$0x4] =	wrdreg s4  }
0xb9: {  	[dreg:$0x5] =	wrdreg s5  }
0xba: {  	[dreg:$0x6] =	wrdreg s17  }
0xbb: {  	[dreg:$0x7] =	wrdreg s16  }
0xbc: {  	[dreg:$0x8] =	wrdreg $0x9  }
0xbd: {  	_ =	task.clear_ibuf [dreg:s11], $0x9FFFF;
	_ =	strace $0x90000046  }
0xbe: {  	s29 =	simm.s32 $0x9;
	_ =	strace $0x80000048  }
0xbf: {  	_ =	swait.ge [sflag:s29], $0x1  }
0xc0: {  	[sflag:s29] =	ssyncadd.s32 $0xFFFFFFFF  }
0xc1: {  	_ =	strace $0x90000048  }
0xc2: {  	_ =	sfence  }
0xc3: {  	s30 =	sld [smem:$0x0];
	_ =	sdelay $0x2  }
0xc4: {  	s31 =	sshll.u32 s1, $0xD;
	s1 =	sshrl.u32 s1, $0x2  }
0xc5: {  	s3 =	sand.u32 $0x4000, s31;
	s1 =	sadd.s32 s1, s30  }
0xc6: {  	s0 =	sor.u32 s3, s0;
	s1 =	sshll.u32 s1, $0x11  }
0xc7: {  	s0 =	sor.u32 s1, s0  }
0xc8: {  	s0 =	sadd.s32 $0x8F2B, s0  }
0xc9: {  	[sflag:s0] =	ssyncadd.remote.s32 $0x1  }
0xca: {  	_ =	sfence.sel $0xFFFF  }
0xcb: {  	[dreg:$0x0] =	wrdreg $0xFFFFFFFF;
	(pc) =	sbr.abs _section_cstart, $3  }
0xcc: {  	[dreg:$0x1] =	wrdreg $0xFFFFFFFF  }
0xcd: {  	_ =	task.clear_ibuf [dreg:s11], $0x2FFFF;
	_ =	strace $0x9FFFFFFF  }
0xce: {  	(tm) =	ssettm $0x7FFFFFFF  }
0xcf: {  	_ =	shalt  }
tec
execute0_lowered:
.L_overlay_start_1:
0x0: {  	(tag) =	ssettag $0x1  }
0x1: {  	s0 =	rddreg [dreg:$0x0]  }
0x2: {  	s1 =	rddreg [dreg:$0x1]  }
0x3: {  	s2 =	rddreg [dreg:$0x2]  }
0x4: {  	s8 =	stileid.u32;
	s16 =	rddreg [dreg:$0x3]  }
0x5: {  	s3 =	rddreg [dreg:$0x4];
	s6 =	simm.s32 $0x0;
	s15 =	srdreg.scid  }
0x6: {  	s21 =	simm.s32 $0x3;
	s28 =	simm.s32 $0x10028;
	s30 =	simm.s32 $0x80  }
0x7: {  	s5 =	sshll.u32 s8, $0xC;
	[smem:$0x7FF] =	sst s6;
	s13 =	sand.u32 $0x1, s15  }
0x8: {  	s17 =	sadd.s32 $0x86E00, s0;
	s18 =	sadd.s32 $0xC6E00, s0;
	s15 =	sshll.u32 s8, $0x11  }
0x9: {  	s4 =	smax.u32 s5, $0xEFF8;
	_ =	strace $0x80000047;
	[dreg:$0x7] =	wrdreg s17  }
0xa: {  	[dreg:$0x8] =	wrdreg s18;
	s14 =	ssub.s32 $0x2, s13;
	s20 =	sshll.u32 s13, $0x10  }
0xb: {  	s7 =	ssub.s32 s5, s4;
	s19 =	sshrl.u32 s14, $0x1;
	s5 =	sor.u32 s5, s20  }
0xc: {  	s22 =	sor.u32 s20, s15;
	s7 =	sadd.s32 $0xEFF8, s7;
	s5 =	sshll.u32 s5, $0x1  }
0xd: {  	s14 =	ssub.s32 s14, s19;
	[dreg:$0x9] =	wrdreg s22;
	s5 =	sadd.s32 s3, s5  }
0xe: {  	s11 =	sshrl.u32 s7, $0x3;
	s31 =	smax.u32 s14, $0x1;
	[dreg:$0xe] =	wrdreg s5  }
0xf: {  	s9 =	sadd.s32 $0x6E00, s0;
	s1 =	sadd.s32 s1, s11;
	[dreg:$0x12] =	wrdreg s31  }
0x10: {  	s10 =	sadd.s32 $0x46E00, s0;
	s2 =	sadd.s32 s2, s11;
	[dreg:$0xd] =	wrdreg s1  }
0x11: {  	s12 =	sadd.s32 s11, s0;
	s29 =	sadd.s32 $0x1000, s5;
	[dreg:$0xf] =	wrdreg s2  }
0x12: {  	s13 =	simm.s32 $0x2;
	s23 =	sadd.s32 $0x4E00, s12;
	[dreg:$0x10] =	wrdreg s29  }
0x13: {  	s26 =	sshrl.u32 s22, $0x3;
	s24 =	sadd.s32 $0x2E00, s12;
	[dreg:$0xa] =	wrdreg s23  }
0x14: {  	s22 =	simm.s32 $0x1008;
	s25 =	sadd.s32 $0xE00, s12;
	[dreg:$0xb] =	wrdreg s24  }
0x15: {  	s1 =	sadd.s32 s16, s26;
	s26 =	simm.s32 $0x6828;
	[dreg:$0xc] =	wrdreg s25  }
0x16: {  	v0 =	vlaneseq.u32;
	s16 =	simm.s32 $0x1;
	[dreg:$0x11] =	wrdreg s1;
	s23 =	simm.s32 $0x2010  }
0x17: {  	v2 =	vmul.u32 $0x10, v0;
	v3 =	vadd.s32 $0x1, v0;
	v1 =	vmov s20;
	s24 =	simm.s32 $0x3018;
	s25 =	simm.s32 $0x4020;
	s1 =	simm.s32 $0x0  }
.LBB2_1:
0x18: {  	[dreg:$0x13] =	wrdreg s1  }
0x19: {  	s0 =	rddreg [dreg:$0xa]  }
0x1a: {  	[tilespmem:s6], [sflag:$0x3] =	stream.linear.gather [hbm4b:s0+s6], $0x1008, $0x38;
	[tilespmem:$0x1A828] =	vst v63  }
0x1b: {  	_ =	swait.ge [sflag:s21], $0x1008  }
0x1c: {  	[sflag:s21] =	ssyncset.done $0x0  }
0x1d: {  	s18 =	rddreg [dreg:$0xb];
	[sflag:s21] =	ssyncadd.s32 $0xFFFFEFF8  }
0x1e: {  	[tilespmem:s22], [sflag:$0x3] =	stream.linear.gather [hbm4b:s18+s6], $0x1008, $0x38;
	[tilespmem:$0x1A828] =	vst v63  }
0x1f: {  	_ =	swait.ge [sflag:s21], $0x1008  }
0x20: {  	[sflag:s21] =	ssyncset.done $0x0  }
0x21: {  	s19 =	rddreg [dreg:$0xc];
	[sflag:s21] =	ssyncadd.s32 $0xFFFFEFF8  }
0x22: {  	[tilespmem:s23], [sflag:$0x3] =	stream.linear.gather [hbm4b:s19+s6], $0x1008, $0x38;
	[tilespmem:$0x1A828] =	vst v63  }
0x23: {  	_ =	swait.ge [sflag:s21], $0x1008  }
0x24: {  	[sflag:s21] =	ssyncset.done $0x0  }
0x25: {  	s20 =	rddreg [dreg:$0xd];
	[sflag:s21] =	ssyncadd.s32 $0xFFFFEFF8  }
0x26: {  	[tilespmem:s24], [sflag:$0x3] =	stream.linear.gather [hbm4b:s20+s6], $0x1008, $0x38;
	[tilespmem:$0x1A828] =	vst v63  }
0x27: {  	s29 =	sadd.s32 $0x0, s4;
	_ =	swait.ge [sflag:s21], $0x1008  }
0x28: {  	s31 =	sadd.s32 $0xFFFF1018, s29;
	[sflag:s21] =	ssyncset.done $0x0  }
0x29: {  	v19 =	vadd.s32 s31, v0;
	s2 =	rddreg [dreg:$0xf];
	[sflag:s21] =	ssyncadd.s32 $0xFFFFEFF8  }
0x2a: {  	[tilespmem:s25], [sflag:$0x3] =	stream.linear.gather [hbm4b:s2+s6], $0x1008, $0x38;
	[tilespmem:$0x1A828] =	vst v63  }
0x2b: {  	s5 =	simm.s32 $0x10;
	s0 =	sadd.s32 $0xFFFF1008, s29;
	_ =	swait.ge [sflag:s21], $0x1008  }
0x2c: {  	v4 =	vmov s5;
	v23 =	vadd.s32 s0, v0;
	[sflag:s21] =	ssyncset.done $0x0  }
0x2d: {  	v4 =	vshll.u32 v4, $0x4;
	[sflag:s21] =	ssyncadd.s32 $0xFFFFEFF8  }
0x2e: {  	v22 =	vor.u32 v2, v4;
	v5 =	vld.idx.msk [tilespmem:v19+s6+$0x0], $0xffff  }
0x2f: {  	v24 =	vadd.s32 s31, v3;
	v4 =	vmov s6  }
0x30: {  	v4 =	vshll.u32 v4, $0x4  }
0x31: {  	v15 =	vor.u32 v2, v4;
	v6 =	vld.idx.msk [tilespmem:v23+s6+$0x0], $0xffff  }
0x32: {  	v16 =	vadd.s32 s0, v3  }
0x33: {  	[tilespmem:v22+s26+$0x0] =	vst.idx.msk $0xffff, v5  }
0x34: {  	v5 =	vor.u32 $0x5, v22;
	v4 =	vld.idx.msk [tilespmem:v24+s6+$0x0], $0xffff;
	_ =	sdelay $0x1  }
0x35: {  	[tilespmem:v15+s26+$0x0] =	vst.idx.msk $0xffff, v6  }
0x36: {  	v7 =	vor.u32 $0x5, v15;
	v6 =	vld.idx.msk [tilespmem:v16+s6+$0x0], $0xffff  }
0x37: {  	s7 =	sadd.s32 $0x20, s4  }
0x38: {  	s8 =	sadd.s32 $0xFFFF1018, s7;
	[tilespmem:v5+s26+$0x0] =	vst.idx.msk $0xffff, v4  }
0x39: {  	v17 =	vadd.s32 s8, v0;
	v5 =	vor.u32 $0x1, v22;
	v4 =	vld.idx.msk [tilespmem:v19+s22+$0x0], $0xffff;
	_ =	sdelay $0x1  }
0x3a: {  	s11 =	simm.s32 $0x30;
	s0 =	sadd.s32 $0xFFFF1008, s7;
	[tilespmem:v7+s26+$0x0] =	vst.idx.msk $0xffff, v6  }
0x3b: {  	v8 =	vmov s11;
	v9 =	vor.u32 $0x1, v15;
	v6 =	vadd.s32 s0, v0;
	v7 =	vld.idx.msk [tilespmem:v23+s22+$0x0], $0xffff  }
0x3c: {  	v8 =	vshll.u32 v8, $0x4  }
0x3d: {  	s12 =	simm.s32 $0x20;
	v13 =	vor.u32 v2, v8;
	v10 =	vld.idx.msk [tilespmem:v17+s6+$0x0], $0xffff;
	[tilespmem:v5+s26+$0x0] =	vst.idx.msk $0xffff, v4  }
0x3e: {  	v14 =	vadd.s32 s8, v3;
	v11 =	vor.u32 $0x6, v22;
	v4 =	vmov s12;
	v8 =	vld.idx.msk [tilespmem:v24+s22+$0x0], $0xffff  }
0x3f: {  	v4 =	vshll.u32 v4, $0x4  }
0x40: {  	v12 =	vld.idx.msk [tilespmem:v6+s6+$0x0], $0xffff;
	[tilespmem:v9+s26+$0x0] =	vst.idx.msk $0xffff, v7;
	v5 =	vor.u32 v2, v4  }
0x41: {  	v9 =	vor.u32 $0x6, v15;
	v7 =	vld.idx.msk [tilespmem:v16+s22+$0x0], $0xffff;
	v4 =	vadd.s32 s0, v3  }
0x42: {  	[tilespmem:v13+s26+$0x0] =	vst.idx.msk $0xffff, v10  }
0x43: {  	v10 =	vld.idx.msk [tilespmem:v14+s6+$0x0], $0xffff;
	[tilespmem:v11+s26+$0x0] =	vst.idx.msk $0xffff, v8;
	v8 =	vor.u32 $0x5, v13  }
0x44: {  	v18 =	vor.u32 $0x2, v22;
	v11 =	vld.idx.msk [tilespmem:v19+s23+$0x0], $0xffff  }
0x45: {  	[tilespmem:v5+s26+$0x0] =	vst.idx.msk $0xffff, v12  }
0x46: {  	[tilespmem:v9+s26+$0x0] =	vst.idx.msk $0xffff, v7;
	v7 =	vor.u32 $0x5, v5;
	v20 =	vld.idx.msk [tilespmem:v4+s6+$0x0], $0xffff  }
0x47: {  	s14 =	sadd.s32 $0x40, s4;
	v25 =	vor.u32 $0x2, v15;
	v21 =	vld.idx.msk [tilespmem:v23+s23+$0x0], $0xffff  }
0x48: {  	s15 =	sadd.s32 $0xFFFF1018, s14;
	[tilespmem:v8+s26+$0x0] =	vst.idx.msk $0xffff, v10  }
0x49: {  	v12 =	vadd.s32 s15, v0;
	v10 =	vor.u32 $0x1, v13;
	v8 =	vld.idx.msk [tilespmem:v17+s22+$0x0], $0xffff;
	[tilespmem:v18+s26+$0x0] =	vst.idx.msk $0xffff, v11  }
0x4a: {  	v18 =	vor.u32 $0x7, v22;
	v11 =	vld.idx.msk [tilespmem:v24+s23+$0x0], $0xffff  }
0x4b: {  	s17 =	simm.s32 $0x50;
	s0 =	sadd.s32 $0xFFFF1008, s14;
	[tilespmem:v7+s26+$0x0] =	vst.idx.msk $0xffff, v20  }
0x4c: {  	v9 =	vadd.s32 s0, v0;
	[tilespmem:v25+s26+$0x0] =	vst.idx.msk $0xffff, v21;
	v21 =	vor.u32 $0x1, v5;
	v7 =	vmov s17;
	v20 =	vld.idx.msk [tilespmem:v6+s22+$0x0], $0xffff  }
0x4d: {  	v26 =	vor.u32 $0x7, v15;
	v25 =	vld.idx.msk [tilespmem:v16+s23+$0x0], $0xffff;
	v7 =	vshll.u32 v7, $0x4  }
0x4e: {  	s18 =	simm.s32 $0x40;
	v27 =	vld.idx.msk [tilespmem:v12+s6+$0x0], $0xffff;
	v7 =	vor.u32 v2, v7;
	[tilespmem:v10+s26+$0x0] =	vst.idx.msk $0xffff, v8  }
0x4f: {  	v8 =	vadd.s32 s15, v3;
	v10 =	vmov s18;
	v28 =	vld.idx.msk [tilespmem:v14+s22+$0x0], $0xffff;
	[tilespmem:v18+s26+$0x0] =	vst.idx.msk $0xffff, v11;
	v18 =	vor.u32 $0x6, v13  }
0x50: {  	v30 =	vor.u32 $0x3, v22;
	v10 =	vshll.u32 v10, $0x4;
	v29 =	vld.idx.msk [tilespmem:v19+s24+$0x0], $0xffff  }
0x51: {  	v31 =	vld.idx.msk [tilespmem:v9+s6+$0x0], $0xffff;
	[tilespmem:v21+s26+$0x0] =	vst.idx.msk $0xffff, v20;
	v10 =	vor.u32 v2, v10  }
0x52: {  	v11 =	vadd.s32 s0, v3;
	[tilespmem:v26+s26+$0x0] =	vst.idx.msk $0xffff, v25;
	v21 =	vor.u32 $0x6, v5;
	v20 =	vld.idx.msk [tilespmem:v4+s22+$0x0], $0xffff  }
0x53: {  	v26 =	vor.u32 $0x3, v15;
	v25 =	vld.idx.msk [tilespmem:v23+s24+$0x0], $0xffff;
	[tilespmem:v7+s26+$0x0] =	vst.idx.msk $0xffff, v27  }
0x54: {  	v27 =	vld.idx.msk [tilespmem:v8+s6+$0x0], $0xffff;
	[tilespmem:v18+s26+$0x0] =	vst.idx.msk $0xffff, v28;
	v18 =	vor.u32 $0x5, v7  }
0x55: {  	v54 =	vor.u32 $0x2, v13;
	v28 =	vld.idx.msk [tilespmem:v17+s23+$0x0], $0xffff;
	[tilespmem:v30+s26+$0x0] =	vst.idx.msk $0xffff, v29  }
0x56: {  	v55 =	vor.u32 $0x8, v22;
	[tilespmem:v10+s26+$0x0] =	vst.idx.msk $0xffff, v31;
	v30 =	vld.idx.msk [tilespmem:v24+s24+$0x0], $0xffff  }
0x57: {  	v32 =	vld.idx.msk [tilespmem:v11+s6+$0x0], $0xffff;
	[tilespmem:v21+s26+$0x0] =	vst.idx.msk $0xffff, v20;
	v20 =	vor.u32 $0x5, v10  }
0x58: {  	s19 =	sadd.s32 $0x60, s4;
	[tilespmem:v26+s26+$0x0] =	vst.idx.msk $0xffff, v25;
	v25 =	vor.u32 $0x2, v5;
	v21 =	vld.idx.msk [tilespmem:v6+s23+$0x0], $0xffff  }
0x59: {  	s20 =	sadd.s32 $0xFFFF1018, s19;
	v26 =	vld.idx.msk [tilespmem:v16+s24+$0x0], $0xffff;
	[tilespmem:v18+s26+$0x0] =	vst.idx.msk $0xffff, v27  }
0x5a: {  	v56 =	vor.u32 $0x1, v7;
	v18 =	vadd.s32 s20, v0;
	v27 =	vld.idx.msk [tilespmem:v12+s22+$0x0], $0xffff;
	[tilespmem:v54+s26+$0x0] =	vst.idx.msk $0xffff, v28  }
0x5b: {  	v57 =	vor.u32 $0x7, v13;
	v29 =	vld.idx.msk [tilespmem:v14+s23+$0x0], $0xffff;
	[tilespmem:v55+s26+$0x0] =	vst.idx.msk $0xffff, v30  }
0x5c: {  	s29 =	simm.s32 $0x70;
	v58 =	vor.u32 $0x4, v22;
	[tilespmem:v20+s26+$0x0] =	vst.idx.msk $0xffff, v32;
	v31 =	vld.idx.msk [tilespmem:v19+s25+$0x0], $0xffff  }
0x5d: {  	v33 =	vor.u32 $0x8, v15;
	s0 =	sadd.s32 $0xFFFF1008, s19;
	v34 =	vld.idx.msk [tilespmem:v9+s22+$0x0], $0xffff;
	[tilespmem:v25+s26+$0x0] =	vst.idx.msk $0xffff, v21;
	v19 =	vmov s29  }
0x5e: {  	v21 =	vadd.s32 s0, v0;
	v25 =	vor.u32 $0x1, v10;
	v35 =	vld.idx.msk [tilespmem:v4+s23+$0x0], $0xffff;
	v19 =	vshll.u32 v19, $0x4  }
0x5f: {  	v36 =	vld.idx.msk [tilespmem:v18+s6+$0x0], $0xffff;
	v19 =	vor.u32 v2, v19;
	[tilespmem:v56+s26+$0x0] =	vst.idx.msk $0xffff, v27  }
0x60: {  	v27 =	vor.u32 $0x7, v5;
	v28 =	vld.idx.msk [tilespmem:v8+s22+$0x0], $0xffff;
	[tilespmem:v57+s26+$0x0] =	vst.idx.msk $0xffff, v29  }
0x61: {  	s31 =	simm.s32 $0x60;
	v59 =	vor.u32 $0x6, v7;
	v30 =	vld.idx.msk [tilespmem:v17+s24+$0x0], $0xffff;
	[tilespmem:v58+s26+$0x0] =	vst.idx.msk $0xffff, v31  }
0x62: {  	v60 =	vor.u32 $0x3, v13;
	v20 =	vadd.s32 s20, v3;
	[tilespmem:v33+s26+$0x0] =	vst.idx.msk $0xffff, v26;
	v26 =	vmov s31;
	v32 =	vld.idx.msk [tilespmem:v24+s25+$0x0], $0xffff  }
0x63: {  	[tilespmem:v25+s26+$0x0] =	vst.idx.msk $0xffff, v34;
	v25 =	vor.u32 $0x9, v22;
	v24 =	vshll.u32 v26, $0x4;
	v26 =	vld.idx.msk [tilespmem:v21+s6+$0x0], $0xffff  }
0x64: {  	v61 =	vld.idx.msk [tilespmem:v11+s22+$0x0], $0xffff;
	v22 =	vor.u32 v2, v24;
	[tilespmem:v19+s26+$0x0] =	vst.idx.msk $0xffff, v36  }
0x65: {  	v24 =	vadd.s32 s0, v3;
	v36 =	vld.idx.msk [tilespmem:v23+s25+$0x0], $0xffff;
	[tilespmem:v27+s26+$0x0] =	vst.idx.msk $0xffff, v35;
	v27 =	vor.u32 $0x6, v10  }
0x66: {  	v62 =	vor.u32 $0x3, v5;
	v40 =	vld.idx.msk [tilespmem:v6+s24+$0x0], $0xffff;
	[tilespmem:v59+s26+$0x0] =	vst.idx.msk $0xffff, v28  }
0x67: {  	v63 =	vor.u32 $0x5, v19;
	v41 =	vld.idx.msk [tilespmem:v20+s6+$0x0], $0xffff;
	[tilespmem:v60+s26+$0x0] =	vst.idx.msk $0xffff, v30  }
0x68: {  	v38 =	vld.idx.msk [tilespmem:v12+s23+$0x0], $0xffff;
	[tilespmem:v25+s26+$0x0] =	vst.idx.msk $0xffff, v32  }
0x69: {  	v43 =	vor.u32 $0x2, v7;
	v35 =	vld.idx.msk [tilespmem:v14+s24+$0x0], $0xffff;
	[tilespmem:v22+s26+$0x0] =	vst.idx.msk $0xffff, v26  }
0x6a: {  	v39 =	vor.u32 $0x8, v13;
	v37 =	vld.idx.msk [tilespmem:v24+s6+$0x0], $0xffff;
	[tilespmem:v27+s26+$0x0] =	vst.idx.msk $0xffff, v61  }
0x6b: {  	v42 =	vor.u32 $0x4, v15;
	v23 =	vmov v24;
	v34 =	vld.idx.msk [tilespmem:v9+s23+$0x0], $0xffff;
	[tilespmem:v62+s26+$0x0] =	vst.idx.msk $0xffff, v40  }
0x6c: {  	s1 =	simm.s32 $0xA0;
	s2 =	sadd.s32 $0x80, s4;
	s0 =	simm.s32 $0x80;
	v25 =	vmovc v21;
	v26 =	vmov v11;
	[tilespmem:v63+s26+$0x0] =	vst.idx.msk $0xffff, v41;
	v41 =	vor.u32 $0x2, v10;
	v40 =	vor.u32 $0x5, v22;
	v33 =	vld.idx.msk [tilespmem:v4+s24+$0x0], $0xffff  }
.LBB2_2:
0x6d: {  	v27 =	vmov v24  }
0x6e: {  	p0 =	slt.u32 s1, $0x7E0;
	s5 =	sadd.s32 $0xFFFF1008, s2;
	s2 =	sadd.s32 $0xFFFF1018, s2;
	v29 =	vor.u32 $0x8, v5;
	v28 =	vld.idx.msk [tilespmem:v18+s22+$0x0], $0xffff;
	[tilespmem:v43+s26+$0x0] =	vst.idx.msk $0xffff, v38  }
0x6f: {  	v32 =	vor.u32 $0x1, v19;
	v30 =	vadd.s32 s5, v0;
	v31 =	vadd.s32 s2, v0;
	v38 =	vld.idx.msk [tilespmem:v8+s23+$0x0], $0xffff;
	[tilespmem:v39+s26+$0x0] =	vst.idx.msk $0xffff, v35  }
0x70: {  	v24 =	vadd.s32 s5, v3;
	v35 =	vor.u32 $0x7, v7;
	v39 =	vld.idx.msk [tilespmem:v17+s25+$0x0], $0xffff;
	[tilespmem:v42+s26+$0x0] =	vst.idx.msk $0xffff, v36;
	v17 =	vmovc v12;
	v12 =	vmov v18  }
0x71: {  	v36 =	vor.u32 $0x4, v13;
	v18 =	vmovc v31;
	[tilespmem:v40+s26+$0x0] =	vst.idx.msk $0xffff, v37;
	v37 =	vld.idx.msk [tilespmem:v16+s25+$0x0], $0xffff;
	v16 =	vmov v4;
	v4 =	vmov v11  }
0x72: {  	s5 =	sadd.s32 $0x10, s0;
	v11 =	vmovc v23;
	v23 =	vmov v24;
	v40 =	vld.idx.msk [tilespmem:v21+s22+$0x0], $0xffff;
	[tilespmem:v41+s26+$0x0] =	vst.idx.msk $0xffff, v34;
	v34 =	vor.u32 $0x9, v15;
	v15 =	vmov v5  }
0x73: {  	v42 =	vor.u32 $0x1, v22;
	v41 =	vmov s5;
	v5 =	vmovc v10;
	v10 =	vmovc v22;
	v43 =	vld.idx.msk [tilespmem:v26+s23+$0x0], $0xffff;
	[tilespmem:v29+s26+$0x0] =	vst.idx.msk $0xffff, v33;
	v26 =	vmov v27  }
0x74: {  	v22 =	vshll.u32 v41, $0x4;
	v27 =	vld.idx.msk [tilespmem:v31+s6+$0x0], $0xffff;
	[tilespmem:v32+s26+$0x0] =	vst.idx.msk $0xffff, v28;
	v28 =	vor.u32 $0x7, v5  }
0x75: {  	v29 =	vor.u32 v2, v22;
	v31 =	vld.idx.msk [tilespmem:v20+s22+$0x0], $0xffff;
	[tilespmem:v35+s26+$0x0] =	vst.idx.msk $0xffff, v38  }
0x76: {  	v33 =	vor.u32 $0x6, v19;
	v32 =	vadd.s32 s2, v3;
	v35 =	vld.idx.msk [tilespmem:v17+s24+$0x0], $0xffff;
	[tilespmem:v36+s26+$0x0] =	vst.idx.msk $0xffff, v39  }
0x77: {  	v22 =	vmov s0;
	s0 =	smov.u32 s1;
	v36 =	vor.u32 $0x3, v7;
	v39 =	vld.idx.msk [tilespmem:v14+s25+$0x0], $0xffff;
	[tilespmem:v34+s26+$0x0] =	vst.idx.msk $0xffff, v37;
	v14 =	vmovc v8;
	v8 =	vmovc v20;
	v20 =	vmov v32  }
0x78: {  	v22 =	vshll.u32 v22, $0x4;
	v37 =	vor.u32 $0x9, v13;
	v13 =	vmovc v7;
	v7 =	vmov v19;
	v34 =	vld.idx.msk [tilespmem:v30+s6+$0x0], $0xffff;
	[tilespmem:v42+s26+$0x0] =	vst.idx.msk $0xffff, v40  }
0x79: {  	v22 =	vor.u32 v2, v22;
	v19 =	vmov v29;
	v40 =	vld.idx.msk [tilespmem:v11+s22+$0x0], $0xffff;
	[tilespmem:v28+s26+$0x0] =	vst.idx.msk $0xffff, v43  }
0x7a: {  	[tilespmem:v29+s26+$0x0] =	vst.idx.msk $0xffff, v27;
	v27 =	vor.u32 $0x6, v10;
	v28 =	vld.idx.msk [tilespmem:v9+s24+$0x0], $0xffff  }
0x7b: {  	v29 =	vld.idx.msk [tilespmem:v32+s6+$0x0], $0xffff;
	[tilespmem:v33+s26+$0x0] =	vst.idx.msk $0xffff, v31;
	v31 =	vor.u32 $0x3, v5  }
0x7c: {  	v32 =	vor.u32 $0x5, v19;
	v38 =	vld.idx.msk [tilespmem:v12+s23+$0x0], $0xffff;
	[tilespmem:v36+s26+$0x0] =	vst.idx.msk $0xffff, v35  }
.Ltmp0:
0x7d: {  	v43 =	vor.u32 $0x2, v7;
	v35 =	vld.idx.msk [tilespmem:v14+s24+$0x0], $0xffff;
	[tilespmem:v37+s26+$0x0] =	vst.idx.msk $0xffff, v39;
	(pc) =	sbr.rel @p0 .LBB2_2-.Ltmp0, $4  }
0x7e: {  	v39 =	vor.u32 $0x8, v13;
	[tilespmem:v22+s26+$0x0] =	vst.idx.msk $0xffff, v34;
	v36 =	vld.idx.msk [tilespmem:v6+s25+$0x0], $0xffff;
	v6 =	vmovc v9;
	v9 =	vmov v21;
	v21 =	vmov v30  }
0x7f: {  	v42 =	vor.u32 $0x4, v15;
	v37 =	vld.idx.msk [tilespmem:v23+s6+$0x0], $0xffff;
	[tilespmem:v27+s26+$0x0] =	vst.idx.msk $0xffff, v40  }
0x80: {  	v40 =	vor.u32 $0x5, v22;
	v34 =	vld.idx.msk [tilespmem:v25+s23+$0x0], $0xffff;
	[tilespmem:v31+s26+$0x0] =	vst.idx.msk $0xffff, v28;
	v25 =	vmov v30  }
0x81: {  	v41 =	vor.u32 $0x2, v10;
	s1 =	sadd.s32 $0x20, s1;
	s2 =	sadd.s32 s0, s4;
	[tilespmem:v32+s26+$0x0] =	vst.idx.msk $0xffff, v29;
	v33 =	vld.idx.msk [tilespmem:v4+s24+$0x0], $0xffff  }
0x82: {  	s1 =	sadd.s32 $0xFFFF1018, s2  }
0x83: {  	s17 =	sadd.s32 $0xFFFF1008, s2;
	v32 =	vadd.s32 s1, v0  }
0x84: {  	v31 =	vadd.s32 s17, v0  }
0x85: {  	s5 =	sadd.s32 $0x10, s0  }
0x86: {  	v27 =	vmov s5  }
0x87: {  	v28 =	vmov s0;
	v27 =	vshll.u32 v27, $0x4  }
0x88: {  	v28 =	vshll.u32 v28, $0x4;
	v27 =	vor.u32 v2, v27;
	v44 =	vld.idx.msk [tilespmem:v32+s6+$0x0], $0xffff  }
0x89: {  	v30 =	vadd.s32 s1, v3;
	v28 =	vor.u32 v2, v28;
	v45 =	vld.idx.msk [tilespmem:v31+s6+$0x0], $0xffff  }
0x8a: {  	v29 =	vadd.s32 s17, v3  }
0x8b: {  	[tilespmem:v43+s26+$0x0] =	vst.idx.msk $0xffff, v38  }
0x8c: {  	[tilespmem:v39+s26+$0x0] =	vst.idx.msk $0xffff, v35  }
0x8d: {  	v59 =	vor.u32 $0x8, v5;
	[tilespmem:v27+s26+$0x0] =	vst.idx.msk $0xffff, v44  }
0x8e: {  	v56 =	vor.u32 $0x5, v27;
	[tilespmem:v28+s26+$0x0] =	vst.idx.msk $0xffff, v45;
	v55 =	vld.idx.msk [tilespmem:v30+s6+$0x0], $0xffff  }
0x8f: {  	[tilespmem:v42+s26+$0x0] =	vst.idx.msk $0xffff, v36;
	v58 =	vor.u32 $0x5, v28;
	v57 =	vld.idx.msk [tilespmem:v29+s6+$0x0], $0xffff  }
0x90: {  	v60 =	vld.idx.msk [tilespmem:v18+s22+$0x0], $0xffff;
	v61 =	vor.u32 $0x1, v19;
	[tilespmem:v40+s26+$0x0] =	vst.idx.msk $0xffff, v37  }
0x91: {  	v63 =	vor.u32 $0x7, v7;
	v62 =	vld.idx.msk [tilespmem:v8+s23+$0x0], $0xffff;
	[tilespmem:v41+s26+$0x0] =	vst.idx.msk $0xffff, v34  }
0x92: {  	v46 =	vor.u32 $0x1, v22;
	[tilespmem:v59+s26+$0x0] =	vst.idx.msk $0xffff, v33;
	v45 =	vld.idx.msk [tilespmem:v21+s22+$0x0], $0xffff  }
0x93: {  	v51 =	vor.u32 $0x4, v13;
	v17 =	vld.idx.msk [tilespmem:v17+s25+$0x0], $0xffff;
	[tilespmem:v56+s26+$0x0] =	vst.idx.msk $0xffff, v55  }
0x94: {  	v48 =	vor.u32 $0x1, v27;
	[tilespmem:v58+s26+$0x0] =	vst.idx.msk $0xffff, v57;
	v47 =	vld.idx.msk [tilespmem:v32+s22+$0x0], $0xffff  }
0x95: {  	v50 =	vor.u32 $0x1, v28;
	[tilespmem:v61+s26+$0x0] =	vst.idx.msk $0xffff, v60;
	v49 =	vld.idx.msk [tilespmem:v31+s22+$0x0], $0xffff  }
0x96: {  	v53 =	vor.u32 $0x6, v19;
	[tilespmem:v63+s26+$0x0] =	vst.idx.msk $0xffff, v62;
	v52 =	vld.idx.msk [tilespmem:v20+s22+$0x0], $0xffff  }
0x97: {  	v15 =	vor.u32 $0x9, v15;
	v16 =	vld.idx.msk [tilespmem:v16+s25+$0x0], $0xffff;
	[tilespmem:v46+s26+$0x0] =	vst.idx.msk $0xffff, v45  }
0x98: {  	v54 =	vor.u32 $0x6, v22;
	[tilespmem:v51+s26+$0x0] =	vst.idx.msk $0xffff, v17;
	v38 =	vld.idx.msk [tilespmem:v23+s22+$0x0], $0xffff  }
0x99: {  	v26 =	vld.idx.msk [tilespmem:v26+s23+$0x0], $0xffff;
	v57 =	vor.u32 $0x7, v10;
	[tilespmem:v48+s26+$0x0] =	vst.idx.msk $0xffff, v47  }
0x9a: {  	v55 =	vor.u32 $0x6, v27;
	[tilespmem:v50+s26+$0x0] =	vst.idx.msk $0xffff, v49;
	v35 =	vld.idx.msk [tilespmem:v30+s22+$0x0], $0xffff  }
0x9b: {  	[tilespmem:v53+s26+$0x0] =	vst.idx.msk $0xffff, v52;
	v56 =	vor.u32 $0x6, v28;
	v17 =	vld.idx.msk [tilespmem:v29+s22+$0x0], $0xffff  }
0x9c: {  	[tilespmem:v15+s26+$0x0] =	vst.idx.msk $0xffff, v16;
	v34 =	vld.idx.msk [tilespmem:v18+s23+$0x0], $0xffff;
	v58 =	vor.u32 $0x2, v19  }
0x9d: {  	v15 =	vld.idx.msk [tilespmem:v12+s24+$0x0], $0xffff;
	v16 =	vor.u32 $0x3, v7;
	[tilespmem:v54+s26+$0x0] =	vst.idx.msk $0xffff, v38  }
0x9e: {  	v13 =	vor.u32 $0x9, v13;
	v14 =	vld.idx.msk [tilespmem:v14+s25+$0x0], $0xffff;
	[tilespmem:v57+s26+$0x0] =	vst.idx.msk $0xffff, v26  }
0x9f: {  	v59 =	vor.u32 $0x2, v22;
	v25 =	vld.idx.msk [tilespmem:v25+s23+$0x0], $0xffff;
	[tilespmem:v55+s26+$0x0] =	vst.idx.msk $0xffff, v35  }
0xa0: {  	v60 =	vor.u32 $0x2, v27;
	[tilespmem:v56+s26+$0x0] =	vst.idx.msk $0xffff, v17;
	v35 =	vld.idx.msk [tilespmem:v32+s23+$0x0], $0xffff  }
0xa1: {  	v26 =	vor.u32 $0x2, v28;
	[tilespmem:v58+s26+$0x0] =	vst.idx.msk $0xffff, v34;
	v17 =	vld.idx.msk [tilespmem:v31+s23+$0x0], $0xffff  }
0xa2: {  	v62 =	vor.u32 $0x7, v19;
	[tilespmem:v16+s26+$0x0] =	vst.idx.msk $0xffff, v15;
	v61 =	vld.idx.msk [tilespmem:v20+s23+$0x0], $0xffff  }
0xa3: {  	v16 =	vor.u32 $0x3, v10;
	[tilespmem:v13+s26+$0x0] =	vst.idx.msk $0xffff, v14;
	v15 =	vld.idx.msk [tilespmem:v9+s24+$0x0], $0xffff  }
0xa4: {  	[tilespmem:v59+s26+$0x0] =	vst.idx.msk $0xffff, v25  }
0xa5: {  	v25 =	vor.u32 $0x7, v22;
	v24 =	vld.idx.msk [tilespmem:v24+s23+$0x0], $0xffff;
	[tilespmem:v60+s26+$0x0] =	vst.idx.msk $0xffff, v35  }
0xa6: {  	v63 =	vor.u32 $0x7, v27;
	[tilespmem:v26+s26+$0x0] =	vst.idx.msk $0xffff, v17;
	v35 =	vld.idx.msk [tilespmem:v30+s23+$0x0], $0xffff  }
0xa7: {  	v14 =	vor.u32 $0x7, v28;
	[tilespmem:v62+s26+$0x0] =	vst.idx.msk $0xffff, v61;
	v13 =	vld.idx.msk [tilespmem:v29+s23+$0x0], $0xffff  }
0xa8: {  	v38 =	vor.u32 $0x3, v19;
	[tilespmem:v16+s26+$0x0] =	vst.idx.msk $0xffff, v15;
	v16 =	vld.idx.msk [tilespmem:v18+s24+$0x0], $0xffff  }
0xa9: {  	v6 =	vld.idx.msk [tilespmem:v6+s25+$0x0], $0xffff;
	v15 =	vor.u32 $0x4, v5  }
0xaa: {  	[tilespmem:v25+s26+$0x0] =	vst.idx.msk $0xffff, v24;
	v17 =	vld.idx.msk [tilespmem:v8+s24+$0x0], $0xffff;
	v26 =	vor.u32 $0x8, v7  }
0xab: {  	v25 =	vor.u32 $0x3, v22;
	v24 =	vld.idx.msk [tilespmem:v21+s24+$0x0], $0xffff;
	[tilespmem:v63+s26+$0x0] =	vst.idx.msk $0xffff, v35  }
0xac: {  	v40 =	vor.u32 $0x3, v27;
	[tilespmem:v14+s26+$0x0] =	vst.idx.msk $0xffff, v13;
	v39 =	vld.idx.msk [tilespmem:v32+s24+$0x0], $0xffff  }
0xad: {  	[tilespmem:v38+s26+$0x0] =	vst.idx.msk $0xffff, v16;
	v14 =	vor.u32 $0x3, v28;
	v13 =	vld.idx.msk [tilespmem:v31+s24+$0x0], $0xffff  }
0xae: {  	[tilespmem:v15+s26+$0x0] =	vst.idx.msk $0xffff, v6;
	v16 =	vor.u32 $0x8, v19;
	v15 =	vld.idx.msk [tilespmem:v20+s24+$0x0], $0xffff  }
0xaf: {  	[tilespmem:v26+s26+$0x0] =	vst.idx.msk $0xffff, v17;
	v17 =	vld.idx.msk [tilespmem:v11+s24+$0x0], $0xffff;
	v26 =	vor.u32 $0x8, v10  }
0xb0: {  	[tilespmem:v25+s26+$0x0] =	vst.idx.msk $0xffff, v24;
	v6 =	vld.idx.msk [tilespmem:v12+s25+$0x0], $0xffff;
	v12 =	vor.u32 $0x4, v7  }
0xb1: {  	v25 =	vor.u32 $0x8, v22;
	v24 =	vld.idx.msk [tilespmem:v23+s24+$0x0], $0xffff;
	[tilespmem:v40+s26+$0x0] =	vst.idx.msk $0xffff, v39  }
0xb2: {  	v42 =	vor.u32 $0x8, v27;
	[tilespmem:v14+s26+$0x0] =	vst.idx.msk $0xffff, v13;
	v41 =	vld.idx.msk [tilespmem:v30+s24+$0x0], $0xffff  }
0xb3: {  	[tilespmem:v16+s26+$0x0] =	vst.idx.msk $0xffff, v15;
	v14 =	vor.u32 $0x8, v28;
	v13 =	vld.idx.msk [tilespmem:v29+s24+$0x0], $0xffff  }
0xb4: {  	v5 =	vor.u32 $0x9, v5;
	v4 =	vld.idx.msk [tilespmem:v4+s25+$0x0], $0xffff;
	[tilespmem:v26+s26+$0x0] =	vst.idx.msk $0xffff, v17  }
0xb5: {  	[tilespmem:v12+s26+$0x0] =	vst.idx.msk $0xffff, v6;
	v6 =	vld.idx.msk [tilespmem:v9+s25+$0x0], $0xffff;
	v9 =	vor.u32 $0x4, v10  }
0xb6: {  	v15 =	vor.u32 $0x4, v19;
	v12 =	vld.idx.msk [tilespmem:v18+s25+$0x0], $0xffff;
	[tilespmem:v25+s26+$0x0] =	vst.idx.msk $0xffff, v24  }
0xb7: {  	v17 =	vor.u32 $0x4, v22;
	v16 =	vld.idx.msk [tilespmem:v21+s25+$0x0], $0xffff;
	[tilespmem:v42+s26+$0x0] =	vst.idx.msk $0xffff, v41  }
0xb8: {  	v21 =	vor.u32 $0x4, v27;
	[tilespmem:v14+s26+$0x0] =	vst.idx.msk $0xffff, v13;
	v18 =	vld.idx.msk [tilespmem:v32+s25+$0x0], $0xffff  }
0xb9: {  	[tilespmem:v5+s26+$0x0] =	vst.idx.msk $0xffff, v4;
	v5 =	vor.u32 $0x4, v28;
	v4 =	vld.idx.msk [tilespmem:v31+s25+$0x0], $0xffff  }
0xba: {  	v7 =	vor.u32 $0x9, v7;
	v8 =	vld.idx.msk [tilespmem:v8+s25+$0x0], $0xffff;
	[tilespmem:v9+s26+$0x0] =	vst.idx.msk $0xffff, v6  }
0xbb: {  	v9 =	vor.u32 $0x9, v10;
	[tilespmem:v15+s26+$0x0] =	vst.idx.msk $0xffff, v12;
	v6 =	vld.idx.msk [tilespmem:v11+s25+$0x0], $0xffff  }
0xbc: {  	v10 =	vld.idx.msk [tilespmem:v20+s25+$0x0], $0xffff;
	v11 =	vor.u32 $0x9, v19;
	[tilespmem:v17+s26+$0x0] =	vst.idx.msk $0xffff, v16  }
0xbd: {  	v12 =	vld.idx.msk [tilespmem:v23+s25+$0x0], $0xffff;
	v13 =	vor.u32 $0x9, v22;
	[tilespmem:v21+s26+$0x0] =	vst.idx.msk $0xffff, v18  }
0xbe: {  	v15 =	vor.u32 $0x9, v27;
	[tilespmem:v5+s26+$0x0] =	vst.idx.msk $0xffff, v4;
	v14 =	vld.idx.msk [tilespmem:v30+s25+$0x0], $0xffff  }
0xbf: {  	[tilespmem:v7+s26+$0x0] =	vst.idx.msk $0xffff, v8;
	v5 =	vor.u32 $0x9, v28;
	v4 =	vld.idx.msk [tilespmem:v29+s25+$0x0], $0xffff  }
0xc0: {  	[tilespmem:v9+s26+$0x0] =	vst.idx.msk $0xffff, v6  }
0xc1: {  	[tilespmem:v11+s26+$0x0] =	vst.idx.msk $0xffff, v10  }
0xc2: {  	[tilespmem:v13+s26+$0x0] =	vst.idx.msk $0xffff, v12  }
0xc3: {  	s18 =	sadd.s32 $0x0, s4;
	[tilespmem:v15+s26+$0x0] =	vst.idx.msk $0xffff, v14  }
0xc4: {  	s19 =	sadd.s32 $0xFFFF1818, s18;
	[tilespmem:v5+s26+$0x0] =	vst.idx.msk $0xffff, v4  }
0xc5: {  	s20 =	simm.s32 $0x0;
	s0 =	sadd.s32 $0xFFFF1808, s18;
	v19 =	vadd.s32 s19, v0;
	s29 =	rddreg [dreg:$0xe]  }
0xc6: {  	[hbm4b:s29+s20] =	stream.linear.scatter [tilespmem:s26], [sflag:$0x3], $0x8000, $0x38;
	[tilespmem:$0x1A828] =	vst v63  }
0xc7: {  	s31 =	simm.s32 $0x10;
	v23 =	vadd.s32 s0, v0;
	_ =	swait.ge [sflag:s21], $0x8000  }
0xc8: {  	v4 =	vmov s31;
	[sflag:s21] =	ssyncset.done $0x0  }
0xc9: {  	v4 =	vshll.u32 v4, $0x4;
	[sflag:s21] =	ssyncadd.s32 $0xFFFF8000  }
0xca: {  	v22 =	vor.u32 v2, v4;
	v4 =	vmov s20;
	v5 =	vld.idx.msk [tilespmem:v19+s6+$0x0], $0xffff  }
0xcb: {  	v24 =	vadd.s32 s19, v3;
	v4 =	vshll.u32 v4, $0x4  }
0xcc: {  	v15 =	vor.u32 v2, v4;
	v6 =	vld.idx.msk [tilespmem:v23+s6+$0x0], $0xffff  }
0xcd: {  	v16 =	vadd.s32 s0, v3;
	_ =	sdelay $0x1  }
0xce: {  	[tilespmem:v22+s28+$0x0] =	vst.idx.msk $0xffff, v5  }
0xcf: {  	v5 =	vor.u32 $0x5, v22;
	v4 =	vld.idx.msk [tilespmem:v24+s6+$0x0], $0xffff  }
0xd0: {  	[tilespmem:v15+s28+$0x0] =	vst.idx.msk $0xffff, v6  }
0xd1: {  	v7 =	vor.u32 $0x5, v15;
	v6 =	vld.idx.msk [tilespmem:v16+s6+$0x0], $0xffff;
	_ =	sdelay $0x1  }
0xd2: {  	s7 =	sadd.s32 $0x20, s4  }
0xd3: {  	s8 =	sadd.s32 $0xFFFF1818, s7;
	[tilespmem:v5+s28+$0x0] =	vst.idx.msk $0xffff, v4  }
0xd4: {  	v17 =	vadd.s32 s8, v0;
	v5 =	vor.u32 $0x1, v22;
	v4 =	vld.idx.msk [tilespmem:v19+s22+$0x0], $0xffff  }
0xd5: {  	[tilespmem:v7+s28+$0x0] =	vst.idx.msk $0xffff, v6  }
0xd6: {  	s11 =	simm.s32 $0x30;
	v9 =	vor.u32 $0x1, v15;
	v7 =	vld.idx.msk [tilespmem:v23+s22+$0x0], $0xffff  }
0xd7: {  	v8 =	vmov s11;
	s0 =	sadd.s32 $0xFFFF1808, s7  }
0xd8: {  	v8 =	vshll.u32 v8, $0x4;
	v6 =	vadd.s32 s0, v0  }
0xd9: {  	v13 =	vor.u32 v2, v8;
	v10 =	vld.idx.msk [tilespmem:v17+s6+$0x0], $0xffff;
	[tilespmem:v5+s28+$0x0] =	vst.idx.msk $0xffff, v4  }
0xda: {  	s12 =	simm.s32 $0x20;
	v14 =	vadd.s32 s8, v3;
	v11 =	vor.u32 $0x6, v22;
	v8 =	vld.idx.msk [tilespmem:v24+s22+$0x0], $0xffff  }
0xdb: {  	v4 =	vmov s12;
	[tilespmem:v9+s28+$0x0] =	vst.idx.msk $0xffff, v7  }
0xdc: {  	v9 =	vor.u32 $0x6, v15;
	v4 =	vshll.u32 v4, $0x4;
	v7 =	vld.idx.msk [tilespmem:v16+s22+$0x0], $0xffff  }
0xdd: {  	v12 =	vld.idx.msk [tilespmem:v6+s6+$0x0], $0xffff;
	v5 =	vor.u32 v2, v4  }
0xde: {  	[tilespmem:v13+s28+$0x0] =	vst.idx.msk $0xffff, v10;
	v4 =	vadd.s32 s0, v3  }
0xdf: {  	v10 =	vld.idx.msk [tilespmem:v14+s6+$0x0], $0xffff;
	[tilespmem:v11+s28+$0x0] =	vst.idx.msk $0xffff, v8;
	v8 =	vor.u32 $0x5, v13  }
0xe0: {  	v18 =	vor.u32 $0x2, v22;
	v11 =	vld.idx.msk [tilespmem:v19+s23+$0x0], $0xffff  }
0xe1: {  	[tilespmem:v9+s28+$0x0] =	vst.idx.msk $0xffff, v7  }
0xe2: {  	v25 =	vor.u32 $0x2, v15;
	[tilespmem:v5+s28+$0x0] =	vst.idx.msk $0xffff, v12;
	v21 =	vld.idx.msk [tilespmem:v23+s23+$0x0], $0xffff  }
0xe3: {  	s14 =	sadd.s32 $0x40, s4;
	v7 =	vor.u32 $0x5, v5;
	v20 =	vld.idx.msk [tilespmem:v4+s6+$0x0], $0xffff  }
0xe4: {  	s15 =	sadd.s32 $0xFFFF1818, s14;
	[tilespmem:v8+s28+$0x0] =	vst.idx.msk $0xffff, v10  }
0xe5: {  	v12 =	vadd.s32 s15, v0;
	v10 =	vor.u32 $0x1, v13;
	v8 =	vld.idx.msk [tilespmem:v17+s22+$0x0], $0xffff;
	[tilespmem:v18+s28+$0x0] =	vst.idx.msk $0xffff, v11  }
0xe6: {  	v18 =	vor.u32 $0x7, v22;
	v11 =	vld.idx.msk [tilespmem:v24+s23+$0x0], $0xffff  }
0xe7: {  	s17 =	simm.s32 $0x50;
	s0 =	sadd.s32 $0xFFFF1808, s14;
	[tilespmem:v25+s28+$0x0] =	vst.idx.msk $0xffff, v21  }
0xe8: {  	v26 =	vor.u32 $0x7, v15;
	v9 =	vadd.s32 s0, v0;
	[tilespmem:v7+s28+$0x0] =	vst.idx.msk $0xffff, v20;
	v7 =	vmov s17;
	v25 =	vld.idx.msk [tilespmem:v16+s23+$0x0], $0xffff  }
0xe9: {  	v21 =	vor.u32 $0x1, v5;
	v20 =	vld.idx.msk [tilespmem:v6+s22+$0x0], $0xffff;
	v7 =	vshll.u32 v7, $0x4  }
0xea: {  	s18 =	simm.s32 $0x40;
	v27 =	vld.idx.msk [tilespmem:v12+s6+$0x0], $0xffff;
	v7 =	vor.u32 v2, v7;
	[tilespmem:v10+s28+$0x0] =	vst.idx.msk $0xffff, v8  }
0xeb: {  	v10 =	vmov s18;
	v43 =	vld.idx.msk [tilespmem:v14+s22+$0x0], $0xffff;
	[tilespmem:v18+s28+$0x0] =	vst.idx.msk $0xffff, v11;
	v18 =	vor.u32 $0x6, v13  }
0xec: {  	v45 =	vor.u32 $0x3, v22;
	v8 =	vadd.s32 s15, v3;
	v10 =	vshll.u32 v10, $0x4;
	v44 =	vld.idx.msk [tilespmem:v19+s24+$0x0], $0xffff  }
0xed: {  	v46 =	vld.idx.msk [tilespmem:v9+s6+$0x0], $0xffff;
	[tilespmem:v26+s28+$0x0] =	vst.idx.msk $0xffff, v25;
	v10 =	vor.u32 v2, v10  }
0xee: {  	v26 =	vor.u32 $0x3, v15;
	[tilespmem:v21+s28+$0x0] =	vst.idx.msk $0xffff, v20;
	v25 =	vld.idx.msk [tilespmem:v23+s24+$0x0], $0xffff  }
0xef: {  	v11 =	vadd.s32 s0, v3;
	v21 =	vor.u32 $0x6, v5;
	v20 =	vld.idx.msk [tilespmem:v4+s22+$0x0], $0xffff;
	[tilespmem:v7+s28+$0x0] =	vst.idx.msk $0xffff, v27  }
0xf0: {  	[tilespmem:v18+s28+$0x0] =	vst.idx.msk $0xffff, v43  }
0xf1: {  	v27 =	vld.idx.msk [tilespmem:v8+s6+$0x0], $0xffff;
	v18 =	vor.u32 $0x5, v7;
	[tilespmem:v45+s28+$0x0] =	vst.idx.msk $0xffff, v44  }
0xf2: {  	v47 =	vor.u32 $0x2, v13;
	v28 =	vld.idx.msk [tilespmem:v17+s23+$0x0], $0xffff;
	[tilespmem:v10+s28+$0x0] =	vst.idx.msk $0xffff, v46  }
0xf3: {  	v48 =	vor.u32 $0x8, v22;
	[tilespmem:v26+s28+$0x0] =	vst.idx.msk $0xffff, v25;
	v30 =	vld.idx.msk [tilespmem:v24+s24+$0x0], $0xffff  }
0xf4: {  	v49 =	vld.idx.msk [tilespmem:v11+s6+$0x0], $0xffff;
	[tilespmem:v21+s28+$0x0] =	vst.idx.msk $0xffff, v20;
	v20 =	vor.u32 $0x5, v10  }
0xf5: {  	s19 =	sadd.s32 $0x60, s4;
	v53 =	vor.u32 $0x8, v15;
	v26 =	vld.idx.msk [tilespmem:v16+s24+$0x0], $0xffff  }
0xf6: {  	s20 =	sadd.s32 $0xFFFF1818, s19;
	v25 =	vor.u32 $0x2, v5;
	v21 =	vld.idx.msk [tilespmem:v6+s23+$0x0], $0xffff;
	[tilespmem:v18+s28+$0x0] =	vst.idx.msk $0xffff, v27  }
0xf7: {  	v18 =	vadd.s32 s20, v0;
	v27 =	vld.idx.msk [tilespmem:v12+s22+$0x0], $0xffff;
	[tilespmem:v47+s28+$0x0] =	vst.idx.msk $0xffff, v28  }
0xf8: {  	v50 =	vor.u32 $0x1, v7;
	v29 =	vld.idx.msk [tilespmem:v14+s23+$0x0], $0xffff;
	[tilespmem:v48+s28+$0x0] =	vst.idx.msk $0xffff, v30  }
0xf9: {  	v51 =	vor.u32 $0x7, v13;
	s29 =	simm.s32 $0x70;
	[tilespmem:v20+s28+$0x0] =	vst.idx.msk $0xffff, v49;
	v31 =	vld.idx.msk [tilespmem:v19+s25+$0x0], $0xffff  }
0xfa: {  	v52 =	vor.u32 $0x4, v22;
	[tilespmem:v53+s28+$0x0] =	vst.idx.msk $0xffff, v26;
	v54 =	vld.idx.msk [tilespmem:v9+s22+$0x0], $0xffff;
	v19 =	vmov s29  }
0xfb: {  	s0 =	sadd.s32 $0xFFFF1808, s19;
	[tilespmem:v25+s28+$0x0] =	vst.idx.msk $0xffff, v21;
	v25 =	vor.u32 $0x1, v10;
	v36 =	vld.idx.msk [tilespmem:v23+s25+$0x0], $0xffff;
	v19 =	vshll.u32 v19, $0x4  }
0xfc: {  	v21 =	vadd.s32 s0, v0;
	v56 =	vld.idx.msk [tilespmem:v18+s6+$0x0], $0xffff;
	v19 =	vor.u32 v2, v19  }
0xfd: {  	v55 =	vld.idx.msk [tilespmem:v4+s23+$0x0], $0xffff;
	[tilespmem:v50+s28+$0x0] =	vst.idx.msk $0xffff, v27;
	v27 =	vor.u32 $0x7, v5  }
0xfe: {  	s31 =	simm.s32 $0x60;
	v57 =	vor.u32 $0x6, v7;
	v28 =	vld.idx.msk [tilespmem:v8+s22+$0x0], $0xffff;
	[tilespmem:v51+s28+$0x0] =	vst.idx.msk $0xffff, v29  }
0xff: {  	v58 =	vor.u32 $0x3, v13;
	v20 =	vadd.s32 s20, v3;
	v26 =	vmov s31;
	v30 =	vld.idx.msk [tilespmem:v17+s24+$0x0], $0xffff;
	[tilespmem:v52+s28+$0x0] =	vst.idx.msk $0xffff, v31  }
0x100: {  	[tilespmem:v25+s28+$0x0] =	vst.idx.msk $0xffff, v54;
	v25 =	vor.u32 $0x9, v22;
	v32 =	vld.idx.msk [tilespmem:v24+s25+$0x0], $0xffff;
	v24 =	vshll.u32 v26, $0x4  }
0x101: {  	v26 =	vld.idx.msk [tilespmem:v21+s6+$0x0], $0xffff;
	v22 =	vor.u32 v2, v24;
	[tilespmem:v19+s28+$0x0] =	vst.idx.msk $0xffff, v56  }
0x102: {  	v59 =	vld.idx.msk [tilespmem:v11+s22+$0x0], $0xffff;
	v24 =	vadd.s32 s0, v3;
	[tilespmem:v27+s28+$0x0] =	vst.idx.msk $0xffff, v55;
	v27 =	vor.u32 $0x6, v10  }
0x103: {  	v62 =	vor.u32 $0x3, v5;
	v60 =	vld.idx.msk [tilespmem:v6+s24+$0x0], $0xffff;
	[tilespmem:v57+s28+$0x0] =	vst.idx.msk $0xffff, v28  }
0x104: {  	v63 =	vor.u32 $0x5, v19;
	v61 =	vld.idx.msk [tilespmem:v20+s6+$0x0], $0xffff;
	[tilespmem:v58+s28+$0x0] =	vst.idx.msk $0xffff, v30  }
0x105: {  	v38 =	vld.idx.msk [tilespmem:v12+s23+$0x0], $0xffff;
	[tilespmem:v25+s28+$0x0] =	vst.idx.msk $0xffff, v32  }
0x106: {  	v43 =	vor.u32 $0x2, v7;
	v35 =	vld.idx.msk [tilespmem:v14+s24+$0x0], $0xffff;
	[tilespmem:v22+s28+$0x0] =	vst.idx.msk $0xffff, v26  }
0x107: {  	v39 =	vor.u32 $0x8, v13;
	v37 =	vld.idx.msk [tilespmem:v24+s6+$0x0], $0xffff;
	[tilespmem:v27+s28+$0x0] =	vst.idx.msk $0xffff, v59  }
0x108: {  	v42 =	vor.u32 $0x4, v15;
	v41 =	vor.u32 $0x2, v10;
	v34 =	vld.idx.msk [tilespmem:v9+s23+$0x0], $0xffff;
	[tilespmem:v62+s28+$0x0] =	vst.idx.msk $0xffff, v60  }
0x109: {  	s2 =	sadd.s32 $0x80, s4;
	s1 =	simm.s32 $0xA0;
	s0 =	simm.s32 $0x80;
	v40 =	vor.u32 $0x5, v22;
	v23 =	vmovc v24;
	v25 =	vmov v21;
	v26 =	vmov v11;
	[tilespmem:v63+s28+$0x0] =	vst.idx.msk $0xffff, v61;
	v33 =	vld.idx.msk [tilespmem:v4+s24+$0x0], $0xffff  }
.LBB2_4:
0x10a: {  	v27 =	vmov v24  }
0x10b: {  	p0 =	slt.u32 s1, $0x7E0;
	s5 =	sadd.s32 $0xFFFF1808, s2;
	s2 =	sadd.s32 $0xFFFF1818, s2;
	v29 =	vor.u32 $0x8, v5;
	v28 =	vld.idx.msk [tilespmem:v18+s22+$0x0], $0xffff;
	[tilespmem:v43+s28+$0x0] =	vst.idx.msk $0xffff, v38  }
0x10c: {  	v32 =	vor.u32 $0x1, v19;
	v30 =	vadd.s32 s5, v0;
	v31 =	vadd.s32 s2, v0;
	v38 =	vld.idx.msk [tilespmem:v8+s23+$0x0], $0xffff;
	[tilespmem:v39+s28+$0x0] =	vst.idx.msk $0xffff, v35  }
0x10d: {  	v24 =	vadd.s32 s5, v3;
	v35 =	vor.u32 $0x7, v7;
	v39 =	vld.idx.msk [tilespmem:v17+s25+$0x0], $0xffff;
	[tilespmem:v42+s28+$0x0] =	vst.idx.msk $0xffff, v36;
	v17 =	vmovc v12;
	v12 =	vmov v18  }
0x10e: {  	v36 =	vor.u32 $0x4, v13;
	v18 =	vmovc v31;
	[tilespmem:v40+s28+$0x0] =	vst.idx.msk $0xffff, v37;
	v37 =	vld.idx.msk [tilespmem:v16+s25+$0x0], $0xffff;
	v16 =	vmov v4;
	v4 =	vmov v11  }
0x10f: {  	s5 =	sadd.s32 $0x10, s0;
	v11 =	vmovc v23;
	v23 =	vmov v24;
	v40 =	vld.idx.msk [tilespmem:v21+s22+$0x0], $0xffff;
	[tilespmem:v41+s28+$0x0] =	vst.idx.msk $0xffff, v34;
	v34 =	vor.u32 $0x9, v15;
	v15 =	vmov v5  }
0x110: {  	v42 =	vor.u32 $0x1, v22;
	v41 =	vmov s5;
	v5 =	vmovc v10;
	v10 =	vmovc v22;
	v43 =	vld.idx.msk [tilespmem:v26+s23+$0x0], $0xffff;
	[tilespmem:v29+s28+$0x0] =	vst.idx.msk $0xffff, v33;
	v26 =	vmov v27  }
0x111: {  	v22 =	vshll.u32 v41, $0x4;
	v27 =	vld.idx.msk [tilespmem:v31+s6+$0x0], $0xffff;
	[tilespmem:v32+s28+$0x0] =	vst.idx.msk $0xffff, v28;
	v28 =	vor.u32 $0x7, v5  }
0x112: {  	v29 =	vor.u32 v2, v22;
	v31 =	vld.idx.msk [tilespmem:v20+s22+$0x0], $0xffff;
	[tilespmem:v35+s28+$0x0] =	vst.idx.msk $0xffff, v38  }
0x113: {  	v33 =	vor.u32 $0x6, v19;
	v32 =	vadd.s32 s2, v3;
	v35 =	vld.idx.msk [tilespmem:v17+s24+$0x0], $0xffff;
	[tilespmem:v36+s28+$0x0] =	vst.idx.msk $0xffff, v39  }
0x114: {  	v22 =	vmov s0;
	s0 =	smov.u32 s1;
	v36 =	vor.u32 $0x3, v7;
	v39 =	vld.idx.msk [tilespmem:v14+s25+$0x0], $0xffff;
	[tilespmem:v34+s28+$0x0] =	vst.idx.msk $0xffff, v37;
	v14 =	vmovc v8;
	v8 =	vmovc v20;
	v20 =	vmov v32  }
0x115: {  	v22 =	vshll.u32 v22, $0x4;
	v37 =	vor.u32 $0x9, v13;
	v13 =	vmovc v7;
	v7 =	vmov v19;
	v34 =	vld.idx.msk [tilespmem:v30+s6+$0x0], $0xffff;
	[tilespmem:v42+s28+$0x0] =	vst.idx.msk $0xffff, v40  }
0x116: {  	v22 =	vor.u32 v2, v22;
	v19 =	vmov v29;
	v40 =	vld.idx.msk [tilespmem:v11+s22+$0x0], $0xffff;
	[tilespmem:v28+s28+$0x0] =	vst.idx.msk $0xffff, v43  }
0x117: {  	[tilespmem:v29+s28+$0x0] =	vst.idx.msk $0xffff, v27;
	v27 =	vor.u32 $0x6, v10;
	v28 =	vld.idx.msk [tilespmem:v9+s24+$0x0], $0xffff  }
0x118: {  	v29 =	vld.idx.msk [tilespmem:v32+s6+$0x0], $0xffff;
	[tilespmem:v33+s28+$0x0] =	vst.idx.msk $0xffff, v31;
	v31 =	vor.u32 $0x3, v5  }
0x119: {  	v32 =	vor.u32 $0x5, v19;
	v38 =	vld.idx.msk [tilespmem:v12+s23+$0x0], $0xffff;
	[tilespmem:v36+s28+$0x0] =	vst.idx.msk $0xffff, v35  }
.Ltmp1:
0x11a: {  	v43 =	vor.u32 $0x2, v7;
	v35 =	vld.idx.msk [tilespmem:v14+s24+$0x0], $0xffff;
	[tilespmem:v37+s28+$0x0] =	vst.idx.msk $0xffff, v39;
	(pc) =	sbr.rel @p0 .LBB2_4-.Ltmp1, $4  }
0x11b: {  	v39 =	vor.u32 $0x8, v13;
	[tilespmem:v22+s28+$0x0] =	vst.idx.msk $0xffff, v34;
	v36 =	vld.idx.msk [tilespmem:v6+s25+$0x0], $0xffff;
	v6 =	vmovc v9;
	v9 =	vmov v21;
	v21 =	vmov v30  }
0x11c: {  	v42 =	vor.u32 $0x4, v15;
	v37 =	vld.idx.msk [tilespmem:v23+s6+$0x0], $0xffff;
	[tilespmem:v27+s28+$0x0] =	vst.idx.msk $0xffff, v40  }
0x11d: {  	v40 =	vor.u32 $0x5, v22;
	v34 =	vld.idx.msk [tilespmem:v25+s23+$0x0], $0xffff;
	[tilespmem:v31+s28+$0x0] =	vst.idx.msk $0xffff, v28;
	v25 =	vmov v30  }
0x11e: {  	v41 =	vor.u32 $0x2, v10;
	s1 =	sadd.s32 $0x20, s1;
	s2 =	sadd.s32 s0, s4;
	[tilespmem:v32+s28+$0x0] =	vst.idx.msk $0xffff, v29;
	v33 =	vld.idx.msk [tilespmem:v4+s24+$0x0], $0xffff  }
0x11f: {  	s1 =	sadd.s32 $0xFFFF1818, s2  }
0x120: {  	s17 =	sadd.s32 $0xFFFF1808, s2;
	v32 =	vadd.s32 s1, v0  }
0x121: {  	v31 =	vadd.s32 s17, v0  }
0x122: {  	s5 =	sadd.s32 $0x10, s0  }
0x123: {  	v27 =	vmov s5  }
0x124: {  	v28 =	vmov s0;
	v27 =	vshll.u32 v27, $0x4  }
0x125: {  	v28 =	vshll.u32 v28, $0x4;
	v27 =	vor.u32 v2, v27;
	v44 =	vld.idx.msk [tilespmem:v32+s6+$0x0], $0xffff  }
0x126: {  	v30 =	vadd.s32 s1, v3;
	v28 =	vor.u32 v2, v28;
	v45 =	vld.idx.msk [tilespmem:v31+s6+$0x0], $0xffff  }
0x127: {  	v29 =	vadd.s32 s17, v3;
	_ =	sdelay $0x1  }
0x128: {  	[tilespmem:v43+s28+$0x0] =	vst.idx.msk $0xffff, v38  }
0x129: {  	[tilespmem:v27+s28+$0x0] =	vst.idx.msk $0xffff, v44  }
0x12a: {  	v54 =	vor.u32 $0x5, v27;
	[tilespmem:v28+s28+$0x0] =	vst.idx.msk $0xffff, v45;
	v53 =	vld.idx.msk [tilespmem:v30+s6+$0x0], $0xffff  }
0x12b: {  	[tilespmem:v39+s28+$0x0] =	vst.idx.msk $0xffff, v35;
	v56 =	vor.u32 $0x5, v28;
	v55 =	vld.idx.msk [tilespmem:v29+s6+$0x0], $0xffff  }
0x12c: {  	v57 =	vor.u32 $0x8, v5;
	[tilespmem:v42+s28+$0x0] =	vst.idx.msk $0xffff, v36  }
0x12d: {  	v58 =	vld.idx.msk [tilespmem:v18+s22+$0x0], $0xffff;
	v59 =	vor.u32 $0x1, v19;
	[tilespmem:v40+s28+$0x0] =	vst.idx.msk $0xffff, v37  }
0x12e: {  	v63 =	vor.u32 $0x1, v22;
	[tilespmem:v41+s28+$0x0] =	vst.idx.msk $0xffff, v34;
	v62 =	vld.idx.msk [tilespmem:v21+s22+$0x0], $0xffff  }
0x12f: {  	v61 =	vor.u32 $0x7, v7;
	v60 =	vld.idx.msk [tilespmem:v8+s23+$0x0], $0xffff;
	[tilespmem:v54+s28+$0x0] =	vst.idx.msk $0xffff, v53  }
0x130: {  	v46 =	vor.u32 $0x1, v27;
	[tilespmem:v56+s28+$0x0] =	vst.idx.msk $0xffff, v55;
	v45 =	vld.idx.msk [tilespmem:v32+s22+$0x0], $0xffff  }
0x131: {  	v48 =	vor.u32 $0x1, v28;
	[tilespmem:v57+s28+$0x0] =	vst.idx.msk $0xffff, v33;
	v47 =	vld.idx.msk [tilespmem:v31+s22+$0x0], $0xffff  }
0x132: {  	v15 =	vor.u32 $0x9, v15;
	v16 =	vld.idx.msk [tilespmem:v16+s25+$0x0], $0xffff;
	[tilespmem:v59+s28+$0x0] =	vst.idx.msk $0xffff, v58  }
0x133: {  	v51 =	vor.u32 $0x6, v19;
	v50 =	vld.idx.msk [tilespmem:v20+s22+$0x0], $0xffff;
	[tilespmem:v63+s28+$0x0] =	vst.idx.msk $0xffff, v62  }
0x134: {  	v52 =	vor.u32 $0x6, v22;
	[tilespmem:v61+s28+$0x0] =	vst.idx.msk $0xffff, v60;
	v38 =	vld.idx.msk [tilespmem:v23+s22+$0x0], $0xffff  }
0x135: {  	v49 =	vor.u32 $0x4, v13;
	v17 =	vld.idx.msk [tilespmem:v17+s25+$0x0], $0xffff;
	[tilespmem:v46+s28+$0x0] =	vst.idx.msk $0xffff, v45  }
0x136: {  	v53 =	vor.u32 $0x6, v27;
	[tilespmem:v48+s28+$0x0] =	vst.idx.msk $0xffff, v47;
	v35 =	vld.idx.msk [tilespmem:v30+s22+$0x0], $0xffff  }
0x137: {  	[tilespmem:v15+s28+$0x0] =	vst.idx.msk $0xffff, v16;
	v55 =	vor.u32 $0x6, v28;
	v54 =	vld.idx.msk [tilespmem:v29+s22+$0x0], $0xffff  }
0x138: {  	v57 =	vor.u32 $0x3, v7;
	v15 =	vld.idx.msk [tilespmem:v12+s24+$0x0], $0xffff;
	[tilespmem:v51+s28+$0x0] =	vst.idx.msk $0xffff, v50  }
0x139: {  	v58 =	vor.u32 $0x2, v19;
	v34 =	vld.idx.msk [tilespmem:v18+s23+$0x0], $0xffff;
	[tilespmem:v52+s28+$0x0] =	vst.idx.msk $0xffff, v38  }
0x13a: {  	v59 =	vor.u32 $0x2, v22;
	[tilespmem:v49+s28+$0x0] =	vst.idx.msk $0xffff, v17;
	v25 =	vld.idx.msk [tilespmem:v25+s23+$0x0], $0xffff  }
0x13b: {  	v26 =	vld.idx.msk [tilespmem:v26+s23+$0x0], $0xffff;
	v56 =	vor.u32 $0x7, v10;
	[tilespmem:v53+s28+$0x0] =	vst.idx.msk $0xffff, v35  }
0x13c: {  	v60 =	vor.u32 $0x2, v27;
	[tilespmem:v55+s28+$0x0] =	vst.idx.msk $0xffff, v54;
	v35 =	vld.idx.msk [tilespmem:v32+s23+$0x0], $0xffff  }
0x13d: {  	v61 =	vor.u32 $0x2, v28;
	[tilespmem:v57+s28+$0x0] =	vst.idx.msk $0xffff, v15;
	v17 =	vld.idx.msk [tilespmem:v31+s23+$0x0], $0xffff  }
0x13e: {  	v13 =	vor.u32 $0x9, v13;
	v14 =	vld.idx.msk [tilespmem:v14+s25+$0x0], $0xffff;
	[tilespmem:v58+s28+$0x0] =	vst.idx.msk $0xffff, v34  }
0x13f: {  	v40 =	vor.u32 $0x7, v19;
	v63 =	vld.idx.msk [tilespmem:v20+s23+$0x0], $0xffff;
	[tilespmem:v59+s28+$0x0] =	vst.idx.msk $0xffff, v25  }
0x140: {  	v41 =	vor.u32 $0x7, v22;
	v24 =	vld.idx.msk [tilespmem:v24+s23+$0x0], $0xffff;
	[tilespmem:v56+s28+$0x0] =	vst.idx.msk $0xffff, v26  }
0x141: {  	v62 =	vor.u32 $0x3, v10;
	v15 =	vld.idx.msk [tilespmem:v9+s24+$0x0], $0xffff;
	[tilespmem:v60+s28+$0x0] =	vst.idx.msk $0xffff, v35  }
0x142: {  	v42 =	vor.u32 $0x7, v27;
	[tilespmem:v61+s28+$0x0] =	vst.idx.msk $0xffff, v17;
	v35 =	vld.idx.msk [tilespmem:v30+s23+$0x0], $0xffff  }
0x143: {  	[tilespmem:v13+s28+$0x0] =	vst.idx.msk $0xffff, v14;
	v14 =	vor.u32 $0x7, v28;
	v13 =	vld.idx.msk [tilespmem:v29+s23+$0x0], $0xffff  }
0x144: {  	v44 =	vor.u32 $0x8, v7;
	v43 =	vld.idx.msk [tilespmem:v8+s24+$0x0], $0xffff;
	[tilespmem:v40+s28+$0x0] =	vst.idx.msk $0xffff, v63  }
0x145: {  	v46 =	vor.u32 $0x3, v19;
	v45 =	vld.idx.msk [tilespmem:v18+s24+$0x0], $0xffff;
	[tilespmem:v41+s28+$0x0] =	vst.idx.msk $0xffff, v24  }
0x146: {  	v6 =	vld.idx.msk [tilespmem:v6+s25+$0x0], $0xffff;
	[tilespmem:v62+s28+$0x0] =	vst.idx.msk $0xffff, v15;
	v15 =	vor.u32 $0x4, v5  }
0x147: {  	v47 =	vor.u32 $0x3, v22;
	v24 =	vld.idx.msk [tilespmem:v21+s24+$0x0], $0xffff;
	[tilespmem:v42+s28+$0x0] =	vst.idx.msk $0xffff, v35  }
0x148: {  	v49 =	vor.u32 $0x3, v27;
	[tilespmem:v14+s28+$0x0] =	vst.idx.msk $0xffff, v13;
	v48 =	vld.idx.msk [tilespmem:v32+s24+$0x0], $0xffff  }
0x149: {  	[tilespmem:v44+s28+$0x0] =	vst.idx.msk $0xffff, v43;
	v14 =	vor.u32 $0x3, v28;
	v13 =	vld.idx.msk [tilespmem:v31+s24+$0x0], $0xffff  }
0x14a: {  	v51 =	vor.u32 $0x8, v10;
	v50 =	vld.idx.msk [tilespmem:v11+s24+$0x0], $0xffff;
	[tilespmem:v46+s28+$0x0] =	vst.idx.msk $0xffff, v45  }
0x14b: {  	[tilespmem:v15+s28+$0x0] =	vst.idx.msk $0xffff, v6;
	v6 =	vld.idx.msk [tilespmem:v12+s25+$0x0], $0xffff;
	v12 =	vor.u32 $0x4, v7  }
0x14c: {  	v52 =	vor.u32 $0x8, v19;
	[tilespmem:v47+s28+$0x0] =	vst.idx.msk $0xffff, v24;
	v15 =	vld.idx.msk [tilespmem:v20+s24+$0x0], $0xffff  }
0x14d: {  	v53 =	vor.u32 $0x8, v22;
	v24 =	vld.idx.msk [tilespmem:v23+s24+$0x0], $0xffff;
	[tilespmem:v49+s28+$0x0] =	vst.idx.msk $0xffff, v48  }
0x14e: {  	v55 =	vor.u32 $0x8, v27;
	[tilespmem:v14+s28+$0x0] =	vst.idx.msk $0xffff, v13;
	v54 =	vld.idx.msk [tilespmem:v30+s24+$0x0], $0xffff  }
0x14f: {  	[tilespmem:v51+s28+$0x0] =	vst.idx.msk $0xffff, v50;
	v14 =	vor.u32 $0x8, v28;
	v13 =	vld.idx.msk [tilespmem:v29+s24+$0x0], $0xffff  }
0x150: {  	v5 =	vor.u32 $0x9, v5;
	v4 =	vld.idx.msk [tilespmem:v4+s25+$0x0], $0xffff;
	[tilespmem:v12+s28+$0x0] =	vst.idx.msk $0xffff, v6  }
0x151: {  	v6 =	vld.idx.msk [tilespmem:v9+s25+$0x0], $0xffff;
	v9 =	vor.u32 $0x4, v10;
	[tilespmem:v52+s28+$0x0] =	vst.idx.msk $0xffff, v15  }
0x152: {  	v15 =	vor.u32 $0x4, v19;
	[tilespmem:v53+s28+$0x0] =	vst.idx.msk $0xffff, v24;
	v12 =	vld.idx.msk [tilespmem:v18+s25+$0x0], $0xffff  }
0x153: {  	v57 =	vor.u32 $0x4, v22;
	v56 =	vld.idx.msk [tilespmem:v21+s25+$0x0], $0xffff;
	[tilespmem:v55+s28+$0x0] =	vst.idx.msk $0xffff, v54  }
0x154: {  	v59 =	vor.u32 $0x4, v27;
	[tilespmem:v14+s28+$0x0] =	vst.idx.msk $0xffff, v13;
	v58 =	vld.idx.msk [tilespmem:v32+s25+$0x0], $0xffff  }
0x155: {  	[tilespmem:v5+s28+$0x0] =	vst.idx.msk $0xffff, v4;
	v5 =	vor.u32 $0x4, v28;
	v4 =	vld.idx.msk [tilespmem:v31+s25+$0x0], $0xffff  }
0x156: {  	v7 =	vor.u32 $0x9, v7;
	v8 =	vld.idx.msk [tilespmem:v8+s25+$0x0], $0xffff;
	[tilespmem:v9+s28+$0x0] =	vst.idx.msk $0xffff, v6  }
0x157: {  	v9 =	vor.u32 $0x9, v10;
	v6 =	vld.idx.msk [tilespmem:v11+s25+$0x0], $0xffff;
	[tilespmem:v15+s28+$0x0] =	vst.idx.msk $0xffff, v12  }
0x158: {  	v11 =	vor.u32 $0x9, v19;
	[tilespmem:v57+s28+$0x0] =	vst.idx.msk $0xffff, v56;
	v10 =	vld.idx.msk [tilespmem:v20+s25+$0x0], $0xffff  }
0x159: {  	v12 =	vld.idx.msk [tilespmem:v23+s25+$0x0], $0xffff;
	v13 =	vor.u32 $0x9, v22;
	[tilespmem:v59+s28+$0x0] =	vst.idx.msk $0xffff, v58  }
0x15a: {  	v15 =	vor.u32 $0x9, v27;
	[tilespmem:v5+s28+$0x0] =	vst.idx.msk $0xffff, v4;
	v14 =	vld.idx.msk [tilespmem:v30+s25+$0x0], $0xffff  }
0x15b: {  	[tilespmem:v7+s28+$0x0] =	vst.idx.msk $0xffff, v8;
	v5 =	vor.u32 $0x9, v28;
	v4 =	vld.idx.msk [tilespmem:v29+s25+$0x0], $0xffff  }
0x15c: {  	[tilespmem:v9+s28+$0x0] =	vst.idx.msk $0xffff, v6  }
0x15d: {  	[tilespmem:v11+s28+$0x0] =	vst.idx.msk $0xffff, v10  }
0x15e: {  	[tilespmem:v13+s28+$0x0] =	vst.idx.msk $0xffff, v12  }
0x15f: {  	[tilespmem:v15+s28+$0x0] =	vst.idx.msk $0xffff, v14  }
0x160: {  	[tilespmem:v5+s28+$0x0] =	vst.idx.msk $0xffff, v4  }
0x161: {  	s18 =	rddreg [dreg:$0x10]  }
0x162: {  	[hbm4b:s18+s6] =	stream.linear.scatter [tilespmem:s28], [sflag:$0x3], $0x8000, $0x38;
	[tilespmem:$0x1A828] =	vst v63  }
0x163: {  	_ =	swait.ge [sflag:s21], $0x8000  }
0x164: {  	[sflag:s21] =	ssyncset.done $0x0  }
0x165: {  	[sflag:s21] =	ssyncadd.s32 $0xFFFF8000  }
0x166: {  	[bflag:$0x0] =	sbarrier.arrive $0xFFFF  }
0x167: {  	s20 =	simm.s32 $0x5028;
	s19 =	rddreg [dreg:$0x11]  }
0x168: {  	[tilespmem:s20], [sflag:$0x3] =	stream.linear.gather [hbm4b:s19+s6], $0x800, $0x38;
	[tilespmem:$0x1A828] =	vst v63  }
0x169: {  	_ =	swait.ge [sflag:s21], $0x800  }
0x16a: {  	[sflag:s21] =	ssyncset.done $0x0  }
0x16b: {  	s29 =	simm.s32 $0x5048;
	[sflag:s21] =	ssyncadd.s32 $0xFFFFF800  }
0x16c: {  	v7 =	vld [tilespmem:s29+$0x10]  }
0x16d: {  	v8 =	vld [tilespmem:s29+$0xFFFFFFF0]  }
0x16e: {  	v9 =	vld [tilespmem:s29+$0x0]  }
0x16f: {  	v10 =	vld [tilespmem:s29+$0xFFFFFFE0];
	_ =	sdelay $0x1  }
0x170: {  	v4 =	vtrunc.f32 v7  }
0x171: {  	v5 =	vtrunc.f32 v8;
	v4 =	vcvt.f32.s32 v4  }
0x172: {  	v6 =	vtrunc.f32 v9;
	v5 =	vcvt.f32.s32 v5  }
0x173: {  	v11 =	vtrunc.f32 v10;
	v6 =	vcvt.f32.s32 v6;
	vm0 =	vgt.s32 v4, $0x0  }
0x174: {  	v11 =	vcvt.f32.s32 v11;
	vm1 =	vgt.s32 v5, $0x0;
	v4 =	vnsel vm0, $0x0, v4  }
0x175: {  	s31 =	simm.s32 $0x5088;
	v12 =	vnsel vm1, $0x0, v5;
	vm0 =	vgt.s32 v6, $0x0;
	v13 =	vmin.u32 v4, $0xFFFE  }
0x176: {  	v5 =	vld [tilespmem:s31+$0x10];
	vm1 =	vgt.s32 v11, $0x0;
	v12 =	vmin.u32 v12, $0xFFFE;
	v14 =	vcvt.s32.f32 v13  }
0x177: {  	v15 =	vnsel vm0, $0x0, v6;
	v6 =	vld [tilespmem:s31+$0xFFFFFFF0];
	v11 =	vnsel vm1, $0x0, v11;
	v60 =	vcvt.s32.f32 v12  }
0x178: {  	v4 =	vld [tilespmem:s31+$0x0];
	v11 =	vmin.u32 v11, $0xFFFE;
	v14 =	vsub.f32 v7, v14  }
0x179: {  	s1 =	simm.s32 $0x6048;
	v15 =	vmin.u32 v15, $0xFFFE;
	v61 =	vcvt.s32.f32 v11;
	v7 =	vld [tilespmem:s31+$0xFFFFFFE0];
	v8 =	vsub.f32 v8, v60  }
0x17a: {  	v13 =	vor.u32 v1, v13;
	v12 =	vor.u32 v1, v12;
	v62 =	vcvt.s32.f32 v15;
	[tilespmem:s1+$0x10] =	vst v14  }
0x17b: {  	s0 =	simm.s32 $0x5848;
	v11 =	vor.u32 v1, v11;
	v10 =	vsub.f32 v10, v61;
	v14 =	vtrunc.f32 v5;
	[tilespmem:s1+$0xFFFFFFF0] =	vst v8  }
0x17c: {  	[tilespmem:s0+$0x10] =	vst v13;
	v13 =	vsub.f32 v9, v62;
	v9 =	vtrunc.f32 v6;
	v14 =	vcvt.f32.s32 v14  }
0x17d: {  	v8 =	vor.u32 v1, v15;
	v15 =	vtrunc.f32 v4;
	[tilespmem:s1+$0xFFFFFFE0] =	vst v10;
	v9 =	vcvt.f32.s32 v9  }
0x17e: {  	v10 =	vcvt.f32.s32 v15;
	[tilespmem:s0+$0xFFFFFFF0] =	vst v12;
	v63 =	vtrunc.f32 v7;
	vm0 =	vgt.s32 v14, $0x0  }
0x17f: {  	[tilespmem:s0+$0xFFFFFFE0] =	vst v11;
	v11 =	vcvt.f32.s32 v63;
	vm1 =	vgt.s32 v9, $0x0;
	v14 =	vnsel vm0, $0x0, v14  }
0x180: {  	s2 =	simm.s32 $0x40;
	s5 =	simm.s32 $0x50C8;
	[tilespmem:s1+$0x0] =	vst v13;
	vm0 =	vgt.s32 v10, $0x0;
	v12 =	vnsel vm1, $0x0, v9;
	v9 =	vmin.u32 v14, $0xFFFE  }
.LBB2_6:
0x181: {  	v13 =	vld [tilespmem:s5+$0x10];
	vm1 =	vgt.s32 v11, $0x0;
	v10 =	vnsel vm0, $0x0, v10;
	v14 =	vcvt.s32.f32 v9;
	[tilespmem:s0+$0x0] =	vst v8  }
0x182: {  	s2 =	sadd.s32 $0x40, s2;
	v15 =	vld [tilespmem:s5+$0xFFFFFFF0];
	v8 =	vnsel vm1, $0x0, v11;
	v11 =	vmin.u32 v12, $0xFFFE;
	v10 =	vmin.u32 v10, $0xFFFE  }
0x183: {  	p0 =	slt.u32 s2, $0x7C0;
	v12 =	vld [tilespmem:s5+$0x0];
	v8 =	vmin.u32 v8, $0xFFFE;
	v16 =	vcvt.s32.f32 v11;
	v21 =	vsub.f32 v5, v14  }
0x184: {  	s1 =	sadd.s32 $0x40, s1;
	v14 =	vld [tilespmem:s5+$0xFFFFFFE0];
	v17 =	vcvt.s32.f32 v8;
	v18 =	vor.u32 v1, v8;
	v8 =	vcvt.s32.f32 v10  }
0x185: {  	s0 =	sadd.s32 $0x40, s0;
	v19 =	vsub.f32 v6, v16;
	v16 =	vor.u32 v1, v11;
	[tilespmem:s1+$0x10] =	vst v21;
	v11 =	vor.u32 v1, v9  }
0x186: {  	v9 =	vtrunc.f32 v13;
	v20 =	vsub.f32 v7, v17;
	v17 =	vsub.f32 v4, v8;
	[tilespmem:s0+$0x10] =	vst v11;
	v5 =	vmovc v13  }
.Ltmp2:
0x187: {  	v8 =	vor.u32 v1, v10;
	v11 =	vtrunc.f32 v15;
	v9 =	vcvt.f32.s32 v9;
	[tilespmem:s1+$0xFFFFFFF0] =	vst v19;
	v6 =	vmovc v15;
	(pc) =	sbr.rel @p0 .LBB2_6-.Ltmp2, $4  }
0x188: {  	v13 =	vcvt.f32.s32 v11;
	v10 =	vtrunc.f32 v12;
	[tilespmem:s1+$0xFFFFFFE0] =	vst v20;
	v4 =	vmov v12  }
0x189: {  	v11 =	vtrunc.f32 v14;
	v10 =	vcvt.f32.s32 v10;
	vm0 =	vgt.s32 v9, $0x0;
	[tilespmem:s0+$0xFFFFFFE0] =	vst v18;
	v7 =	vmovc v14  }
0x18a: {  	v11 =	vcvt.f32.s32 v11;
	vm1 =	vgt.s32 v13, $0x0;
	v9 =	vnsel vm0, $0x0, v9;
	[tilespmem:s0+$0xFFFFFFF0] =	vst v16  }
0x18b: {  	s5 =	sadd.s32 $0x40, s5;
	v12 =	vnsel vm1, $0x0, v13;
	vm0 =	vgt.s32 v10, $0x0;
	v9 =	vmin.u32 v9, $0xFFFE;
	[tilespmem:s1+$0x0] =	vst v17  }
0x18c: {  	vm1 =	vgt.s32 v11, $0x0  }
0x18d: {  	v13 =	vcvt.s32.f32 v9;
	v12 =	vmin.u32 v12, $0xFFFE;
	v10 =	vnsel vm0, $0x0, v10  }
0x18e: {  	v11 =	vnsel vm1, $0x0, v11;
	v14 =	vcvt.s32.f32 v12;
	v10 =	vmin.u32 v10, $0xFFFE  }
0x18f: {  	v11 =	vmin.u32 v11, $0xFFFE;
	v5 =	vsub.f32 v5, v13;
	v63 =	vcvt.s32.f32 v10  }
0x190: {  	s1 =	sadd.s32 $0x40, s1;
	[tilespmem:s0+$0x0] =	vst v8;
	v62 =	vcvt.s32.f32 v11;
	v6 =	vsub.f32 v6, v14  }
0x191: {  	[tilespmem:s1+$0x10] =	vst v5;
	v4 =	vsub.f32 v4, v63  }
0x192: {  	v5 =	vsub.f32 v7, v62;
	[tilespmem:s1+$0xFFFFFFF0] =	vst v6  }
0x193: {  	[tilespmem:s1+$0x0] =	vst v4  }
0x194: {  	s19 =	sadd.s32 $0x40, s0;
	v4 =	vor.u32 v1, v9;
	[tilespmem:s1+$0xFFFFFFE0] =	vst v5  }
0x195: {  	v5 =	vor.u32 v1, v11;
	[tilespmem:s19+$0x10] =	vst v4  }
0x196: {  	v4 =	vor.u32 v1, v12;
	[tilespmem:s19+$0xFFFFFFE0] =	vst v5  }
0x197: {  	v5 =	vor.u32 v1, v10;
	[tilespmem:s19+$0xFFFFFFF0] =	vst v4  }
0x198: {  	s20 =	simm.s32 $0x5828;
	[tilespmem:s19+$0x0] =	vst v5  }
0x199: {  	[tilespmem:s26], [sflag:$0x1] =	stream.indirect.gather [hbm4b:s3+s30], $0x10, s20, s30, $0xb8;
	[tilespmem:$0x1A828] =	vst v63  }
0x19a: {  	s29 =	simm.s32 $0x58A8;
	s31 =	simm.s32 $0x7028  }
0x19b: {  	[tilespmem:s31], [sflag:$0x1] =	stream.indirect.gather [hbm4b:s3+s30], $0x10, s29, s30, $0xb8;
	[tilespmem:$0x1A828] =	vst v63  }
0x19c: {  	s2 =	simm.s32 $0x5928;
	s5 =	simm.s32 $0x7828  }
0x19d: {  	[tilespmem:s5], [sflag:$0x1] =	stream.indirect.gather [hbm4b:s3+s30], $0x10, s2, s30, $0xb8;
	[tilespmem:$0x1A828] =	vst v63  }
0x19e: {  	s7 =	simm.s32 $0x59A8;
	s8 =	simm.s32 $0x8028  }
0x19f: {  	[tilespmem:s8], [sflag:$0x1] =	stream.indirect.gather [hbm4b:s3+s30], $0x10, s7, s30, $0xb8;
	[tilespmem:$0x1A828] =	vst v63  }
0x1a0: {  	s11 =	simm.s32 $0x5A28;
	s12 =	simm.s32 $0x8828  }
0x1a1: {  	[tilespmem:s12], [sflag:$0x1] =	stream.indirect.gather [hbm4b:s3+s30], $0x10, s11, s30, $0xb8;
	[tilespmem:$0x1A828] =	vst v63  }
0x1a2: {  	s14 =	simm.s32 $0x5AA8;
	s15 =	simm.s32 $0x9028  }
0x1a3: {  	[tilespmem:s15], [sflag:$0x1] =	stream.indirect.gather [hbm4b:s3+s30], $0x10, s14, s30, $0xb8;
	[tilespmem:$0x1A828] =	vst v63  }
0x1a4: {  	s17 =	simm.s32 $0x5B28;
	s18 =	simm.s32 $0x9828  }
0x1a5: {  	[tilespmem:s18], [sflag:$0x1] =	stream.indirect.gather [hbm4b:s3+s30], $0x10, s17, s30, $0xb8;
	[tilespmem:$0x1A828] =	vst v63  }
0x1a6: {  	s19 =	simm.s32 $0x5BA8;
	s20 =	simm.s32 $0xA028  }
0x1a7: {  	[tilespmem:s20], [sflag:$0x1] =	stream.indirect.gather [hbm4b:s3+s30], $0x10, s19, s30, $0xb8;
	[tilespmem:$0x1A828] =	vst v63  }
0x1a8: {  	s29 =	simm.s32 $0x5C28;
	s31 =	simm.s32 $0xA828  }
0x1a9: {  	[tilespmem:s31], [sflag:$0x1] =	stream.indirect.gather [hbm4b:s3+s30], $0x10, s29, s30, $0xb8;
	[tilespmem:$0x1A828] =	vst v63  }
0x1aa: {  	s2 =	simm.s32 $0x5CA8;
	s5 =	simm.s32 $0xB028  }
0x1ab: {  	[tilespmem:s5], [sflag:$0x1] =	stream.indirect.gather [hbm4b:s3+s30], $0x10, s2, s30, $0xb8;
	[tilespmem:$0x1A828] =	vst v63  }
0x1ac: {  	s7 =	simm.s32 $0x5D28;
	s8 =	simm.s32 $0xB828  }
0x1ad: {  	[tilespmem:s8], [sflag:$0x1] =	stream.indirect.gather [hbm4b:s3+s30], $0x10, s7, s30, $0xb8;
	[tilespmem:$0x1A828] =	vst v63  }
0x1ae: {  	s11 =	simm.s32 $0x5DA8;
	s12 =	simm.s32 $0xC028  }
0x1af: {  	[tilespmem:s12], [sflag:$0x1] =	stream.indirect.gather [hbm4b:s3+s30], $0x10, s11, s30, $0xb8;
	[tilespmem:$0x1A828] =	vst v63  }
0x1b0: {  	s14 =	simm.s32 $0x5E28;
	s15 =	simm.s32 $0xC828  }
0x1b1: {  	[tilespmem:s15], [sflag:$0x1] =	stream.indirect.gather [hbm4b:s3+s30], $0x10, s14, s30, $0xb8;
	[tilespmem:$0x1A828] =	vst v63  }
0x1b2: {  	s17 =	simm.s32 $0x5EA8;
	s18 =	simm.s32 $0xD028  }
0x1b3: {  	[tilespmem:s18], [sflag:$0x1] =	stream.indirect.gather [hbm4b:s3+s30], $0x10, s17, s30, $0xb8;
	[tilespmem:$0x1A828] =	vst v63  }
0x1b4: {  	s19 =	simm.s32 $0x5F28;
	s20 =	simm.s32 $0xD828  }
0x1b5: {  	[tilespmem:s20], [sflag:$0x1] =	stream.indirect.gather [hbm4b:s3+s30], $0x10, s19, s30, $0xb8;
	[tilespmem:$0x1A828] =	vst v63  }
0x1b6: {  	s29 =	simm.s32 $0x5FA8;
	s31 =	simm.s32 $0xE028;
	s14 =	simm.s32 $0x0  }
0x1b7: {  	[tilespmem:s31], [sflag:$0x1] =	stream.indirect.gather [hbm4b:s3+s30], $0x10, s29, s30, $0xb8;
	[tilespmem:$0x1A828] =	vst v63  }
.LBB2_8:
0x1b8: {  	s0 =	sshll.u32 s14, $0xC;
	s1 =	rddreg [dreg:$0x9]  }
0x1b9: {  	s0 =	sadd.s32 s1, s0  }
0x1ba: {  	s17 =	sshrl.u32 s0, $0x3  }
0x1bb: {  	s19 =	rddreg [dreg:$0x3];
	s15 =	sor.u32 $0x100, s17  }
0x1bc: {  	s20 =	simm.s32 $0xE828;
	s0 =	sadd.s32 s19, s15  }
0x1bd: {  	[tilespmem:s20], [sflag:$0x3] =	stream.linear.gather [hbm4b:s0+s6], $0x800, $0x38;
	[tilespmem:$0x1A828] =	vst v63  }
0x1be: {  	_ =	swait.ge [sflag:s21], $0x800  }
0x1bf: {  	[sflag:s21] =	ssyncset.done $0x0  }
0x1c0: {  	s29 =	simm.s32 $0xE848;
	[sflag:s21] =	ssyncadd.s32 $0xFFFFF800  }
0x1c1: {  	v7 =	vld [tilespmem:s29+$0x10]  }
0x1c2: {  	v8 =	vld [tilespmem:s29+$0xFFFFFFF0]  }
0x1c3: {  	v9 =	vld [tilespmem:s29+$0x0]  }
0x1c4: {  	v10 =	vld [tilespmem:s29+$0xFFFFFFE0];
	_ =	sdelay $0x1  }
0x1c5: {  	v4 =	vtrunc.f32 v7  }
0x1c6: {  	v5 =	vtrunc.f32 v8;
	v4 =	vcvt.f32.s32 v4  }
0x1c7: {  	v5 =	vcvt.f32.s32 v5  }
0x1c8: {  	v6 =	vtrunc.f32 v9;
	v11 =	vtrunc.f32 v10;
	vm0 =	vgt.s32 v4, $0x0  }
0x1c9: {  	v11 =	vcvt.f32.s32 v11;
	vm1 =	vgt.s32 v5, $0x0;
	v4 =	vnsel vm0, $0x0, v4  }
0x1ca: {  	s31 =	simm.s32 $0xE888;
	v12 =	vcvt.f32.s32 v6;
	v13 =	vnsel vm1, $0x0, v5;
	v14 =	vmin.u32 v4, $0xFFFE  }
0x1cb: {  	v6 =	vld [tilespmem:s31+$0x10];
	vm1 =	vgt.s32 v11, $0x0;
	v13 =	vmin.u32 v13, $0xFFFE;
	v15 =	vcvt.s32.f32 v14  }
0x1cc: {  	vm0 =	vgt.s32 v12, $0x0;
	v5 =	vld [tilespmem:s31+$0xFFFFFFF0];
	v11 =	vnsel vm1, $0x0, v11;
	v16 =	vcvt.s32.f32 v13  }
0x1cd: {  	v12 =	vnsel vm0, $0x0, v12;
	v4 =	vld [tilespmem:s31+$0x0];
	v11 =	vmin.u32 v11, $0xFFFE;
	v15 =	vsub.f32 v7, v15  }
0x1ce: {  	s1 =	simm.s32 $0xF848;
	v12 =	vmin.u32 v12, $0xFFFE;
	v17 =	vcvt.s32.f32 v11;
	v7 =	vld [tilespmem:s31+$0xFFFFFFE0];
	v8 =	vsub.f32 v8, v16  }
0x1cf: {  	v14 =	vor.u32 v1, v14;
	v13 =	vor.u32 v1, v13;
	v18 =	vcvt.s32.f32 v12;
	[tilespmem:s1+$0x10] =	vst v15  }
0x1d0: {  	s0 =	simm.s32 $0xF048;
	v11 =	vor.u32 v1, v11;
	v10 =	vsub.f32 v10, v17;
	v15 =	vtrunc.f32 v6;
	[tilespmem:s1+$0xFFFFFFF0] =	vst v8  }
0x1d1: {  	[tilespmem:s0+$0x10] =	vst v14;
	v14 =	vsub.f32 v9, v18;
	v9 =	vtrunc.f32 v5;
	v15 =	vcvt.f32.s32 v15  }
0x1d2: {  	v8 =	vor.u32 v1, v12;
	v12 =	vtrunc.f32 v4;
	[tilespmem:s1+$0xFFFFFFE0] =	vst v10;
	v9 =	vcvt.f32.s32 v9  }
0x1d3: {  	v10 =	vcvt.f32.s32 v12;
	[tilespmem:s0+$0xFFFFFFF0] =	vst v13;
	v63 =	vtrunc.f32 v7;
	vm0 =	vgt.s32 v15, $0x0  }
0x1d4: {  	[tilespmem:s0+$0xFFFFFFE0] =	vst v11;
	v11 =	vcvt.f32.s32 v63;
	vm1 =	vgt.s32 v9, $0x0;
	v15 =	vnsel vm0, $0x0, v15  }
0x1d5: {  	s2 =	simm.s32 $0x40;
	s5 =	simm.s32 $0xE8C8;
	[tilespmem:s1+$0x0] =	vst v14;
	vm0 =	vgt.s32 v10, $0x0;
	v12 =	vnsel vm1, $0x0, v9;
	v9 =	vmin.u32 v15, $0xFFFE  }
.LBB2_9:
0x1d6: {  	v13 =	vld [tilespmem:s5+$0x10];
	vm1 =	vgt.s32 v11, $0x0;
	v10 =	vnsel vm0, $0x0, v10;
	v14 =	vcvt.s32.f32 v9;
	[tilespmem:s0+$0x0] =	vst v8  }
0x1d7: {  	s2 =	sadd.s32 $0x40, s2;
	v15 =	vld [tilespmem:s5+$0xFFFFFFF0];
	v8 =	vnsel vm1, $0x0, v11;
	v11 =	vmin.u32 v12, $0xFFFE;
	v10 =	vmin.u32 v10, $0xFFFE  }
0x1d8: {  	p0 =	slt.u32 s2, $0x7C0;
	v12 =	vld [tilespmem:s5+$0x0];
	v8 =	vmin.u32 v8, $0xFFFE;
	v16 =	vcvt.s32.f32 v11;
	v21 =	vsub.f32 v6, v14  }
0x1d9: {  	s1 =	sadd.s32 $0x40, s1;
	v14 =	vld [tilespmem:s5+$0xFFFFFFE0];
	v17 =	vcvt.s32.f32 v8;
	v18 =	vor.u32 v1, v8;
	v8 =	vcvt.s32.f32 v10  }
0x1da: {  	s0 =	sadd.s32 $0x40, s0;
	v19 =	vsub.f32 v5, v16;
	v16 =	vor.u32 v1, v11;
	[tilespmem:s1+$0x10] =	vst v21;
	v11 =	vor.u32 v1, v9  }
0x1db: {  	v9 =	vtrunc.f32 v13;
	v20 =	vsub.f32 v7, v17;
	v17 =	vsub.f32 v4, v8;
	[tilespmem:s0+$0x10] =	vst v11;
	v6 =	vmovc v13  }
.Ltmp3:
0x1dc: {  	v8 =	vor.u32 v1, v10;
	v11 =	vtrunc.f32 v15;
	v9 =	vcvt.f32.s32 v9;
	[tilespmem:s1+$0xFFFFFFF0] =	vst v19;
	v5 =	vmovc v15;
	(pc) =	sbr.rel @p0 .LBB2_9-.Ltmp3, $4  }
0x1dd: {  	v13 =	vcvt.f32.s32 v11;
	v10 =	vtrunc.f32 v12;
	[tilespmem:s1+$0xFFFFFFE0] =	vst v20;
	v4 =	vmov v12  }
0x1de: {  	v11 =	vtrunc.f32 v14;
	v10 =	vcvt.f32.s32 v10;
	vm0 =	vgt.s32 v9, $0x0;
	[tilespmem:s0+$0xFFFFFFE0] =	vst v18;
	v7 =	vmovc v14  }
0x1df: {  	v11 =	vcvt.f32.s32 v11;
	vm1 =	vgt.s32 v13, $0x0;
	v9 =	vnsel vm0, $0x0, v9;
	[tilespmem:s0+$0xFFFFFFF0] =	vst v16  }
0x1e0: {  	s5 =	sadd.s32 $0x40, s5;
	v12 =	vnsel vm1, $0x0, v13;
	vm0 =	vgt.s32 v10, $0x0;
	v9 =	vmin.u32 v9, $0xFFFE;
	[tilespmem:s1+$0x0] =	vst v17  }
0x1e1: {  	vm1 =	vgt.s32 v11, $0x0;
	v13 =	vcvt.s32.f32 v9  }
0x1e2: {  	v12 =	vmin.u32 v12, $0xFFFE;
	v11 =	vnsel vm1, $0x0, v11  }
0x1e3: {  	v14 =	vcvt.s32.f32 v12;
	v11 =	vmin.u32 v11, $0xFFFE;
	v6 =	vsub.f32 v6, v13  }
0x1e4: {  	[tilespmem:s0+$0x0] =	vst v8;
	s1 =	sadd.s32 $0x40, s1;
	v8 =	vcvt.s32.f32 v11  }
0x1e5: {  	v10 =	vnsel vm0, $0x0, v10;
	s19 =	sadd.s32 $0x40, s0;
	v5 =	vsub.f32 v5, v14;
	[tilespmem:s1+$0x10] =	vst v6;
	v6 =	vor.u32 v1, v9  }
0x1e6: {  	v9 =	vmin.u32 v10, $0xFFFE;
	v7 =	vsub.f32 v7, v8;
	[tilespmem:s19+$0x10] =	vst v6  }
0x1e7: {  	v6 =	vcvt.s32.f32 v9;
	[tilespmem:s1+$0xFFFFFFF0] =	vst v5  }
0x1e8: {  	v5 =	vor.u32 v1, v11;
	[tilespmem:s1+$0xFFFFFFE0] =	vst v7  }
0x1e9: {  	v7 =	vor.u32 v1, v12;
	v4 =	vsub.f32 v4, v6;
	[tilespmem:s19+$0xFFFFFFE0] =	vst v5  }
0x1ea: {  	[tilespmem:s19+$0xFFFFFFF0] =	vst v7  }
0x1eb: {  	v5 =	vor.u32 v1, v9;
	[tilespmem:s1+$0x0] =	vst v4  }
0x1ec: {  	s20 =	simm.s32 $0xF028;
	[tilespmem:s19+$0x0] =	vst v5  }
0x1ed: {  	[tilespmem:s28], [sflag:$0x2] =	stream.indirect.gather [hbm4b:s3+s30], $0x10, s20, s30, $0xb8;
	[tilespmem:$0x1A828] =	vst v63  }
0x1ee: {  	s2 =	simm.s32 $0x10828;
	s1 =	simm.s32 $0xF0A8  }
0x1ef: {  	[tilespmem:s2], [sflag:$0x2] =	stream.indirect.gather [hbm4b:s3+s30], $0x10, s1, s30, $0xb8;
	[tilespmem:$0x1A828] =	vst v63  }
0x1f0: {  	s5 =	simm.s32 $0xF128;
	s7 =	simm.s32 $0x11028  }
0x1f1: {  	[tilespmem:s7], [sflag:$0x2] =	stream.indirect.gather [hbm4b:s3+s30], $0x10, s5, s30, $0xb8;
	[tilespmem:$0x1A828] =	vst v63  }
0x1f2: {  	s8 =	simm.s32 $0xF1A8;
	s11 =	simm.s32 $0x11828  }
0x1f3: {  	[tilespmem:s11], [sflag:$0x2] =	stream.indirect.gather [hbm4b:s3+s30], $0x10, s8, s30, $0xb8;
	[tilespmem:$0x1A828] =	vst v63  }
0x1f4: {  	s12 =	simm.s32 $0xF228;
	s18 =	simm.s32 $0x12028  }
0x1f5: {  	[tilespmem:s18], [sflag:$0x2] =	stream.indirect.gather [hbm4b:s3+s30], $0x10, s12, s30, $0xb8;
	[tilespmem:$0x1A828] =	vst v63  }
0x1f6: {  	s19 =	simm.s32 $0xF2A8;
	s20 =	simm.s32 $0x12828  }
0x1f7: {  	[tilespmem:s20], [sflag:$0x2] =	stream.indirect.gather [hbm4b:s3+s30], $0x10, s19, s30, $0xb8;
	[tilespmem:$0x1A828] =	vst v63  }
0x1f8: {  	s1 =	simm.s32 $0xF328;
	s2 =	simm.s32 $0x13028  }
0x1f9: {  	[tilespmem:s2], [sflag:$0x2] =	stream.indirect.gather [hbm4b:s3+s30], $0x10, s1, s30, $0xb8;
	[tilespmem:$0x1A828] =	vst v63  }
0x1fa: {  	s5 =	simm.s32 $0xF3A8;
	s7 =	simm.s32 $0x13828  }
0x1fb: {  	[tilespmem:s7], [sflag:$0x2] =	stream.indirect.gather [hbm4b:s3+s30], $0x10, s5, s30, $0xb8;
	[tilespmem:$0x1A828] =	vst v63  }
0x1fc: {  	s8 =	simm.s32 $0xF428;
	s11 =	simm.s32 $0x14028  }
0x1fd: {  	[tilespmem:s11], [sflag:$0x2] =	stream.indirect.gather [hbm4b:s3+s30], $0x10, s8, s30, $0xb8;
	[tilespmem:$0x1A828] =	vst v63  }
0x1fe: {  	s12 =	simm.s32 $0xF4A8;
	s18 =	simm.s32 $0x14828  }
0x1ff: {  	[tilespmem:s18], [sflag:$0x2] =	stream.indirect.gather [hbm4b:s3+s30], $0x10, s12, s30, $0xb8;
	[tilespmem:$0x1A828] =	vst v63  }
0x200: {  	s19 =	simm.s32 $0xF528;
	s20 =	simm.s32 $0x15028  }
0x201: {  	[tilespmem:s20], [sflag:$0x2] =	stream.indirect.gather [hbm4b:s3+s30], $0x10, s19, s30, $0xb8;
	[tilespmem:$0x1A828] =	vst v63  }
0x202: {  	s1 =	simm.s32 $0xF5A8;
	s2 =	simm.s32 $0x15828  }
0x203: {  	[tilespmem:s2], [sflag:$0x2] =	stream.indirect.gather [hbm4b:s3+s30], $0x10, s1, s30, $0xb8;
	[tilespmem:$0x1A828] =	vst v63  }
0x204: {  	s5 =	simm.s32 $0xF628;
	s7 =	simm.s32 $0x16028  }
0x205: {  	[tilespmem:s7], [sflag:$0x2] =	stream.indirect.gather [hbm4b:s3+s30], $0x10, s5, s30, $0xb8;
	[tilespmem:$0x1A828] =	vst v63  }
0x206: {  	s8 =	simm.s32 $0xF6A8;
	s11 =	simm.s32 $0x16828  }
0x207: {  	[tilespmem:s11], [sflag:$0x2] =	stream.indirect.gather [hbm4b:s3+s30], $0x10, s8, s30, $0xb8;
	[tilespmem:$0x1A828] =	vst v63  }
0x208: {  	s12 =	simm.s32 $0xF728;
	s18 =	simm.s32 $0x17028  }
0x209: {  	[tilespmem:s18], [sflag:$0x2] =	stream.indirect.gather [hbm4b:s3+s30], $0x10, s12, s30, $0xb8;
	[tilespmem:$0x1A828] =	vst v63  }
0x20a: {  	s19 =	simm.s32 $0xF7A8;
	s20 =	simm.s32 $0x17828  }
0x20b: {  	[tilespmem:s20], [sflag:$0x2] =	stream.indirect.gather [hbm4b:s3+s30], $0x10, s19, s30, $0xb8;
	[tilespmem:$0x1A828] =	vst v63  }
0x20c: {  	_ =	swait.ge [sflag:s16], $0x800  }
0x20d: {  	[sflag:s16] =	ssyncset.done $0x0  }
0x20e: {  	[sflag:s16] =	ssyncadd.s32 $0xFFFFF800  }
0x20f: {  	_ =	swait.ge [sflag:s16], $0x800  }
0x210: {  	[sflag:s16] =	ssyncset.done $0x0  }
0x211: {  	[sflag:s16] =	ssyncadd.s32 $0xFFFFF800  }
0x212: {  	_ =	swait.ge [sflag:s16], $0x800  }
0x213: {  	[sflag:s16] =	ssyncset.done $0x0  }
0x214: {  	[sflag:s16] =	ssyncadd.s32 $0xFFFFF800  }
0x215: {  	_ =	swait.ge [sflag:s16], $0x800  }
0x216: {  	[sflag:s16] =	ssyncset.done $0x0  }
0x217: {  	[sflag:s16] =	ssyncadd.s32 $0xFFFFF800  }
0x218: {  	_ =	swait.ge [sflag:s16], $0x800  }
0x219: {  	[sflag:s16] =	ssyncset.done $0x0  }
0x21a: {  	[sflag:s16] =	ssyncadd.s32 $0xFFFFF800  }
0x21b: {  	_ =	swait.ge [sflag:s16], $0x800  }
0x21c: {  	[sflag:s16] =	ssyncset.done $0x0  }
0x21d: {  	[sflag:s16] =	ssyncadd.s32 $0xFFFFF800  }
0x21e: {  	_ =	swait.ge [sflag:s16], $0x800  }
0x21f: {  	[sflag:s16] =	ssyncset.done $0x0  }
0x220: {  	[sflag:s16] =	ssyncadd.s32 $0xFFFFF800  }
0x221: {  	_ =	swait.ge [sflag:s16], $0x800  }
0x222: {  	[sflag:s16] =	ssyncset.done $0x0  }
0x223: {  	[sflag:s16] =	ssyncadd.s32 $0xFFFFF800  }
0x224: {  	_ =	swait.ge [sflag:s16], $0x800  }
0x225: {  	[sflag:s16] =	ssyncset.done $0x0  }
0x226: {  	[sflag:s16] =	ssyncadd.s32 $0xFFFFF800  }
0x227: {  	_ =	swait.ge [sflag:s16], $0x800  }
0x228: {  	[sflag:s16] =	ssyncset.done $0x0  }
0x229: {  	[sflag:s16] =	ssyncadd.s32 $0xFFFFF800  }
0x22a: {  	_ =	swait.ge [sflag:s16], $0x800  }
0x22b: {  	[sflag:s16] =	ssyncset.done $0x0  }
0x22c: {  	[sflag:s16] =	ssyncadd.s32 $0xFFFFF800  }
0x22d: {  	_ =	swait.ge [sflag:s16], $0x800  }
0x22e: {  	[sflag:s16] =	ssyncset.done $0x0  }
0x22f: {  	[sflag:s16] =	ssyncadd.s32 $0xFFFFF800  }
0x230: {  	_ =	swait.ge [sflag:s16], $0x800  }
0x231: {  	[sflag:s16] =	ssyncset.done $0x0  }
0x232: {  	[sflag:s16] =	ssyncadd.s32 $0xFFFFF800  }
0x233: {  	_ =	swait.ge [sflag:s16], $0x800  }
0x234: {  	s1 =	simm.s32 $0x20;
	[sflag:s16] =	ssyncset.done $0x0  }
0x235: {  	s2 =	simm.s32 $0x10;
	v4 =	vmov s1;
	[sflag:s16] =	ssyncadd.s32 $0xFFFFF800  }
0x236: {  	v5 =	vmov s2;
	v4 =	vshll.u32 v4, $0x4;
	_ =	swait.ge [sflag:s16], $0x800  }
0x237: {  	v5 =	vshll.u32 v5, $0x4;
	v4 =	vor.u32 v2, v4;
	[sflag:s16] =	ssyncset.done $0x0  }
0x238: {  	v5 =	vor.u32 v2, v5;
	[sflag:s16] =	ssyncadd.s32 $0xFFFFF800  }
0x239: {  	v6 =	vor.u32 $0x5, v5;
	_ =	swait.ge [sflag:s16], $0x800  }
0x23a: {  	s5 =	simm.s32 $0x30;
	v7 =	vor.u32 $0x5, v4;
	[sflag:s16] =	ssyncset.done $0x0  }
0x23b: {  	v8 =	vmov s5;
	[sflag:s16] =	ssyncadd.s32 $0xFFFFF800  }
0x23c: {  	v8 =	vshll.u32 v8, $0x4;
	v9 =	vld.idx.msk [tilespmem:v4+s26+$0x0], $0xffff  }
0x23d: {  	v11 =	vor.u32 v2, v8;
	v10 =	vld.idx.msk [tilespmem:v5+s26+$0x0], $0xffff  }
0x23e: {  	v8 =	vor.u32 $0x5, v11;
	v6 =	vld.idx.msk [tilespmem:v6+s26+$0x0], $0xffff  }
0x23f: {  	s5 =	simm.s32 $0x6048;
	v12 =	vld.idx.msk [tilespmem:v7+s26+$0x0], $0xffff  }
0x240: {  	v13 =	vld [tilespmem:s5+$0xFFFFFFF0]  }
0x241: {  	v7 =	vld [tilespmem:s5+$0x0]  }
0x242: {  	v14 =	vld.idx.msk [tilespmem:v11+s26+$0x0], $0xffff  }
0x243: {  	v15 =	vld.idx.msk [tilespmem:v8+s26+$0x0], $0xffff  }
0x244: {  	v12 =	vsub.f32 v12, v9  }
0x245: {  	v8 =	vld [tilespmem:s5+$0x10]  }
0x246: {  	v16 =	vor.u32 $0x1, v4;
	v6 =	vsub.f32 v6, v10;
	v12 =	vmul.f32 v12, v7  }
0x247: {  	v17 =	vor.u32 $0x6, v5;
	v18 =	vor.u32 $0x6, v4  }
0x248: {  	v6 =	vmul.f32 v6, v13;
	v9 =	vadd.f32 v12, v9;
	v12 =	vsub.f32 v15, v14  }
0x249: {  	s2 =	simm.s32 $0x18048;
	v15 =	vor.u32 $0x1, v5  }
0x24a: {  	v6 =	vadd.f32 v6, v10;
	v10 =	vor.u32 $0x1, v11;
	[tilespmem:s2+$0x0] =	vst v9;
	v9 =	vmul.f32 v12, v8  }
0x24b: {  	v12 =	vld.idx.msk [tilespmem:v16+s26+$0x0], $0xffff;
	v16 =	vor.u32 $0x6, v11  }
0x24c: {  	[tilespmem:s2+$0xFFFFFFF0] =	vst v6;
	v6 =	vld.idx.msk [tilespmem:v18+s26+$0x0], $0xffff;
	v9 =	vadd.f32 v9, v14  }
0x24d: {  	v14 =	vld.idx.msk [tilespmem:v17+s26+$0x0], $0xffff  }
0x24e: {  	v15 =	vld.idx.msk [tilespmem:v15+s26+$0x0], $0xffff;
	[tilespmem:s2+$0x10] =	vst v9  }
0x24f: {  	v9 =	vld.idx.msk [tilespmem:v10+s26+$0x0], $0xffff  }
0x250: {  	v10 =	vld.idx.msk [tilespmem:v16+s26+$0x0], $0xffff  }
0x251: {  	v6 =	vsub.f32 v6, v12;
	_ =	sdelay $0x1  }
0x252: {  	v16 =	vor.u32 $0x2, v4;
	v14 =	vsub.f32 v14, v15;
	v6 =	vmul.f32 v6, v7  }
0x253: {  	v18 =	vor.u32 $0x7, v4;
	v17 =	vor.u32 $0x7, v5  }
0x254: {  	v14 =	vmul.f32 v14, v13;
	v6 =	vadd.f32 v6, v12;
	v10 =	vsub.f32 v10, v9  }
0x255: {  	s7 =	simm.s32 $0x18848;
	v12 =	vor.u32 $0x2, v5  }
0x256: {  	v14 =	vadd.f32 v14, v15;
	v15 =	vor.u32 $0x2, v11;
	[tilespmem:s7+$0x0] =	vst v6;
	v6 =	vmul.f32 v10, v8  }
0x257: {  	v10 =	vld.idx.msk [tilespmem:v16+s26+$0x0], $0xffff;
	v16 =	vor.u32 $0x7, v11  }
0x258: {  	[tilespmem:s7+$0xFFFFFFF0] =	vst v14;
	v6 =	vadd.f32 v6, v9;
	v9 =	vld.idx.msk [tilespmem:v18+s26+$0x0], $0xffff  }
0x259: {  	v14 =	vld.idx.msk [tilespmem:v17+s26+$0x0], $0xffff  }
0x25a: {  	v12 =	vld.idx.msk [tilespmem:v12+s26+$0x0], $0xffff;
	[tilespmem:s7+$0x10] =	vst v6  }
0x25b: {  	v6 =	vld.idx.msk [tilespmem:v15+s26+$0x0], $0xffff  }
0x25c: {  	v15 =	vld.idx.msk [tilespmem:v16+s26+$0x0], $0xffff  }
0x25d: {  	v9 =	vsub.f32 v9, v10;
	_ =	sdelay $0x1  }
0x25e: {  	v16 =	vor.u32 $0x4, v4;
	v9 =	vmul.f32 v9, v7  }
0x25f: {  	v17 =	vor.u32 $0x9, v4;
	v14 =	vsub.f32 v14, v12  }
0x260: {  	v15 =	vsub.f32 v15, v6;
	v9 =	vadd.f32 v9, v10  }
0x261: {  	s8 =	simm.s32 $0x19048;
	v14 =	vmul.f32 v14, v13  }
0x262: {  	v10 =	vor.u32 $0x9, v5;
	v15 =	vmul.f32 v15, v8;
	[tilespmem:s8+$0x0] =	vst v9  }
0x263: {  	v12 =	vadd.f32 v14, v12;
	v9 =	vor.u32 $0x9, v11;
	v14 =	vld.idx.msk [tilespmem:v16+s26+$0x0], $0xffff  }
0x264: {  	v18 =	vor.u32 $0x4, v5;
	v6 =	vadd.f32 v15, v6;
	v15 =	vld.idx.msk [tilespmem:v17+s26+$0x0], $0xffff  }
0x265: {  	v16 =	vor.u32 $0x4, v11  }
0x266: {  	[tilespmem:s8+$0xFFFFFFF0] =	vst v12;
	v17 =	vor.u32 $0x8, v5  }
0x267: {  	v5 =	vor.u32 $0x3, v5;
	v10 =	vld.idx.msk [tilespmem:v10+s26+$0x0], $0xffff;
	[tilespmem:s8+$0x10] =	vst v6  }
0x268: {  	v6 =	vld.idx.msk [tilespmem:v9+s26+$0x0], $0xffff  }
0x269: {  	v9 =	vld.idx.msk [tilespmem:v18+s26+$0x0], $0xffff;
	v15 =	vsub.f32 v15, v14  }
0x26a: {  	v12 =	vld.idx.msk [tilespmem:v16+s26+$0x0], $0xffff  }
0x26b: {  	v16 =	vld.idx.msk [tilespmem:v17+s26+$0x0], $0xffff;
	v15 =	vmul.f32 v15, v7  }
0x26c: {  	s11 =	simm.s32 $0x0;
	v19 =	vor.u32 $0x3, v4;
	v5 =	vld.idx.msk [tilespmem:v5+s26+$0x0], $0xffff  }
0x26d: {  	v23 =	vor.u32 $0x8, v4;
	v14 =	vadd.f32 v15, v14;
	v15 =	vmov s11  }
0x26e: {  	v21 =	vor.u32 $0x8, v11;
	s19 =	simm.s32 $0x70;
	v10 =	vsub.f32 v10, v9;
	v15 =	vshll.u32 v15, $0x4  }
0x26f: {  	v29 =	vmov s19;
	v6 =	vsub.f32 v6, v12;
	v15 =	vor.u32 v2, v15  }
0x270: {  	v18 =	vmul.f32 $3.183098730e-01, v14;
	v10 =	vmul.f32 v10, v13;
	v20 =	vor.u32 $0x5, v15  }
0x271: {  	v29 =	vshll.u32 v29, $0x4;
	v16 =	vsub.f32 v16, v5;
	v6 =	vmul.f32 v6, v8  }
0x272: {  	s12 =	simm.s32 $0x50;
	v17 =	vor.u32 $0x3, v11;
	v11 =	vadd.f32 $1.258291200e+07, v18;
	v18 =	vadd.f32 v10, v9  }
0x273: {  	s18 =	simm.s32 $0x60;
	v4 =	vmul.f32 v16, v13;
	v16 =	vmov s12;
	v6 =	vadd.f32 v6, v12  }
0x274: {  	v10 =	vadd.f32 $-1.258291200e+07, v11;
	v9 =	vmul.f32 $3.183098730e-01, v18;
	v11 =	vmov s18;
	v13 =	vld.idx.msk [tilespmem:v15+s26+$0x0], $0xffff  }
0x275: {  	v24 =	vshll.u32 v16, $0x4;
	v12 =	vmul.f32 $3.183098730e-01, v6;
	v11 =	vshll.u32 v11, $0x4;
	v20 =	vld.idx.msk [tilespmem:v20+s26+$0x0], $0xffff  }
0x276: {  	v22 =	vmul.f32 $3.140625000e+00, v10;
	v16 =	vor.u32 v2, v11;
	v25 =	vadd.f32 $1.258291200e+07, v9  }
0x277: {  	v9 =	vld [tilespmem:s5+$0xFFFFFFE0];
	v11 =	vadd.f32 v4, v5;
	v26 =	vadd.f32 $1.258291200e+07, v12;
	v12 =	vor.u32 v2, v24  }
0x278: {  	v14 =	vsub.f32 v14, v22;
	v22 =	vmul.f32 $9.676535840e-04, v10;
	v24 =	vor.u32 $0x5, v12  }
0x279: {  	v27 =	vld.idx.msk [tilespmem:v21+s26+$0x0], $0xffff;
	v4 =	vor.u32 $0x5, v16;
	v21 =	vadd.f32 $-1.258291200e+07, v25;
	v26 =	vadd.f32 $-1.258291200e+07, v26  }
0x27a: {  	v17 =	vld.idx.msk [tilespmem:v17+s26+$0x0], $0xffff;
	v5 =	vtrunc.f32 v10;
	v10 =	vsub.f32 v14, v22;
	v14 =	vsub.f32 v20, v13  }
0x27b: {  	v31 =	vor.u32 $0x6, v15;
	v30 =	vmul.f32 $3.140625000e+00, v21;
	v25 =	vld.idx.msk [tilespmem:v16+s26+$0x0], $0xffff;
	v20 =	vmul.f32 $3.140625000e+00, v26  }
0x27c: {  	v35 =	vor.u32 $0x1, v15;
	v48 =	vor.u32 $0x2, v15;
	v28 =	vld.idx.msk [tilespmem:v12+s26+$0x0], $0xffff;
	v14 =	vmul.f32 v14, v9  }
0x27d: {  	v24 =	vld.idx.msk [tilespmem:v24+s26+$0x0], $0xffff;
	v6 =	vsub.f32 v6, v20;
	v20 =	vsub.f32 v18, v30;
	v18 =	vor.u32 v2, v29  }
0x27e: {  	s18 =	simm.s32 $0x6088;
	v22 =	vmul.f32 $9.676535840e-04, v26;
	v29 =	vld.idx.msk [tilespmem:v4+s26+$0x0], $0xffff;
	v4 =	vmul.f32 $9.676535840e-04, v21;
	v32 =	vor.u32 $0x5, v18  }
0x27f: {  	v50 =	vor.u32 $0x7, v15;
	v27 =	vsub.f32 v27, v17;
	v61 =	vadd.f32 v14, v13;
	v14 =	vld [tilespmem:s18+$0xFFFFFFF0]  }
0x280: {  	v13 =	vsub.f32 v20, v4;
	v30 =	vsub.f32 v6, v22;
	v4 =	vld [tilespmem:s18+$0x0];
	v6 =	vtrunc.f32 v21  }
0x281: {  	v47 =	vor.u32 $0x9, v15;
	v27 =	vmul.f32 v27, v8;
	v39 =	vcvt.f32.s32 v6;
	v6 =	vld [tilespmem:s18+$0x10]  }
0x282: {  	v5 =	vcvt.f32.s32 v5;
	v43 =	vor.u32 $0x6, v16;
	v24 =	vsub.f32 v24, v28;
	v37 =	vld.idx.msk [tilespmem:v18+s26+$0x0], $0xffff  }
0x283: {  	v57 =	vor.u32 $0x2, v16;
	v60 =	vor.u32 $0x7, v16;
	v33 =	vor.u32 $0x1, v12;
	[tilespmem:s2+$0xFFFFFFE0] =	vst v61;
	v32 =	vld.idx.msk [tilespmem:v32+s26+$0x0], $0xffff  }
0x284: {  	v34 =	vor.u32 $0x6, v12;
	v31 =	vld.idx.msk [tilespmem:v31+s26+$0x0], $0xffff;
	v29 =	vsub.f32 v29, v25;
	v24 =	vmul.f32 v24, v14  }
0x285: {  	v36 =	vor.u32 $0x2, v12;
	v27 =	vadd.f32 v27, v17;
	v38 =	vmul.f32 v30, v30;
	v35 =	vld.idx.msk [tilespmem:v35+s26+$0x0], $0xffff  }
0x286: {  	v24 =	vadd.f32 v24, v28;
	v28 =	vmul.f32 v29, v4;
	v29 =	vor.u32 $0x1, v16  }
0x287: {  	s19 =	simm.s32 $0x18088;
	v59 =	vld.idx.msk [tilespmem:v23+s26+$0x0], $0xffff;
	v55 =	vor.u32 $0x7, v12;
	v58 =	vxor.u32 $0x80000000, v27;
	v41 =	vmul.f32 $2.480158760e-05, v38  }
0x288: {  	v23 =	vmul.f32 v10, v10;
	[tilespmem:s19+$0xFFFFFFF0] =	vst v24;
	v24 =	vadd.f32 v28, v25;
	v32 =	vsub.f32 v32, v37  }
0x289: {  	v49 =	vor.u32 $0x1, v18;
	v41 =	vadd.f32 $-1.388888920e-03, v41;
	v25 =	vtrunc.f32 v26;
	v28 =	vld.idx.msk [tilespmem:v34+s26+$0x0], $0xffff  }
0x28a: {  	v26 =	vmul.f32 $1.984127010e-04, v38;
	v63 =	vld.idx.msk [tilespmem:v33+s26+$0x0], $0xffff;
	[tilespmem:s19+$0x0] =	vst v24;
	v24 =	vsub.f32 v31, v35;
	v32 =	vmul.f32 v32, v6  }
0x28b: {  	v44 =	vor.u32 $0x6, v18;
	v8 =	vor.u32 $0x3, v18;
	v62 =	vmul.f32 v41, v38;
	v29 =	vld.idx.msk [tilespmem:v29+s26+$0x0], $0xffff  }
0x28c: {  	v26 =	vsub.f32 $8.333332840e-03, v26;
	v43 =	vld.idx.msk [tilespmem:v43+s26+$0x0], $0xffff;
	v24 =	vmul.f32 v24, v9;
	v32 =	vadd.f32 v32, v37  }
0x28d: {  	v17 =	vor.u32 $0x8, v18;
	v45 =	vmul.f32 $1.984127010e-04, v23;
	v46 =	vor.u32 $0x7, v18  }
0x28e: {  	v19 =	vld.idx.msk [tilespmem:v19+s26+$0x0], $0xffff;
	v34 =	vadd.f32 $4.166666790e-02, v62;
	v26 =	vmul.f32 v26, v38;
	v24 =	vadd.f32 v24, v35;
	[tilespmem:s19+$0x10] =	vst v32  }
0x28f: {  	v22 =	vor.u32 $0x9, v16;
	v25 =	vcvt.f32.s32 v25;
	v28 =	vsub.f32 v28, v63;
	v52 =	vld.idx.msk [tilespmem:v49+s26+$0x0], $0xffff  }
0x290: {  	v20 =	vmul.f32 v13, v13;
	v34 =	vmul.f32 v34, v38;
	v26 =	vadd.f32 $-1.666666720e-01, v26;
	v53 =	vld.idx.msk [tilespmem:v44+s26+$0x0], $0xffff;
	[tilespmem:s7+$0xFFFFFFE0] =	vst v24  }
0x291: {  	v25 =	vand.u32 $0x1, v25;
	v54 =	vsub.f32 v43, v29;
	v28 =	vmul.f32 v28, v14;
	v33 =	vld.idx.msk [tilespmem:v48+s26+$0x0], $0xffff  }
0x292: {  	vm13 =	veq.s32 v25, $0x0;
	v51 =	vadd.f32 $-5.000000000e-01, v34;
	v26 =	vmul.f32 v26, v38;
	v25 =	vld.idx.msk [tilespmem:v50+s26+$0x0], $0xffff  }
0x293: {  	v40 =	vmul.f32 $1.984127010e-04, v20;
	v56 =	vmul.f32 v54, v4;
	v28 =	vadd.f32 v28, v63  }
0x294: {  	s29 =	simm.s32 $0x18888;
	v31 =	vsub.f32 v59, v19;
	v24 =	vmul.f32 v51, v38;
	v26 =	vadd.f32 $1.000000000e+00, v26  }
0x295: {  	v42 =	vmul.f32 $2.480158760e-05, v20;
	v29 =	vadd.f32 v56, v29;
	[tilespmem:s29+$0xFFFFFFF0] =	vst v28;
	v28 =	vsub.f32 v53, v52  }
0x296: {  	v27 =	vsel vm13, v27, v58;
	v24 =	vadd.f32 $1.000000000e+00, v24;
	v26 =	vmul.f32 v26, v30;
	v62 =	vld.idx.msk [tilespmem:v55+s26+$0x0], $0xffff  }
0x297: {  	v36 =	vld.idx.msk [tilespmem:v36+s26+$0x0], $0xffff;
	[tilespmem:s29+$0x0] =	vst v29;
	v29 =	vor.u32 $0x2, v18;
	v28 =	vmul.f32 v28, v6;
	v25 =	vsub.f32 v25, v33  }
0x298: {  	v61 =	vadd.f32 $-1.388888920e-03, v42;
	v7 =	vmul.f32 v31, v7;
	v24 =	vmul.f32 v24, v27;
	v63 =	vld.idx.msk [tilespmem:v57+s26+$0x0], $0xffff  }
0x299: {  	v26 =	vmul.f32 v26, v27;
	v27 =	vadd.f32 v28, v52;
	v28 =	vld.idx.msk [tilespmem:v60+s26+$0x0], $0xffff;
	v25 =	vmul.f32 v25, v9  }
0x29a: {  	v49 =	vor.u32 $0x8, v15;
	v48 =	vor.u32 $0x3, v15;
	v15 =	vor.u32 $0x4, v15  }
0x29b: {  	v21 =	vand.u32 $0x1, v5;
	v5 =	vor.u32 $0x3, v16;
	[tilespmem:s29+$0x10] =	vst v27;
	v25 =	vadd.f32 v25, v33  }
0x29c: {  	v40 =	vsub.f32 $8.333332840e-03, v40;
	v35 =	vmul.f32 v61, v20;
	v7 =	vadd.f32 v7, v19;
	v29 =	vld.idx.msk [tilespmem:v29+s26+$0x0], $0xffff  }
0x29d: {  	vm15 =	veq.s32 v21, $0x0;
	v38 =	vsub.f32 $8.333332840e-03, v45;
	v30 =	vsub.f32 v62, v36;
	v51 =	vld.idx.msk [tilespmem:v46+s26+$0x0], $0xffff;
	[tilespmem:s8+$0xFFFFFFE0] =	vst v25  }
0x29e: {  	v59 =	vmul.f32 v40, v20;
	v35 =	vadd.f32 $4.166666790e-02, v35;
	v25 =	vsub.f32 v28, v63;
	v52 =	vld.idx.msk [tilespmem:v47+s26+$0x0], $0xffff  }
0x29f: {  	v50 =	vmul.f32 v38, v23;
	v53 =	vor.u32 $0x8, v12;
	v30 =	vmul.f32 v30, v14;
	v15 =	vld.idx.msk [tilespmem:v15+s26+$0x0], $0xffff  }
0x2a0: {  	v54 =	vor.u32 $0x8, v16;
	v16 =	vor.u32 $0x4, v16;
	v25 =	vmul.f32 v25, v4  }
0x2a1: {  	v35 =	vmul.f32 v35, v20;
	v56 =	vor.u32 $0x9, v12;
	v55 =	vld.idx.msk [tilespmem:v49+s26+$0x0], $0xffff;
	v30 =	vadd.f32 v30, v36  }
0x2a2: {  	s31 =	simm.s32 $0x19088;
	v27 =	vor.u32 $0x3, v12;
	v37 =	vld.idx.msk [tilespmem:v48+s26+$0x0], $0xffff;
	v38 =	vsub.f32 v51, v29;
	v25 =	vadd.f32 v25, v63  }
0x2a3: {  	v57 =	vadd.f32 $-5.000000000e-01, v35;
	v12 =	vor.u32 $0x4, v12;
	[tilespmem:s31+$0xFFFFFFF0] =	vst v30;
	v30 =	vadd.f32 $-1.666666720e-01, v59  }
0x2a4: {  	v34 =	vld.idx.msk [tilespmem:v53+s26+$0x0], $0xffff;
	v38 =	vmul.f32 v38, v6;
	v19 =	vsub.f32 v52, v15;
	[tilespmem:s31+$0x0] =	vst v25;
	v25 =	vor.u32 $0x9, v18  }
0x2a5: {  	v39 =	vand.u32 $0x1, v39;
	v32 =	vmul.f32 v57, v20;
	v18 =	vor.u32 $0x4, v18;
	v16 =	vld.idx.msk [tilespmem:v16+s26+$0x0], $0xffff  }
0x2a6: {  	v20 =	vmul.f32 v30, v20;
	v29 =	vadd.f32 v38, v29;
	v22 =	vld.idx.msk [tilespmem:v22+s26+$0x0], $0xffff;
	v19 =	vmul.f32 v19, v9  }
0x2a7: {  	vm14 =	veq.s32 v39, $0x0;
	v58 =	vxor.u32 $0x80000000, v11;
	v27 =	vld.idx.msk [tilespmem:v27+s26+$0x0], $0xffff;
	v21 =	vsub.f32 v55, v37  }
0x2a8: {  	v11 =	vsel vm14, v11, v58;
	[tilespmem:s31+$0x10] =	vst v29;
	v15 =	vadd.f32 v19, v15;
	v19 =	vadd.f32 $1.000000000e+00, v20;
	v20 =	vld.idx.msk [tilespmem:v12+s26+$0x0], $0xffff  }
0x2a9: {  	v61 =	vadd.f32 $1.000000000e+00, v32;
	v28 =	vadd.f32 $-1.666666720e-01, v50;
	v29 =	vxor.u32 $0x80000000, v7;
	v25 =	vld.idx.msk [tilespmem:v25+s26+$0x0], $0xffff  }
0x2aa: {  	v9 =	vmul.f32 v21, v9;
	v12 =	vsel vm15, v7, v29;
	v18 =	vld.idx.msk [tilespmem:v18+s26+$0x0], $0xffff;
	v21 =	vmul.f32 $3.183098730e-01, v15  }
0x2ab: {  	v60 =	vld.idx.msk [tilespmem:v56+s26+$0x0], $0xffff;
	v7 =	vmul.f32 v19, v13;
	v19 =	vmul.f32 $2.480158760e-05, v23;
	v22 =	vsub.f32 v22, v16  }
0x2ac: {  	v30 =	vmul.f32 v61, v11;
	v29 =	vsub.f32 v34, v27;
	v21 =	vadd.f32 $1.258291200e+07, v21  }
0x2ad: {  	v62 =	vmul.f32 v7, v11;
	v7 =	vadd.f32 $-1.388888920e-03, v19;
	v22 =	vmul.f32 v22, v4  }
0x2ae: {  	v13 =	vadd.f32 v9, v37;
	v9 =	vmul.f32 v29, v14;
	v29 =	vadd.f32 $-1.258291200e+07, v21  }
0x2af: {  	v7 =	vmul.f32 v7, v23;
	v22 =	vadd.f32 v22, v16;
	v11 =	vsub.f32 v25, v18  }
0x2b0: {  	v28 =	vmul.f32 v28, v23;
	v16 =	vsub.f32 v60, v20;
	v19 =	vmul.f32 $3.140625000e+00, v29  }
0x2b1: {  	v7 =	vadd.f32 $4.166666790e-02, v7;
	v21 =	vmul.f32 $3.183098730e-01, v22;
	v11 =	vmul.f32 v11, v6  }
0x2b2: {  	v28 =	vadd.f32 $1.000000000e+00, v28;
	v14 =	vmul.f32 v16, v14;
	v16 =	vmul.f32 $9.676535840e-04, v29  }
0x2b3: {  	s20 =	simm.s32 $0x40;
	v19 =	vsub.f32 v15, v19;
	v7 =	vmul.f32 v7, v23;
	v21 =	vadd.f32 $1.258291200e+07, v21  }
0x2b4: {  	v15 =	vadd.f32 v14, v20;
	v18 =	vadd.f32 v11, v18;
	v11 =	vmov s20  }
0x2b5: {  	v9 =	vadd.f32 v9, v27;
	v11 =	vshll.u32 v11, $0x4;
	v14 =	vadd.f32 $-1.258291200e+07, v21  }
0x2b6: {  	v7 =	vadd.f32 $-5.000000000e-01, v7;
	v21 =	vsub.f32 v19, v16;
	v16 =	vmul.f32 $3.183098730e-01, v15  }
0x2b7: {  	v11 =	vor.u32 v2, v11;
	v27 =	vmul.f32 $3.183098730e-01, v18;
	v20 =	vmul.f32 $3.140625000e+00, v14  }
0x2b8: {  	s11 =	simm.s32 $0x19848;
	v63 =	vmul.f32 v7, v23;
	v19 =	vadd.f32 $1.258291200e+07, v16;
	v25 =	vmul.f32 v21, v21  }
0x2b9: {  	s5 =	simm.s32 $0x1A048;
	[tilespmem:s11+$0x10] =	vst v24;
	v16 =	vtrunc.f32 v14;
	v7 =	vsub.f32 v22, v20;
	v22 =	vmul.f32 $9.676535840e-04, v14  }
0x2ba: {  	[tilespmem:s5+$0x10] =	vst v26;
	v14 =	vor.u32 $0x5, v11;
	v20 =	vadd.f32 $1.258291200e+07, v27;
	v24 =	vmul.f32 $2.480158760e-05, v25  }
0x2bb: {  	s0 =	simm.s32 $0x80;
	[tilespmem:s11+$0xFFFFFFF0] =	vst v30;
	v17 =	vld.idx.msk [tilespmem:v17+s26+$0x0], $0xffff;
	v27 =	vmul.f32 v28, v10;
	v7 =	vsub.f32 v7, v22;
	v22 =	vtrunc.f32 v29  }
0x2bc: {  	s1 =	simm.s32 $0x19088;
	s2 =	simm.s32 $0x1A088;
	[tilespmem:s5+$0xFFFFFFF0] =	vst v62;
	s20 =	simm.s32 $0x19888;
	v10 =	vld.idx.msk [tilespmem:v54+s26+$0x0], $0xffff;
	v24 =	vadd.f32 $-1.388888920e-03, v24;
	v23 =	vcvt.f32.s32 v22;
	v22 =	vadd.f32 $1.000000000e+00, v63  }
.LBB2_11:
0x2bd: {  	s12 =	sadd.s32 $0x10, s0;
	s7 =	sadd.s32 $0x20, s0;
	s8 =	sadd.s32 $0x30, s0;
	v28 =	vld.idx.msk [tilespmem:v11+s26+$0x0], $0xffff;
	v30 =	vadd.f32 $-1.258291200e+07, v19;
	v29 =	vcvt.f32.s32 v16;
	v31 =	vadd.f32 $-1.258291200e+07, v20  }
0x2be: {  	p0 =	slt.u32 s0, $0x7C0;
	v16 =	vmov s12;
	v19 =	vmov s7;
	v24 =	vmul.f32 v24, v25;
	s12 =	smov.u32 s0;
	s0 =	sadd.s32 $0x40, s0  }
0x2bf: {  	v16 =	vshll.u32 v16, $0x4;
	v19 =	vshll.u32 v19, $0x4;
	v32 =	vld.idx.msk [tilespmem:v14+s26+$0x0], $0xffff;
	v33 =	vmul.f32 $9.676535840e-04, v31  }
0x2c0: {  	v34 =	vmul.f32 $3.140625000e+00, v31;
	v20 =	vor.u32 v2, v16;
	v19 =	vor.u32 v2, v19  }
0x2c1: {  	v37 =	vmul.f32 $1.984127010e-04, v25;
	v35 =	vor.u32 $0x5, v20;
	v36 =	vor.u32 $0x5, v19  }
0x2c2: {  	v23 =	vand.u32 $0x1, v23;
	v38 =	vor.u32 $0x1, v20;
	v39 =	vor.u32 $0x6, v20;
	v14 =	vld [tilespmem:s18+$0xFFFFFFE0]  }
0x2c3: {  	v26 =	vor.u32 $0x2, v20;
	v16 =	vor.u32 $0x9, v19;
	v34 =	vsub.f32 v18, v34;
	s18 =	sadd.s32 $0x40, s18  }
0x2c4: {  	v22 =	vmul.f32 v22, v12;
	vm0 =	veq.s32 v23, $0x0;
	v18 =	vadd.f32 $4.166666790e-02, v24;
	v40 =	vld [tilespmem:s18+$0x10]  }
0x2c5: {  	v24 =	vand.u32 $0x1, v29;
	v29 =	vsub.f32 $8.333332840e-03, v37;
	v23 =	vsub.f32 v32, v28;
	v41 =	vld.idx.msk [tilespmem:v19+s26+$0x0], $0xffff  }
0x2c6: {  	v42 =	vmul.f32 $3.140625000e+00, v30;
	v37 =	vmov s8;
	v18 =	vmul.f32 v18, v25;
	v32 =	vld.idx.msk [tilespmem:v20+s26+$0x0], $0xffff;
	[tilespmem:s11+$0x0] =	vst v22  }
0x2c7: {  	v43 =	vor.u32 $0x6, v11;
	v29 =	vmul.f32 v29, v25;
	v22 =	vmul.f32 v23, v14  }
0x2c8: {  	v15 =	vsub.f32 v15, v42;
	v23 =	vshll.u32 v37, $0x4;
	v37 =	vmul.f32 $9.676535840e-04, v30  }
0x2c9: {  	v42 =	vor.u32 $0x1, v11;
	v44 =	vadd.f32 $-5.000000000e-01, v18;
	v35 =	vld.idx.msk [tilespmem:v35+s26+$0x0], $0xffff;
	v22 =	vadd.f32 v22, v28  }
0x2ca: {  	v23 =	vor.u32 v2, v23;
	v18 =	vsub.f32 v15, v37;
	v37 =	vld.idx.msk [tilespmem:v8+s26+$0x0], $0xffff;
	v8 =	vadd.f32 $-1.666666720e-01, v29  }
0x2cb: {  	v30 =	vtrunc.f32 v30;
	v45 =	vor.u32 $0x5, v23;
	v29 =	vor.u32 $0x3, v19;
	v36 =	vld.idx.msk [tilespmem:v36+s26+$0x0], $0xffff;
	[tilespmem:s19+$0xFFFFFFE0] =	vst v22  }
0x2cc: {  	v33 =	vsub.f32 v34, v33;
	v22 =	vmul.f32 v18, v18;
	v15 =	vld [tilespmem:s18+$0xFFFFFFF0];
	v8 =	vmul.f32 v8, v25  }
0x2cd: {  	v34 =	vmul.f32 v44, v25;
	v44 =	vxor.u32 $0x80000000, v13;
	v30 =	vcvt.f32.s32 v30;
	v28 =	vld [tilespmem:s18+$0x0]  }
0x2ce: {  	v44 =	vsel vm0, v13, v44;
	v25 =	vmul.f32 $1.984127010e-04, v22;
	v46 =	vmul.f32 $2.480158760e-05, v22;
	v43 =	vld.idx.msk [tilespmem:v43+s26+$0x0], $0xffff  }
0x2cf: {  	v13 =	vand.u32 $0x1, v30;
	v35 =	vsub.f32 v35, v32;
	v8 =	vadd.f32 $1.000000000e+00, v8;
	v47 =	vld.idx.msk [tilespmem:v23+s26+$0x0], $0xffff  }
0x2d0: {  	v12 =	vmul.f32 v27, v12;
	v34 =	vadd.f32 $1.000000000e+00, v34;
	v30 =	vld.idx.msk [tilespmem:v45+s26+$0x0], $0xffff;
	v45 =	vmul.f32 v33, v33  }
0x2d1: {  	s19 =	sadd.s32 $0x40, s19;
	v8 =	vmul.f32 v8, v21;
	v27 =	vmul.f32 v35, v15;
	v35 =	vsub.f32 v36, v41;
	v36 =	vld.idx.msk [tilespmem:v42+s26+$0x0], $0xffff  }
0x2d2: {  	v34 =	vmul.f32 v34, v44;
	v17 =	vsub.f32 v17, v37;
	v21 =	vmul.f32 $2.480158760e-05, v45;
	[tilespmem:s5+$0x0] =	vst v12  }
0x2d3: {  	v12 =	vadd.f32 v27, v32;
	v27 =	vmul.f32 v35, v28;
	v32 =	vor.u32 $0x1, v19  }
0x2d4: {  	v8 =	vmul.f32 v8, v44;
	v35 =	vor.u32 $0x6, v19;
	v21 =	vadd.f32 $-1.388888920e-03, v21;
	[tilespmem:s11+$0xFFFFFFE0] =	vst v34;
	s11 =	smov.u32 s20  }
0x2d5: {  	[tilespmem:s19+$0xFFFFFFF0] =	vst v12;
	v12 =	vadd.f32 v27, v41;
	v27 =	vtrunc.f32 v31;
	v31 =	vmul.f32 $1.984127010e-04, v45  }
0x2d6: {  	v30 =	vsub.f32 v30, v47;
	v34 =	vld.idx.msk [tilespmem:v39+s26+$0x0], $0xffff;
	v27 =	vcvt.f32.s32 v27;
	v21 =	vmul.f32 v21, v45;
	[tilespmem:s5+$0xFFFFFFE0] =	vst v8;
	s5 =	smov.u32 s2  }
0x2d7: {  	v8 =	vsub.f32 v43, v36;
	[tilespmem:s19+$0x0] =	vst v12;
	v12 =	vor.u32 $0x2, v11;
	v31 =	vsub.f32 $8.333332840e-03, v31  }
0x2d8: {  	v39 =	vor.u32 $0x1, v23;
	v30 =	vmul.f32 v30, v40;
	v38 =	vld.idx.msk [tilespmem:v38+s26+$0x0], $0xffff;
	v21 =	vadd.f32 $4.166666790e-02, v21  }
0x2d9: {  	v41 =	vor.u32 $0x6, v23;
	v43 =	vor.u32 $0x7, v11;
	v42 =	vmul.f32 v8, v14;
	v32 =	vld.idx.msk [tilespmem:v32+s26+$0x0], $0xffff  }
0x2da: {  	v44 =	vmul.f32 v17, v6;
	v30 =	vadd.f32 v30, v47;
	v35 =	vld.idx.msk [tilespmem:v35+s26+$0x0], $0xffff;
	v21 =	vmul.f32 v21, v45  }
0x2db: {  	v6 =	vmovc v40;
	v8 =	vor.u32 $0x3, v23;
	v31 =	vmul.f32 v31, v45;
	v36 =	vadd.f32 v42, v36  }
0x2dc: {  	v17 =	vor.u32 $0x8, v23;
	[tilespmem:s19+$0x10] =	vst v30;
	v30 =	vadd.f32 v44, v37;
	v21 =	vadd.f32 $-5.000000000e-01, v21  }
0x2dd: {  	v27 =	vand.u32 $0x1, v27;
	v31 =	vadd.f32 $-1.666666720e-01, v31;
	v37 =	vld.idx.msk [tilespmem:v39+s26+$0x0], $0xffff;
	[tilespmem:s29+$0xFFFFFFE0] =	vst v36;
	v36 =	vadd.f32 $-1.388888920e-03, v46  }
0x2de: {  	v34 =	vsub.f32 v34, v38;
	s29 =	sadd.s32 $0x40, s29;
	v39 =	vld.idx.msk [tilespmem:v41+s26+$0x0], $0xffff;
	v21 =	vmul.f32 v21, v45;
	v40 =	vxor.u32 $0x80000000, v30  }
0x2df: {  	vm0 =	veq.s32 v27, $0x0;
	v31 =	vmul.f32 v31, v45;
	v41 =	vor.u32 $0x7, v20;
	v12 =	vld.idx.msk [tilespmem:v12+s26+$0x0], $0xffff  }
0x2e0: {  	v34 =	vmul.f32 v34, v15;
	v35 =	vsub.f32 v35, v32;
	v42 =	vld.idx.msk [tilespmem:v43+s26+$0x0], $0xffff;
	v21 =	vadd.f32 $1.000000000e+00, v21  }
0x2e1: {  	v27 =	vmul.f32 v7, v7;
	v31 =	vadd.f32 $1.000000000e+00, v31;
	v30 =	vsel vm0, v30, v40  }
0x2e2: {  	v34 =	vadd.f32 v34, v38;
	v35 =	vmul.f32 v35, v28;
	v38 =	vor.u32 $0x2, v19  }
0x2e3: {  	v40 =	vor.u32 $0x7, v19;
	v31 =	vmul.f32 v31, v33;
	v21 =	vmul.f32 v21, v30  }
0x2e4: {  	v32 =	vadd.f32 v35, v32;
	v33 =	vsub.f32 v39, v37;
	v35 =	vmul.f32 $1.984127010e-04, v27;
	[tilespmem:s29+$0xFFFFFFF0] =	vst v34;
	v34 =	vld.idx.msk [tilespmem:v5+s26+$0x0], $0xffff  }
0x2e5: {  	v36 =	vmul.f32 v36, v22;
	v39 =	vld.idx.msk [tilespmem:v41+s26+$0x0], $0xffff;
	v41 =	vor.u32 $0x2, v23;
	[tilespmem:s20+$0x10] =	vst v21;
	v21 =	vmul.f32 v31, v30  }
0x2e6: {  	v5 =	vmovc v29;
	v30 =	vmul.f32 v33, v6;
	v31 =	vsub.f32 v42, v12;
	[tilespmem:s29+$0x0] =	vst v32;
	v32 =	vor.u32 $0x9, v11  }
0x2e7: {  	v33 =	vor.u32 $0x7, v23;
	v35 =	vsub.f32 $8.333332840e-03, v35;
	v29 =	vld.idx.msk [tilespmem:v38+s26+$0x0], $0xffff;
	v38 =	vor.u32 $0x3, v11;
	[tilespmem:s2+$0x10] =	vst v21  }
0x2e8: {  	v21 =	vld.idx.msk [tilespmem:v26+s26+$0x0], $0xffff;
	v26 =	vadd.f32 v30, v37;
	v30 =	vmul.f32 v31, v14;
	v31 =	vor.u32 $0x8, v11  }
0x2e9: {  	v36 =	vadd.f32 $4.166666790e-02, v36;
	v35 =	vmul.f32 v35, v27;
	v37 =	vor.u32 $0x3, v20;
	v40 =	vld.idx.msk [tilespmem:v40+s26+$0x0], $0xffff  }
0x2ea: {  	vm0 =	veq.s32 v13, $0x0;
	v10 =	vsub.f32 v10, v34;
	[tilespmem:s29+$0x10] =	vst v26;
	v12 =	vadd.f32 v30, v12  }
0x2eb: {  	s31 =	sadd.s32 $0x40, s31;
	v11 =	vor.u32 $0x4, v11;
	v26 =	vmul.f32 v36, v22;
	v30 =	vadd.f32 $-1.666666720e-01, v35;
	v13 =	vld.idx.msk [tilespmem:v41+s26+$0x0], $0xffff  }
0x2ec: {  	v25 =	vsub.f32 $8.333332840e-03, v25;
	v35 =	vor.u32 $0x8, v19;
	v10 =	vmul.f32 v10, v4;
	v4 =	vmovc v28;
	v33 =	vld.idx.msk [tilespmem:v33+s26+$0x0], $0xffff;
	[tilespmem:s1+$0xFFFFFFE0] =	vst v12;
	s1 =	smov.u32 s31  }
0x2ed: {  	v26 =	vadd.f32 $-5.000000000e-01, v26;
	v12 =	vmul.f32 v30, v27;
	v28 =	vld.idx.msk [tilespmem:v31+s26+$0x0], $0xffff;
	v31 =	vxor.u32 $0x80000000, v9  }
0x2ee: {  	v36 =	vor.u32 $0x9, v20;
	v30 =	vsub.f32 v39, v21;
	v10 =	vadd.f32 v10, v34;
	v38 =	vld.idx.msk [tilespmem:v38+s26+$0x0], $0xffff  }
0x2ef: {  	vm1 =	veq.s32 v24, $0x0;
	v34 =	vsub.f32 v40, v29;
	v39 =	vadd.f32 $1.000000000e+00, v12;
	v32 =	vld.idx.msk [tilespmem:v32+s26+$0x0], $0xffff  }
0x2f0: {  	v24 =	vor.u32 $0x8, v20;
	v20 =	vor.u32 $0x4, v20;
	v12 =	vmul.f32 v30, v15;
	v11 =	vld.idx.msk [tilespmem:v11+s26+$0x0], $0xffff  }
0x2f1: {  	v19 =	vor.u32 $0x4, v19;
	v30 =	vmul.f32 v34, v4;
	v34 =	vxor.u32 $0x80000000, v10  }
0x2f2: {  	v21 =	vadd.f32 v12, v21;
	v33 =	vsub.f32 v33, v13;
	v12 =	vsel vm1, v10, v34  }
0x2f3: {  	v25 =	vmul.f32 v25, v22;
	v26 =	vmul.f32 v26, v22;
	v10 =	vadd.f32 v30, v29  }
0x2f4: {  	v9 =	vsel vm0, v9, v31;
	v28 =	vsub.f32 v28, v38;
	[tilespmem:s31+$0xFFFFFFF0] =	vst v21;
	v21 =	vmul.f32 v33, v6  }
0x2f5: {  	v26 =	vadd.f32 $1.000000000e+00, v26;
	v24 =	vld.idx.msk [tilespmem:v24+s26+$0x0], $0xffff;
	[tilespmem:s31+$0x0] =	vst v10;
	v10 =	vor.u32 $0x4, v23;
	v23 =	vor.u32 $0x9, v23  }
0x2f6: {  	v29 =	vld.idx.msk [tilespmem:v36+s26+$0x0], $0xffff;
	v13 =	vadd.f32 v21, v13;
	v21 =	vmul.f32 v28, v14;
	v28 =	vsub.f32 v32, v11  }
0x2f7: {  	v25 =	vadd.f32 $-1.666666720e-01, v25;
	v26 =	vmul.f32 v26, v9;
	v30 =	vld.idx.msk [tilespmem:v37+s26+$0x0], $0xffff  }
0x2f8: {  	v19 =	vld.idx.msk [tilespmem:v19+s26+$0x0], $0xffff;
	[tilespmem:s31+$0x10] =	vst v13;
	v13 =	vadd.f32 v21, v38;
	v14 =	vmul.f32 v28, v14  }
0x2f9: {  	v21 =	vmul.f32 v25, v22;
	v16 =	vld.idx.msk [tilespmem:v16+s26+$0x0], $0xffff;
	[tilespmem:s20+$0xFFFFFFF0] =	vst v26  }
0x2fa: {  	v22 =	vld.idx.msk [tilespmem:v23+s26+$0x0], $0xffff;
	v11 =	vadd.f32 v14, v11  }
0x2fb: {  	v14 =	vld.idx.msk [tilespmem:v10+s26+$0x0], $0xffff;
	v10 =	vadd.f32 $1.000000000e+00, v21  }
0x2fc: {  	v20 =	vld.idx.msk [tilespmem:v20+s26+$0x0], $0xffff  }
0x2fd: {  	v21 =	vsub.f32 v24, v30;
	v23 =	vmul.f32 $3.183098730e-01, v11;
	v17 =	vld.idx.msk [tilespmem:v17+s26+$0x0], $0xffff;
	v18 =	vmul.f32 v10, v18  }
0x2fe: {  	v10 =	vld.idx.msk [tilespmem:v35+s26+$0x0], $0xffff  }
0x2ff: {  	v16 =	vsub.f32 v16, v19;
	v23 =	vadd.f32 $1.258291200e+07, v23;
	v9 =	vmul.f32 v18, v9  }
0x300: {  	v18 =	vmul.f32 v21, v15;
	v21 =	vmul.f32 $2.480158760e-05, v27  }
0x301: {  	v16 =	vmul.f32 v16, v4;
	v23 =	vadd.f32 $-1.258291200e+07, v23;
	[tilespmem:s2+$0xFFFFFFF0] =	vst v9  }
0x302: {  	v22 =	vsub.f32 v22, v14;
	v21 =	vadd.f32 $-1.388888920e-03, v21  }
0x303: {  	v24 =	vsub.f32 v29, v20;
	v26 =	vadd.f32 v16, v19;
	v16 =	vmul.f32 $9.676535840e-04, v23  }
0x304: {  	v9 =	vadd.f32 v18, v30;
	v18 =	vmul.f32 $3.140625000e+00, v23;
	v19 =	vmul.f32 v21, v27  }
0x305: {  	v22 =	vmul.f32 v22, v6;
	v21 =	vmul.f32 $3.183098730e-01, v26  }
0x306: {  	v15 =	vmul.f32 v24, v15;
	v19 =	vadd.f32 $4.166666790e-02, v19  }
0x307: {  	v11 =	vsub.f32 v11, v18;
	v21 =	vadd.f32 $1.258291200e+07, v21  }
0x308: {  	v18 =	vadd.f32 v22, v14;
	v15 =	vadd.f32 v15, v20;
	v14 =	vmul.f32 v19, v27  }
0x309: {  	v19 =	vmov s12;
	v20 =	vadd.f32 $-1.258291200e+07, v21;
	v21 =	vsub.f32 v11, v16  }
0x30a: {  	v11 =	vshll.u32 v19, $0x4;
	v16 =	vmul.f32 $3.183098730e-01, v15;
	v14 =	vadd.f32 $-5.000000000e-01, v14  }
0x30b: {  	v24 =	vmul.f32 $3.183098730e-01, v18;
	v11 =	vor.u32 v2, v11;
	v22 =	vmul.f32 $3.140625000e+00, v20  }
.Ltmp4:
0x30c: {  	v19 =	vadd.f32 $1.258291200e+07, v16;
	v25 =	vmul.f32 v21, v21;
	v28 =	vmul.f32 v14, v27;
	(pc) =	sbr.rel @p0 .LBB2_11-.Ltmp4, $4  }
0x30d: {  	v16 =	vtrunc.f32 v20;
	v22 =	vsub.f32 v26, v22;
	v26 =	vmul.f32 $9.676535840e-04, v20  }
0x30e: {  	v14 =	vor.u32 $0x5, v11;
	v20 =	vadd.f32 $1.258291200e+07, v24;
	v24 =	vmul.f32 $2.480158760e-05, v25  }
0x30f: {  	v23 =	vtrunc.f32 v23;
	v27 =	vmul.f32 v39, v7;
	v7 =	vsub.f32 v22, v26  }
0x310: {  	s20 =	sadd.s32 $0x40, s20;
	s2 =	sadd.s32 $0x40, s2;
	v23 =	vcvt.f32.s32 v23;
	v24 =	vadd.f32 $-1.388888920e-03, v24;
	v22 =	vadd.f32 $1.000000000e+00, v28  }
0x311: {  	_ =	sdelay $0x3  }
0x312: {  	v26 =	vld.idx.msk [tilespmem:v11+s26+$0x0], $0xffff  }
0x313: {  	v28 =	vld.idx.msk [tilespmem:v14+s26+$0x0], $0xffff;
	_ =	sdelay $0x1  }
0x314: {  	v14 =	vld [tilespmem:s18+$0xFFFFFFE0];
	_ =	sdelay $0x2  }
0x315: {  	v28 =	vsub.f32 v28, v26;
	_ =	sdelay $0x1  }
0x316: {  	v29 =	vor.u32 $0x6, v11;
	v28 =	vmul.f32 v28, v14  }
0x317: {  	v30 =	vor.u32 $0x1, v11  }
0x318: {  	v26 =	vadd.f32 v28, v26;
	_ =	sdelay $0x1  }
0x319: {  	[tilespmem:s19+$0xFFFFFFE0] =	vst v26  }
0x31a: {  	v26 =	vld.idx.msk [tilespmem:v29+s26+$0x0], $0xffff  }
0x31b: {  	v38 =	vld.idx.msk [tilespmem:v30+s26+$0x0], $0xffff;
	_ =	sdelay $0x4  }
0x31c: {  	v26 =	vsub.f32 v26, v38;
	_ =	sdelay $0x1  }
0x31d: {  	v39 =	vor.u32 $0x2, v11;
	v26 =	vmul.f32 v26, v14  }
0x31e: {  	v40 =	vor.u32 $0x7, v11  }
0x31f: {  	v26 =	vadd.f32 v26, v38;
	_ =	sdelay $0x1  }
0x320: {  	[tilespmem:s29+$0xFFFFFFE0] =	vst v26  }
0x321: {  	v26 =	vld.idx.msk [tilespmem:v39+s26+$0x0], $0xffff  }
0x322: {  	v41 =	vld.idx.msk [tilespmem:v40+s26+$0x0], $0xffff;
	_ =	sdelay $0x3  }
0x323: {  	v20 =	vadd.f32 $-1.258291200e+07, v20;
	v19 =	vadd.f32 $-1.258291200e+07, v19;
	v31 =	vmul.f32 $1.984127010e-04, v25  }
0x324: {  	v32 =	vor.u32 $0x9, v11;
	v45 =	vor.u32 $0x4, v11;
	v28 =	vsub.f32 v41, v26  }
0x325: {  	v16 =	vcvt.f32.s32 v16;
	v50 =	vxor.u32 $0x80000000, v13;
	v54 =	vmul.f32 v27, v12  }
0x326: {  	v62 =	vmul.f32 v7, v7;
	v37 =	vor.u32 $0x3, v11;
	v28 =	vmul.f32 v28, v14  }
0x327: {  	v24 =	vmul.f32 v24, v25;
	v23 =	vand.u32 $0x1, v23;
	v22 =	vmul.f32 v22, v12  }
0x328: {  	v42 =	vmul.f32 $3.140625000e+00, v20;
	v43 =	vmul.f32 $9.676535840e-04, v20;
	v26 =	vadd.f32 v28, v26  }
0x329: {  	v8 =	vld.idx.msk [tilespmem:v8+s26+$0x0], $0xffff;
	v44 =	vmul.f32 $3.140625000e+00, v19;
	v31 =	vsub.f32 $8.333332840e-03, v31;
	v47 =	vmul.f32 $9.676535840e-04, v19  }
0x32a: {  	v5 =	vld.idx.msk [tilespmem:v5+s26+$0x0], $0xffff;
	vm0 =	veq.s32 v23, $0x0;
	v19 =	vtrunc.f32 v19;
	v18 =	vsub.f32 v18, v42;
	[tilespmem:s1+$0xFFFFFFE0] =	vst v26  }
0x32b: {  	v16 =	vand.u32 $0x1, v16;
	v20 =	vtrunc.f32 v20;
	v63 =	vmul.f32 $1.984127010e-04, v62;
	v26 =	vld.idx.msk [tilespmem:v32+s26+$0x0], $0xffff  }
0x32c: {  	v24 =	vadd.f32 $4.166666790e-02, v24;
	v13 =	vsel vm0, v13, v50;
	v18 =	vsub.f32 v18, v43;
	v29 =	vld.idx.msk [tilespmem:v45+s26+$0x0], $0xffff  }
0x32d: {  	v19 =	vcvt.f32.s32 v19;
	v20 =	vcvt.f32.s32 v20;
	vm1 =	veq.s32 v16, $0x0  }
0x32e: {  	v15 =	vsub.f32 v15, v44;
	v46 =	vmul.f32 v31, v25;
	v51 =	vmul.f32 v18, v18  }
0x32f: {  	v35 =	vsub.f32 $8.333332840e-03, v63;
	v24 =	vmul.f32 v24, v25;
	v19 =	vand.u32 $0x1, v19  }
0x330: {  	v17 =	vsub.f32 v17, v8;
	v10 =	vsub.f32 v10, v5;
	v52 =	vmul.f32 $2.480158760e-05, v51  }
0x331: {  	v20 =	vand.u32 $0x1, v20;
	v15 =	vsub.f32 v15, v47;
	v26 =	vsub.f32 v26, v29  }
0x332: {  	v49 =	vadd.f32 $-1.666666720e-01, v46;
	v43 =	vmul.f32 $2.480158760e-05, v62;
	v55 =	vadd.f32 $-1.388888920e-03, v52  }
0x333: {  	vm13 =	veq.s32 v20, $0x0;
	v6 =	vmul.f32 v17, v6;
	v26 =	vmul.f32 v26, v14  }
0x334: {  	v48 =	vadd.f32 $-5.000000000e-01, v24;
	v24 =	vmul.f32 v49, v25;
	v27 =	vmul.f32 v55, v51  }
0x335: {  	v4 =	vmul.f32 v10, v4;
	v47 =	vadd.f32 $-1.388888920e-03, v43;
	v58 =	vadd.f32 v26, v29  }
0x336: {  	v23 =	vmul.f32 v48, v25;
	v24 =	vadd.f32 $1.000000000e+00, v24;
	v27 =	vadd.f32 $4.166666790e-02, v27  }
0x337: {  	v6 =	vadd.f32 v6, v8;
	v10 =	vmul.f32 v47, v62;
	v61 =	vmul.f32 $3.183098730e-01, v58  }
0x338: {  	v23 =	vadd.f32 $1.000000000e+00, v23;
	v21 =	vmul.f32 v24, v21;
	v59 =	vmul.f32 v27, v51  }
0x339: {  	vm14 =	veq.s32 v19, $0x0;
	v10 =	vadd.f32 $4.166666790e-02, v10;
	v8 =	vadd.f32 $1.258291200e+07, v61  }
0x33a: {  	v23 =	vmul.f32 v23, v13;
	v13 =	vmul.f32 v21, v13;
	v21 =	vadd.f32 $-5.000000000e-01, v59  }
0x33b: {  	v4 =	vadd.f32 v4, v5;
	v56 =	vmul.f32 $1.984127010e-04, v51;
	v8 =	vadd.f32 $-1.258291200e+07, v8  }
0x33c: {  	v33 =	vxor.u32 $0x80000000, v6;
	v10 =	vmul.f32 v10, v62;
	v21 =	vmul.f32 v21, v51  }
0x33d: {  	v49 =	vxor.u32 $0x80000000, v4;
	v31 =	vsub.f32 $8.333332840e-03, v56;
	v36 =	vmul.f32 $3.140625000e+00, v8  }
0x33e: {  	v10 =	vadd.f32 $-5.000000000e-01, v10;
	v34 =	vadd.f32 $1.000000000e+00, v21;
	v21 =	vmul.f32 v35, v62  }
0x33f: {  	v38 =	vor.u32 $0x8, v11;
	v39 =	vmul.f32 $9.676535840e-04, v8;
	v17 =	vsub.f32 v58, v36  }
0x340: {  	v31 =	vmul.f32 v31, v51;
	v21 =	vadd.f32 $-1.666666720e-01, v21;
	v28 =	vmul.f32 v15, v15  }
0x341: {  	v6 =	vsel vm13, v6, v33;
	v10 =	vmul.f32 v10, v62;
	v17 =	vsub.f32 v17, v39  }
0x342: {  	v60 =	vadd.f32 $-1.666666720e-01, v31;
	v41 =	vmul.f32 v21, v62;
	v53 =	vmul.f32 $1.984127010e-04, v28  }
0x343: {  	v10 =	vadd.f32 $1.000000000e+00, v10;
	v57 =	vmul.f32 $2.480158760e-05, v28;
	v44 =	vmul.f32 v17, v17  }
0x344: {  	v4 =	vsel vm1, v4, v49;
	v5 =	vadd.f32 $1.000000000e+00, v41;
	v11 =	vld.idx.msk [tilespmem:v38+s26+$0x0], $0xffff;
	v42 =	vsub.f32 $8.333332840e-03, v53  }
0x345: {  	v20 =	vmul.f32 v34, v6;
	v46 =	vld.idx.msk [tilespmem:v37+s26+$0x0], $0xffff;
	v24 =	vadd.f32 $-1.388888920e-03, v57;
	v48 =	vmul.f32 $2.480158760e-05, v44  }
0x346: {  	v5 =	vmul.f32 v5, v7;
	v45 =	vxor.u32 $0x80000000, v9;
	v19 =	vmul.f32 v42, v28  }
0x347: {  	v24 =	vmul.f32 v24, v28;
	v26 =	vmul.f32 v60, v51;
	v50 =	vadd.f32 $-1.388888920e-03, v48  }
0x348: {  	v9 =	vsel vm14, v9, v45;
	v19 =	vadd.f32 $-1.666666720e-01, v19;
	v51 =	vmul.f32 $1.984127010e-04, v44  }
0x349: {  	v24 =	vadd.f32 $4.166666790e-02, v24;
	v26 =	vadd.f32 $1.000000000e+00, v26;
	v16 =	vmul.f32 v50, v44  }
0x34a: {  	v11 =	vsub.f32 v11, v46;
	v19 =	vmul.f32 v19, v28;
	v21 =	vsub.f32 $8.333332840e-03, v51  }
0x34b: {  	v40 =	vmul.f32 v24, v28;
	v18 =	vmul.f32 v26, v18;
	v16 =	vadd.f32 $4.166666790e-02, v16  }
0x34c: {  	v11 =	vmul.f32 v11, v14;
	v52 =	vadd.f32 $1.000000000e+00, v19;
	v53 =	vmul.f32 v21, v44  }
0x34d: {  	[tilespmem:s11+$0x0] =	vst v22;
	v6 =	vmul.f32 v18, v6;
	v18 =	vadd.f32 $-5.000000000e-01, v40;
	v16 =	vmul.f32 v16, v44  }
0x34e: {  	[tilespmem:s5+$0x0] =	vst v54;
	v60 =	vmul.f32 v10, v4;
	v4 =	vmul.f32 v5, v4;
	v55 =	vadd.f32 $-1.666666720e-01, v53  }
0x34f: {  	[tilespmem:s11+$0xFFFFFFE0] =	vst v23;
	v18 =	vmul.f32 v18, v28;
	v8 =	vtrunc.f32 v8;
	v56 =	vadd.f32 $-5.000000000e-01, v16  }
0x350: {  	[tilespmem:s5+$0xFFFFFFE0] =	vst v13;
	v11 =	vadd.f32 v11, v46;
	v8 =	vcvt.f32.s32 v8;
	v57 =	vmul.f32 v55, v44  }
0x351: {  	[tilespmem:s20+$0x10] =	vst v20;
	v54 =	vmul.f32 v52, v15;
	v18 =	vadd.f32 $1.000000000e+00, v18;
	v58 =	vmul.f32 v56, v44  }
0x352: {  	[tilespmem:s20+$0x0] =	vst v60;
	v61 =	vxor.u32 $0x80000000, v11;
	v8 =	vand.u32 $0x1, v8;
	v59 =	vadd.f32 $1.000000000e+00, v57  }
0x353: {  	[tilespmem:s2+$0x0] =	vst v4;
	v18 =	vmul.f32 v18, v9;
	vm15 =	veq.s32 v8, $0x0;
	v62 =	vadd.f32 $1.000000000e+00, v58  }
0x354: {  	[tilespmem:s2+$0x10] =	vst v6;
	v9 =	vmul.f32 v54, v9;
	v8 =	vsel vm15, v11, v61;
	v5 =	vmul.f32 v59, v17  }
0x355: {  	[tilespmem:s20+$0xFFFFFFF0] =	vst v18;
	v63 =	vmul.f32 v62, v8  }
0x356: {  	[tilespmem:s2+$0xFFFFFFF0] =	vst v9;
	v4 =	vmul.f32 v5, v8  }
0x357: {  	s0 =	rddreg [dreg:$0x5];
	[tilespmem:s20+$0xFFFFFFE0] =	vst v63  }
0x358: {  	s7 =	simm.s32 $0x18028;
	s0 =	sadd.s32 s0, s17;
	[tilespmem:s2+$0xFFFFFFE0] =	vst v4  }
0x359: {  	[hbm4b:s0+s6] =	stream.linear.scatter [tilespmem:s7], [sflag:$0x3], $0x800, $0x38;
	[tilespmem:$0x1A828] =	vst v63  }
0x35a: {  	_ =	swait.ge [sflag:s21], $0x800  }
0x35b: {  	[sflag:s21] =	ssyncset.done $0x0;
	s8 =	rddreg [dreg:$0x7]  }
0x35c: {  	s11 =	simm.s32 $0x18828;
	[sflag:s21] =	ssyncadd.s32 $0xFFFFF800;
	s0 =	sadd.s32 s8, s17  }
0x35d: {  	[hbm4b:s0+s6] =	stream.linear.scatter [tilespmem:s11], [sflag:$0x3], $0x800, $0x38;
	[tilespmem:$0x1A828] =	vst v63  }
0x35e: {  	_ =	swait.ge [sflag:s21], $0x800  }
0x35f: {  	[sflag:s21] =	ssyncset.done $0x0;
	s12 =	rddreg [dreg:$0x8]  }
0x360: {  	s18 =	simm.s32 $0x19028;
	[sflag:s21] =	ssyncadd.s32 $0xFFFFF800;
	s0 =	sadd.s32 s12, s17  }
0x361: {  	[hbm4b:s0+s6] =	stream.linear.scatter [tilespmem:s18], [sflag:$0x3], $0x800, $0x38;
	[tilespmem:$0x1A828] =	vst v63  }
0x362: {  	_ =	swait.ge [sflag:s21], $0x800  }
0x363: {  	[sflag:s21] =	ssyncset.done $0x0  }
0x364: {  	s19 =	sadd.s32 s9, s17;
	s20 =	simm.s32 $0x19828;
	[sflag:s21] =	ssyncadd.s32 $0xFFFFF800  }
0x365: {  	[hbm4b:s19+s6] =	stream.linear.scatter [tilespmem:s20], [sflag:$0x3], $0x800, $0x38;
	[tilespmem:$0x1A828] =	vst v63  }
0x366: {  	_ =	swait.ge [sflag:s21], $0x800  }
0x367: {  	s31 =	simm.s32 $0x1A028;
	p0 =	seq.s32 s14, $0xF;
	[sflag:s21] =	ssyncset.done $0x0  }
.Ltmp5:
0x368: {  	s29 =	sadd.s32 s10, s17;
	[sflag:s21] =	ssyncadd.s32 $0xFFFFF800;
	(pc) =	sbr.rel @p0 .LBB2_16-.Ltmp5, $4  }
0x369: {  	[hbm4b:s29+s6] =	stream.linear.scatter [tilespmem:s31], [sflag:$0x3], $0x800, $0x38;
	[tilespmem:$0x1A828] =	vst v63  }
0x36a: {  	_ =	swait.ge [sflag:s21], $0x800  }
0x36b: {  	[sflag:s21] =	ssyncset.done $0x0  }
0x36c: {  	[sflag:s21] =	ssyncadd.s32 $0xFFFFF800  }
0x36d: {  	s0 =	rddreg [dreg:$0x3]  }
0x36e: {  	s0 =	sadd.s32 s0, s17  }
0x36f: {  	s1 =	simm.s32 $0x5028;
	s0 =	sadd.s32 $0x200, s0  }
0x370: {  	[tilespmem:s1], [sflag:$0x3] =	stream.linear.gather [hbm4b:s0+s6], $0x800, $0x38;
	[tilespmem:$0x1A828] =	vst v63  }
0x371: {  	_ =	swait.ge [sflag:s21], $0x800  }
0x372: {  	[sflag:s21] =	ssyncset.done $0x0  }
0x373: {  	s29 =	simm.s32 $0x5048;
	[sflag:s21] =	ssyncadd.s32 $0xFFFFF800  }
0x374: {  	v7 =	vld [tilespmem:s29+$0x10]  }
0x375: {  	v8 =	vld [tilespmem:s29+$0xFFFFFFF0]  }
0x376: {  	v9 =	vld [tilespmem:s29+$0x0]  }
0x377: {  	v10 =	vld [tilespmem:s29+$0xFFFFFFE0];
	_ =	sdelay $0x1  }
0x378: {  	v4 =	vtrunc.f32 v7  }
0x379: {  	v5 =	vtrunc.f32 v8;
	v4 =	vcvt.f32.s32 v4  }
0x37a: {  	v6 =	vtrunc.f32 v9;
	v5 =	vcvt.f32.s32 v5  }
0x37b: {  	v11 =	vtrunc.f32 v10;
	v6 =	vcvt.f32.s32 v6;
	vm0 =	vgt.s32 v4, $0x0  }
0x37c: {  	v11 =	vcvt.f32.s32 v11;
	vm1 =	vgt.s32 v5, $0x0;
	v4 =	vnsel vm0, $0x0, v4  }
0x37d: {  	s31 =	simm.s32 $0x5088;
	v12 =	vnsel vm1, $0x0, v5;
	vm0 =	vgt.s32 v6, $0x0;
	v13 =	vmin.u32 v4, $0xFFFE  }
0x37e: {  	v5 =	vld [tilespmem:s31+$0x10];
	vm1 =	vgt.s32 v11, $0x0;
	v12 =	vmin.u32 v12, $0xFFFE;
	v14 =	vcvt.s32.f32 v13  }
0x37f: {  	v15 =	vnsel vm0, $0x0, v6;
	v6 =	vld [tilespmem:s31+$0xFFFFFFF0];
	v11 =	vnsel vm1, $0x0, v11;
	v16 =	vcvt.s32.f32 v12  }
0x380: {  	v4 =	vld [tilespmem:s31+$0x0];
	v11 =	vmin.u32 v11, $0xFFFE;
	v14 =	vsub.f32 v7, v14  }
0x381: {  	s1 =	simm.s32 $0x6048;
	v15 =	vmin.u32 v15, $0xFFFE;
	v17 =	vcvt.s32.f32 v11;
	v7 =	vld [tilespmem:s31+$0xFFFFFFE0];
	v8 =	vsub.f32 v8, v16  }
0x382: {  	v13 =	vor.u32 v1, v13;
	v12 =	vor.u32 v1, v12;
	v18 =	vcvt.s32.f32 v15;
	[tilespmem:s1+$0x10] =	vst v14  }
0x383: {  	s0 =	simm.s32 $0x5848;
	v11 =	vor.u32 v1, v11;
	v10 =	vsub.f32 v10, v17;
	v14 =	vtrunc.f32 v5;
	[tilespmem:s1+$0xFFFFFFF0] =	vst v8  }
0x384: {  	[tilespmem:s0+$0x10] =	vst v13;
	v13 =	vsub.f32 v9, v18;
	v9 =	vtrunc.f32 v6;
	v14 =	vcvt.f32.s32 v14  }
0x385: {  	v8 =	vor.u32 v1, v15;
	v15 =	vtrunc.f32 v4;
	[tilespmem:s1+$0xFFFFFFE0] =	vst v10;
	v9 =	vcvt.f32.s32 v9  }
0x386: {  	v10 =	vcvt.f32.s32 v15;
	[tilespmem:s0+$0xFFFFFFF0] =	vst v12;
	v63 =	vtrunc.f32 v7;
	vm0 =	vgt.s32 v14, $0x0  }
0x387: {  	[tilespmem:s0+$0xFFFFFFE0] =	vst v11;
	v11 =	vcvt.f32.s32 v63;
	vm1 =	vgt.s32 v9, $0x0;
	v14 =	vnsel vm0, $0x0, v14  }
0x388: {  	s2 =	simm.s32 $0x40;
	s5 =	simm.s32 $0x50C8;
	[tilespmem:s1+$0x0] =	vst v13;
	vm0 =	vgt.s32 v10, $0x0;
	v12 =	vnsel vm1, $0x0, v9;
	v9 =	vmin.u32 v14, $0xFFFE  }
.LBB2_14:
0x389: {  	v13 =	vld [tilespmem:s5+$0x10];
	vm1 =	vgt.s32 v11, $0x0;
	v10 =	vnsel vm0, $0x0, v10;
	v14 =	vcvt.s32.f32 v9;
	[tilespmem:s0+$0x0] =	vst v8  }
0x38a: {  	s2 =	sadd.s32 $0x40, s2;
	v15 =	vld [tilespmem:s5+$0xFFFFFFF0];
	v8 =	vnsel vm1, $0x0, v11;
	v11 =	vmin.u32 v12, $0xFFFE;
	v10 =	vmin.u32 v10, $0xFFFE  }
0x38b: {  	p0 =	slt.u32 s2, $0x7C0;
	v12 =	vld [tilespmem:s5+$0x0];
	v8 =	vmin.u32 v8, $0xFFFE;
	v16 =	vcvt.s32.f32 v11;
	v21 =	vsub.f32 v5, v14  }
0x38c: {  	s1 =	sadd.s32 $0x40, s1;
	v14 =	vld [tilespmem:s5+$0xFFFFFFE0];
	v17 =	vcvt.s32.f32 v8;
	v18 =	vor.u32 v1, v8;
	v8 =	vcvt.s32.f32 v10  }
0x38d: {  	s0 =	sadd.s32 $0x40, s0;
	v19 =	vsub.f32 v6, v16;
	v16 =	vor.u32 v1, v11;
	[tilespmem:s1+$0x10] =	vst v21;
	v11 =	vor.u32 v1, v9  }
0x38e: {  	v9 =	vtrunc.f32 v13;
	v20 =	vsub.f32 v7, v17;
	v17 =	vsub.f32 v4, v8;
	[tilespmem:s0+$0x10] =	vst v11;
	v5 =	vmovc v13  }
.Ltmp6:
0x38f: {  	v8 =	vor.u32 v1, v10;
	v11 =	vtrunc.f32 v15;
	v9 =	vcvt.f32.s32 v9;
	[tilespmem:s1+$0xFFFFFFF0] =	vst v19;
	v6 =	vmovc v15;
	(pc) =	sbr.rel @p0 .LBB2_14-.Ltmp6, $4  }
0x390: {  	v13 =	vcvt.f32.s32 v11;
	v10 =	vtrunc.f32 v12;
	[tilespmem:s1+$0xFFFFFFE0] =	vst v20;
	v4 =	vmov v12  }
0x391: {  	v11 =	vtrunc.f32 v14;
	v10 =	vcvt.f32.s32 v10;
	vm0 =	vgt.s32 v9, $0x0;
	[tilespmem:s0+$0xFFFFFFE0] =	vst v18;
	v7 =	vmovc v14  }
0x392: {  	v11 =	vcvt.f32.s32 v11;
	vm1 =	vgt.s32 v13, $0x0;
	v9 =	vnsel vm0, $0x0, v9;
	[tilespmem:s0+$0xFFFFFFF0] =	vst v16  }
0x393: {  	s5 =	sadd.s32 $0x40, s5;
	v12 =	vnsel vm1, $0x0, v13;
	vm0 =	vgt.s32 v10, $0x0;
	v9 =	vmin.u32 v9, $0xFFFE;
	[tilespmem:s1+$0x0] =	vst v17  }
0x394: {  	vm1 =	vgt.s32 v11, $0x0  }
0x395: {  	v13 =	vcvt.s32.f32 v9;
	v12 =	vmin.u32 v12, $0xFFFE;
	v10 =	vnsel vm0, $0x0, v10  }
0x396: {  	v11 =	vnsel vm1, $0x0, v11;
	v14 =	vcvt.s32.f32 v12;
	v10 =	vmin.u32 v10, $0xFFFE  }
0x397: {  	v11 =	vmin.u32 v11, $0xFFFE;
	v5 =	vsub.f32 v5, v13;
	v63 =	vcvt.s32.f32 v10  }
0x398: {  	s1 =	sadd.s32 $0x40, s1;
	[tilespmem:s0+$0x0] =	vst v8;
	v62 =	vcvt.s32.f32 v11;
	v6 =	vsub.f32 v6, v14  }
0x399: {  	[tilespmem:s1+$0x10] =	vst v5;
	v4 =	vsub.f32 v4, v63  }
0x39a: {  	v5 =	vsub.f32 v7, v62;
	[tilespmem:s1+$0xFFFFFFF0] =	vst v6  }
0x39b: {  	[tilespmem:s1+$0x0] =	vst v4  }
0x39c: {  	s11 =	sadd.s32 $0x40, s0;
	v4 =	vor.u32 v1, v9;
	[tilespmem:s1+$0xFFFFFFE0] =	vst v5  }
0x39d: {  	v5 =	vor.u32 v1, v11;
	[tilespmem:s11+$0x10] =	vst v4  }
0x39e: {  	v4 =	vor.u32 v1, v12;
	[tilespmem:s11+$0xFFFFFFE0] =	vst v5  }
0x39f: {  	v5 =	vor.u32 v1, v10;
	[tilespmem:s11+$0xFFFFFFF0] =	vst v4  }
0x3a0: {  	s12 =	simm.s32 $0x5828;
	[tilespmem:s11+$0x0] =	vst v5  }
0x3a1: {  	[tilespmem:s26], [sflag:$0x1] =	stream.indirect.gather [hbm4b:s3+s30], $0x10, s12, s30, $0xb8;
	[tilespmem:$0x1A828] =	vst v63  }
0x3a2: {  	s17 =	simm.s32 $0x58A8;
	s18 =	simm.s32 $0x7028  }
0x3a3: {  	[tilespmem:s18], [sflag:$0x1] =	stream.indirect.gather [hbm4b:s3+s30], $0x10, s17, s30, $0xb8;
	[tilespmem:$0x1A828] =	vst v63  }
0x3a4: {  	s19 =	simm.s32 $0x5928;
	s20 =	simm.s32 $0x7828  }
0x3a5: {  	[tilespmem:s20], [sflag:$0x1] =	stream.indirect.gather [hbm4b:s3+s30], $0x10, s19, s30, $0xb8;
	[tilespmem:$0x1A828] =	vst v63  }
0x3a6: {  	s29 =	simm.s32 $0x59A8;
	s31 =	simm.s32 $0x8028  }
0x3a7: {  	[tilespmem:s31], [sflag:$0x1] =	stream.indirect.gather [hbm4b:s3+s30], $0x10, s29, s30, $0xb8;
	[tilespmem:$0x1A828] =	vst v63  }
0x3a8: {  	s2 =	simm.s32 $0x5A28;
	s5 =	simm.s32 $0x8828  }
0x3a9: {  	[tilespmem:s5], [sflag:$0x1] =	stream.indirect.gather [hbm4b:s3+s30], $0x10, s2, s30, $0xb8;
	[tilespmem:$0x1A828] =	vst v63  }
0x3aa: {  	s7 =	simm.s32 $0x5AA8;
	s8 =	simm.s32 $0x9028  }
0x3ab: {  	[tilespmem:s8], [sflag:$0x1] =	stream.indirect.gather [hbm4b:s3+s30], $0x10, s7, s30, $0xb8;
	[tilespmem:$0x1A828] =	vst v63  }
0x3ac: {  	s11 =	simm.s32 $0x5B28;
	s12 =	simm.s32 $0x9828  }
0x3ad: {  	[tilespmem:s12], [sflag:$0x1] =	stream.indirect.gather [hbm4b:s3+s30], $0x10, s11, s30, $0xb8;
	[tilespmem:$0x1A828] =	vst v63  }
0x3ae: {  	s17 =	simm.s32 $0x5BA8;
	s18 =	simm.s32 $0xA028  }
0x3af: {  	[tilespmem:s18], [sflag:$0x1] =	stream.indirect.gather [hbm4b:s3+s30], $0x10, s17, s30, $0xb8;
	[tilespmem:$0x1A828] =	vst v63  }
0x3b0: {  	s19 =	simm.s32 $0x5C28;
	s20 =	simm.s32 $0xA828  }
0x3b1: {  	[tilespmem:s20], [sflag:$0x1] =	stream.indirect.gather [hbm4b:s3+s30], $0x10, s19, s30, $0xb8;
	[tilespmem:$0x1A828] =	vst v63  }
0x3b2: {  	s29 =	simm.s32 $0x5CA8;
	s31 =	simm.s32 $0xB028  }
0x3b3: {  	[tilespmem:s31], [sflag:$0x1] =	stream.indirect.gather [hbm4b:s3+s30], $0x10, s29, s30, $0xb8;
	[tilespmem:$0x1A828] =	vst v63  }
0x3b4: {  	s2 =	simm.s32 $0x5D28;
	s5 =	simm.s32 $0xB828  }
0x3b5: {  	[tilespmem:s5], [sflag:$0x1] =	stream.indirect.gather [hbm4b:s3+s30], $0x10, s2, s30, $0xb8;
	[tilespmem:$0x1A828] =	vst v63  }
0x3b6: {  	s7 =	simm.s32 $0x5DA8;
	s8 =	simm.s32 $0xC028  }
0x3b7: {  	[tilespmem:s8], [sflag:$0x1] =	stream.indirect.gather [hbm4b:s3+s30], $0x10, s7, s30, $0xb8;
	[tilespmem:$0x1A828] =	vst v63  }
0x3b8: {  	s11 =	simm.s32 $0x5E28;
	s12 =	simm.s32 $0xC828  }
0x3b9: {  	[tilespmem:s12], [sflag:$0x1] =	stream.indirect.gather [hbm4b:s3+s30], $0x10, s11, s30, $0xb8;
	[tilespmem:$0x1A828] =	vst v63  }
0x3ba: {  	s17 =	simm.s32 $0x5EA8;
	s18 =	simm.s32 $0xD028  }
0x3bb: {  	[tilespmem:s18], [sflag:$0x1] =	stream.indirect.gather [hbm4b:s3+s30], $0x10, s17, s30, $0xb8;
	[tilespmem:$0x1A828] =	vst v63  }
0x3bc: {  	s19 =	simm.s32 $0x5F28;
	s20 =	simm.s32 $0xD828  }
0x3bd: {  	[tilespmem:s20], [sflag:$0x1] =	stream.indirect.gather [hbm4b:s3+s30], $0x10, s19, s30, $0xb8;
	[tilespmem:$0x1A828] =	vst v63  }
0x3be: {  	s29 =	simm.s32 $0x5FA8;
	s31 =	simm.s32 $0xE028  }
0x3bf: {  	[tilespmem:s31], [sflag:$0x1] =	stream.indirect.gather [hbm4b:s3+s30], $0x10, s29, s30, $0xb8;
	[tilespmem:$0x1A828] =	vst v63  }
.LBB2_16:
0x3c0: {  	_ =	swait.ge [sflag:s13], $0x800  }
0x3c1: {  	[sflag:s13] =	ssyncset.done $0x0  }
0x3c2: {  	[sflag:s13] =	ssyncadd.s32 $0xFFFFF800  }
0x3c3: {  	_ =	swait.ge [sflag:s13], $0x800  }
0x3c4: {  	[sflag:s13] =	ssyncset.done $0x0  }
0x3c5: {  	[sflag:s13] =	ssyncadd.s32 $0xFFFFF800  }
0x3c6: {  	_ =	swait.ge [sflag:s13], $0x800  }
0x3c7: {  	[sflag:s13] =	ssyncset.done $0x0  }
0x3c8: {  	[sflag:s13] =	ssyncadd.s32 $0xFFFFF800  }
0x3c9: {  	_ =	swait.ge [sflag:s13], $0x800  }
0x3ca: {  	[sflag:s13] =	ssyncset.done $0x0  }
0x3cb: {  	[sflag:s13] =	ssyncadd.s32 $0xFFFFF800  }
0x3cc: {  	_ =	swait.ge [sflag:s13], $0x800  }
0x3cd: {  	[sflag:s13] =	ssyncset.done $0x0  }
0x3ce: {  	[sflag:s13] =	ssyncadd.s32 $0xFFFFF800  }
0x3cf: {  	_ =	swait.ge [sflag:s13], $0x800  }
0x3d0: {  	[sflag:s13] =	ssyncset.done $0x0  }
0x3d1: {  	[sflag:s13] =	ssyncadd.s32 $0xFFFFF800  }
0x3d2: {  	_ =	swait.ge [sflag:s13], $0x800  }
0x3d3: {  	[sflag:s13] =	ssyncset.done $0x0  }
0x3d4: {  	[sflag:s13] =	ssyncadd.s32 $0xFFFFF800  }
0x3d5: {  	_ =	swait.ge [sflag:s13], $0x800  }
0x3d6: {  	[sflag:s13] =	ssyncset.done $0x0  }
0x3d7: {  	[sflag:s13] =	ssyncadd.s32 $0xFFFFF800  }
0x3d8: {  	_ =	swait.ge [sflag:s13], $0x800  }
0x3d9: {  	[sflag:s13] =	ssyncset.done $0x0  }
0x3da: {  	[sflag:s13] =	ssyncadd.s32 $0xFFFFF800  }
0x3db: {  	_ =	swait.ge [sflag:s13], $0x800  }
0x3dc: {  	[sflag:s13] =	ssyncset.done $0x0  }
0x3dd: {  	[sflag:s13] =	ssyncadd.s32 $0xFFFFF800  }
0x3de: {  	_ =	swait.ge [sflag:s13], $0x800  }
0x3df: {  	[sflag:s13] =	ssyncset.done $0x0  }
0x3e0: {  	[sflag:s13] =	ssyncadd.s32 $0xFFFFF800  }
0x3e1: {  	_ =	swait.ge [sflag:s13], $0x800  }
0x3e2: {  	[sflag:s13] =	ssyncset.done $0x0  }
0x3e3: {  	[sflag:s13] =	ssyncadd.s32 $0xFFFFF800  }
0x3e4: {  	_ =	swait.ge [sflag:s13], $0x800  }
0x3e5: {  	[sflag:s13] =	ssyncset.done $0x0  }
0x3e6: {  	[sflag:s13] =	ssyncadd.s32 $0xFFFFF800  }
0x3e7: {  	_ =	swait.ge [sflag:s13], $0x800  }
0x3e8: {  	s0 =	simm.s32 $0x20;
	[sflag:s13] =	ssyncset.done $0x0  }
0x3e9: {  	s1 =	simm.s32 $0x10;
	v4 =	vmov s0;
	[sflag:s13] =	ssyncadd.s32 $0xFFFFF800  }
0x3ea: {  	v5 =	vmov s1;
	v4 =	vshll.u32 v4, $0x4;
	_ =	swait.ge [sflag:s13], $0x800  }
0x3eb: {  	v5 =	vshll.u32 v5, $0x4;
	v4 =	vor.u32 v2, v4;
	[sflag:s13] =	ssyncset.done $0x0  }
0x3ec: {  	v5 =	vor.u32 v2, v5;
	[sflag:s13] =	ssyncadd.s32 $0xFFFFF800  }
0x3ed: {  	v6 =	vor.u32 $0x5, v5;
	_ =	swait.ge [sflag:s13], $0x800  }
0x3ee: {  	s8 =	simm.s32 $0x30;
	v7 =	vor.u32 $0x5, v4;
	[sflag:s13] =	ssyncset.done $0x0  }
0x3ef: {  	v8 =	vmov s8;
	[sflag:s13] =	ssyncadd.s32 $0xFFFFF800  }
0x3f0: {  	v8 =	vshll.u32 v8, $0x4;
	v9 =	vld.idx.msk [tilespmem:v4+s28+$0x0], $0xffff  }
0x3f1: {  	v11 =	vor.u32 v2, v8;
	v10 =	vld.idx.msk [tilespmem:v5+s28+$0x0], $0xffff  }
0x3f2: {  	v8 =	vor.u32 $0x5, v11;
	v6 =	vld.idx.msk [tilespmem:v6+s28+$0x0], $0xffff  }
0x3f3: {  	s5 =	simm.s32 $0xF848;
	v12 =	vld.idx.msk [tilespmem:v7+s28+$0x0], $0xffff  }
0x3f4: {  	v13 =	vld [tilespmem:s5+$0xFFFFFFF0]  }
0x3f5: {  	v7 =	vld [tilespmem:s5+$0x0]  }
0x3f6: {  	v14 =	vld.idx.msk [tilespmem:v11+s28+$0x0], $0xffff  }
0x3f7: {  	v15 =	vld.idx.msk [tilespmem:v8+s28+$0x0], $0xffff  }
0x3f8: {  	v12 =	vsub.f32 v12, v9  }
0x3f9: {  	v8 =	vld [tilespmem:s5+$0x10]  }
0x3fa: {  	v16 =	vor.u32 $0x1, v4;
	v6 =	vsub.f32 v6, v10;
	v12 =	vmul.f32 v12, v7  }
0x3fb: {  	v17 =	vor.u32 $0x6, v5;
	v18 =	vor.u32 $0x6, v4  }
0x3fc: {  	v6 =	vmul.f32 v6, v13;
	v9 =	vadd.f32 v12, v9;
	v12 =	vsub.f32 v15, v14  }
0x3fd: {  	s2 =	simm.s32 $0x18048;
	v15 =	vor.u32 $0x1, v5  }
0x3fe: {  	v6 =	vadd.f32 v6, v10;
	v10 =	vor.u32 $0x1, v11;
	[tilespmem:s2+$0x0] =	vst v9;
	v9 =	vmul.f32 v12, v8  }
0x3ff: {  	v12 =	vld.idx.msk [tilespmem:v16+s28+$0x0], $0xffff;
	v16 =	vor.u32 $0x6, v11  }
0x400: {  	[tilespmem:s2+$0xFFFFFFF0] =	vst v6;
	v6 =	vld.idx.msk [tilespmem:v18+s28+$0x0], $0xffff;
	v9 =	vadd.f32 v9, v14  }
0x401: {  	v14 =	vld.idx.msk [tilespmem:v17+s28+$0x0], $0xffff  }
0x402: {  	v15 =	vld.idx.msk [tilespmem:v15+s28+$0x0], $0xffff;
	[tilespmem:s2+$0x10] =	vst v9  }
0x403: {  	v9 =	vld.idx.msk [tilespmem:v10+s28+$0x0], $0xffff  }
0x404: {  	v10 =	vld.idx.msk [tilespmem:v16+s28+$0x0], $0xffff  }
0x405: {  	v6 =	vsub.f32 v6, v12;
	_ =	sdelay $0x1  }
0x406: {  	v16 =	vor.u32 $0x2, v4;
	v14 =	vsub.f32 v14, v15;
	v6 =	vmul.f32 v6, v7  }
0x407: {  	v18 =	vor.u32 $0x7, v4;
	v17 =	vor.u32 $0x7, v5  }
0x408: {  	v14 =	vmul.f32 v14, v13;
	v6 =	vadd.f32 v6, v12;
	v10 =	vsub.f32 v10, v9  }
0x409: {  	s11 =	simm.s32 $0x18848;
	v12 =	vor.u32 $0x2, v5  }
0x40a: {  	v14 =	vadd.f32 v14, v15;
	v15 =	vor.u32 $0x2, v11;
	[tilespmem:s11+$0x0] =	vst v6;
	v6 =	vmul.f32 v10, v8  }
0x40b: {  	v10 =	vld.idx.msk [tilespmem:v16+s28+$0x0], $0xffff;
	v16 =	vor.u32 $0x7, v11  }
0x40c: {  	[tilespmem:s11+$0xFFFFFFF0] =	vst v14;
	v6 =	vadd.f32 v6, v9;
	v9 =	vld.idx.msk [tilespmem:v18+s28+$0x0], $0xffff  }
0x40d: {  	v14 =	vld.idx.msk [tilespmem:v17+s28+$0x0], $0xffff  }
0x40e: {  	v12 =	vld.idx.msk [tilespmem:v12+s28+$0x0], $0xffff;
	[tilespmem:s11+$0x10] =	vst v6  }
0x40f: {  	v6 =	vld.idx.msk [tilespmem:v15+s28+$0x0], $0xffff  }
0x410: {  	v15 =	vld.idx.msk [tilespmem:v16+s28+$0x0], $0xffff  }
0x411: {  	v9 =	vsub.f32 v9, v10;
	_ =	sdelay $0x1  }
0x412: {  	v16 =	vor.u32 $0x4, v4;
	v9 =	vmul.f32 v9, v7  }
0x413: {  	v17 =	vor.u32 $0x9, v4;
	v14 =	vsub.f32 v14, v12  }
0x414: {  	v15 =	vsub.f32 v15, v6;
	v9 =	vadd.f32 v9, v10  }
0x415: {  	s12 =	simm.s32 $0x19048;
	v14 =	vmul.f32 v14, v13  }
0x416: {  	v10 =	vor.u32 $0x9, v5;
	v15 =	vmul.f32 v15, v8;
	[tilespmem:s12+$0x0] =	vst v9  }
0x417: {  	v12 =	vadd.f32 v14, v12;
	v9 =	vor.u32 $0x9, v11;
	v14 =	vld.idx.msk [tilespmem:v16+s28+$0x0], $0xffff  }
0x418: {  	v18 =	vor.u32 $0x4, v5;
	v6 =	vadd.f32 v15, v6;
	v15 =	vld.idx.msk [tilespmem:v17+s28+$0x0], $0xffff  }
0x419: {  	v16 =	vor.u32 $0x4, v11  }
0x41a: {  	[tilespmem:s12+$0xFFFFFFF0] =	vst v12;
	v17 =	vor.u32 $0x8, v5  }
0x41b: {  	v5 =	vor.u32 $0x3, v5;
	v10 =	vld.idx.msk [tilespmem:v10+s28+$0x0], $0xffff;
	[tilespmem:s12+$0x10] =	vst v6  }
0x41c: {  	v6 =	vld.idx.msk [tilespmem:v9+s28+$0x0], $0xffff  }
0x41d: {  	v9 =	vld.idx.msk [tilespmem:v18+s28+$0x0], $0xffff;
	v15 =	vsub.f32 v15, v14  }
0x41e: {  	v12 =	vld.idx.msk [tilespmem:v16+s28+$0x0], $0xffff  }
0x41f: {  	s20 =	simm.s32 $0x70;
	v16 =	vld.idx.msk [tilespmem:v17+s28+$0x0], $0xffff;
	v15 =	vmul.f32 v15, v7  }
0x420: {  	s7 =	simm.s32 $0x0;
	v29 =	vmov s20;
	v5 =	vld.idx.msk [tilespmem:v5+s28+$0x0], $0xffff  }
0x421: {  	v29 =	vshll.u32 v29, $0x4;
	v14 =	vadd.f32 v15, v14;
	v15 =	vmov s7  }
0x422: {  	v19 =	vor.u32 $0x3, v4;
	v10 =	vsub.f32 v10, v9;
	v15 =	vshll.u32 v15, $0x4  }
0x423: {  	v21 =	vor.u32 $0x8, v11;
	v6 =	vsub.f32 v6, v12;
	v15 =	vor.u32 v2, v15  }
0x424: {  	v18 =	vmul.f32 $3.183098730e-01, v14;
	v10 =	vmul.f32 v10, v13;
	v20 =	vor.u32 $0x5, v15  }
0x425: {  	v23 =	vor.u32 $0x8, v4;
	v16 =	vsub.f32 v16, v5;
	v6 =	vmul.f32 v6, v8  }
0x426: {  	s8 =	simm.s32 $0x50;
	v17 =	vor.u32 $0x3, v11;
	v11 =	vadd.f32 $1.258291200e+07, v18;
	v18 =	vadd.f32 v10, v9  }
0x427: {  	s19 =	simm.s32 $0x60;
	v4 =	vmul.f32 v16, v13;
	v16 =	vmov s8;
	v6 =	vadd.f32 v6, v12  }
0x428: {  	v10 =	vadd.f32 $-1.258291200e+07, v11;
	v9 =	vmul.f32 $3.183098730e-01, v18;
	v11 =	vmov s19;
	v13 =	vld.idx.msk [tilespmem:v15+s28+$0x0], $0xffff  }
0x429: {  	v24 =	vshll.u32 v16, $0x4;
	v12 =	vmul.f32 $3.183098730e-01, v6;
	v11 =	vshll.u32 v11, $0x4;
	v20 =	vld.idx.msk [tilespmem:v20+s28+$0x0], $0xffff  }
0x42a: {  	v22 =	vmul.f32 $3.140625000e+00, v10;
	v16 =	vor.u32 v2, v11;
	v25 =	vadd.f32 $1.258291200e+07, v9  }
0x42b: {  	v9 =	vld [tilespmem:s5+$0xFFFFFFE0];
	v11 =	vadd.f32 v4, v5;
	v26 =	vadd.f32 $1.258291200e+07, v12;
	v12 =	vor.u32 v2, v24  }
0x42c: {  	v14 =	vsub.f32 v14, v22;
	v22 =	vmul.f32 $9.676535840e-04, v10;
	v24 =	vor.u32 $0x5, v12  }
0x42d: {  	v27 =	vld.idx.msk [tilespmem:v21+s28+$0x0], $0xffff;
	v4 =	vor.u32 $0x5, v16;
	v21 =	vadd.f32 $-1.258291200e+07, v25;
	v26 =	vadd.f32 $-1.258291200e+07, v26  }
0x42e: {  	v17 =	vld.idx.msk [tilespmem:v17+s28+$0x0], $0xffff;
	v5 =	vtrunc.f32 v10;
	v10 =	vsub.f32 v14, v22;
	v14 =	vsub.f32 v20, v13  }
0x42f: {  	v31 =	vor.u32 $0x6, v15;
	v30 =	vmul.f32 $3.140625000e+00, v21;
	v25 =	vld.idx.msk [tilespmem:v16+s28+$0x0], $0xffff;
	v20 =	vmul.f32 $3.140625000e+00, v26  }
0x430: {  	v35 =	vor.u32 $0x1, v15;
	v48 =	vor.u32 $0x2, v15;
	v28 =	vld.idx.msk [tilespmem:v12+s28+$0x0], $0xffff;
	v14 =	vmul.f32 v14, v9  }
0x431: {  	v24 =	vld.idx.msk [tilespmem:v24+s28+$0x0], $0xffff;
	v6 =	vsub.f32 v6, v20;
	v20 =	vsub.f32 v18, v30;
	v18 =	vor.u32 v2, v29  }
0x432: {  	s17 =	simm.s32 $0xF888;
	v22 =	vmul.f32 $9.676535840e-04, v26;
	v29 =	vld.idx.msk [tilespmem:v4+s28+$0x0], $0xffff;
	v4 =	vmul.f32 $9.676535840e-04, v21;
	v32 =	vor.u32 $0x5, v18  }
0x433: {  	v50 =	vor.u32 $0x7, v15;
	v27 =	vsub.f32 v27, v17;
	v61 =	vadd.f32 v14, v13;
	v14 =	vld [tilespmem:s17+$0xFFFFFFF0]  }
0x434: {  	v13 =	vsub.f32 v20, v4;
	v30 =	vsub.f32 v6, v22;
	v4 =	vld [tilespmem:s17+$0x0];
	v6 =	vtrunc.f32 v21  }
0x435: {  	v47 =	vor.u32 $0x9, v15;
	v27 =	vmul.f32 v27, v8;
	v39 =	vcvt.f32.s32 v6;
	v6 =	vld [tilespmem:s17+$0x10]  }
0x436: {  	v5 =	vcvt.f32.s32 v5;
	v43 =	vor.u32 $0x6, v16;
	v24 =	vsub.f32 v24, v28;
	v37 =	vld.idx.msk [tilespmem:v18+s28+$0x0], $0xffff  }
0x437: {  	v57 =	vor.u32 $0x2, v16;
	v60 =	vor.u32 $0x7, v16;
	v33 =	vor.u32 $0x1, v12;
	[tilespmem:s2+$0xFFFFFFE0] =	vst v61;
	v32 =	vld.idx.msk [tilespmem:v32+s28+$0x0], $0xffff  }
0x438: {  	v34 =	vor.u32 $0x6, v12;
	v31 =	vld.idx.msk [tilespmem:v31+s28+$0x0], $0xffff;
	v29 =	vsub.f32 v29, v25;
	v24 =	vmul.f32 v24, v14  }
0x439: {  	v36 =	vor.u32 $0x2, v12;
	v27 =	vadd.f32 v27, v17;
	v38 =	vmul.f32 v30, v30;
	v35 =	vld.idx.msk [tilespmem:v35+s28+$0x0], $0xffff  }
0x43a: {  	v24 =	vadd.f32 v24, v28;
	v28 =	vmul.f32 v29, v4;
	v29 =	vor.u32 $0x1, v16  }
0x43b: {  	s18 =	simm.s32 $0x18088;
	v59 =	vld.idx.msk [tilespmem:v23+s28+$0x0], $0xffff;
	v55 =	vor.u32 $0x7, v12;
	v58 =	vxor.u32 $0x80000000, v27;
	v41 =	vmul.f32 $2.480158760e-05, v38  }
0x43c: {  	v23 =	vmul.f32 v10, v10;
	[tilespmem:s18+$0xFFFFFFF0] =	vst v24;
	v24 =	vadd.f32 v28, v25;
	v32 =	vsub.f32 v32, v37  }
0x43d: {  	v49 =	vor.u32 $0x1, v18;
	v41 =	vadd.f32 $-1.388888920e-03, v41;
	v25 =	vtrunc.f32 v26;
	v28 =	vld.idx.msk [tilespmem:v34+s28+$0x0], $0xffff  }
0x43e: {  	v26 =	vmul.f32 $1.984127010e-04, v38;
	v63 =	vld.idx.msk [tilespmem:v33+s28+$0x0], $0xffff;
	[tilespmem:s18+$0x0] =	vst v24;
	v24 =	vsub.f32 v31, v35;
	v32 =	vmul.f32 v32, v6  }
0x43f: {  	v44 =	vor.u32 $0x6, v18;
	v8 =	vor.u32 $0x3, v18;
	v62 =	vmul.f32 v41, v38;
	v29 =	vld.idx.msk [tilespmem:v29+s28+$0x0], $0xffff  }
0x440: {  	v26 =	vsub.f32 $8.333332840e-03, v26;
	v43 =	vld.idx.msk [tilespmem:v43+s28+$0x0], $0xffff;
	v24 =	vmul.f32 v24, v9;
	v32 =	vadd.f32 v32, v37  }
0x441: {  	v17 =	vor.u32 $0x8, v18;
	v45 =	vmul.f32 $1.984127010e-04, v23;
	v46 =	vor.u32 $0x7, v18  }
0x442: {  	v19 =	vld.idx.msk [tilespmem:v19+s28+$0x0], $0xffff;
	v34 =	vadd.f32 $4.166666790e-02, v62;
	v26 =	vmul.f32 v26, v38;
	v24 =	vadd.f32 v24, v35;
	[tilespmem:s18+$0x10] =	vst v32  }
0x443: {  	v22 =	vor.u32 $0x9, v16;
	v25 =	vcvt.f32.s32 v25;
	v28 =	vsub.f32 v28, v63;
	v52 =	vld.idx.msk [tilespmem:v49+s28+$0x0], $0xffff  }
0x444: {  	v20 =	vmul.f32 v13, v13;
	v34 =	vmul.f32 v34, v38;
	v26 =	vadd.f32 $-1.666666720e-01, v26;
	v53 =	vld.idx.msk [tilespmem:v44+s28+$0x0], $0xffff;
	[tilespmem:s11+$0xFFFFFFE0] =	vst v24  }
0x445: {  	v25 =	vand.u32 $0x1, v25;
	v54 =	vsub.f32 v43, v29;
	v28 =	vmul.f32 v28, v14;
	v33 =	vld.idx.msk [tilespmem:v48+s28+$0x0], $0xffff  }
0x446: {  	vm0 =	veq.s32 v25, $0x0;
	v51 =	vadd.f32 $-5.000000000e-01, v34;
	v26 =	vmul.f32 v26, v38;
	v25 =	vld.idx.msk [tilespmem:v50+s28+$0x0], $0xffff  }
0x447: {  	v40 =	vmul.f32 $1.984127010e-04, v20;
	v56 =	vmul.f32 v54, v4;
	v28 =	vadd.f32 v28, v63  }
0x448: {  	s20 =	simm.s32 $0x18888;
	v31 =	vsub.f32 v59, v19;
	v24 =	vmul.f32 v51, v38;
	v26 =	vadd.f32 $1.000000000e+00, v26  }
0x449: {  	v42 =	vmul.f32 $2.480158760e-05, v20;
	v29 =	vadd.f32 v56, v29;
	[tilespmem:s20+$0xFFFFFFF0] =	vst v28;
	v28 =	vsub.f32 v53, v52  }
0x44a: {  	v27 =	vsel vm0, v27, v58;
	v24 =	vadd.f32 $1.000000000e+00, v24;
	v26 =	vmul.f32 v26, v30;
	v62 =	vld.idx.msk [tilespmem:v55+s28+$0x0], $0xffff  }
0x44b: {  	v36 =	vld.idx.msk [tilespmem:v36+s28+$0x0], $0xffff;
	[tilespmem:s20+$0x0] =	vst v29;
	v29 =	vor.u32 $0x2, v18;
	v28 =	vmul.f32 v28, v6;
	v25 =	vsub.f32 v25, v33  }
0x44c: {  	v61 =	vadd.f32 $-1.388888920e-03, v42;
	v7 =	vmul.f32 v31, v7;
	v24 =	vmul.f32 v24, v27;
	v63 =	vld.idx.msk [tilespmem:v57+s28+$0x0], $0xffff  }
0x44d: {  	v26 =	vmul.f32 v26, v27;
	v27 =	vadd.f32 v28, v52;
	v28 =	vld.idx.msk [tilespmem:v60+s28+$0x0], $0xffff;
	v25 =	vmul.f32 v25, v9  }
0x44e: {  	v49 =	vor.u32 $0x8, v15;
	v48 =	vor.u32 $0x3, v15;
	v15 =	vor.u32 $0x4, v15  }
0x44f: {  	v21 =	vand.u32 $0x1, v5;
	v5 =	vor.u32 $0x3, v16;
	[tilespmem:s20+$0x10] =	vst v27;
	v25 =	vadd.f32 v25, v33  }
0x450: {  	v40 =	vsub.f32 $8.333332840e-03, v40;
	v35 =	vmul.f32 v61, v20;
	v7 =	vadd.f32 v7, v19;
	v29 =	vld.idx.msk [tilespmem:v29+s28+$0x0], $0xffff  }
0x451: {  	vm1 =	veq.s32 v21, $0x0;
	v38 =	vsub.f32 $8.333332840e-03, v45;
	v30 =	vsub.f32 v62, v36;
	v51 =	vld.idx.msk [tilespmem:v46+s28+$0x0], $0xffff;
	[tilespmem:s12+$0xFFFFFFE0] =	vst v25  }
0x452: {  	v59 =	vmul.f32 v40, v20;
	v35 =	vadd.f32 $4.166666790e-02, v35;
	v25 =	vsub.f32 v28, v63;
	v52 =	vld.idx.msk [tilespmem:v47+s28+$0x0], $0xffff  }
0x453: {  	v50 =	vmul.f32 v38, v23;
	v53 =	vor.u32 $0x8, v12;
	v30 =	vmul.f32 v30, v14;
	v15 =	vld.idx.msk [tilespmem:v15+s28+$0x0], $0xffff  }
0x454: {  	v54 =	vor.u32 $0x8, v16;
	v16 =	vor.u32 $0x4, v16;
	v25 =	vmul.f32 v25, v4  }
0x455: {  	v35 =	vmul.f32 v35, v20;
	v56 =	vor.u32 $0x9, v12;
	v55 =	vld.idx.msk [tilespmem:v49+s28+$0x0], $0xffff;
	v30 =	vadd.f32 v30, v36  }
0x456: {  	s29 =	simm.s32 $0x19088;
	v27 =	vor.u32 $0x3, v12;
	v37 =	vld.idx.msk [tilespmem:v48+s28+$0x0], $0xffff;
	v38 =	vsub.f32 v51, v29;
	v25 =	vadd.f32 v25, v63  }
0x457: {  	v57 =	vadd.f32 $-5.000000000e-01, v35;
	v12 =	vor.u32 $0x4, v12;
	[tilespmem:s29+$0xFFFFFFF0] =	vst v30;
	v30 =	vadd.f32 $-1.666666720e-01, v59  }
0x458: {  	v34 =	vld.idx.msk [tilespmem:v53+s28+$0x0], $0xffff;
	v38 =	vmul.f32 v38, v6;
	v19 =	vsub.f32 v52, v15;
	[tilespmem:s29+$0x0] =	vst v25;
	v25 =	vor.u32 $0x9, v18  }
0x459: {  	v39 =	vand.u32 $0x1, v39;
	v32 =	vmul.f32 v57, v20;
	v18 =	vor.u32 $0x4, v18;
	v16 =	vld.idx.msk [tilespmem:v16+s28+$0x0], $0xffff  }
0x45a: {  	v20 =	vmul.f32 v30, v20;
	v29 =	vadd.f32 v38, v29;
	v22 =	vld.idx.msk [tilespmem:v22+s28+$0x0], $0xffff;
	v19 =	vmul.f32 v19, v9  }
0x45b: {  	vm15 =	veq.s32 v39, $0x0;
	v58 =	vxor.u32 $0x80000000, v11;
	v27 =	vld.idx.msk [tilespmem:v27+s28+$0x0], $0xffff;
	v21 =	vsub.f32 v55, v37  }
0x45c: {  	v11 =	vsel vm15, v11, v58;
	[tilespmem:s29+$0x10] =	vst v29;
	v15 =	vadd.f32 v19, v15;
	v19 =	vadd.f32 $1.000000000e+00, v20;
	v20 =	vld.idx.msk [tilespmem:v12+s28+$0x0], $0xffff  }
0x45d: {  	v61 =	vadd.f32 $1.000000000e+00, v32;
	v28 =	vadd.f32 $-1.666666720e-01, v50;
	v29 =	vxor.u32 $0x80000000, v7;
	v25 =	vld.idx.msk [tilespmem:v25+s28+$0x0], $0xffff  }
0x45e: {  	v9 =	vmul.f32 v21, v9;
	v12 =	vsel vm1, v7, v29;
	v18 =	vld.idx.msk [tilespmem:v18+s28+$0x0], $0xffff;
	v21 =	vmul.f32 $3.183098730e-01, v15  }
0x45f: {  	v60 =	vld.idx.msk [tilespmem:v56+s28+$0x0], $0xffff;
	v7 =	vmul.f32 v19, v13;
	v19 =	vmul.f32 $2.480158760e-05, v23;
	v22 =	vsub.f32 v22, v16  }
0x460: {  	v30 =	vmul.f32 v61, v11;
	v29 =	vsub.f32 v34, v27;
	v21 =	vadd.f32 $1.258291200e+07, v21  }
0x461: {  	v62 =	vmul.f32 v7, v11;
	v7 =	vadd.f32 $-1.388888920e-03, v19;
	v22 =	vmul.f32 v22, v4  }
0x462: {  	v13 =	vadd.f32 v9, v37;
	v9 =	vmul.f32 v29, v14;
	v29 =	vadd.f32 $-1.258291200e+07, v21  }
0x463: {  	v7 =	vmul.f32 v7, v23;
	v22 =	vadd.f32 v22, v16;
	v11 =	vsub.f32 v25, v18  }
0x464: {  	v28 =	vmul.f32 v28, v23;
	v16 =	vsub.f32 v60, v20;
	v19 =	vmul.f32 $3.140625000e+00, v29  }
0x465: {  	v7 =	vadd.f32 $4.166666790e-02, v7;
	v21 =	vmul.f32 $3.183098730e-01, v22;
	v11 =	vmul.f32 v11, v6  }
0x466: {  	v28 =	vadd.f32 $1.000000000e+00, v28;
	v14 =	vmul.f32 v16, v14;
	v16 =	vmul.f32 $9.676535840e-04, v29  }
0x467: {  	s31 =	simm.s32 $0x40;
	v19 =	vsub.f32 v15, v19;
	v7 =	vmul.f32 v7, v23;
	v21 =	vadd.f32 $1.258291200e+07, v21  }
0x468: {  	v15 =	vadd.f32 v14, v20;
	v18 =	vadd.f32 v11, v18;
	v11 =	vmov s31  }
0x469: {  	v9 =	vadd.f32 v9, v27;
	v11 =	vshll.u32 v11, $0x4;
	v14 =	vadd.f32 $-1.258291200e+07, v21  }
0x46a: {  	v7 =	vadd.f32 $-5.000000000e-01, v7;
	v21 =	vsub.f32 v19, v16;
	v16 =	vmul.f32 $3.183098730e-01, v15  }
0x46b: {  	v11 =	vor.u32 v2, v11;
	v27 =	vmul.f32 $3.183098730e-01, v18;
	v20 =	vmul.f32 $3.140625000e+00, v14  }
0x46c: {  	s11 =	simm.s32 $0x19848;
	v63 =	vmul.f32 v7, v23;
	v19 =	vadd.f32 $1.258291200e+07, v16;
	v25 =	vmul.f32 v21, v21  }
0x46d: {  	s5 =	simm.s32 $0x1A048;
	[tilespmem:s11+$0x10] =	vst v24;
	v16 =	vtrunc.f32 v14;
	v7 =	vsub.f32 v22, v20;
	v22 =	vmul.f32 $9.676535840e-04, v14  }
0x46e: {  	[tilespmem:s5+$0x10] =	vst v26;
	v14 =	vor.u32 $0x5, v11;
	v20 =	vadd.f32 $1.258291200e+07, v27;
	v24 =	vmul.f32 $2.480158760e-05, v25  }
0x46f: {  	s0 =	simm.s32 $0x80;
	[tilespmem:s11+$0xFFFFFFF0] =	vst v30;
	v17 =	vld.idx.msk [tilespmem:v17+s28+$0x0], $0xffff;
	v27 =	vmul.f32 v28, v10;
	v7 =	vsub.f32 v7, v22;
	v22 =	vtrunc.f32 v29  }
0x470: {  	s1 =	simm.s32 $0x19088;
	s19 =	simm.s32 $0x1A088;
	s2 =	simm.s32 $0x19888;
	[tilespmem:s5+$0xFFFFFFF0] =	vst v62;
	v10 =	vld.idx.msk [tilespmem:v54+s28+$0x0], $0xffff;
	v24 =	vadd.f32 $-1.388888920e-03, v24;
	v23 =	vcvt.f32.s32 v22;
	v22 =	vadd.f32 $1.000000000e+00, v63  }
.LBB2_17:
0x471: {  	s7 =	sadd.s32 $0x10, s0;
	s8 =	sadd.s32 $0x20, s0;
	s31 =	sadd.s32 $0x30, s0;
	v28 =	vld.idx.msk [tilespmem:v11+s28+$0x0], $0xffff;
	v30 =	vadd.f32 $-1.258291200e+07, v19;
	v29 =	vcvt.f32.s32 v16;
	v31 =	vadd.f32 $-1.258291200e+07, v20  }
0x472: {  	p0 =	slt.u32 s0, $0x7C0;
	s12 =	smov.u32 s0;
	s0 =	sadd.s32 $0x40, s0;
	v16 =	vmov s7;
	v19 =	vmov s8;
	v24 =	vmul.f32 v24, v25  }
0x473: {  	v16 =	vshll.u32 v16, $0x4;
	v19 =	vshll.u32 v19, $0x4;
	v32 =	vld.idx.msk [tilespmem:v14+s28+$0x0], $0xffff;
	v33 =	vmul.f32 $9.676535840e-04, v31  }
0x474: {  	v34 =	vmul.f32 $3.140625000e+00, v31;
	v20 =	vor.u32 v2, v16;
	v19 =	vor.u32 v2, v19  }
0x475: {  	v37 =	vmul.f32 $1.984127010e-04, v25;
	v35 =	vor.u32 $0x5, v20;
	v36 =	vor.u32 $0x5, v19  }
0x476: {  	v23 =	vand.u32 $0x1, v23;
	v38 =	vor.u32 $0x1, v20;
	v39 =	vor.u32 $0x6, v20;
	v14 =	vld [tilespmem:s17+$0xFFFFFFE0]  }
0x477: {  	v26 =	vor.u32 $0x2, v20;
	v16 =	vor.u32 $0x9, v19;
	v34 =	vsub.f32 v18, v34;
	s17 =	sadd.s32 $0x40, s17  }
0x478: {  	v22 =	vmul.f32 v22, v12;
	vm0 =	veq.s32 v23, $0x0;
	v18 =	vadd.f32 $4.166666790e-02, v24;
	v40 =	vld [tilespmem:s17+$0x10]  }
0x479: {  	v24 =	vand.u32 $0x1, v29;
	v29 =	vsub.f32 $8.333332840e-03, v37;
	v23 =	vsub.f32 v32, v28;
	v41 =	vld.idx.msk [tilespmem:v19+s28+$0x0], $0xffff  }
0x47a: {  	v42 =	vmul.f32 $3.140625000e+00, v30;
	v37 =	vmov s31;
	v18 =	vmul.f32 v18, v25;
	v32 =	vld.idx.msk [tilespmem:v20+s28+$0x0], $0xffff;
	[tilespmem:s11+$0x0] =	vst v22  }
0x47b: {  	v43 =	vor.u32 $0x6, v11;
	v29 =	vmul.f32 v29, v25;
	v22 =	vmul.f32 v23, v14  }
0x47c: {  	v15 =	vsub.f32 v15, v42;
	v23 =	vshll.u32 v37, $0x4;
	v37 =	vmul.f32 $9.676535840e-04, v30  }
0x47d: {  	v42 =	vor.u32 $0x1, v11;
	v44 =	vadd.f32 $-5.000000000e-01, v18;
	v35 =	vld.idx.msk [tilespmem:v35+s28+$0x0], $0xffff;
	v22 =	vadd.f32 v22, v28  }
0x47e: {  	v23 =	vor.u32 v2, v23;
	v18 =	vsub.f32 v15, v37;
	v37 =	vld.idx.msk [tilespmem:v8+s28+$0x0], $0xffff;
	v8 =	vadd.f32 $-1.666666720e-01, v29  }
0x47f: {  	v30 =	vtrunc.f32 v30;
	v45 =	vor.u32 $0x5, v23;
	v29 =	vor.u32 $0x3, v19;
	v36 =	vld.idx.msk [tilespmem:v36+s28+$0x0], $0xffff;
	[tilespmem:s18+$0xFFFFFFE0] =	vst v22  }
0x480: {  	v33 =	vsub.f32 v34, v33;
	v22 =	vmul.f32 v18, v18;
	v15 =	vld [tilespmem:s17+$0xFFFFFFF0];
	v8 =	vmul.f32 v8, v25  }
0x481: {  	v34 =	vmul.f32 v44, v25;
	v44 =	vxor.u32 $0x80000000, v13;
	v30 =	vcvt.f32.s32 v30;
	v28 =	vld [tilespmem:s17+$0x0]  }
0x482: {  	v44 =	vsel vm0, v13, v44;
	v25 =	vmul.f32 $1.984127010e-04, v22;
	v46 =	vmul.f32 $2.480158760e-05, v22;
	v43 =	vld.idx.msk [tilespmem:v43+s28+$0x0], $0xffff  }
0x483: {  	v13 =	vand.u32 $0x1, v30;
	v35 =	vsub.f32 v35, v32;
	v8 =	vadd.f32 $1.000000000e+00, v8;
	v47 =	vld.idx.msk [tilespmem:v23+s28+$0x0], $0xffff  }
0x484: {  	v12 =	vmul.f32 v27, v12;
	v34 =	vadd.f32 $1.000000000e+00, v34;
	v30 =	vld.idx.msk [tilespmem:v45+s28+$0x0], $0xffff;
	v45 =	vmul.f32 v33, v33  }
0x485: {  	s18 =	sadd.s32 $0x40, s18;
	v8 =	vmul.f32 v8, v21;
	v27 =	vmul.f32 v35, v15;
	v35 =	vsub.f32 v36, v41;
	v36 =	vld.idx.msk [tilespmem:v42+s28+$0x0], $0xffff  }
0x486: {  	v34 =	vmul.f32 v34, v44;
	v17 =	vsub.f32 v17, v37;
	v21 =	vmul.f32 $2.480158760e-05, v45;
	[tilespmem:s5+$0x0] =	vst v12  }
0x487: {  	v12 =	vadd.f32 v27, v32;
	v27 =	vmul.f32 v35, v28;
	v32 =	vor.u32 $0x1, v19  }
0x488: {  	v8 =	vmul.f32 v8, v44;
	v35 =	vor.u32 $0x6, v19;
	v21 =	vadd.f32 $-1.388888920e-03, v21;
	[tilespmem:s11+$0xFFFFFFE0] =	vst v34;
	s11 =	smov.u32 s2  }
0x489: {  	[tilespmem:s18+$0xFFFFFFF0] =	vst v12;
	v12 =	vadd.f32 v27, v41;
	v27 =	vtrunc.f32 v31;
	v31 =	vmul.f32 $1.984127010e-04, v45  }
0x48a: {  	v30 =	vsub.f32 v30, v47;
	v34 =	vld.idx.msk [tilespmem:v39+s28+$0x0], $0xffff;
	v27 =	vcvt.f32.s32 v27;
	v21 =	vmul.f32 v21, v45;
	[tilespmem:s5+$0xFFFFFFE0] =	vst v8;
	s5 =	smov.u32 s19  }
0x48b: {  	v8 =	vsub.f32 v43, v36;
	[tilespmem:s18+$0x0] =	vst v12;
	v12 =	vor.u32 $0x2, v11;
	v31 =	vsub.f32 $8.333332840e-03, v31  }
0x48c: {  	v39 =	vor.u32 $0x1, v23;
	v30 =	vmul.f32 v30, v40;
	v38 =	vld.idx.msk [tilespmem:v38+s28+$0x0], $0xffff;
	v21 =	vadd.f32 $4.166666790e-02, v21  }
0x48d: {  	v41 =	vor.u32 $0x6, v23;
	v43 =	vor.u32 $0x7, v11;
	v42 =	vmul.f32 v8, v14;
	v32 =	vld.idx.msk [tilespmem:v32+s28+$0x0], $0xffff  }
0x48e: {  	v44 =	vmul.f32 v17, v6;
	v30 =	vadd.f32 v30, v47;
	v35 =	vld.idx.msk [tilespmem:v35+s28+$0x0], $0xffff;
	v21 =	vmul.f32 v21, v45  }
0x48f: {  	v6 =	vmovc v40;
	v8 =	vor.u32 $0x3, v23;
	v31 =	vmul.f32 v31, v45;
	v36 =	vadd.f32 v42, v36  }
0x490: {  	v17 =	vor.u32 $0x8, v23;
	[tilespmem:s18+$0x10] =	vst v30;
	v30 =	vadd.f32 v44, v37;
	v21 =	vadd.f32 $-5.000000000e-01, v21  }
0x491: {  	v27 =	vand.u32 $0x1, v27;
	v31 =	vadd.f32 $-1.666666720e-01, v31;
	v37 =	vld.idx.msk [tilespmem:v39+s28+$0x0], $0xffff;
	[tilespmem:s20+$0xFFFFFFE0] =	vst v36;
	v36 =	vadd.f32 $-1.388888920e-03, v46  }
0x492: {  	v34 =	vsub.f32 v34, v38;
	s20 =	sadd.s32 $0x40, s20;
	v39 =	vld.idx.msk [tilespmem:v41+s28+$0x0], $0xffff;
	v21 =	vmul.f32 v21, v45;
	v40 =	vxor.u32 $0x80000000, v30  }
0x493: {  	vm0 =	veq.s32 v27, $0x0;
	v31 =	vmul.f32 v31, v45;
	v41 =	vor.u32 $0x7, v20;
	v12 =	vld.idx.msk [tilespmem:v12+s28+$0x0], $0xffff  }
0x494: {  	v34 =	vmul.f32 v34, v15;
	v35 =	vsub.f32 v35, v32;
	v42 =	vld.idx.msk [tilespmem:v43+s28+$0x0], $0xffff;
	v21 =	vadd.f32 $1.000000000e+00, v21  }
0x495: {  	v27 =	vmul.f32 v7, v7;
	v31 =	vadd.f32 $1.000000000e+00, v31;
	v30 =	vsel vm0, v30, v40  }
0x496: {  	v34 =	vadd.f32 v34, v38;
	v35 =	vmul.f32 v35, v28;
	v38 =	vor.u32 $0x2, v19  }
0x497: {  	v40 =	vor.u32 $0x7, v19;
	v31 =	vmul.f32 v31, v33;
	v21 =	vmul.f32 v21, v30  }
0x498: {  	v32 =	vadd.f32 v35, v32;
	v33 =	vsub.f32 v39, v37;
	v35 =	vmul.f32 $1.984127010e-04, v27;
	[tilespmem:s20+$0xFFFFFFF0] =	vst v34;
	v34 =	vld.idx.msk [tilespmem:v5+s28+$0x0], $0xffff  }
0x499: {  	v36 =	vmul.f32 v36, v22;
	v39 =	vld.idx.msk [tilespmem:v41+s28+$0x0], $0xffff;
	v41 =	vor.u32 $0x2, v23;
	[tilespmem:s2+$0x10] =	vst v21;
	v21 =	vmul.f32 v31, v30  }
0x49a: {  	v5 =	vmovc v29;
	v30 =	vmul.f32 v33, v6;
	v31 =	vsub.f32 v42, v12;
	[tilespmem:s20+$0x0] =	vst v32;
	v32 =	vor.u32 $0x9, v11  }
0x49b: {  	v33 =	vor.u32 $0x7, v23;
	v35 =	vsub.f32 $8.333332840e-03, v35;
	v29 =	vld.idx.msk [tilespmem:v38+s28+$0x0], $0xffff;
	v38 =	vor.u32 $0x3, v11;
	[tilespmem:s19+$0x10] =	vst v21  }
0x49c: {  	v21 =	vld.idx.msk [tilespmem:v26+s28+$0x0], $0xffff;
	v26 =	vadd.f32 v30, v37;
	v30 =	vmul.f32 v31, v14;
	v31 =	vor.u32 $0x8, v11  }
0x49d: {  	v36 =	vadd.f32 $4.166666790e-02, v36;
	v35 =	vmul.f32 v35, v27;
	v37 =	vor.u32 $0x3, v20;
	v40 =	vld.idx.msk [tilespmem:v40+s28+$0x0], $0xffff  }
0x49e: {  	vm0 =	veq.s32 v13, $0x0;
	v10 =	vsub.f32 v10, v34;
	[tilespmem:s20+$0x10] =	vst v26;
	v12 =	vadd.f32 v30, v12  }
0x49f: {  	s29 =	sadd.s32 $0x40, s29;
	v11 =	vor.u32 $0x4, v11;
	v26 =	vmul.f32 v36, v22;
	v30 =	vadd.f32 $-1.666666720e-01, v35;
	v13 =	vld.idx.msk [tilespmem:v41+s28+$0x0], $0xffff  }
0x4a0: {  	v25 =	vsub.f32 $8.333332840e-03, v25;
	v35 =	vor.u32 $0x8, v19;
	v10 =	vmul.f32 v10, v4;
	v4 =	vmovc v28;
	v33 =	vld.idx.msk [tilespmem:v33+s28+$0x0], $0xffff;
	[tilespmem:s1+$0xFFFFFFE0] =	vst v12;
	s1 =	smov.u32 s29  }
0x4a1: {  	v26 =	vadd.f32 $-5.000000000e-01, v26;
	v12 =	vmul.f32 v30, v27;
	v28 =	vld.idx.msk [tilespmem:v31+s28+$0x0], $0xffff;
	v31 =	vxor.u32 $0x80000000, v9  }
0x4a2: {  	v36 =	vor.u32 $0x9, v20;
	v30 =	vsub.f32 v39, v21;
	v10 =	vadd.f32 v10, v34;
	v38 =	vld.idx.msk [tilespmem:v38+s28+$0x0], $0xffff  }
0x4a3: {  	vm1 =	veq.s32 v24, $0x0;
	v34 =	vsub.f32 v40, v29;
	v39 =	vadd.f32 $1.000000000e+00, v12;
	v32 =	vld.idx.msk [tilespmem:v32+s28+$0x0], $0xffff  }
0x4a4: {  	v24 =	vor.u32 $0x8, v20;
	v20 =	vor.u32 $0x4, v20;
	v12 =	vmul.f32 v30, v15;
	v11 =	vld.idx.msk [tilespmem:v11+s28+$0x0], $0xffff  }
0x4a5: {  	v19 =	vor.u32 $0x4, v19;
	v30 =	vmul.f32 v34, v4;
	v34 =	vxor.u32 $0x80000000, v10  }
0x4a6: {  	v21 =	vadd.f32 v12, v21;
	v33 =	vsub.f32 v33, v13;
	v12 =	vsel vm1, v10, v34  }
0x4a7: {  	v25 =	vmul.f32 v25, v22;
	v26 =	vmul.f32 v26, v22;
	v10 =	vadd.f32 v30, v29  }
0x4a8: {  	v9 =	vsel vm0, v9, v31;
	v28 =	vsub.f32 v28, v38;
	[tilespmem:s29+$0xFFFFFFF0] =	vst v21;
	v21 =	vmul.f32 v33, v6  }
0x4a9: {  	v26 =	vadd.f32 $1.000000000e+00, v26;
	v24 =	vld.idx.msk [tilespmem:v24+s28+$0x0], $0xffff;
	[tilespmem:s29+$0x0] =	vst v10;
	v10 =	vor.u32 $0x4, v23;
	v23 =	vor.u32 $0x9, v23  }
0x4aa: {  	v29 =	vld.idx.msk [tilespmem:v36+s28+$0x0], $0xffff;
	v13 =	vadd.f32 v21, v13;
	v21 =	vmul.f32 v28, v14;
	v28 =	vsub.f32 v32, v11  }
0x4ab: {  	v25 =	vadd.f32 $-1.666666720e-01, v25;
	v26 =	vmul.f32 v26, v9;
	v30 =	vld.idx.msk [tilespmem:v37+s28+$0x0], $0xffff  }
0x4ac: {  	v19 =	vld.idx.msk [tilespmem:v19+s28+$0x0], $0xffff;
	[tilespmem:s29+$0x10] =	vst v13;
	v13 =	vadd.f32 v21, v38;
	v14 =	vmul.f32 v28, v14  }
0x4ad: {  	v21 =	vmul.f32 v25, v22;
	v16 =	vld.idx.msk [tilespmem:v16+s28+$0x0], $0xffff;
	[tilespmem:s2+$0xFFFFFFF0] =	vst v26  }
0x4ae: {  	v22 =	vld.idx.msk [tilespmem:v23+s28+$0x0], $0xffff;
	v11 =	vadd.f32 v14, v11  }
0x4af: {  	v14 =	vld.idx.msk [tilespmem:v10+s28+$0x0], $0xffff;
	v10 =	vadd.f32 $1.000000000e+00, v21  }
0x4b0: {  	v20 =	vld.idx.msk [tilespmem:v20+s28+$0x0], $0xffff  }
0x4b1: {  	v21 =	vsub.f32 v24, v30;
	v23 =	vmul.f32 $3.183098730e-01, v11;
	v17 =	vld.idx.msk [tilespmem:v17+s28+$0x0], $0xffff;
	v18 =	vmul.f32 v10, v18  }
0x4b2: {  	v10 =	vld.idx.msk [tilespmem:v35+s28+$0x0], $0xffff  }
0x4b3: {  	v16 =	vsub.f32 v16, v19;
	v23 =	vadd.f32 $1.258291200e+07, v23;
	v9 =	vmul.f32 v18, v9  }
0x4b4: {  	v18 =	vmul.f32 v21, v15;
	v21 =	vmul.f32 $2.480158760e-05, v27  }
0x4b5: {  	v16 =	vmul.f32 v16, v4;
	v23 =	vadd.f32 $-1.258291200e+07, v23;
	[tilespmem:s19+$0xFFFFFFF0] =	vst v9  }
0x4b6: {  	v22 =	vsub.f32 v22, v14;
	v21 =	vadd.f32 $-1.388888920e-03, v21  }
0x4b7: {  	v24 =	vsub.f32 v29, v20;
	v26 =	vadd.f32 v16, v19;
	v16 =	vmul.f32 $9.676535840e-04, v23  }
0x4b8: {  	v9 =	vadd.f32 v18, v30;
	v18 =	vmul.f32 $3.140625000e+00, v23;
	v19 =	vmul.f32 v21, v27  }
0x4b9: {  	v22 =	vmul.f32 v22, v6;
	v21 =	vmul.f32 $3.183098730e-01, v26  }
0x4ba: {  	v15 =	vmul.f32 v24, v15;
	v19 =	vadd.f32 $4.166666790e-02, v19  }
0x4bb: {  	v11 =	vsub.f32 v11, v18;
	v21 =	vadd.f32 $1.258291200e+07, v21  }
0x4bc: {  	v18 =	vadd.f32 v22, v14;
	v15 =	vadd.f32 v15, v20;
	v14 =	vmul.f32 v19, v27  }
0x4bd: {  	v19 =	vmov s12;
	v20 =	vadd.f32 $-1.258291200e+07, v21;
	v21 =	vsub.f32 v11, v16  }
0x4be: {  	v11 =	vshll.u32 v19, $0x4;
	v16 =	vmul.f32 $3.183098730e-01, v15;
	v14 =	vadd.f32 $-5.000000000e-01, v14  }
0x4bf: {  	v24 =	vmul.f32 $3.183098730e-01, v18;
	v11 =	vor.u32 v2, v11;
	v22 =	vmul.f32 $3.140625000e+00, v20  }
.Ltmp7:
0x4c0: {  	v19 =	vadd.f32 $1.258291200e+07, v16;
	v25 =	vmul.f32 v21, v21;
	v28 =	vmul.f32 v14, v27;
	(pc) =	sbr.rel @p0 .LBB2_17-.Ltmp7, $4  }
0x4c1: {  	v16 =	vtrunc.f32 v20;
	v22 =	vsub.f32 v26, v22;
	v26 =	vmul.f32 $9.676535840e-04, v20  }
0x4c2: {  	v14 =	vor.u32 $0x5, v11;
	v20 =	vadd.f32 $1.258291200e+07, v24;
	v24 =	vmul.f32 $2.480158760e-05, v25  }
0x4c3: {  	v23 =	vtrunc.f32 v23;
	v27 =	vmul.f32 v39, v7;
	v7 =	vsub.f32 v22, v26  }
0x4c4: {  	s2 =	sadd.s32 $0x40, s2;
	s19 =	sadd.s32 $0x40, s19;
	v23 =	vcvt.f32.s32 v23;
	v24 =	vadd.f32 $-1.388888920e-03, v24;
	v22 =	vadd.f32 $1.000000000e+00, v28  }
0x4c5: {  	_ =	sdelay $0x3  }
0x4c6: {  	v26 =	vld.idx.msk [tilespmem:v11+s28+$0x0], $0xffff  }
0x4c7: {  	v28 =	vld.idx.msk [tilespmem:v14+s28+$0x0], $0xffff;
	_ =	sdelay $0x1  }
0x4c8: {  	v14 =	vld [tilespmem:s17+$0xFFFFFFE0];
	_ =	sdelay $0x2  }
0x4c9: {  	v28 =	vsub.f32 v28, v26;
	_ =	sdelay $0x1  }
0x4ca: {  	v29 =	vor.u32 $0x6, v11;
	v28 =	vmul.f32 v28, v14  }
0x4cb: {  	v30 =	vor.u32 $0x1, v11  }
0x4cc: {  	v26 =	vadd.f32 v28, v26;
	_ =	sdelay $0x1  }
0x4cd: {  	[tilespmem:s18+$0xFFFFFFE0] =	vst v26  }
0x4ce: {  	v26 =	vld.idx.msk [tilespmem:v29+s28+$0x0], $0xffff  }
0x4cf: {  	v38 =	vld.idx.msk [tilespmem:v30+s28+$0x0], $0xffff;
	_ =	sdelay $0x4  }
0x4d0: {  	v26 =	vsub.f32 v26, v38;
	_ =	sdelay $0x1  }
0x4d1: {  	v39 =	vor.u32 $0x2, v11;
	v26 =	vmul.f32 v26, v14  }
0x4d2: {  	v40 =	vor.u32 $0x7, v11  }
0x4d3: {  	v26 =	vadd.f32 v26, v38;
	_ =	sdelay $0x1  }
0x4d4: {  	[tilespmem:s20+$0xFFFFFFE0] =	vst v26  }
0x4d5: {  	v26 =	vld.idx.msk [tilespmem:v39+s28+$0x0], $0xffff  }
0x4d6: {  	v41 =	vld.idx.msk [tilespmem:v40+s28+$0x0], $0xffff;
	_ =	sdelay $0x3  }
0x4d7: {  	v20 =	vadd.f32 $-1.258291200e+07, v20;
	v19 =	vadd.f32 $-1.258291200e+07, v19;
	v31 =	vmul.f32 $1.984127010e-04, v25  }
0x4d8: {  	v32 =	vor.u32 $0x9, v11;
	v45 =	vor.u32 $0x4, v11;
	v28 =	vsub.f32 v41, v26  }
0x4d9: {  	v16 =	vcvt.f32.s32 v16;
	v50 =	vxor.u32 $0x80000000, v13;
	v54 =	vmul.f32 v27, v12  }
0x4da: {  	v62 =	vmul.f32 v7, v7;
	v37 =	vor.u32 $0x3, v11;
	v28 =	vmul.f32 v28, v14  }
0x4db: {  	v24 =	vmul.f32 v24, v25;
	v23 =	vand.u32 $0x1, v23;
	v22 =	vmul.f32 v22, v12  }
0x4dc: {  	v42 =	vmul.f32 $3.140625000e+00, v20;
	v43 =	vmul.f32 $9.676535840e-04, v20;
	v26 =	vadd.f32 v28, v26  }
0x4dd: {  	v8 =	vld.idx.msk [tilespmem:v8+s28+$0x0], $0xffff;
	v44 =	vmul.f32 $3.140625000e+00, v19;
	v31 =	vsub.f32 $8.333332840e-03, v31;
	v47 =	vmul.f32 $9.676535840e-04, v19  }
0x4de: {  	v5 =	vld.idx.msk [tilespmem:v5+s28+$0x0], $0xffff;
	vm0 =	veq.s32 v23, $0x0;
	v19 =	vtrunc.f32 v19;
	v18 =	vsub.f32 v18, v42;
	[tilespmem:s1+$0xFFFFFFE0] =	vst v26  }
0x4df: {  	v16 =	vand.u32 $0x1, v16;
	v20 =	vtrunc.f32 v20;
	v63 =	vmul.f32 $1.984127010e-04, v62;
	v26 =	vld.idx.msk [tilespmem:v32+s28+$0x0], $0xffff  }
0x4e0: {  	v24 =	vadd.f32 $4.166666790e-02, v24;
	v13 =	vsel vm0, v13, v50;
	v18 =	vsub.f32 v18, v43;
	v29 =	vld.idx.msk [tilespmem:v45+s28+$0x0], $0xffff  }
0x4e1: {  	v19 =	vcvt.f32.s32 v19;
	v20 =	vcvt.f32.s32 v20;
	vm1 =	veq.s32 v16, $0x0  }
0x4e2: {  	v15 =	vsub.f32 v15, v44;
	v46 =	vmul.f32 v31, v25;
	v51 =	vmul.f32 v18, v18  }
0x4e3: {  	v35 =	vsub.f32 $8.333332840e-03, v63;
	v24 =	vmul.f32 v24, v25;
	v19 =	vand.u32 $0x1, v19  }
0x4e4: {  	v17 =	vsub.f32 v17, v8;
	v10 =	vsub.f32 v10, v5;
	v52 =	vmul.f32 $2.480158760e-05, v51  }
0x4e5: {  	v20 =	vand.u32 $0x1, v20;
	v15 =	vsub.f32 v15, v47;
	v26 =	vsub.f32 v26, v29  }
0x4e6: {  	v49 =	vadd.f32 $-1.666666720e-01, v46;
	v43 =	vmul.f32 $2.480158760e-05, v62;
	v55 =	vadd.f32 $-1.388888920e-03, v52  }
0x4e7: {  	vm13 =	veq.s32 v20, $0x0;
	v6 =	vmul.f32 v17, v6;
	v26 =	vmul.f32 v26, v14  }
0x4e8: {  	v48 =	vadd.f32 $-5.000000000e-01, v24;
	v24 =	vmul.f32 v49, v25;
	v27 =	vmul.f32 v55, v51  }
0x4e9: {  	v4 =	vmul.f32 v10, v4;
	v47 =	vadd.f32 $-1.388888920e-03, v43;
	v58 =	vadd.f32 v26, v29  }
0x4ea: {  	v23 =	vmul.f32 v48, v25;
	v24 =	vadd.f32 $1.000000000e+00, v24;
	v27 =	vadd.f32 $4.166666790e-02, v27  }
0x4eb: {  	v6 =	vadd.f32 v6, v8;
	v10 =	vmul.f32 v47, v62;
	v61 =	vmul.f32 $3.183098730e-01, v58  }
0x4ec: {  	v23 =	vadd.f32 $1.000000000e+00, v23;
	v21 =	vmul.f32 v24, v21;
	v59 =	vmul.f32 v27, v51  }
0x4ed: {  	vm14 =	veq.s32 v19, $0x0;
	v10 =	vadd.f32 $4.166666790e-02, v10;
	v8 =	vadd.f32 $1.258291200e+07, v61  }
0x4ee: {  	v23 =	vmul.f32 v23, v13;
	v13 =	vmul.f32 v21, v13;
	v21 =	vadd.f32 $-5.000000000e-01, v59  }
0x4ef: {  	v4 =	vadd.f32 v4, v5;
	v56 =	vmul.f32 $1.984127010e-04, v51;
	v8 =	vadd.f32 $-1.258291200e+07, v8  }
0x4f0: {  	v33 =	vxor.u32 $0x80000000, v6;
	v10 =	vmul.f32 v10, v62;
	v21 =	vmul.f32 v21, v51  }
0x4f1: {  	v49 =	vxor.u32 $0x80000000, v4;
	v31 =	vsub.f32 $8.333332840e-03, v56;
	v36 =	vmul.f32 $3.140625000e+00, v8  }
0x4f2: {  	v10 =	vadd.f32 $-5.000000000e-01, v10;
	v34 =	vadd.f32 $1.000000000e+00, v21;
	v21 =	vmul.f32 v35, v62  }
0x4f3: {  	v38 =	vor.u32 $0x8, v11;
	v39 =	vmul.f32 $9.676535840e-04, v8;
	v17 =	vsub.f32 v58, v36  }
0x4f4: {  	v31 =	vmul.f32 v31, v51;
	v21 =	vadd.f32 $-1.666666720e-01, v21;
	v28 =	vmul.f32 v15, v15  }
0x4f5: {  	v6 =	vsel vm13, v6, v33;
	v10 =	vmul.f32 v10, v62;
	v17 =	vsub.f32 v17, v39  }
0x4f6: {  	v60 =	vadd.f32 $-1.666666720e-01, v31;
	v41 =	vmul.f32 v21, v62;
	v53 =	vmul.f32 $1.984127010e-04, v28  }
0x4f7: {  	v10 =	vadd.f32 $1.000000000e+00, v10;
	v57 =	vmul.f32 $2.480158760e-05, v28;
	v44 =	vmul.f32 v17, v17  }
0x4f8: {  	v4 =	vsel vm1, v4, v49;
	v5 =	vadd.f32 $1.000000000e+00, v41;
	v11 =	vld.idx.msk [tilespmem:v38+s28+$0x0], $0xffff;
	v42 =	vsub.f32 $8.333332840e-03, v53  }
0x4f9: {  	v20 =	vmul.f32 v34, v6;
	v46 =	vld.idx.msk [tilespmem:v37+s28+$0x0], $0xffff;
	v24 =	vadd.f32 $-1.388888920e-03, v57;
	v48 =	vmul.f32 $2.480158760e-05, v44  }
0x4fa: {  	v5 =	vmul.f32 v5, v7;
	v45 =	vxor.u32 $0x80000000, v9;
	v19 =	vmul.f32 v42, v28  }
0x4fb: {  	v24 =	vmul.f32 v24, v28;
	v26 =	vmul.f32 v60, v51;
	v50 =	vadd.f32 $-1.388888920e-03, v48  }
0x4fc: {  	v9 =	vsel vm14, v9, v45;
	v19 =	vadd.f32 $-1.666666720e-01, v19;
	v51 =	vmul.f32 $1.984127010e-04, v44  }
0x4fd: {  	v24 =	vadd.f32 $4.166666790e-02, v24;
	v26 =	vadd.f32 $1.000000000e+00, v26;
	v16 =	vmul.f32 v50, v44  }
0x4fe: {  	v11 =	vsub.f32 v11, v46;
	v19 =	vmul.f32 v19, v28;
	v21 =	vsub.f32 $8.333332840e-03, v51  }
0x4ff: {  	v40 =	vmul.f32 v24, v28;
	v18 =	vmul.f32 v26, v18;
	v16 =	vadd.f32 $4.166666790e-02, v16  }
0x500: {  	v11 =	vmul.f32 v11, v14;
	v52 =	vadd.f32 $1.000000000e+00, v19;
	v53 =	vmul.f32 v21, v44  }
0x501: {  	[tilespmem:s11+$0x0] =	vst v22;
	v6 =	vmul.f32 v18, v6;
	v18 =	vadd.f32 $-5.000000000e-01, v40;
	v16 =	vmul.f32 v16, v44  }
0x502: {  	[tilespmem:s5+$0x0] =	vst v54;
	v60 =	vmul.f32 v10, v4;
	v4 =	vmul.f32 v5, v4;
	v55 =	vadd.f32 $-1.666666720e-01, v53  }
0x503: {  	[tilespmem:s11+$0xFFFFFFE0] =	vst v23;
	v18 =	vmul.f32 v18, v28;
	v8 =	vtrunc.f32 v8;
	v56 =	vadd.f32 $-5.000000000e-01, v16  }
0x504: {  	[tilespmem:s5+$0xFFFFFFE0] =	vst v13;
	v11 =	vadd.f32 v11, v46;
	v8 =	vcvt.f32.s32 v8;
	v57 =	vmul.f32 v55, v44  }
0x505: {  	[tilespmem:s2+$0x10] =	vst v20;
	v54 =	vmul.f32 v52, v15;
	v18 =	vadd.f32 $1.000000000e+00, v18;
	v58 =	vmul.f32 v56, v44  }
0x506: {  	[tilespmem:s2+$0x0] =	vst v60;
	v61 =	vxor.u32 $0x80000000, v11;
	v8 =	vand.u32 $0x1, v8;
	v59 =	vadd.f32 $1.000000000e+00, v57  }
0x507: {  	[tilespmem:s19+$0x0] =	vst v4;
	v18 =	vmul.f32 v18, v9;
	vm15 =	veq.s32 v8, $0x0;
	v62 =	vadd.f32 $1.000000000e+00, v58  }
0x508: {  	[tilespmem:s19+$0x10] =	vst v6;
	v9 =	vmul.f32 v54, v9;
	v8 =	vsel vm15, v11, v61;
	v5 =	vmul.f32 v59, v17  }
0x509: {  	[tilespmem:s2+$0xFFFFFFF0] =	vst v18;
	v63 =	vmul.f32 v62, v8  }
0x50a: {  	[tilespmem:s19+$0xFFFFFFF0] =	vst v9;
	v4 =	vmul.f32 v5, v8  }
0x50b: {  	s0 =	rddreg [dreg:$0x5];
	[tilespmem:s2+$0xFFFFFFE0] =	vst v63  }
0x50c: {  	s8 =	simm.s32 $0x18028;
	s0 =	sadd.s32 s0, s15;
	[tilespmem:s19+$0xFFFFFFE0] =	vst v4  }
0x50d: {  	[hbm4b:s0+s6] =	stream.linear.scatter [tilespmem:s8], [sflag:$0x3], $0x800, $0x38;
	[tilespmem:$0x1A828] =	vst v63  }
0x50e: {  	_ =	swait.ge [sflag:s21], $0x800  }
0x50f: {  	[sflag:s21] =	ssyncset.done $0x0;
	s11 =	rddreg [dreg:$0x7]  }
0x510: {  	s12 =	simm.s32 $0x18828;
	[sflag:s21] =	ssyncadd.s32 $0xFFFFF800;
	s0 =	sadd.s32 s11, s15  }
0x511: {  	[hbm4b:s0+s6] =	stream.linear.scatter [tilespmem:s12], [sflag:$0x3], $0x800, $0x38;
	[tilespmem:$0x1A828] =	vst v63  }
0x512: {  	_ =	swait.ge [sflag:s21], $0x800  }
0x513: {  	[sflag:s21] =	ssyncset.done $0x0;
	s17 =	rddreg [dreg:$0x8]  }
0x514: {  	s18 =	simm.s32 $0x19028;
	[sflag:s21] =	ssyncadd.s32 $0xFFFFF800;
	s0 =	sadd.s32 s17, s15  }
0x515: {  	[hbm4b:s0+s6] =	stream.linear.scatter [tilespmem:s18], [sflag:$0x3], $0x800, $0x38;
	[tilespmem:$0x1A828] =	vst v63  }
0x516: {  	_ =	swait.ge [sflag:s21], $0x800  }
0x517: {  	[sflag:s21] =	ssyncset.done $0x0  }
0x518: {  	s20 =	simm.s32 $0x19828;
	s19 =	sadd.s32 s9, s15;
	[sflag:s21] =	ssyncadd.s32 $0xFFFFF800  }
0x519: {  	[hbm4b:s19+s6] =	stream.linear.scatter [tilespmem:s20], [sflag:$0x3], $0x800, $0x38;
	[tilespmem:$0x1A828] =	vst v63  }
0x51a: {  	s14 =	sadd.s32 $0x1, s14;
	_ =	swait.ge [sflag:s21], $0x800  }
0x51b: {  	s29 =	sadd.s32 s10, s15;
	p0 =	sne.s32 s14, $0x10;
	[sflag:s21] =	ssyncset.done $0x0  }
.Ltmp8:
0x51c: {  	s31 =	simm.s32 $0x1A028;
	[sflag:s21] =	ssyncadd.s32 $0xFFFFF800;
	(pc) =	sbr.rel @p0 .LBB2_8-.Ltmp8, $4  }
0x51d: {  	[hbm4b:s29+s6] =	stream.linear.scatter [tilespmem:s31], [sflag:$0x3], $0x800, $0x38;
	[tilespmem:$0x1A828] =	vst v63  }
0x51e: {  	_ =	swait.ge [sflag:s21], $0x800  }
0x51f: {  	[sflag:s21] =	ssyncset.done $0x0  }
0x520: {  	[sflag:s21] =	ssyncadd.s32 $0xFFFFF800  }
0x521: {  	s1 =	rddreg [dreg:$0x13]  }
0x522: {  	s0 =	rddreg [dreg:$0x12];
	s1 =	sadd.s32 $0x1, s1  }
0x523: {  	p0 =	sne.s32 s1, s0  }
.Ltmp9:
0x524: {  	_ = 	snop;
	(pc) =	sbr.rel @p0 .LBB2_1-.Ltmp9, $1  }
0x525: {  	_ =	sdelay $0x3  }
0x526: {  	_ =	sfence.sel $0x180000  }
0x527: {  	[bflag:$0x0] =	sbarrier.arrive $0xFFFF  }
0x528: {  	_ =	strace $0x90000047  }
0x529: {  	s0 =	stileid.u32;
	[bflag:$0x2] =	sbarrier.arrive $0xFFFF  }
0x52a: {  	p0 =	sne.s32 s0, $0x0;
	s0 =	rddreg [dreg:$0x6]  }
0x52b: {  	s0 =	sadd.s32 @!p0 $0x100000, s0  }
0x52c: {  	[sflag:s0] =	ssyncadd.tile.s32 @!p0 $0x1;
	_ =	shalt  }
.Lfunc_end2:
_tile_overlayer_lowered:
.L_overlay_start_2:
0x52d: {  	(tag) =	ssettag $0x2  }
0x52e: {  	s0 =	rddreg [dreg:$0x0];
	s2 =	stileid.u32  }
0x52f: {  	s1 =	rddreg [dreg:$0x1];
	p0 =	sne.s32 s2, $0x0  }
0x530: {  	s3 =	rddreg [dreg:$0x2];
	[bflag:$0x3] =	sbarrier.arrive $0xFFFF;
	s2 =	simm.s32 @!p0 $0x1C03  }
0x531: {  	[timem:s3], [sflag:s2] =	dma.local @!p0 [hbm:s0], s1  }
0x532: {  	s0 =	simm.s32 @!p0 $0x3  }
0x533: {  	_ =	swait.ge @!p0 [sflag:s0], s1  }
0x534: {  	s1 =	ssub.s32 @!p0 $0x0, s1;
	[sflag:s0] =	ssyncset.done @!p0 $0x0  }
0x535: {  	[sflag:s0] =	ssyncadd.s32 @!p0 s1  }
0x536: {  	[bflag:$0x3] =	sbarrier.arrive $0xFFFF  }
0x537: {  	_ =	shalt  }

</sc_bundles>
